<compile_context>
chip_gen: v7x
topology: tpu7x:2x2x1
jax: 0.10.2.dev20260603
libtpu: 0.0.44.dev20260713+nightly
codegen_flags: <defaults>
</compile_context>

<pallas_src>
import functools

import jax
import jax.numpy as jnp
from jax import lax
from jax.experimental import pallas as pl
from jax.experimental.pallas import tpu as pltpu
from jax.experimental.pallas import tpu_sc as plsc


def _make_gather(V, D, B, L):
    info = plsc.get_sparse_core_info()
    NC, NS = info.num_cores, info.num_subcores
    NW = NC * NS
    assert B % NW == 0
    rows_pw = B // NW
    LP = -(-L // 8) * 8
    DP = -(-D // 128) * 128
    R = 16
    NB = 4
    n_g = rows_pw // R
    assert rows_pw % R == 0 and n_g % NB == 0 and n_g // NB >= 3
    n_p = n_g // NB

    mesh = plsc.VectorSubcoreMesh(core_axis_name="c", subcore_axis_name="s")

    @functools.partial(
        pl.kernel,
        out_type=jax.ShapeDtypeStruct((B, LP, DP), jnp.float32),
        mesh=mesh,
        compiler_params=pltpu.CompilerParams(use_tc_tiling_on_sc=False),
        scratch_types=[
            pltpu.VMEM((rows_pw, L), jnp.int32),
        ]
        + [pltpu.VMEM((R, L, D), jnp.float32) for _ in range(NB)]
        + [pltpu.SemaphoreType.DMA for _ in range(2 * NB)],
    )
    def gather_kernel(table_hbm, idx_hbm, out_hbm, idx_v, *bufs_and_sems):
        bufs = bufs_and_sems[:NB]
        gsems = bufs_and_sems[NB:2 * NB]
        ssems = bufs_and_sems[2 * NB:]
        wid = lax.axis_index("s") * NC + lax.axis_index("c")
        row_base = wid * rows_pw
        pltpu.sync_copy(idx_hbm.at[pl.ds(row_base, rows_pw)], idx_v)

        def fire(g, b):
            for k in range(R):
                pltpu.async_copy(
                    table_hbm.at[idx_v.at[g * R + k]],
                    bufs[b].at[k], gsems[b])

        def out_view(r0):
            return out_hbm.at[pl.ds(r0, R), pl.ds(0, L), pl.ds(0, D)]

        def wait_gather(b):
            pltpu.make_async_copy(out_view(0), bufs[b], gsems[b]).wait()

        def store(g, b):
            pltpu.async_copy(bufs[b], out_view(row_base + g * R), ssems[b])

        def wait_store(b):
            pltpu.make_async_copy(bufs[b], out_view(0), ssems[b]).wait()

        def step(g, b, wait_before_fire, do_fire):
            wait_gather(b)
            store(g, b)
            if do_fire:
                tb = (b + NB - 1) % NB
                if wait_before_fire:
                    wait_store(tb)
                fire(g + NB - 1, tb)

        for b in range(NB - 1):
            fire(b, b)

        for b in range(NB):
            step(b, b, b > 0, True)

        def body(p, carry):
            g0 = p * NB
            for b in range(NB):
                step(g0 + b, b, True, True)
            return carry

        lax.fori_loop(1, n_p - 1, body, 0)

        g0 = (n_p - 1) * NB
        step(g0, 0, True, True)
        for b in range(1, NB):
            step(g0 + b, b, True, False)

        for b in range(NB):
            wait_store(b)

    return gather_kernel


def kernel(token_ids, embeddings):
    B, L = token_ids.shape
    V, D = embeddings.shape
    run = _make_gather(V, D, B, L)
    out_pad = run(embeddings, token_ids.astype(jnp.int32))
    return out_pad[:, :L, :D]

# --- scband reference (transcript-rebuilt; emitter-appended) ---
"""Pipeline reference for scband-embedding-layer-31026843747152 (READ-ONLY COPY).

The authoritative reference and input builder live on the scoring server;
editing this copy changes nothing except your own understanding.
"""

import jax, jax.numpy as jnp
import numpy as np

VOCAB = 1000000
EMBED = 32
B = 16384
L = 50

def setup_inputs(seed: int = 0) -> dict:
    key = jax.random.key(seed)
    k1, k2 = jax.random.split(key)
    token_ids = jax.random.randint(k1, (B, L), 0, VOCAB, dtype=jnp.int64 if jax.config.jax_enable_x64 else jnp.int32)
    embeddings = jax.random.uniform(k2, (VOCAB, EMBED), dtype=jnp.float32)
    return {"token_ids": token_ids, "embeddings": embeddings}

def reference(token_ids, embeddings):
    # Faithful translation of: return self.embeddings[token_ids]
    return jnp.take(embeddings, token_ids, axis=0)

if __name__ == "__main__":
    import jax
    _d = setup_inputs()
    print(jax.jit(kernel)(*tuple(_d.values())))

</pallas_src>

<mosaic_0001>
#map = affine_map<(d0, d1) -> (0, 0)>
#map1 = affine_map<(d0, d1) -> (0, 0, 0)>
module attributes {stable_mosaic.version = 14 : i64} {
  func.func @gather_kernel(%arg0: i32, %arg1: i32, %arg2: memref<1000000x32xf32, #tpu.memory_space<hbm>>, %arg3: memref<16384x50xi32, #tpu.memory_space<hbm>>, %arg4: memref<16384x56x128xf32, #tpu.memory_space<hbm>>, %arg5: memref<512x50xi32, #tpu.memory_space<vmem>>, %arg6: memref<16x50x32xf32, #tpu.memory_space<vmem>>, %arg7: memref<16x50x32xf32, #tpu.memory_space<vmem>>, %arg8: memref<16x50x32xf32, #tpu.memory_space<vmem>>, %arg9: memref<16x50x32xf32, #tpu.memory_space<vmem>>, %arg10: memref<!tpu.dma_semaphore, #tpu.memory_space<semaphore_mem>>, %arg11: memref<!tpu.dma_semaphore, #tpu.memory_space<semaphore_mem>>, %arg12: memref<!tpu.dma_semaphore, #tpu.memory_space<semaphore_mem>>, %arg13: memref<!tpu.dma_semaphore, #tpu.memory_space<semaphore_mem>>, %arg14: memref<!tpu.dma_semaphore, #tpu.memory_space<semaphore_mem>>, %arg15: memref<!tpu.dma_semaphore, #tpu.memory_space<semaphore_mem>>, %arg16: memref<!tpu.dma_semaphore, #tpu.memory_space<semaphore_mem>>, %arg17: memref<!tpu.dma_semaphore, #tpu.memory_space<semaphore_mem>>) attributes {dimension_semantics = [#tpu.dimension_semantics<core_parallel>, #tpu.dimension_semantics<subcore_parallel>], iteration_bounds = array<i64: 2, 16>, scalar_prefetch = 0 : i64, scratch_operands = 13 : i64, tpu.core_type = #tpu.core_type<sc_vector_subcore>, window_params = [{transform_indices = #map}, {transform_indices = #map}, {transform_indices = #map1}]} {
    %mul3A = arith.constant 2 : i32
    %mul3A_0 = arith.muli %arg1, %mul3A : i32
    %add3A = arith.addi %mul3A_0, %arg0 : i32
    %mul3A_1 = arith.constant 512 : i32
    %mul3A_2 = arith.muli %add3A, %mul3A_1 : i32
    "tpu.region"() ({
      %run_scoped3A = tpu.sem_alloc : memref<!tpu.dma_semaphore, #tpu.memory_space<semaphore_mem>>
      %dma_start3A_1734 = arith.constant 0 : i32
      %dma_start3A_1735 = tpu.memref_slice %arg3[%mul3A_2, %dma_start3A_1734] : memref<16384x50xi32, #tpu.memory_space<hbm>> -> memref<512x50xi32, #tpu.memory_space<hbm>>
      %dma_start3A_1736 = arith.constant 0 : i32
      %dma_start3A_1737 = tpu.memref_slice %arg3[%mul3A_2, %dma_start3A_1736] : memref<16384x50xi32, #tpu.memory_space<hbm>> -> memref<512x50xi32, #tpu.memory_space<hbm>>
      tpu.enqueue_dma source(%dma_start3A_1737 : memref<512x50xi32, #tpu.memory_space<hbm>>) target(%arg5 : memref<512x50xi32, #tpu.memory_space<vmem>>) target_semaphore(%run_scoped3A : memref<!tpu.dma_semaphore, #tpu.memory_space<semaphore_mem>>)
      %dma_wait3A_1738 = arith.constant 0 : i32
      %dma_wait3A_1739 = tpu.memref_slice %arg3[%mul3A_2, %dma_wait3A_1738] : memref<16384x50xi32, #tpu.memory_space<hbm>> -> memref<512x50xi32, #tpu.memory_space<hbm>>
      %dma_wait3A_1740 = arith.constant 0 : i32
      %dma_wait3A_1741 = tpu.memref_slice %arg3[%mul3A_2, %dma_wait3A_1740] : memref<16384x50xi32, #tpu.memory_space<hbm>> -> memref<512x50xi32, #tpu.memory_space<hbm>>
      tpu.wait_dma2 semaphore(%run_scoped3A : memref<!tpu.dma_semaphore, #tpu.memory_space<semaphore_mem>>) src(%dma_wait3A_1741 : memref<512x50xi32, #tpu.memory_space<hbm>>) dst(%arg5 : memref<512x50xi32, #tpu.memory_space<vmem>>)
      tpu.yield
    }) : () -> ()
    %dma_start3A = arith.constant 0 : i32
    %dma_start3A_3 = arith.constant 0 : i32
    %dma_start3A_4 = arith.constant 0 : i32
    %dma_start3A_5 = arith.constant 0 : i32
    %dma_start3A_6 = tpu.memref_slice %arg6[%dma_start3A_3, %dma_start3A_4, %dma_start3A_5] : memref<16x50x32xf32, #tpu.memory_space<vmem>> -> memref<1x50x32xf32, #tpu.memory_space<vmem>>
    %dma_start3A_7 = tpu.memref_squeeze %dma_start3A_6 : memref<1x50x32xf32, #tpu.memory_space<vmem>> -> memref<50x32xf32, #tpu.memory_space<vmem>>
    %dma_start3A_8 = arith.constant 0 : i32
    %dma_start3A_9 = tpu.memref_slice %arg5[%dma_start3A, %dma_start3A_8] : memref<512x50xi32, #tpu.memory_space<vmem>> -> memref<1x50xi32, #tpu.memory_space<vmem>>
    %dma_start3A_10 = tpu.memref_squeeze %dma_start3A_9 : memref<1x50xi32, #tpu.memory_space<vmem>> -> memref<50xi32, #tpu.memory_space<vmem>>
    %dma_start3A_11 = arith.constant 0 : i32
    %dma_start3A_12 = arith.constant 0 : i32
    %dma_start3A_13 = tpu.memref_slice %arg2[%dma_start3A_11, %dma_start3A_12] : memref<1000000x32xf32, #tpu.memory_space<hbm>> -> memref<1000000x32xf32, #tpu.memory_space<hbm>>
    tpu.enqueue_indirect_dma source(%dma_start3A_13 : memref<1000000x32xf32, #tpu.memory_space<hbm>>) target(%dma_start3A_7 : memref<50x32xf32, #tpu.memory_space<vmem>>) offsets(%dma_start3A_10 : memref<50xi32, #tpu.memory_space<vmem>>) semaphore(%arg10 : memref<!tpu.dma_semaphore, #tpu.memory_space<semaphore_mem>>)
    %dma_start3A_14 = arith.constant 1 : i32
    %dma_start3A_15 = arith.constant 1 : i32
    %dma_start3A_16 = arith.constant 0 : i32
    %dma_start3A_17 = arith.constant 0 : i32
    %dma_start3A_18 = tpu.memref_slice %arg6[%dma_start3A_15, %dma_start3A_16, %dma_start3A_17] : memref<16x50x32xf32, #tpu.memory_space<vmem>> -> memref<1x50x32xf32, #tpu.memory_space<vmem>>
    %dma_start3A_19 = tpu.memref_squeeze %dma_start3A_18 : memref<1x50x32xf32, #tpu.memory_space<vmem>> -> memref<50x32xf32, #tpu.memory_space<vmem>>
    %dma_start3A_20 = arith.constant 0 : i32
    %dma_start3A_21 = tpu.memref_slice %arg5[%dma_start3A_14, %dma_start3A_20] : memref<512x50xi32, #tpu.memory_space<vmem>> -> memref<1x50xi32, #tpu.memory_space<vmem>>
    %dma_start3A_22 = tpu.memref_squeeze %dma_start3A_21 : memref<1x50xi32, #tpu.memory_space<vmem>> -> memref<50xi32, #tpu.memory_space<vmem>>
    %dma_start3A_23 = arith.constant 0 : i32
    %dma_start3A_24 = arith.constant 0 : i32
    %dma_start3A_25 = tpu.memref_slice %arg2[%dma_start3A_23, %dma_start3A_24] : memref<1000000x32xf32, #tpu.memory_space<hbm>> -> memref<1000000x32xf32, #tpu.memory_space<hbm>>
    tpu.enqueue_indirect_dma source(%dma_start3A_25 : memref<1000000x32xf32, #tpu.memory_space<hbm>>) target(%dma_start3A_19 : memref<50x32xf32, #tpu.memory_space<vmem>>) offsets(%dma_start3A_22 : memref<50xi32, #tpu.memory_space<vmem>>) semaphore(%arg10 : memref<!tpu.dma_semaphore, #tpu.memory_space<semaphore_mem>>)
    %dma_start3A_26 = arith.constant 2 : i32
    %dma_start3A_27 = arith.constant 2 : i32
    %dma_start3A_28 = arith.constant 0 : i32
    %dma_start3A_29 = arith.constant 0 : i32
    %dma_start3A_30 = tpu.memref_slice %arg6[%dma_start3A_27, %dma_start3A_28, %dma_start3A_29] : memref<16x50x32xf32, #tpu.memory_space<vmem>> -> memref<1x50x32xf32, #tpu.memory_space<vmem>>
    %dma_start3A_31 = tpu.memref_squeeze %dma_start3A_30 : memref<1x50x32xf32, #tpu.memory_space<vmem>> -> memref<50x32xf32, #tpu.memory_space<vmem>>
    %dma_start3A_32 = arith.constant 0 : i32
    %dma_start3A_33 = tpu.memref_slice %arg5[%dma_start3A_26, %dma_start3A_32] : memref<512x50xi32, #tpu.memory_space<vmem>> -> memref<1x50xi32, #tpu.memory_space<vmem>>
    %dma_start3A_34 = tpu.memref_squeeze %dma_start3A_33 : memref<1x50xi32, #tpu.memory_space<vmem>> -> memref<50xi32, #tpu.memory_space<vmem>>
    %dma_start3A_35 = arith.constant 0 : i32
    %dma_start3A_36 = arith.constant 0 : i32
    %dma_start3A_37 = tpu.memref_slice %arg2[%dma_start3A_35, %dma_start3A_36] : memref<1000000x32xf32, #tpu.memory_space<hbm>> -> memref<1000000x32xf32, #tpu.memory_space<hbm>>
    tpu.enqueue_indirect_dma source(%dma_start3A_37 : memref<1000000x32xf32, #tpu.memory_space<hbm>>) target(%dma_start3A_31 : memref<50x32xf32, #tpu.memory_space<vmem>>) offsets(%dma_start3A_34 : memref<50xi32, #tpu.memory_space<vmem>>) semaphore(%arg10 : memref<!tpu.dma_semaphore, #tpu.memory_space<semaphore_mem>>)
    %dma_start3A_38 = arith.constant 3 : i32
    %dma_start3A_39 = arith.constant 3 : i32
    %dma_start3A_40 = arith.constant 0 : i32
    %dma_start3A_41 = arith.constant 0 : i32
    %dma_start3A_42 = tpu.memref_slice %arg6[%dma_start3A_39, %dma_start3A_40, %dma_start3A_41] : memref<16x50x32xf32, #tpu.memory_space<vmem>> -> memref<1x50x32xf32, #tpu.memory_space<vmem>>
    %dma_start3A_43 = tpu.memref_squeeze %dma_start3A_42 : memref<1x50x32xf32, #tpu.memory_space<vmem>> -> memref<50x32xf32, #tpu.memory_space<vmem>>
    %dma_start3A_44 = arith.constant 0 : i32
    %dma_start3A_45 = tpu.memref_slice %arg5[%dma_start3A_38, %dma_start3A_44] : memref<512x50xi32, #tpu.memory_space<vmem>> -> memref<1x50xi32, #tpu.memory_space<vmem>>
    %dma_start3A_46 = tpu.memref_squeeze %dma_start3A_45 : memref<1x50xi32, #tpu.memory_space<vmem>> -> memref<50xi32, #tpu.memory_space<vmem>>
    %dma_start3A_47 = arith.constant 0 : i32
    %dma_start3A_48 = arith.constant 0 : i32
    %dma_start3A_49 = tpu.memref_slice %arg2[%dma_start3A_47, %dma_start3A_48] : memref<1000000x32xf32, #tpu.memory_space<hbm>> -> memref<1000000x32xf32, #tpu.memory_space<hbm>>
    tpu.enqueue_indirect_dma source(%dma_start3A_49 : memref<1000000x32xf32, #tpu.memory_space<hbm>>) target(%dma_start3A_43 : memref<50x32xf32, #tpu.memory_space<vmem>>) offsets(%dma_start3A_46 : memref<50xi32, #tpu.memory_space<vmem>>) semaphore(%arg10 : memref<!tpu.dma_semaphore, #tpu.memory_space<semaphore_mem>>)
    %dma_start3A_50 = arith.constant 4 : i32
    %dma_start3A_51 = arith.constant 4 : i32
    %dma_start3A_52 = arith.constant 0 : i32
    %dma_start3A_53 = arith.constant 0 : i32
    %dma_start3A_54 = tpu.memref_slice %arg6[%dma_start3A_51, %dma_start3A_52, %dma_start3A_53] : memref<16x50x32xf32, #tpu.memory_space<vmem>> -> memref<1x50x32xf32, #tpu.memory_space<vmem>>
    %dma_start3A_55 = tpu.memref_squeeze %dma_start3A_54 : memref<1x50x32xf32, #tpu.memory_space<vmem>> -> memref<50x32xf32, #tpu.memory_space<vmem>>
    %dma_start3A_56 = arith.constant 0 : i32
    %dma_start3A_57 = tpu.memref_slice %arg5[%dma_start3A_50, %dma_start3A_56] : memref<512x50xi32, #tpu.memory_space<vmem>> -> memref<1x50xi32, #tpu.memory_space<vmem>>
    %dma_start3A_58 = tpu.memref_squeeze %dma_start3A_57 : memref<1x50xi32, #tpu.memory_space<vmem>> -> memref<50xi32, #tpu.memory_space<vmem>>
    %dma_start3A_59 = arith.constant 0 : i32
    %dma_start3A_60 = arith.constant 0 : i32
    %dma_start3A_61 = tpu.memref_slice %arg2[%dma_start3A_59, %dma_start3A_60] : memref<1000000x32xf32, #tpu.memory_space<hbm>> -> memref<1000000x32xf32, #tpu.memory_space<hbm>>
    tpu.enqueue_indirect_dma source(%dma_start3A_61 : memref<1000000x32xf32, #tpu.memory_space<hbm>>) target(%dma_start3A_55 : memref<50x32xf32, #tpu.memory_space<vmem>>) offsets(%dma_start3A_58 : memref<50xi32, #tpu.memory_space<vmem>>) semaphore(%arg10 : memref<!tpu.dma_semaphore, #tpu.memory_space<semaphore_mem>>)
    %dma_start3A_62 = arith.constant 5 : i32
    %dma_start3A_63 = arith.constant 5 : i32
    %dma_start3A_64 = arith.constant 0 : i32
    %dma_start3A_65 = arith.constant 0 : i32
    %dma_start3A_66 = tpu.memref_slice %arg6[%dma_start3A_63, %dma_start3A_64, %dma_start3A_65] : memref<16x50x32xf32, #tpu.memory_space<vmem>> -> memref<1x50x32xf32, #tpu.memory_space<vmem>>
    %dma_start3A_67 = tpu.memref_squeeze %dma_start3A_66 : memref<1x50x32xf32, #tpu.memory_space<vmem>> -> memref<50x32xf32, #tpu.memory_space<vmem>>
    %dma_start3A_68 = arith.constant 0 : i32
    %dma_start3A_69 = tpu.memref_slice %arg5[%dma_start3A_62, %dma_start3A_68] : memref<512x50xi32, #tpu.memory_space<vmem>> -> memref<1x50xi32, #tpu.memory_space<vmem>>
    %dma_start3A_70 = tpu.memref_squeeze %dma_start3A_69 : memref<1x50xi32, #tpu.memory_space<vmem>> -> memref<50xi32, #tpu.memory_space<vmem>>
    %dma_start3A_71 = arith.constant 0 : i32
    %dma_start3A_72 = arith.constant 0 : i32
    %dma_start3A_73 = tpu.memref_slice %arg2[%dma_start3A_71, %dma_start3A_72] : memref<1000000x32xf32, #tpu.memory_space<hbm>> -> memref<1000000x32xf32, #tpu.memory_space<hbm>>
    tpu.enqueue_indirect_dma source(%dma_start3A_73 : memref<1000000x32xf32, #tpu.memory_space<hbm>>) target(%dma_start3A_67 : memref<50x32xf32, #tpu.memory_space<vmem>>) offsets(%dma_start3A_70 : memref<50xi32, #tpu.memory_space<vmem>>) semaphore(%arg10 : memref<!tpu.dma_semaphore, #tpu.memory_space<semaphore_mem>>)
    %dma_start3A_74 = arith.constant 6 : i32
    %dma_start3A_75 = arith.constant 6 : i32
    %dma_start3A_76 = arith.constant 0 : i32
    %dma_start3A_77 = arith.constant 0 : i32
    %dma_start3A_78 = tpu.memref_slice %arg6[%dma_start3A_75, %dma_start3A_76, %dma_start3A_77] : memref<16x50x32xf32, #tpu.memory_space<vmem>> -> memref<1x50x32xf32, #tpu.memory_space<vmem>>
    %dma_start3A_79 = tpu.memref_squeeze %dma_start3A_78 : memref<1x50x32xf32, #tpu.memory_space<vmem>> -> memref<50x32xf32, #tpu.memory_space<vmem>>
    %dma_start3A_80 = arith.constant 0 : i32
    %dma_start3A_81 = tpu.memref_slice %arg5[%dma_start3A_74, %dma_start3A_80] : memref<512x50xi32, #tpu.memory_space<vmem>> -> memref<1x50xi32, #tpu.memory_space<vmem>>
    %dma_start3A_82 = tpu.memref_squeeze %dma_start3A_81 : memref<1x50xi32, #tpu.memory_space<vmem>> -> memref<50xi32, #tpu.memory_space<vmem>>
    %dma_start3A_83 = arith.constant 0 : i32
    %dma_start3A_84 = arith.constant 0 : i32
    %dma_start3A_85 = tpu.memref_slice %arg2[%dma_start3A_83, %dma_start3A_84] : memref<1000000x32xf32, #tpu.memory_space<hbm>> -> memref<1000000x32xf32, #tpu.memory_space<hbm>>
    tpu.enqueue_indirect_dma source(%dma_start3A_85 : memref<1000000x32xf32, #tpu.memory_space<hbm>>) target(%dma_start3A_79 : memref<50x32xf32, #tpu.memory_space<vmem>>) offsets(%dma_start3A_82 : memref<50xi32, #tpu.memory_space<vmem>>) semaphore(%arg10 : memref<!tpu.dma_semaphore, #tpu.memory_space<semaphore_mem>>)
    %dma_start3A_86 = arith.constant 7 : i32
    %dma_start3A_87 = arith.constant 7 : i32
    %dma_start3A_88 = arith.constant 0 : i32
    %dma_start3A_89 = arith.constant 0 : i32
    %dma_start3A_90 = tpu.memref_slice %arg6[%dma_start3A_87, %dma_start3A_88, %dma_start3A_89] : memref<16x50x32xf32, #tpu.memory_space<vmem>> -> memref<1x50x32xf32, #tpu.memory_space<vmem>>
    %dma_start3A_91 = tpu.memref_squeeze %dma_start3A_90 : memref<1x50x32xf32, #tpu.memory_space<vmem>> -> memref<50x32xf32, #tpu.memory_space<vmem>>
    %dma_start3A_92 = arith.constant 0 : i32
    %dma_start3A_93 = tpu.memref_slice %arg5[%dma_start3A_86, %dma_start3A_92] : memref<512x50xi32, #tpu.memory_space<vmem>> -> memref<1x50xi32, #tpu.memory_space<vmem>>
    %dma_start3A_94 = tpu.memref_squeeze %dma_start3A_93 : memref<1x50xi32, #tpu.memory_space<vmem>> -> memref<50xi32, #tpu.memory_space<vmem>>
    %dma_start3A_95 = arith.constant 0 : i32
    %dma_start3A_96 = arith.constant 0 : i32
    %dma_start3A_97 = tpu.memref_slice %arg2[%dma_start3A_95, %dma_start3A_96] : memref<1000000x32xf32, #tpu.memory_space<hbm>> -> memref<1000000x32xf32, #tpu.memory_space<hbm>>
    tpu.enqueue_indirect_dma source(%dma_start3A_97 : memref<1000000x32xf32, #tpu.memory_space<hbm>>) target(%dma_start3A_91 : memref<50x32xf32, #tpu.memory_space<vmem>>) offsets(%dma_start3A_94 : memref<50xi32, #tpu.memory_space<vmem>>) semaphore(%arg10 : memref<!tpu.dma_semaphore, #tpu.memory_space<semaphore_mem>>)
    %dma_start3A_98 = arith.constant 8 : i32
    %dma_start3A_99 = arith.constant 8 : i32
    %dma_start3A_100 = arith.constant 0 : i32
    %dma_start3A_101 = arith.constant 0 : i32
    %dma_start3A_102 = tpu.memref_slice %arg6[%dma_start3A_99, %dma_start3A_100, %dma_start3A_101] : memref<16x50x32xf32, #tpu.memory_space<vmem>> -> memref<1x50x32xf32, #tpu.memory_space<vmem>>
    %dma_start3A_103 = tpu.memref_squeeze %dma_start3A_102 : memref<1x50x32xf32, #tpu.memory_space<vmem>> -> memref<50x32xf32, #tpu.memory_space<vmem>>
    %dma_start3A_104 = arith.constant 0 : i32
    %dma_start3A_105 = tpu.memref_slice %arg5[%dma_start3A_98, %dma_start3A_104] : memref<512x50xi32, #tpu.memory_space<vmem>> -> memref<1x50xi32, #tpu.memory_space<vmem>>
    %dma_start3A_106 = tpu.memref_squeeze %dma_start3A_105 : memref<1x50xi32, #tpu.memory_space<vmem>> -> memref<50xi32, #tpu.memory_space<vmem>>
    %dma_start3A_107 = arith.constant 0 : i32
    %dma_start3A_108 = arith.constant 0 : i32
    %dma_start3A_109 = tpu.memref_slice %arg2[%dma_start3A_107, %dma_start3A_108] : memref<1000000x32xf32, #tpu.memory_space<hbm>> -> memref<1000000x32xf32, #tpu.memory_space<hbm>>
    tpu.enqueue_indirect_dma source(%dma_start3A_109 : memref<1000000x32xf32, #tpu.memory_space<hbm>>) target(%dma_start3A_103 : memref<50x32xf32, #tpu.memory_space<vmem>>) offsets(%dma_start3A_106 : memref<50xi32, #tpu.memory_space<vmem>>) semaphore(%arg10 : memref<!tpu.dma_semaphore, #tpu.memory_space<semaphore_mem>>)
    %dma_start3A_110 = arith.constant 9 : i32
    %dma_start3A_111 = arith.constant 9 : i32
    %dma_start3A_112 = arith.constant 0 : i32
    %dma_start3A_113 = arith.constant 0 : i32
    %dma_start3A_114 = tpu.memref_slice %arg6[%dma_start3A_111, %dma_start3A_112, %dma_start3A_113] : memref<16x50x32xf32, #tpu.memory_space<vmem>> -> memref<1x50x32xf32, #tpu.memory_space<vmem>>
    %dma_start3A_115 = tpu.memref_squeeze %dma_start3A_114 : memref<1x50x32xf32, #tpu.memory_space<vmem>> -> memref<50x32xf32, #tpu.memory_space<vmem>>
    %dma_start3A_116 = arith.constant 0 : i32
    %dma_start3A_117 = tpu.memref_slice %arg5[%dma_start3A_110, %dma_start3A_116] : memref<512x50xi32, #tpu.memory_space<vmem>> -> memref<1x50xi32, #tpu.memory_space<vmem>>
    %dma_start3A_118 = tpu.memref_squeeze %dma_start3A_117 : memref<1x50xi32, #tpu.memory_space<vmem>> -> memref<50xi32, #tpu.memory_space<vmem>>
    %dma_start3A_119 = arith.constant 0 : i32
    %dma_start3A_120 = arith.constant 0 : i32
    %dma_start3A_121 = tpu.memref_slice %arg2[%dma_start3A_119, %dma_start3A_120] : memref<1000000x32xf32, #tpu.memory_space<hbm>> -> memref<1000000x32xf32, #tpu.memory_space<hbm>>
    tpu.enqueue_indirect_dma source(%dma_start3A_121 : memref<1000000x32xf32, #tpu.memory_space<hbm>>) target(%dma_start3A_115 : memref<50x32xf32, #tpu.memory_space<vmem>>) offsets(%dma_start3A_118 : memref<50xi32, #tpu.memory_space<vmem>>) semaphore(%arg10 : memref<!tpu.dma_semaphore, #tpu.memory_space<semaphore_mem>>)
    %dma_start3A_122 = arith.constant 10 : i32
    %dma_start3A_123 = arith.constant 10 : i32
    %dma_start3A_124 = arith.constant 0 : i32
    %dma_start3A_125 = arith.constant 0 : i32
    %dma_start3A_126 = tpu.memref_slice %arg6[%dma_start3A_123, %dma_start3A_124, %dma_start3A_125] : memref<16x50x32xf32, #tpu.memory_space<vmem>> -> memref<1x50x32xf32, #tpu.memory_space<vmem>>
    %dma_start3A_127 = tpu.memref_squeeze %dma_start3A_126 : memref<1x50x32xf32, #tpu.memory_space<vmem>> -> memref<50x32xf32, #tpu.memory_space<vmem>>
    %dma_start3A_128 = arith.constant 0 : i32
    %dma_start3A_129 = tpu.memref_slice %arg5[%dma_start3A_122, %dma_start3A_128] : memref<512x50xi32, #tpu.memory_space<vmem>> -> memref<1x50xi32, #tpu.memory_space<vmem>>
    %dma_start3A_130 = tpu.memref_squeeze %dma_start3A_129 : memref<1x50xi32, #tpu.memory_space<vmem>> -> memref<50xi32, #tpu.memory_space<vmem>>
    %dma_start3A_131 = arith.constant 0 : i32
    %dma_start3A_132 = arith.constant 0 : i32
    %dma_start3A_133 = tpu.memref_slice %arg2[%dma_start3A_131, %dma_start3A_132] : memref<1000000x32xf32, #tpu.memory_space<hbm>> -> memref<1000000x32xf32, #tpu.memory_space<hbm>>
    tpu.enqueue_indirect_dma source(%dma_start3A_133 : memref<1000000x32xf32, #tpu.memory_space<hbm>>) target(%dma_start3A_127 : memref<50x32xf32, #tpu.memory_space<vmem>>) offsets(%dma_start3A_130 : memref<50xi32, #tpu.memory_space<vmem>>) semaphore(%arg10 : memref<!tpu.dma_semaphore, #tpu.memory_space<semaphore_mem>>)
    %dma_start3A_134 = arith.constant 11 : i32
    %dma_start3A_135 = arith.constant 11 : i32
    %dma_start3A_136 = arith.constant 0 : i32
    %dma_start3A_137 = arith.constant 0 : i32
    %dma_start3A_138 = tpu.memref_slice %arg6[%dma_start3A_135, %dma_start3A_136, %dma_start3A_137] : memref<16x50x32xf32, #tpu.memory_space<vmem>> -> memref<1x50x32xf32, #tpu.memory_space<vmem>>
    %dma_start3A_139 = tpu.memref_squeeze %dma_start3A_138 : memref<1x50x32xf32, #tpu.memory_space<vmem>> -> memref<50x32xf32, #tpu.memory_space<vmem>>
    %dma_start3A_140 = arith.constant 0 : i32
    %dma_start3A_141 = tpu.memref_slice %arg5[%dma_start3A_134, %dma_start3A_140] : memref<512x50xi32, #tpu.memory_space<vmem>> -> memref<1x50xi32, #tpu.memory_space<vmem>>
    %dma_start3A_142 = tpu.memref_squeeze %dma_start3A_141 : memref<1x50xi32, #tpu.memory_space<vmem>> -> memref<50xi32, #tpu.memory_space<vmem>>
    %dma_start3A_143 = arith.constant 0 : i32
    %dma_start3A_144 = arith.constant 0 : i32
    %dma_start3A_145 = tpu.memref_slice %arg2[%dma_start3A_143, %dma_start3A_144] : memref<1000000x32xf32, #tpu.memory_space<hbm>> -> memref<1000000x32xf32, #tpu.memory_space<hbm>>
    tpu.enqueue_indirect_dma source(%dma_start3A_145 : memref<1000000x32xf32, #tpu.memory_space<hbm>>) target(%dma_start3A_139 : memref<50x32xf32, #tpu.memory_space<vmem>>) offsets(%dma_start3A_142 : memref<50xi32, #tpu.memory_space<vmem>>) semaphore(%arg10 : memref<!tpu.dma_semaphore, #tpu.memory_space<semaphore_mem>>)
    %dma_start3A_146 = arith.constant 12 : i32
    %dma_start3A_147 = arith.constant 12 : i32
    %dma_start3A_148 = arith.constant 0 : i32
    %dma_start3A_149 = arith.constant 0 : i32
    %dma_start3A_150 = tpu.memref_slice %arg6[%dma_start3A_147, %dma_start3A_148, %dma_start3A_149] : memref<16x50x32xf32, #tpu.memory_space<vmem>> -> memref<1x50x32xf32, #tpu.memory_space<vmem>>
    %dma_start3A_151 = tpu.memref_squeeze %dma_start3A_150 : memref<1x50x32xf32, #tpu.memory_space<vmem>> -> memref<50x32xf32, #tpu.memory_space<vmem>>
    %dma_start3A_152 = arith.constant 0 : i32
    %dma_start3A_153 = tpu.memref_slice %arg5[%dma_start3A_146, %dma_start3A_152] : memref<512x50xi32, #tpu.memory_space<vmem>> -> memref<1x50xi32, #tpu.memory_space<vmem>>
    %dma_start3A_154 = tpu.memref_squeeze %dma_start3A_153 : memref<1x50xi32, #tpu.memory_space<vmem>> -> memref<50xi32, #tpu.memory_space<vmem>>
    %dma_start3A_155 = arith.constant 0 : i32
    %dma_start3A_156 = arith.constant 0 : i32
    %dma_start3A_157 = tpu.memref_slice %arg2[%dma_start3A_155, %dma_start3A_156] : memref<1000000x32xf32, #tpu.memory_space<hbm>> -> memref<1000000x32xf32, #tpu.memory_space<hbm>>
    tpu.enqueue_indirect_dma source(%dma_start3A_157 : memref<1000000x32xf32, #tpu.memory_space<hbm>>) target(%dma_start3A_151 : memref<50x32xf32, #tpu.memory_space<vmem>>) offsets(%dma_start3A_154 : memref<50xi32, #tpu.memory_space<vmem>>) semaphore(%arg10 : memref<!tpu.dma_semaphore, #tpu.memory_space<semaphore_mem>>)
    %dma_start3A_158 = arith.constant 13 : i32
    %dma_start3A_159 = arith.constant 13 : i32
    %dma_start3A_160 = arith.constant 0 : i32
    %dma_start3A_161 = arith.constant 0 : i32
    %dma_start3A_162 = tpu.memref_slice %arg6[%dma_start3A_159, %dma_start3A_160, %dma_start3A_161] : memref<16x50x32xf32, #tpu.memory_space<vmem>> -> memref<1x50x32xf32, #tpu.memory_space<vmem>>
    %dma_start3A_163 = tpu.memref_squeeze %dma_start3A_162 : memref<1x50x32xf32, #tpu.memory_space<vmem>> -> memref<50x32xf32, #tpu.memory_space<vmem>>
    %dma_start3A_164 = arith.constant 0 : i32
    %dma_start3A_165 = tpu.memref_slice %arg5[%dma_start3A_158, %dma_start3A_164] : memref<512x50xi32, #tpu.memory_space<vmem>> -> memref<1x50xi32, #tpu.memory_space<vmem>>
    %dma_start3A_166 = tpu.memref_squeeze %dma_start3A_165 : memref<1x50xi32, #tpu.memory_space<vmem>> -> memref<50xi32, #tpu.memory_space<vmem>>
    %dma_start3A_167 = arith.constant 0 : i32
    %dma_start3A_168 = arith.constant 0 : i32
    %dma_start3A_169 = tpu.memref_slice %arg2[%dma_start3A_167, %dma_start3A_168] : memref<1000000x32xf32, #tpu.memory_space<hbm>> -> memref<1000000x32xf32, #tpu.memory_space<hbm>>
    tpu.enqueue_indirect_dma source(%dma_start3A_169 : memref<1000000x32xf32, #tpu.memory_space<hbm>>) target(%dma_start3A_163 : memref<50x32xf32, #tpu.memory_space<vmem>>) offsets(%dma_start3A_166 : memref<50xi32, #tpu.memory_space<vmem>>) semaphore(%arg10 : memref<!tpu.dma_semaphore, #tpu.memory_space<semaphore_mem>>)
    %dma_start3A_170 = arith.constant 14 : i32
    %dma_start3A_171 = arith.constant 14 : i32
    %dma_start3A_172 = arith.constant 0 : i32
    %dma_start3A_173 = arith.constant 0 : i32
    %dma_start3A_174 = tpu.memref_slice %arg6[%dma_start3A_171, %dma_start3A_172, %dma_start3A_173] : memref<16x50x32xf32, #tpu.memory_space<vmem>> -> memref<1x50x32xf32, #tpu.memory_space<vmem>>
    %dma_start3A_175 = tpu.memref_squeeze %dma_start3A_174 : memref<1x50x32xf32, #tpu.memory_space<vmem>> -> memref<50x32xf32, #tpu.memory_space<vmem>>
    %dma_start3A_176 = arith.constant 0 : i32
    %dma_start3A_177 = tpu.memref_slice %arg5[%dma_start3A_170, %dma_start3A_176] : memref<512x50xi32, #tpu.memory_space<vmem>> -> memref<1x50xi32, #tpu.memory_space<vmem>>
    %dma_start3A_178 = tpu.memref_squeeze %dma_start3A_177 : memref<1x50xi32, #tpu.memory_space<vmem>> -> memref<50xi32, #tpu.memory_space<vmem>>
    %dma_start3A_179 = arith.constant 0 : i32
    %dma_start3A_180 = arith.constant 0 : i32
    %dma_start3A_181 = tpu.memref_slice %arg2[%dma_start3A_179, %dma_start3A_180] : memref<1000000x32xf32, #tpu.memory_space<hbm>> -> memref<1000000x32xf32, #tpu.memory_space<hbm>>
    tpu.enqueue_indirect_dma source(%dma_start3A_181 : memref<1000000x32xf32, #tpu.memory_space<hbm>>) target(%dma_start3A_175 : memref<50x32xf32, #tpu.memory_space<vmem>>) offsets(%dma_start3A_178 : memref<50xi32, #tpu.memory_space<vmem>>) semaphore(%arg10 : memref<!tpu.dma_semaphore, #tpu.memory_space<semaphore_mem>>)
    %dma_start3A_182 = arith.constant 15 : i32
    %dma_start3A_183 = arith.constant 15 : i32
    %dma_start3A_184 = arith.constant 0 : i32
    %dma_start3A_185 = arith.constant 0 : i32
    %dma_start3A_186 = tpu.memref_slice %arg6[%dma_start3A_183, %dma_start3A_184, %dma_start3A_185] : memref<16x50x32xf32, #tpu.memory_space<vmem>> -> memref<1x50x32xf32, #tpu.memory_space<vmem>>
    %dma_start3A_187 = tpu.memref_squeeze %dma_start3A_186 : memref<1x50x32xf32, #tpu.memory_space<vmem>> -> memref<50x32xf32, #tpu.memory_space<vmem>>
    %dma_start3A_188 = arith.constant 0 : i32
    %dma_start3A_189 = tpu.memref_slice %arg5[%dma_start3A_182, %dma_start3A_188] : memref<512x50xi32, #tpu.memory_space<vmem>> -> memref<1x50xi32, #tpu.memory_space<vmem>>
    %dma_start3A_190 = tpu.memref_squeeze %dma_start3A_189 : memref<1x50xi32, #tpu.memory_space<vmem>> -> memref<50xi32, #tpu.memory_space<vmem>>
    %dma_start3A_191 = arith.constant 0 : i32
    %dma_start3A_192 = arith.constant 0 : i32
    %dma_start3A_193 = tpu.memref_slice %arg2[%dma_start3A_191, %dma_start3A_192] : memref<1000000x32xf32, #tpu.memory_space<hbm>> -> memref<1000000x32xf32, #tpu.memory_space<hbm>>
    tpu.enqueue_indirect_dma source(%dma_start3A_193 : memref<1000000x32xf32, #tpu.memory_space<hbm>>) target(%dma_start3A_187 : memref<50x32xf32, #tpu.memory_space<vmem>>) offsets(%dma_start3A_190 : memref<50xi32, #tpu.memory_space<vmem>>) semaphore(%arg10 : memref<!tpu.dma_semaphore, #tpu.memory_space<semaphore_mem>>)
    %dma_start3A_194 = arith.constant 16 : i32
    %dma_start3A_195 = arith.constant 0 : i32
    %dma_start3A_196 = arith.constant 0 : i32
    %dma_start3A_197 = arith.constant 0 : i32
    %dma_start3A_198 = tpu.memref_slice %arg7[%dma_start3A_195, %dma_start3A_196, %dma_start3A_197] : memref<16x50x32xf32, #tpu.memory_space<vmem>> -> memref<1x50x32xf32, #tpu.memory_space<vmem>>
    %dma_start3A_199 = tpu.memref_squeeze %dma_start3A_198 : memref<1x50x32xf32, #tpu.memory_space<vmem>> -> memref<50x32xf32, #tpu.memory_space<vmem>>
    %dma_start3A_200 = arith.constant 0 : i32
    %dma_start3A_201 = tpu.memref_slice %arg5[%dma_start3A_194, %dma_start3A_200] : memref<512x50xi32, #tpu.memory_space<vmem>> -> memref<1x50xi32, #tpu.memory_space<vmem>>
    %dma_start3A_202 = tpu.memref_squeeze %dma_start3A_201 : memref<1x50xi32, #tpu.memory_space<vmem>> -> memref<50xi32, #tpu.memory_space<vmem>>
    %dma_start3A_203 = arith.constant 0 : i32
    %dma_start3A_204 = arith.constant 0 : i32
    %dma_start3A_205 = tpu.memref_slice %arg2[%dma_start3A_203, %dma_start3A_204] : memref<1000000x32xf32, #tpu.memory_space<hbm>> -> memref<1000000x32xf32, #tpu.memory_space<hbm>>
    tpu.enqueue_indirect_dma source(%dma_start3A_205 : memref<1000000x32xf32, #tpu.memory_space<hbm>>) target(%dma_start3A_199 : memref<50x32xf32, #tpu.memory_space<vmem>>) offsets(%dma_start3A_202 : memref<50xi32, #tpu.memory_space<vmem>>) semaphore(%arg11 : memref<!tpu.dma_semaphore, #tpu.memory_space<semaphore_mem>>)
    %dma_start3A_206 = arith.constant 17 : i32
    %dma_start3A_207 = arith.constant 1 : i32
    %dma_start3A_208 = arith.constant 0 : i32
    %dma_start3A_209 = arith.constant 0 : i32
    %dma_start3A_210 = tpu.memref_slice %arg7[%dma_start3A_207, %dma_start3A_208, %dma_start3A_209] : memref<16x50x32xf32, #tpu.memory_space<vmem>> -> memref<1x50x32xf32, #tpu.memory_space<vmem>>
    %dma_start3A_211 = tpu.memref_squeeze %dma_start3A_210 : memref<1x50x32xf32, #tpu.memory_space<vmem>> -> memref<50x32xf32, #tpu.memory_space<vmem>>
    %dma_start3A_212 = arith.constant 0 : i32
    %dma_start3A_213 = tpu.memref_slice %arg5[%dma_start3A_206, %dma_start3A_212] : memref<512x50xi32, #tpu.memory_space<vmem>> -> memref<1x50xi32, #tpu.memory_space<vmem>>
    %dma_start3A_214 = tpu.memref_squeeze %dma_start3A_213 : memref<1x50xi32, #tpu.memory_space<vmem>> -> memref<50xi32, #tpu.memory_space<vmem>>
    %dma_start3A_215 = arith.constant 0 : i32
    %dma_start3A_216 = arith.constant 0 : i32
    %dma_start3A_217 = tpu.memref_slice %arg2[%dma_start3A_215, %dma_start3A_216] : memref<1000000x32xf32, #tpu.memory_space<hbm>> -> memref<1000000x32xf32, #tpu.memory_space<hbm>>
    tpu.enqueue_indirect_dma source(%dma_start3A_217 : memref<1000000x32xf32, #tpu.memory_space<hbm>>) target(%dma_start3A_211 : memref<50x32xf32, #tpu.memory_space<vmem>>) offsets(%dma_start3A_214 : memref<50xi32, #tpu.memory_space<vmem>>) semaphore(%arg11 : memref<!tpu.dma_semaphore, #tpu.memory_space<semaphore_mem>>)
    %dma_start3A_218 = arith.constant 18 : i32
    %dma_start3A_219 = arith.constant 2 : i32
    %dma_start3A_220 = arith.constant 0 : i32
    %dma_start3A_221 = arith.constant 0 : i32
    %dma_start3A_222 = tpu.memref_slice %arg7[%dma_start3A_219, %dma_start3A_220, %dma_start3A_221] : memref<16x50x32xf32, #tpu.memory_space<vmem>> -> memref<1x50x32xf32, #tpu.memory_space<vmem>>
    %dma_start3A_223 = tpu.memref_squeeze %dma_start3A_222 : memref<1x50x32xf32, #tpu.memory_space<vmem>> -> memref<50x32xf32, #tpu.memory_space<vmem>>
    %dma_start3A_224 = arith.constant 0 : i32
    %dma_start3A_225 = tpu.memref_slice %arg5[%dma_start3A_218, %dma_start3A_224] : memref<512x50xi32, #tpu.memory_space<vmem>> -> memref<1x50xi32, #tpu.memory_space<vmem>>
    %dma_start3A_226 = tpu.memref_squeeze %dma_start3A_225 : memref<1x50xi32, #tpu.memory_space<vmem>> -> memref<50xi32, #tpu.memory_space<vmem>>
    %dma_start3A_227 = arith.constant 0 : i32
    %dma_start3A_228 = arith.constant 0 : i32
    %dma_start3A_229 = tpu.memref_slice %arg2[%dma_start3A_227, %dma_start3A_228] : memref<1000000x32xf32, #tpu.memory_space<hbm>> -> memref<1000000x32xf32, #tpu.memory_space<hbm>>
    tpu.enqueue_indirect_dma source(%dma_start3A_229 : memref<1000000x32xf32, #tpu.memory_space<hbm>>) target(%dma_start3A_223 : memref<50x32xf32, #tpu.memory_space<vmem>>) offsets(%dma_start3A_226 : memref<50xi32, #tpu.memory_space<vmem>>) semaphore(%arg11 : memref<!tpu.dma_semaphore, #tpu.memory_space<semaphore_mem>>)
    %dma_start3A_230 = arith.constant 19 : i32
    %dma_start3A_231 = arith.constant 3 : i32
    %dma_start3A_232 = arith.constant 0 : i32
    %dma_start3A_233 = arith.constant 0 : i32
    %dma_start3A_234 = tpu.memref_slice %arg7[%dma_start3A_231, %dma_start3A_232, %dma_start3A_233] : memref<16x50x32xf32, #tpu.memory_space<vmem>> -> memref<1x50x32xf32, #tpu.memory_space<vmem>>
    %dma_start3A_235 = tpu.memref_squeeze %dma_start3A_234 : memref<1x50x32xf32, #tpu.memory_space<vmem>> -> memref<50x32xf32, #tpu.memory_space<vmem>>
    %dma_start3A_236 = arith.constant 0 : i32
    %dma_start3A_237 = tpu.memref_slice %arg5[%dma_start3A_230, %dma_start3A_236] : memref<512x50xi32, #tpu.memory_space<vmem>> -> memref<1x50xi32, #tpu.memory_space<vmem>>
    %dma_start3A_238 = tpu.memref_squeeze %dma_start3A_237 : memref<1x50xi32, #tpu.memory_space<vmem>> -> memref<50xi32, #tpu.memory_space<vmem>>
    %dma_start3A_239 = arith.constant 0 : i32
    %dma_start3A_240 = arith.constant 0 : i32
    %dma_start3A_241 = tpu.memref_slice %arg2[%dma_start3A_239, %dma_start3A_240] : memref<1000000x32xf32, #tpu.memory_space<hbm>> -> memref<1000000x32xf32, #tpu.memory_space<hbm>>
    tpu.enqueue_indirect_dma source(%dma_start3A_241 : memref<1000000x32xf32, #tpu.memory_space<hbm>>) target(%dma_start3A_235 : memref<50x32xf32, #tpu.memory_space<vmem>>) offsets(%dma_start3A_238 : memref<50xi32, #tpu.memory_space<vmem>>) semaphore(%arg11 : memref<!tpu.dma_semaphore, #tpu.memory_space<semaphore_mem>>)
    %dma_start3A_242 = arith.constant 20 : i32
    %dma_start3A_243 = arith.constant 4 : i32
    %dma_start3A_244 = arith.constant 0 : i32
    %dma_start3A_245 = arith.constant 0 : i32
    %dma_start3A_246 = tpu.memref_slice %arg7[%dma_start3A_243, %dma_start3A_244, %dma_start3A_245] : memref<16x50x32xf32, #tpu.memory_space<vmem>> -> memref<1x50x32xf32, #tpu.memory_space<vmem>>
    %dma_start3A_247 = tpu.memref_squeeze %dma_start3A_246 : memref<1x50x32xf32, #tpu.memory_space<vmem>> -> memref<50x32xf32, #tpu.memory_space<vmem>>
    %dma_start3A_248 = arith.constant 0 : i32
    %dma_start3A_249 = tpu.memref_slice %arg5[%dma_start3A_242, %dma_start3A_248] : memref<512x50xi32, #tpu.memory_space<vmem>> -> memref<1x50xi32, #tpu.memory_space<vmem>>
    %dma_start3A_250 = tpu.memref_squeeze %dma_start3A_249 : memref<1x50xi32, #tpu.memory_space<vmem>> -> memref<50xi32, #tpu.memory_space<vmem>>
    %dma_start3A_251 = arith.constant 0 : i32
    %dma_start3A_252 = arith.constant 0 : i32
    %dma_start3A_253 = tpu.memref_slice %arg2[%dma_start3A_251, %dma_start3A_252] : memref<1000000x32xf32, #tpu.memory_space<hbm>> -> memref<1000000x32xf32, #tpu.memory_space<hbm>>
    tpu.enqueue_indirect_dma source(%dma_start3A_253 : memref<1000000x32xf32, #tpu.memory_space<hbm>>) target(%dma_start3A_247 : memref<50x32xf32, #tpu.memory_space<vmem>>) offsets(%dma_start3A_250 : memref<50xi32, #tpu.memory_space<vmem>>) semaphore(%arg11 : memref<!tpu.dma_semaphore, #tpu.memory_space<semaphore_mem>>)
    %dma_start3A_254 = arith.constant 21 : i32
    %dma_start3A_255 = arith.constant 5 : i32
    %dma_start3A_256 = arith.constant 0 : i32
    %dma_start3A_257 = arith.constant 0 : i32
    %dma_start3A_258 = tpu.memref_slice %arg7[%dma_start3A_255, %dma_start3A_256, %dma_start3A_257] : memref<16x50x32xf32, #tpu.memory_space<vmem>> -> memref<1x50x32xf32, #tpu.memory_space<vmem>>
    %dma_start3A_259 = tpu.memref_squeeze %dma_start3A_258 : memref<1x50x32xf32, #tpu.memory_space<vmem>> -> memref<50x32xf32, #tpu.memory_space<vmem>>
    %dma_start3A_260 = arith.constant 0 : i32
    %dma_start3A_261 = tpu.memref_slice %arg5[%dma_start3A_254, %dma_start3A_260] : memref<512x50xi32, #tpu.memory_space<vmem>> -> memref<1x50xi32, #tpu.memory_space<vmem>>
    %dma_start3A_262 = tpu.memref_squeeze %dma_start3A_261 : memref<1x50xi32, #tpu.memory_space<vmem>> -> memref<50xi32, #tpu.memory_space<vmem>>
    %dma_start3A_263 = arith.constant 0 : i32
    %dma_start3A_264 = arith.constant 0 : i32
    %dma_start3A_265 = tpu.memref_slice %arg2[%dma_start3A_263, %dma_start3A_264] : memref<1000000x32xf32, #tpu.memory_space<hbm>> -> memref<1000000x32xf32, #tpu.memory_space<hbm>>
    tpu.enqueue_indirect_dma source(%dma_start3A_265 : memref<1000000x32xf32, #tpu.memory_space<hbm>>) target(%dma_start3A_259 : memref<50x32xf32, #tpu.memory_space<vmem>>) offsets(%dma_start3A_262 : memref<50xi32, #tpu.memory_space<vmem>>) semaphore(%arg11 : memref<!tpu.dma_semaphore, #tpu.memory_space<semaphore_mem>>)
    %dma_start3A_266 = arith.constant 22 : i32
    %dma_start3A_267 = arith.constant 6 : i32
    %dma_start3A_268 = arith.constant 0 : i32
    %dma_start3A_269 = arith.constant 0 : i32
    %dma_start3A_270 = tpu.memref_slice %arg7[%dma_start3A_267, %dma_start3A_268, %dma_start3A_269] : memref<16x50x32xf32, #tpu.memory_space<vmem>> -> memref<1x50x32xf32, #tpu.memory_space<vmem>>
    %dma_start3A_271 = tpu.memref_squeeze %dma_start3A_270 : memref<1x50x32xf32, #tpu.memory_space<vmem>> -> memref<50x32xf32, #tpu.memory_space<vmem>>
    %dma_start3A_272 = arith.constant 0 : i32
    %dma_start3A_273 = tpu.memref_slice %arg5[%dma_start3A_266, %dma_start3A_272] : memref<512x50xi32, #tpu.memory_space<vmem>> -> memref<1x50xi32, #tpu.memory_space<vmem>>
    %dma_start3A_274 = tpu.memref_squeeze %dma_start3A_273 : memref<1x50xi32, #tpu.memory_space<vmem>> -> memref<50xi32, #tpu.memory_space<vmem>>
    %dma_start3A_275 = arith.constant 0 : i32
    %dma_start3A_276 = arith.constant 0 : i32
    %dma_start3A_277 = tpu.memref_slice %arg2[%dma_start3A_275, %dma_start3A_276] : memref<1000000x32xf32, #tpu.memory_space<hbm>> -> memref<1000000x32xf32, #tpu.memory_space<hbm>>
    tpu.enqueue_indirect_dma source(%dma_start3A_277 : memref<1000000x32xf32, #tpu.memory_space<hbm>>) target(%dma_start3A_271 : memref<50x32xf32, #tpu.memory_space<vmem>>) offsets(%dma_start3A_274 : memref<50xi32, #tpu.memory_space<vmem>>) semaphore(%arg11 : memref<!tpu.dma_semaphore, #tpu.memory_space<semaphore_mem>>)
    %dma_start3A_278 = arith.constant 23 : i32
    %dma_start3A_279 = arith.constant 7 : i32
    %dma_start3A_280 = arith.constant 0 : i32
    %dma_start3A_281 = arith.constant 0 : i32
    %dma_start3A_282 = tpu.memref_slice %arg7[%dma_start3A_279, %dma_start3A_280, %dma_start3A_281] : memref<16x50x32xf32, #tpu.memory_space<vmem>> -> memref<1x50x32xf32, #tpu.memory_space<vmem>>
    %dma_start3A_283 = tpu.memref_squeeze %dma_start3A_282 : memref<1x50x32xf32, #tpu.memory_space<vmem>> -> memref<50x32xf32, #tpu.memory_space<vmem>>
    %dma_start3A_284 = arith.constant 0 : i32
    %dma_start3A_285 = tpu.memref_slice %arg5[%dma_start3A_278, %dma_start3A_284] : memref<512x50xi32, #tpu.memory_space<vmem>> -> memref<1x50xi32, #tpu.memory_space<vmem>>
    %dma_start3A_286 = tpu.memref_squeeze %dma_start3A_285 : memref<1x50xi32, #tpu.memory_space<vmem>> -> memref<50xi32, #tpu.memory_space<vmem>>
    %dma_start3A_287 = arith.constant 0 : i32
    %dma_start3A_288 = arith.constant 0 : i32
    %dma_start3A_289 = tpu.memref_slice %arg2[%dma_start3A_287, %dma_start3A_288] : memref<1000000x32xf32, #tpu.memory_space<hbm>> -> memref<1000000x32xf32, #tpu.memory_space<hbm>>
    tpu.enqueue_indirect_dma source(%dma_start3A_289 : memref<1000000x32xf32, #tpu.memory_space<hbm>>) target(%dma_start3A_283 : memref<50x32xf32, #tpu.memory_space<vmem>>) offsets(%dma_start3A_286 : memref<50xi32, #tpu.memory_space<vmem>>) semaphore(%arg11 : memref<!tpu.dma_semaphore, #tpu.memory_space<semaphore_mem>>)
    %dma_start3A_290 = arith.constant 24 : i32
    %dma_start3A_291 = arith.constant 8 : i32
    %dma_start3A_292 = arith.constant 0 : i32
    %dma_start3A_293 = arith.constant 0 : i32
    %dma_start3A_294 = tpu.memref_slice %arg7[%dma_start3A_291, %dma_start3A_292, %dma_start3A_293] : memref<16x50x32xf32, #tpu.memory_space<vmem>> -> memref<1x50x32xf32, #tpu.memory_space<vmem>>
    %dma_start3A_295 = tpu.memref_squeeze %dma_start3A_294 : memref<1x50x32xf32, #tpu.memory_space<vmem>> -> memref<50x32xf32, #tpu.memory_space<vmem>>
    %dma_start3A_296 = arith.constant 0 : i32
    %dma_start3A_297 = tpu.memref_slice %arg5[%dma_start3A_290, %dma_start3A_296] : memref<512x50xi32, #tpu.memory_space<vmem>> -> memref<1x50xi32, #tpu.memory_space<vmem>>
    %dma_start3A_298 = tpu.memref_squeeze %dma_start3A_297 : memref<1x50xi32, #tpu.memory_space<vmem>> -> memref<50xi32, #tpu.memory_space<vmem>>
    %dma_start3A_299 = arith.constant 0 : i32
    %dma_start3A_300 = arith.constant 0 : i32
    %dma_start3A_301 = tpu.memref_slice %arg2[%dma_start3A_299, %dma_start3A_300] : memref<1000000x32xf32, #tpu.memory_space<hbm>> -> memref<1000000x32xf32, #tpu.memory_space<hbm>>
    tpu.enqueue_indirect_dma source(%dma_start3A_301 : memref<1000000x32xf32, #tpu.memory_space<hbm>>) target(%dma_start3A_295 : memref<50x32xf32, #tpu.memory_space<vmem>>) offsets(%dma_start3A_298 : memref<50xi32, #tpu.memory_space<vmem>>) semaphore(%arg11 : memref<!tpu.dma_semaphore, #tpu.memory_space<semaphore_mem>>)
    %dma_start3A_302 = arith.constant 25 : i32
    %dma_start3A_303 = arith.constant 9 : i32
    %dma_start3A_304 = arith.constant 0 : i32
    %dma_start3A_305 = arith.constant 0 : i32
    %dma_start3A_306 = tpu.memref_slice %arg7[%dma_start3A_303, %dma_start3A_304, %dma_start3A_305] : memref<16x50x32xf32, #tpu.memory_space<vmem>> -> memref<1x50x32xf32, #tpu.memory_space<vmem>>
    %dma_start3A_307 = tpu.memref_squeeze %dma_start3A_306 : memref<1x50x32xf32, #tpu.memory_space<vmem>> -> memref<50x32xf32, #tpu.memory_space<vmem>>
    %dma_start3A_308 = arith.constant 0 : i32
    %dma_start3A_309 = tpu.memref_slice %arg5[%dma_start3A_302, %dma_start3A_308] : memref<512x50xi32, #tpu.memory_space<vmem>> -> memref<1x50xi32, #tpu.memory_space<vmem>>
    %dma_start3A_310 = tpu.memref_squeeze %dma_start3A_309 : memref<1x50xi32, #tpu.memory_space<vmem>> -> memref<50xi32, #tpu.memory_space<vmem>>
    %dma_start3A_311 = arith.constant 0 : i32
    %dma_start3A_312 = arith.constant 0 : i32
    %dma_start3A_313 = tpu.memref_slice %arg2[%dma_start3A_311, %dma_start3A_312] : memref<1000000x32xf32, #tpu.memory_space<hbm>> -> memref<1000000x32xf32, #tpu.memory_space<hbm>>
    tpu.enqueue_indirect_dma source(%dma_start3A_313 : memref<1000000x32xf32, #tpu.memory_space<hbm>>) target(%dma_start3A_307 : memref<50x32xf32, #tpu.memory_space<vmem>>) offsets(%dma_start3A_310 : memref<50xi32, #tpu.memory_space<vmem>>) semaphore(%arg11 : memref<!tpu.dma_semaphore, #tpu.memory_space<semaphore_mem>>)
    %dma_start3A_314 = arith.constant 26 : i32
    %dma_start3A_315 = arith.constant 10 : i32
    %dma_start3A_316 = arith.constant 0 : i32
    %dma_start3A_317 = arith.constant 0 : i32
    %dma_start3A_318 = tpu.memref_slice %arg7[%dma_start3A_315, %dma_start3A_316, %dma_start3A_317] : memref<16x50x32xf32, #tpu.memory_space<vmem>> -> memref<1x50x32xf32, #tpu.memory_space<vmem>>
    %dma_start3A_319 = tpu.memref_squeeze %dma_start3A_318 : memref<1x50x32xf32, #tpu.memory_space<vmem>> -> memref<50x32xf32, #tpu.memory_space<vmem>>
    %dma_start3A_320 = arith.constant 0 : i32
    %dma_start3A_321 = tpu.memref_slice %arg5[%dma_start3A_314, %dma_start3A_320] : memref<512x50xi32, #tpu.memory_space<vmem>> -> memref<1x50xi32, #tpu.memory_space<vmem>>
    %dma_start3A_322 = tpu.memref_squeeze %dma_start3A_321 : memref<1x50xi32, #tpu.memory_space<vmem>> -> memref<50xi32, #tpu.memory_space<vmem>>
    %dma_start3A_323 = arith.constant 0 : i32
    %dma_start3A_324 = arith.constant 0 : i32
    %dma_start3A_325 = tpu.memref_slice %arg2[%dma_start3A_323, %dma_start3A_324] : memref<1000000x32xf32, #tpu.memory_space<hbm>> -> memref<1000000x32xf32, #tpu.memory_space<hbm>>
    tpu.enqueue_indirect_dma source(%dma_start3A_325 : memref<1000000x32xf32, #tpu.memory_space<hbm>>) target(%dma_start3A_319 : memref<50x32xf32, #tpu.memory_space<vmem>>) offsets(%dma_start3A_322 : memref<50xi32, #tpu.memory_space<vmem>>) semaphore(%arg11 : memref<!tpu.dma_semaphore, #tpu.memory_space<semaphore_mem>>)
    %dma_start3A_326 = arith.constant 27 : i32
    %dma_start3A_327 = arith.constant 11 : i32
    %dma_start3A_328 = arith.constant 0 : i32
    %dma_start3A_329 = arith.constant 0 : i32
    %dma_start3A_330 = tpu.memref_slice %arg7[%dma_start3A_327, %dma_start3A_328, %dma_start3A_329] : memref<16x50x32xf32, #tpu.memory_space<vmem>> -> memref<1x50x32xf32, #tpu.memory_space<vmem>>
    %dma_start3A_331 = tpu.memref_squeeze %dma_start3A_330 : memref<1x50x32xf32, #tpu.memory_space<vmem>> -> memref<50x32xf32, #tpu.memory_space<vmem>>
    %dma_start3A_332 = arith.constant 0 : i32
    %dma_start3A_333 = tpu.memref_slice %arg5[%dma_start3A_326, %dma_start3A_332] : memref<512x50xi32, #tpu.memory_space<vmem>> -> memref<1x50xi32, #tpu.memory_space<vmem>>
    %dma_start3A_334 = tpu.memref_squeeze %dma_start3A_333 : memref<1x50xi32, #tpu.memory_space<vmem>> -> memref<50xi32, #tpu.memory_space<vmem>>
    %dma_start3A_335 = arith.constant 0 : i32
    %dma_start3A_336 = arith.constant 0 : i32
    %dma_start3A_337 = tpu.memref_slice %arg2[%dma_start3A_335, %dma_start3A_336] : memref<1000000x32xf32, #tpu.memory_space<hbm>> -> memref<1000000x32xf32, #tpu.memory_space<hbm>>
    tpu.enqueue_indirect_dma source(%dma_start3A_337 : memref<1000000x32xf32, #tpu.memory_space<hbm>>) target(%dma_start3A_331 : memref<50x32xf32, #tpu.memory_space<vmem>>) offsets(%dma_start3A_334 : memref<50xi32, #tpu.memory_space<vmem>>) semaphore(%arg11 : memref<!tpu.dma_semaphore, #tpu.memory_space<semaphore_mem>>)
    %dma_start3A_338 = arith.constant 28 : i32
    %dma_start3A_339 = arith.constant 12 : i32
    %dma_start3A_340 = arith.constant 0 : i32
    %dma_start3A_341 = arith.constant 0 : i32
    %dma_start3A_342 = tpu.memref_slice %arg7[%dma_start3A_339, %dma_start3A_340, %dma_start3A_341] : memref<16x50x32xf32, #tpu.memory_space<vmem>> -> memref<1x50x32xf32, #tpu.memory_space<vmem>>
    %dma_start3A_343 = tpu.memref_squeeze %dma_start3A_342 : memref<1x50x32xf32, #tpu.memory_space<vmem>> -> memref<50x32xf32, #tpu.memory_space<vmem>>
    %dma_start3A_344 = arith.constant 0 : i32
    %dma_start3A_345 = tpu.memref_slice %arg5[%dma_start3A_338, %dma_start3A_344] : memref<512x50xi32, #tpu.memory_space<vmem>> -> memref<1x50xi32, #tpu.memory_space<vmem>>
    %dma_start3A_346 = tpu.memref_squeeze %dma_start3A_345 : memref<1x50xi32, #tpu.memory_space<vmem>> -> memref<50xi32, #tpu.memory_space<vmem>>
    %dma_start3A_347 = arith.constant 0 : i32
    %dma_start3A_348 = arith.constant 0 : i32
    %dma_start3A_349 = tpu.memref_slice %arg2[%dma_start3A_347, %dma_start3A_348] : memref<1000000x32xf32, #tpu.memory_space<hbm>> -> memref<1000000x32xf32, #tpu.memory_space<hbm>>
    tpu.enqueue_indirect_dma source(%dma_start3A_349 : memref<1000000x32xf32, #tpu.memory_space<hbm>>) target(%dma_start3A_343 : memref<50x32xf32, #tpu.memory_space<vmem>>) offsets(%dma_start3A_346 : memref<50xi32, #tpu.memory_space<vmem>>) semaphore(%arg11 : memref<!tpu.dma_semaphore, #tpu.memory_space<semaphore_mem>>)
    %dma_start3A_350 = arith.constant 29 : i32
    %dma_start3A_351 = arith.constant 13 : i32
    %dma_start3A_352 = arith.constant 0 : i32
    %dma_start3A_353 = arith.constant 0 : i32
    %dma_start3A_354 = tpu.memref_slice %arg7[%dma_start3A_351, %dma_start3A_352, %dma_start3A_353] : memref<16x50x32xf32, #tpu.memory_space<vmem>> -> memref<1x50x32xf32, #tpu.memory_space<vmem>>
    %dma_start3A_355 = tpu.memref_squeeze %dma_start3A_354 : memref<1x50x32xf32, #tpu.memory_space<vmem>> -> memref<50x32xf32, #tpu.memory_space<vmem>>
    %dma_start3A_356 = arith.constant 0 : i32
    %dma_start3A_357 = tpu.memref_slice %arg5[%dma_start3A_350, %dma_start3A_356] : memref<512x50xi32, #tpu.memory_space<vmem>> -> memref<1x50xi32, #tpu.memory_space<vmem>>
    %dma_start3A_358 = tpu.memref_squeeze %dma_start3A_357 : memref<1x50xi32, #tpu.memory_space<vmem>> -> memref<50xi32, #tpu.memory_space<vmem>>
    %dma_start3A_359 = arith.constant 0 : i32
    %dma_start3A_360 = arith.constant 0 : i32
    %dma_start3A_361 = tpu.memref_slice %arg2[%dma_start3A_359, %dma_start3A_360] : memref<1000000x32xf32, #tpu.memory_space<hbm>> -> memref<1000000x32xf32, #tpu.memory_space<hbm>>
    tpu.enqueue_indirect_dma source(%dma_start3A_361 : memref<1000000x32xf32, #tpu.memory_space<hbm>>) target(%dma_start3A_355 : memref<50x32xf32, #tpu.memory_space<vmem>>) offsets(%dma_start3A_358 : memref<50xi32, #tpu.memory_space<vmem>>) semaphore(%arg11 : memref<!tpu.dma_semaphore, #tpu.memory_space<semaphore_mem>>)
    %dma_start3A_362 = arith.constant 30 : i32
    %dma_start3A_363 = arith.constant 14 : i32
    %dma_start3A_364 = arith.constant 0 : i32
    %dma_start3A_365 = arith.constant 0 : i32
    %dma_start3A_366 = tpu.memref_slice %arg7[%dma_start3A_363, %dma_start3A_364, %dma_start3A_365] : memref<16x50x32xf32, #tpu.memory_space<vmem>> -> memref<1x50x32xf32, #tpu.memory_space<vmem>>
    %dma_start3A_367 = tpu.memref_squeeze %dma_start3A_366 : memref<1x50x32xf32, #tpu.memory_space<vmem>> -> memref<50x32xf32, #tpu.memory_space<vmem>>
    %dma_start3A_368 = arith.constant 0 : i32
    %dma_start3A_369 = tpu.memref_slice %arg5[%dma_start3A_362, %dma_start3A_368] : memref<512x50xi32, #tpu.memory_space<vmem>> -> memref<1x50xi32, #tpu.memory_space<vmem>>
    %dma_start3A_370 = tpu.memref_squeeze %dma_start3A_369 : memref<1x50xi32, #tpu.memory_space<vmem>> -> memref<50xi32, #tpu.memory_space<vmem>>
    %dma_start3A_371 = arith.constant 0 : i32
    %dma_start3A_372 = arith.constant 0 : i32
    %dma_start3A_373 = tpu.memref_slice %arg2[%dma_start3A_371, %dma_start3A_372] : memref<1000000x32xf32, #tpu.memory_space<hbm>> -> memref<1000000x32xf32, #tpu.memory_space<hbm>>
    tpu.enqueue_indirect_dma source(%dma_start3A_373 : memref<1000000x32xf32, #tpu.memory_space<hbm>>) target(%dma_start3A_367 : memref<50x32xf32, #tpu.memory_space<vmem>>) offsets(%dma_start3A_370 : memref<50xi32, #tpu.memory_space<vmem>>) semaphore(%arg11 : memref<!tpu.dma_semaphore, #tpu.memory_space<semaphore_mem>>)
    %dma_start3A_374 = arith.constant 31 : i32
    %dma_start3A_375 = arith.constant 15 : i32
    %dma_start3A_376 = arith.constant 0 : i32
    %dma_start3A_377 = arith.constant 0 : i32
    %dma_start3A_378 = tpu.memref_slice %arg7[%dma_start3A_375, %dma_start3A_376, %dma_start3A_377] : memref<16x50x32xf32, #tpu.memory_space<vmem>> -> memref<1x50x32xf32, #tpu.memory_space<vmem>>
    %dma_start3A_379 = tpu.memref_squeeze %dma_start3A_378 : memref<1x50x32xf32, #tpu.memory_space<vmem>> -> memref<50x32xf32, #tpu.memory_space<vmem>>
    %dma_start3A_380 = arith.constant 0 : i32
    %dma_start3A_381 = tpu.memref_slice %arg5[%dma_start3A_374, %dma_start3A_380] : memref<512x50xi32, #tpu.memory_space<vmem>> -> memref<1x50xi32, #tpu.memory_space<vmem>>
    %dma_start3A_382 = tpu.memref_squeeze %dma_start3A_381 : memref<1x50xi32, #tpu.memory_space<vmem>> -> memref<50xi32, #tpu.memory_space<vmem>>
    %dma_start3A_383 = arith.constant 0 : i32
    %dma_start3A_384 = arith.constant 0 : i32
    %dma_start3A_385 = tpu.memref_slice %arg2[%dma_start3A_383, %dma_start3A_384] : memref<1000000x32xf32, #tpu.memory_space<hbm>> -> memref<1000000x32xf32, #tpu.memory_space<hbm>>
    tpu.enqueue_indirect_dma source(%dma_start3A_385 : memref<1000000x32xf32, #tpu.memory_space<hbm>>) target(%dma_start3A_379 : memref<50x32xf32, #tpu.memory_space<vmem>>) offsets(%dma_start3A_382 : memref<50xi32, #tpu.memory_space<vmem>>) semaphore(%arg11 : memref<!tpu.dma_semaphore, #tpu.memory_space<semaphore_mem>>)
    %dma_start3A_386 = arith.constant 32 : i32
    %dma_start3A_387 = arith.constant 0 : i32
    %dma_start3A_388 = arith.constant 0 : i32
    %dma_start3A_389 = arith.constant 0 : i32
    %dma_start3A_390 = tpu.memref_slice %arg8[%dma_start3A_387, %dma_start3A_388, %dma_start3A_389] : memref<16x50x32xf32, #tpu.memory_space<vmem>> -> memref<1x50x32xf32, #tpu.memory_space<vmem>>
    %dma_start3A_391 = tpu.memref_squeeze %dma_start3A_390 : memref<1x50x32xf32, #tpu.memory_space<vmem>> -> memref<50x32xf32, #tpu.memory_space<vmem>>
    %dma_start3A_392 = arith.constant 0 : i32
    %dma_start3A_393 = tpu.memref_slice %arg5[%dma_start3A_386, %dma_start3A_392] : memref<512x50xi32, #tpu.memory_space<vmem>> -> memref<1x50xi32, #tpu.memory_space<vmem>>
    %dma_start3A_394 = tpu.memref_squeeze %dma_start3A_393 : memref<1x50xi32, #tpu.memory_space<vmem>> -> memref<50xi32, #tpu.memory_space<vmem>>
    %dma_start3A_395 = arith.constant 0 : i32
    %dma_start3A_396 = arith.constant 0 : i32
    %dma_start3A_397 = tpu.memref_slice %arg2[%dma_start3A_395, %dma_start3A_396] : memref<1000000x32xf32, #tpu.memory_space<hbm>> -> memref<1000000x32xf32, #tpu.memory_space<hbm>>
    tpu.enqueue_indirect_dma source(%dma_start3A_397 : memref<1000000x32xf32, #tpu.memory_space<hbm>>) target(%dma_start3A_391 : memref<50x32xf32, #tpu.memory_space<vmem>>) offsets(%dma_start3A_394 : memref<50xi32, #tpu.memory_space<vmem>>) semaphore(%arg12 : memref<!tpu.dma_semaphore, #tpu.memory_space<semaphore_mem>>)
    %dma_start3A_398 = arith.constant 33 : i32
    %dma_start3A_399 = arith.constant 1 : i32
    %dma_start3A_400 = arith.constant 0 : i32
    %dma_start3A_401 = arith.constant 0 : i32
    %dma_start3A_402 = tpu.memref_slice %arg8[%dma_start3A_399, %dma_start3A_400, %dma_start3A_401] : memref<16x50x32xf32, #tpu.memory_space<vmem>> -> memref<1x50x32xf32, #tpu.memory_space<vmem>>
    %dma_start3A_403 = tpu.memref_squeeze %dma_start3A_402 : memref<1x50x32xf32, #tpu.memory_space<vmem>> -> memref<50x32xf32, #tpu.memory_space<vmem>>
    %dma_start3A_404 = arith.constant 0 : i32
    %dma_start3A_405 = tpu.memref_slice %arg5[%dma_start3A_398, %dma_start3A_404] : memref<512x50xi32, #tpu.memory_space<vmem>> -> memref<1x50xi32, #tpu.memory_space<vmem>>
    %dma_start3A_406 = tpu.memref_squeeze %dma_start3A_405 : memref<1x50xi32, #tpu.memory_space<vmem>> -> memref<50xi32, #tpu.memory_space<vmem>>
    %dma_start3A_407 = arith.constant 0 : i32
    %dma_start3A_408 = arith.constant 0 : i32
    %dma_start3A_409 = tpu.memref_slice %arg2[%dma_start3A_407, %dma_start3A_408] : memref<1000000x32xf32, #tpu.memory_space<hbm>> -> memref<1000000x32xf32, #tpu.memory_space<hbm>>
    tpu.enqueue_indirect_dma source(%dma_start3A_409 : memref<1000000x32xf32, #tpu.memory_space<hbm>>) target(%dma_start3A_403 : memref<50x32xf32, #tpu.memory_space<vmem>>) offsets(%dma_start3A_406 : memref<50xi32, #tpu.memory_space<vmem>>) semaphore(%arg12 : memref<!tpu.dma_semaphore, #tpu.memory_space<semaphore_mem>>)
    %dma_start3A_410 = arith.constant 34 : i32
    %dma_start3A_411 = arith.constant 2 : i32
    %dma_start3A_412 = arith.constant 0 : i32
    %dma_start3A_413 = arith.constant 0 : i32
    %dma_start3A_414 = tpu.memref_slice %arg8[%dma_start3A_411, %dma_start3A_412, %dma_start3A_413] : memref<16x50x32xf32, #tpu.memory_space<vmem>> -> memref<1x50x32xf32, #tpu.memory_space<vmem>>
    %dma_start3A_415 = tpu.memref_squeeze %dma_start3A_414 : memref<1x50x32xf32, #tpu.memory_space<vmem>> -> memref<50x32xf32, #tpu.memory_space<vmem>>
    %dma_start3A_416 = arith.constant 0 : i32
    %dma_start3A_417 = tpu.memref_slice %arg5[%dma_start3A_410, %dma_start3A_416] : memref<512x50xi32, #tpu.memory_space<vmem>> -> memref<1x50xi32, #tpu.memory_space<vmem>>
    %dma_start3A_418 = tpu.memref_squeeze %dma_start3A_417 : memref<1x50xi32, #tpu.memory_space<vmem>> -> memref<50xi32, #tpu.memory_space<vmem>>
    %dma_start3A_419 = arith.constant 0 : i32
    %dma_start3A_420 = arith.constant 0 : i32
    %dma_start3A_421 = tpu.memref_slice %arg2[%dma_start3A_419, %dma_start3A_420] : memref<1000000x32xf32, #tpu.memory_space<hbm>> -> memref<1000000x32xf32, #tpu.memory_space<hbm>>
    tpu.enqueue_indirect_dma source(%dma_start3A_421 : memref<1000000x32xf32, #tpu.memory_space<hbm>>) target(%dma_start3A_415 : memref<50x32xf32, #tpu.memory_space<vmem>>) offsets(%dma_start3A_418 : memref<50xi32, #tpu.memory_space<vmem>>) semaphore(%arg12 : memref<!tpu.dma_semaphore, #tpu.memory_space<semaphore_mem>>)
    %dma_start3A_422 = arith.constant 35 : i32
    %dma_start3A_423 = arith.constant 3 : i32
    %dma_start3A_424 = arith.constant 0 : i32
    %dma_start3A_425 = arith.constant 0 : i32
    %dma_start3A_426 = tpu.memref_slice %arg8[%dma_start3A_423, %dma_start3A_424, %dma_start3A_425] : memref<16x50x32xf32, #tpu.memory_space<vmem>> -> memref<1x50x32xf32, #tpu.memory_space<vmem>>
    %dma_start3A_427 = tpu.memref_squeeze %dma_start3A_426 : memref<1x50x32xf32, #tpu.memory_space<vmem>> -> memref<50x32xf32, #tpu.memory_space<vmem>>
    %dma_start3A_428 = arith.constant 0 : i32
    %dma_start3A_429 = tpu.memref_slice %arg5[%dma_start3A_422, %dma_start3A_428] : memref<512x50xi32, #tpu.memory_space<vmem>> -> memref<1x50xi32, #tpu.memory_space<vmem>>
    %dma_start3A_430 = tpu.memref_squeeze %dma_start3A_429 : memref<1x50xi32, #tpu.memory_space<vmem>> -> memref<50xi32, #tpu.memory_space<vmem>>
    %dma_start3A_431 = arith.constant 0 : i32
    %dma_start3A_432 = arith.constant 0 : i32
    %dma_start3A_433 = tpu.memref_slice %arg2[%dma_start3A_431, %dma_start3A_432] : memref<1000000x32xf32, #tpu.memory_space<hbm>> -> memref<1000000x32xf32, #tpu.memory_space<hbm>>
    tpu.enqueue_indirect_dma source(%dma_start3A_433 : memref<1000000x32xf32, #tpu.memory_space<hbm>>) target(%dma_start3A_427 : memref<50x32xf32, #tpu.memory_space<vmem>>) offsets(%dma_start3A_430 : memref<50xi32, #tpu.memory_space<vmem>>) semaphore(%arg12 : memref<!tpu.dma_semaphore, #tpu.memory_space<semaphore_mem>>)
    %dma_start3A_434 = arith.constant 36 : i32
    %dma_start3A_435 = arith.constant 4 : i32
    %dma_start3A_436 = arith.constant 0 : i32
    %dma_start3A_437 = arith.constant 0 : i32
    %dma_start3A_438 = tpu.memref_slice %arg8[%dma_start3A_435, %dma_start3A_436, %dma_start3A_437] : memref<16x50x32xf32, #tpu.memory_space<vmem>> -> memref<1x50x32xf32, #tpu.memory_space<vmem>>
    %dma_start3A_439 = tpu.memref_squeeze %dma_start3A_438 : memref<1x50x32xf32, #tpu.memory_space<vmem>> -> memref<50x32xf32, #tpu.memory_space<vmem>>
    %dma_start3A_440 = arith.constant 0 : i32
    %dma_start3A_441 = tpu.memref_slice %arg5[%dma_start3A_434, %dma_start3A_440] : memref<512x50xi32, #tpu.memory_space<vmem>> -> memref<1x50xi32, #tpu.memory_space<vmem>>
    %dma_start3A_442 = tpu.memref_squeeze %dma_start3A_441 : memref<1x50xi32, #tpu.memory_space<vmem>> -> memref<50xi32, #tpu.memory_space<vmem>>
    %dma_start3A_443 = arith.constant 0 : i32
    %dma_start3A_444 = arith.constant 0 : i32
    %dma_start3A_445 = tpu.memref_slice %arg2[%dma_start3A_443, %dma_start3A_444] : memref<1000000x32xf32, #tpu.memory_space<hbm>> -> memref<1000000x32xf32, #tpu.memory_space<hbm>>
    tpu.enqueue_indirect_dma source(%dma_start3A_445 : memref<1000000x32xf32, #tpu.memory_space<hbm>>) target(%dma_start3A_439 : memref<50x32xf32, #tpu.memory_space<vmem>>) offsets(%dma_start3A_442 : memref<50xi32, #tpu.memory_space<vmem>>) semaphore(%arg12 : memref<!tpu.dma_semaphore, #tpu.memory_space<semaphore_mem>>)
    %dma_start3A_446 = arith.constant 37 : i32
    %dma_start3A_447 = arith.constant 5 : i32
    %dma_start3A_448 = arith.constant 0 : i32
    %dma_start3A_449 = arith.constant 0 : i32
    %dma_start3A_450 = tpu.memref_slice %arg8[%dma_start3A_447, %dma_start3A_448, %dma_start3A_449] : memref<16x50x32xf32, #tpu.memory_space<vmem>> -> memref<1x50x32xf32, #tpu.memory_space<vmem>>
    %dma_start3A_451 = tpu.memref_squeeze %dma_start3A_450 : memref<1x50x32xf32, #tpu.memory_space<vmem>> -> memref<50x32xf32, #tpu.memory_space<vmem>>
    %dma_start3A_452 = arith.constant 0 : i32
    %dma_start3A_453 = tpu.memref_slice %arg5[%dma_start3A_446, %dma_start3A_452] : memref<512x50xi32, #tpu.memory_space<vmem>> -> memref<1x50xi32, #tpu.memory_space<vmem>>
    %dma_start3A_454 = tpu.memref_squeeze %dma_start3A_453 : memref<1x50xi32, #tpu.memory_space<vmem>> -> memref<50xi32, #tpu.memory_space<vmem>>
    %dma_start3A_455 = arith.constant 0 : i32
    %dma_start3A_456 = arith.constant 0 : i32
    %dma_start3A_457 = tpu.memref_slice %arg2[%dma_start3A_455, %dma_start3A_456] : memref<1000000x32xf32, #tpu.memory_space<hbm>> -> memref<1000000x32xf32, #tpu.memory_space<hbm>>
    tpu.enqueue_indirect_dma source(%dma_start3A_457 : memref<1000000x32xf32, #tpu.memory_space<hbm>>) target(%dma_start3A_451 : memref<50x32xf32, #tpu.memory_space<vmem>>) offsets(%dma_start3A_454 : memref<50xi32, #tpu.memory_space<vmem>>) semaphore(%arg12 : memref<!tpu.dma_semaphore, #tpu.memory_space<semaphore_mem>>)
    %dma_start3A_458 = arith.constant 38 : i32
    %dma_start3A_459 = arith.constant 6 : i32
    %dma_start3A_460 = arith.constant 0 : i32
    %dma_start3A_461 = arith.constant 0 : i32
    %dma_start3A_462 = tpu.memref_slice %arg8[%dma_start3A_459, %dma_start3A_460, %dma_start3A_461] : memref<16x50x32xf32, #tpu.memory_space<vmem>> -> memref<1x50x32xf32, #tpu.memory_space<vmem>>
    %dma_start3A_463 = tpu.memref_squeeze %dma_start3A_462 : memref<1x50x32xf32, #tpu.memory_space<vmem>> -> memref<50x32xf32, #tpu.memory_space<vmem>>
    %dma_start3A_464 = arith.constant 0 : i32
    %dma_start3A_465 = tpu.memref_slice %arg5[%dma_start3A_458, %dma_start3A_464] : memref<512x50xi32, #tpu.memory_space<vmem>> -> memref<1x50xi32, #tpu.memory_space<vmem>>
    %dma_start3A_466 = tpu.memref_squeeze %dma_start3A_465 : memref<1x50xi32, #tpu.memory_space<vmem>> -> memref<50xi32, #tpu.memory_space<vmem>>
    %dma_start3A_467 = arith.constant 0 : i32
    %dma_start3A_468 = arith.constant 0 : i32
    %dma_start3A_469 = tpu.memref_slice %arg2[%dma_start3A_467, %dma_start3A_468] : memref<1000000x32xf32, #tpu.memory_space<hbm>> -> memref<1000000x32xf32, #tpu.memory_space<hbm>>
    tpu.enqueue_indirect_dma source(%dma_start3A_469 : memref<1000000x32xf32, #tpu.memory_space<hbm>>) target(%dma_start3A_463 : memref<50x32xf32, #tpu.memory_space<vmem>>) offsets(%dma_start3A_466 : memref<50xi32, #tpu.memory_space<vmem>>) semaphore(%arg12 : memref<!tpu.dma_semaphore, #tpu.memory_space<semaphore_mem>>)
    %dma_start3A_470 = arith.constant 39 : i32
    %dma_start3A_471 = arith.constant 7 : i32
    %dma_start3A_472 = arith.constant 0 : i32
    %dma_start3A_473 = arith.constant 0 : i32
    %dma_start3A_474 = tpu.memref_slice %arg8[%dma_start3A_471, %dma_start3A_472, %dma_start3A_473] : memref<16x50x32xf32, #tpu.memory_space<vmem>> -> memref<1x50x32xf32, #tpu.memory_space<vmem>>
    %dma_start3A_475 = tpu.memref_squeeze %dma_start3A_474 : memref<1x50x32xf32, #tpu.memory_space<vmem>> -> memref<50x32xf32, #tpu.memory_space<vmem>>
    %dma_start3A_476 = arith.constant 0 : i32
    %dma_start3A_477 = tpu.memref_slice %arg5[%dma_start3A_470, %dma_start3A_476] : memref<512x50xi32, #tpu.memory_space<vmem>> -> memref<1x50xi32, #tpu.memory_space<vmem>>
    %dma_start3A_478 = tpu.memref_squeeze %dma_start3A_477 : memref<1x50xi32, #tpu.memory_space<vmem>> -> memref<50xi32, #tpu.memory_space<vmem>>
    %dma_start3A_479 = arith.constant 0 : i32
    %dma_start3A_480 = arith.constant 0 : i32
    %dma_start3A_481 = tpu.memref_slice %arg2[%dma_start3A_479, %dma_start3A_480] : memref<1000000x32xf32, #tpu.memory_space<hbm>> -> memref<1000000x32xf32, #tpu.memory_space<hbm>>
    tpu.enqueue_indirect_dma source(%dma_start3A_481 : memref<1000000x32xf32, #tpu.memory_space<hbm>>) target(%dma_start3A_475 : memref<50x32xf32, #tpu.memory_space<vmem>>) offsets(%dma_start3A_478 : memref<50xi32, #tpu.memory_space<vmem>>) semaphore(%arg12 : memref<!tpu.dma_semaphore, #tpu.memory_space<semaphore_mem>>)
    %dma_start3A_482 = arith.constant 40 : i32
    %dma_start3A_483 = arith.constant 8 : i32
    %dma_start3A_484 = arith.constant 0 : i32
    %dma_start3A_485 = arith.constant 0 : i32
    %dma_start3A_486 = tpu.memref_slice %arg8[%dma_start3A_483, %dma_start3A_484, %dma_start3A_485] : memref<16x50x32xf32, #tpu.memory_space<vmem>> -> memref<1x50x32xf32, #tpu.memory_space<vmem>>
    %dma_start3A_487 = tpu.memref_squeeze %dma_start3A_486 : memref<1x50x32xf32, #tpu.memory_space<vmem>> -> memref<50x32xf32, #tpu.memory_space<vmem>>
    %dma_start3A_488 = arith.constant 0 : i32
    %dma_start3A_489 = tpu.memref_slice %arg5[%dma_start3A_482, %dma_start3A_488] : memref<512x50xi32, #tpu.memory_space<vmem>> -> memref<1x50xi32, #tpu.memory_space<vmem>>
    %dma_start3A_490 = tpu.memref_squeeze %dma_start3A_489 : memref<1x50xi32, #tpu.memory_space<vmem>> -> memref<50xi32, #tpu.memory_space<vmem>>
    %dma_start3A_491 = arith.constant 0 : i32
    %dma_start3A_492 = arith.constant 0 : i32
    %dma_start3A_493 = tpu.memref_slice %arg2[%dma_start3A_491, %dma_start3A_492] : memref<1000000x32xf32, #tpu.memory_space<hbm>> -> memref<1000000x32xf32, #tpu.memory_space<hbm>>
    tpu.enqueue_indirect_dma source(%dma_start3A_493 : memref<1000000x32xf32, #tpu.memory_space<hbm>>) target(%dma_start3A_487 : memref<50x32xf32, #tpu.memory_space<vmem>>) offsets(%dma_start3A_490 : memref<50xi32, #tpu.memory_space<vmem>>) semaphore(%arg12 : memref<!tpu.dma_semaphore, #tpu.memory_space<semaphore_mem>>)
    %dma_start3A_494 = arith.constant 41 : i32
    %dma_start3A_495 = arith.constant 9 : i32
    %dma_start3A_496 = arith.constant 0 : i32
    %dma_start3A_497 = arith.constant 0 : i32
    %dma_start3A_498 = tpu.memref_slice %arg8[%dma_start3A_495, %dma_start3A_496, %dma_start3A_497] : memref<16x50x32xf32, #tpu.memory_space<vmem>> -> memref<1x50x32xf32, #tpu.memory_space<vmem>>
    %dma_start3A_499 = tpu.memref_squeeze %dma_start3A_498 : memref<1x50x32xf32, #tpu.memory_space<vmem>> -> memref<50x32xf32, #tpu.memory_space<vmem>>
    %dma_start3A_500 = arith.constant 0 : i32
    %dma_start3A_501 = tpu.memref_slice %arg5[%dma_start3A_494, %dma_start3A_500] : memref<512x50xi32, #tpu.memory_space<vmem>> -> memref<1x50xi32, #tpu.memory_space<vmem>>
    %dma_start3A_502 = tpu.memref_squeeze %dma_start3A_501 : memref<1x50xi32, #tpu.memory_space<vmem>> -> memref<50xi32, #tpu.memory_space<vmem>>
    %dma_start3A_503 = arith.constant 0 : i32
    %dma_start3A_504 = arith.constant 0 : i32
    %dma_start3A_505 = tpu.memref_slice %arg2[%dma_start3A_503, %dma_start3A_504] : memref<1000000x32xf32, #tpu.memory_space<hbm>> -> memref<1000000x32xf32, #tpu.memory_space<hbm>>
    tpu.enqueue_indirect_dma source(%dma_start3A_505 : memref<1000000x32xf32, #tpu.memory_space<hbm>>) target(%dma_start3A_499 : memref<50x32xf32, #tpu.memory_space<vmem>>) offsets(%dma_start3A_502 : memref<50xi32, #tpu.memory_space<vmem>>) semaphore(%arg12 : memref<!tpu.dma_semaphore, #tpu.memory_space<semaphore_mem>>)
    %dma_start3A_506 = arith.constant 42 : i32
    %dma_start3A_507 = arith.constant 10 : i32
    %dma_start3A_508 = arith.constant 0 : i32
    %dma_start3A_509 = arith.constant 0 : i32
    %dma_start3A_510 = tpu.memref_slice %arg8[%dma_start3A_507, %dma_start3A_508, %dma_start3A_509] : memref<16x50x32xf32, #tpu.memory_space<vmem>> -> memref<1x50x32xf32, #tpu.memory_space<vmem>>
    %dma_start3A_511 = tpu.memref_squeeze %dma_start3A_510 : memref<1x50x32xf32, #tpu.memory_space<vmem>> -> memref<50x32xf32, #tpu.memory_space<vmem>>
    %dma_start3A_512 = arith.constant 0 : i32
    %dma_start3A_513 = tpu.memref_slice %arg5[%dma_start3A_506, %dma_start3A_512] : memref<512x50xi32, #tpu.memory_space<vmem>> -> memref<1x50xi32, #tpu.memory_space<vmem>>
    %dma_start3A_514 = tpu.memref_squeeze %dma_start3A_513 : memref<1x50xi32, #tpu.memory_space<vmem>> -> memref<50xi32, #tpu.memory_space<vmem>>
    %dma_start3A_515 = arith.constant 0 : i32
    %dma_start3A_516 = arith.constant 0 : i32
    %dma_start3A_517 = tpu.memref_slice %arg2[%dma_start3A_515, %dma_start3A_516] : memref<1000000x32xf32, #tpu.memory_space<hbm>> -> memref<1000000x32xf32, #tpu.memory_space<hbm>>
    tpu.enqueue_indirect_dma source(%dma_start3A_517 : memref<1000000x32xf32, #tpu.memory_space<hbm>>) target(%dma_start3A_511 : memref<50x32xf32, #tpu.memory_space<vmem>>) offsets(%dma_start3A_514 : memref<50xi32, #tpu.memory_space<vmem>>) semaphore(%arg12 : memref<!tpu.dma_semaphore, #tpu.memory_space<semaphore_mem>>)
    %dma_start3A_518 = arith.constant 43 : i32
    %dma_start3A_519 = arith.constant 11 : i32
    %dma_start3A_520 = arith.constant 0 : i32
    %dma_start3A_521 = arith.constant 0 : i32
    %dma_start3A_522 = tpu.memref_slice %arg8[%dma_start3A_519, %dma_start3A_520, %dma_start3A_521] : memref<16x50x32xf32, #tpu.memory_space<vmem>> -> memref<1x50x32xf32, #tpu.memory_space<vmem>>
    %dma_start3A_523 = tpu.memref_squeeze %dma_start3A_522 : memref<1x50x32xf32, #tpu.memory_space<vmem>> -> memref<50x32xf32, #tpu.memory_space<vmem>>
    %dma_start3A_524 = arith.constant 0 : i32
    %dma_start3A_525 = tpu.memref_slice %arg5[%dma_start3A_518, %dma_start3A_524] : memref<512x50xi32, #tpu.memory_space<vmem>> -> memref<1x50xi32, #tpu.memory_space<vmem>>
    %dma_start3A_526 = tpu.memref_squeeze %dma_start3A_525 : memref<1x50xi32, #tpu.memory_space<vmem>> -> memref<50xi32, #tpu.memory_space<vmem>>
    %dma_start3A_527 = arith.constant 0 : i32
    %dma_start3A_528 = arith.constant 0 : i32
    %dma_start3A_529 = tpu.memref_slice %arg2[%dma_start3A_527, %dma_start3A_528] : memref<1000000x32xf32, #tpu.memory_space<hbm>> -> memref<1000000x32xf32, #tpu.memory_space<hbm>>
    tpu.enqueue_indirect_dma source(%dma_start3A_529 : memref<1000000x32xf32, #tpu.memory_space<hbm>>) target(%dma_start3A_523 : memref<50x32xf32, #tpu.memory_space<vmem>>) offsets(%dma_start3A_526 : memref<50xi32, #tpu.memory_space<vmem>>) semaphore(%arg12 : memref<!tpu.dma_semaphore, #tpu.memory_space<semaphore_mem>>)
    %dma_start3A_530 = arith.constant 44 : i32
    %dma_start3A_531 = arith.constant 12 : i32
    %dma_start3A_532 = arith.constant 0 : i32
    %dma_start3A_533 = arith.constant 0 : i32
    %dma_start3A_534 = tpu.memref_slice %arg8[%dma_start3A_531, %dma_start3A_532, %dma_start3A_533] : memref<16x50x32xf32, #tpu.memory_space<vmem>> -> memref<1x50x32xf32, #tpu.memory_space<vmem>>
    %dma_start3A_535 = tpu.memref_squeeze %dma_start3A_534 : memref<1x50x32xf32, #tpu.memory_space<vmem>> -> memref<50x32xf32, #tpu.memory_space<vmem>>
    %dma_start3A_536 = arith.constant 0 : i32
    %dma_start3A_537 = tpu.memref_slice %arg5[%dma_start3A_530, %dma_start3A_536] : memref<512x50xi32, #tpu.memory_space<vmem>> -> memref<1x50xi32, #tpu.memory_space<vmem>>
    %dma_start3A_538 = tpu.memref_squeeze %dma_start3A_537 : memref<1x50xi32, #tpu.memory_space<vmem>> -> memref<50xi32, #tpu.memory_space<vmem>>
    %dma_start3A_539 = arith.constant 0 : i32
    %dma_start3A_540 = arith.constant 0 : i32
    %dma_start3A_541 = tpu.memref_slice %arg2[%dma_start3A_539, %dma_start3A_540] : memref<1000000x32xf32, #tpu.memory_space<hbm>> -> memref<1000000x32xf32, #tpu.memory_space<hbm>>
    tpu.enqueue_indirect_dma source(%dma_start3A_541 : memref<1000000x32xf32, #tpu.memory_space<hbm>>) target(%dma_start3A_535 : memref<50x32xf32, #tpu.memory_space<vmem>>) offsets(%dma_start3A_538 : memref<50xi32, #tpu.memory_space<vmem>>) semaphore(%arg12 : memref<!tpu.dma_semaphore, #tpu.memory_space<semaphore_mem>>)
    %dma_start3A_542 = arith.constant 45 : i32
    %dma_start3A_543 = arith.constant 13 : i32
    %dma_start3A_544 = arith.constant 0 : i32
    %dma_start3A_545 = arith.constant 0 : i32
    %dma_start3A_546 = tpu.memref_slice %arg8[%dma_start3A_543, %dma_start3A_544, %dma_start3A_545] : memref<16x50x32xf32, #tpu.memory_space<vmem>> -> memref<1x50x32xf32, #tpu.memory_space<vmem>>
    %dma_start3A_547 = tpu.memref_squeeze %dma_start3A_546 : memref<1x50x32xf32, #tpu.memory_space<vmem>> -> memref<50x32xf32, #tpu.memory_space<vmem>>
    %dma_start3A_548 = arith.constant 0 : i32
    %dma_start3A_549 = tpu.memref_slice %arg5[%dma_start3A_542, %dma_start3A_548] : memref<512x50xi32, #tpu.memory_space<vmem>> -> memref<1x50xi32, #tpu.memory_space<vmem>>
    %dma_start3A_550 = tpu.memref_squeeze %dma_start3A_549 : memref<1x50xi32, #tpu.memory_space<vmem>> -> memref<50xi32, #tpu.memory_space<vmem>>
    %dma_start3A_551 = arith.constant 0 : i32
    %dma_start3A_552 = arith.constant 0 : i32
    %dma_start3A_553 = tpu.memref_slice %arg2[%dma_start3A_551, %dma_start3A_552] : memref<1000000x32xf32, #tpu.memory_space<hbm>> -> memref<1000000x32xf32, #tpu.memory_space<hbm>>
    tpu.enqueue_indirect_dma source(%dma_start3A_553 : memref<1000000x32xf32, #tpu.memory_space<hbm>>) target(%dma_start3A_547 : memref<50x32xf32, #tpu.memory_space<vmem>>) offsets(%dma_start3A_550 : memref<50xi32, #tpu.memory_space<vmem>>) semaphore(%arg12 : memref<!tpu.dma_semaphore, #tpu.memory_space<semaphore_mem>>)
    %dma_start3A_554 = arith.constant 46 : i32
    %dma_start3A_555 = arith.constant 14 : i32
    %dma_start3A_556 = arith.constant 0 : i32
    %dma_start3A_557 = arith.constant 0 : i32
    %dma_start3A_558 = tpu.memref_slice %arg8[%dma_start3A_555, %dma_start3A_556, %dma_start3A_557] : memref<16x50x32xf32, #tpu.memory_space<vmem>> -> memref<1x50x32xf32, #tpu.memory_space<vmem>>
    %dma_start3A_559 = tpu.memref_squeeze %dma_start3A_558 : memref<1x50x32xf32, #tpu.memory_space<vmem>> -> memref<50x32xf32, #tpu.memory_space<vmem>>
    %dma_start3A_560 = arith.constant 0 : i32
    %dma_start3A_561 = tpu.memref_slice %arg5[%dma_start3A_554, %dma_start3A_560] : memref<512x50xi32, #tpu.memory_space<vmem>> -> memref<1x50xi32, #tpu.memory_space<vmem>>
    %dma_start3A_562 = tpu.memref_squeeze %dma_start3A_561 : memref<1x50xi32, #tpu.memory_space<vmem>> -> memref<50xi32, #tpu.memory_space<vmem>>
    %dma_start3A_563 = arith.constant 0 : i32
    %dma_start3A_564 = arith.constant 0 : i32
    %dma_start3A_565 = tpu.memref_slice %arg2[%dma_start3A_563, %dma_start3A_564] : memref<1000000x32xf32, #tpu.memory_space<hbm>> -> memref<1000000x32xf32, #tpu.memory_space<hbm>>
    tpu.enqueue_indirect_dma source(%dma_start3A_565 : memref<1000000x32xf32, #tpu.memory_space<hbm>>) target(%dma_start3A_559 : memref<50x32xf32, #tpu.memory_space<vmem>>) offsets(%dma_start3A_562 : memref<50xi32, #tpu.memory_space<vmem>>) semaphore(%arg12 : memref<!tpu.dma_semaphore, #tpu.memory_space<semaphore_mem>>)
    %dma_start3A_566 = arith.constant 47 : i32
    %dma_start3A_567 = arith.constant 15 : i32
    %dma_start3A_568 = arith.constant 0 : i32
    %dma_start3A_569 = arith.constant 0 : i32
    %dma_start3A_570 = tpu.memref_slice %arg8[%dma_start3A_567, %dma_start3A_568, %dma_start3A_569] : memref<16x50x32xf32, #tpu.memory_space<vmem>> -> memref<1x50x32xf32, #tpu.memory_space<vmem>>
    %dma_start3A_571 = tpu.memref_squeeze %dma_start3A_570 : memref<1x50x32xf32, #tpu.memory_space<vmem>> -> memref<50x32xf32, #tpu.memory_space<vmem>>
    %dma_start3A_572 = arith.constant 0 : i32
    %dma_start3A_573 = tpu.memref_slice %arg5[%dma_start3A_566, %dma_start3A_572] : memref<512x50xi32, #tpu.memory_space<vmem>> -> memref<1x50xi32, #tpu.memory_space<vmem>>
    %dma_start3A_574 = tpu.memref_squeeze %dma_start3A_573 : memref<1x50xi32, #tpu.memory_space<vmem>> -> memref<50xi32, #tpu.memory_space<vmem>>
    %dma_start3A_575 = arith.constant 0 : i32
    %dma_start3A_576 = arith.constant 0 : i32
    %dma_start3A_577 = tpu.memref_slice %arg2[%dma_start3A_575, %dma_start3A_576] : memref<1000000x32xf32, #tpu.memory_space<hbm>> -> memref<1000000x32xf32, #tpu.memory_space<hbm>>
    tpu.enqueue_indirect_dma source(%dma_start3A_577 : memref<1000000x32xf32, #tpu.memory_space<hbm>>) target(%dma_start3A_571 : memref<50x32xf32, #tpu.memory_space<vmem>>) offsets(%dma_start3A_574 : memref<50xi32, #tpu.memory_space<vmem>>) semaphore(%arg12 : memref<!tpu.dma_semaphore, #tpu.memory_space<semaphore_mem>>)
    %dma_wait3A = arith.constant 0 : i32
    %dma_wait3A_578 = arith.constant 0 : i32
    %dma_wait3A_579 = arith.constant 0 : i32
    %dma_wait3A_580 = tpu.memref_slice %arg4[%dma_wait3A, %dma_wait3A_578, %dma_wait3A_579] : memref<16384x56x128xf32, #tpu.memory_space<hbm>> -> memref<16x50x32xf32, #tpu.memory_space<hbm>>
    %dma_wait3A_581 = arith.constant 0 : i32
    %dma_wait3A_582 = arith.constant 0 : i32
    %dma_wait3A_583 = arith.constant 0 : i32
    %dma_wait3A_584 = tpu.memref_slice %arg4[%dma_wait3A_581, %dma_wait3A_582, %dma_wait3A_583] : memref<16384x56x128xf32, #tpu.memory_space<hbm>> -> memref<16x50x32xf32, #tpu.memory_space<hbm>>
    tpu.wait_dma2 semaphore(%arg10 : memref<!tpu.dma_semaphore, #tpu.memory_space<semaphore_mem>>) src(%dma_wait3A_584 : memref<16x50x32xf32, #tpu.memory_space<hbm>>) dst(%arg6 : memref<16x50x32xf32, #tpu.memory_space<vmem>>)
    %add3A_585 = arith.constant 0 : i32
    %add3A_586 = arith.addi %mul3A_2, %add3A_585 : i32
    %dma_start3A_587 = arith.constant 0 : i32
    %dma_start3A_588 = arith.constant 0 : i32
    %dma_start3A_589 = tpu.memref_slice %arg4[%add3A_586, %dma_start3A_587, %dma_start3A_588] : memref<16384x56x128xf32, #tpu.memory_space<hbm>> -> memref<16x50x32xf32, #tpu.memory_space<hbm>>
    %dma_start3A_590 = arith.constant 0 : i32
    %dma_start3A_591 = arith.constant 0 : i32
    %dma_start3A_592 = tpu.memref_slice %arg4[%add3A_586, %dma_start3A_590, %dma_start3A_591] : memref<16384x56x128xf32, #tpu.memory_space<hbm>> -> memref<16x50x32xf32, #tpu.memory_space<hbm>>
    tpu.enqueue_dma source(%arg6 : memref<16x50x32xf32, #tpu.memory_space<vmem>>) target(%dma_start3A_592 : memref<16x50x32xf32, #tpu.memory_space<hbm>>) target_semaphore(%arg14 : memref<!tpu.dma_semaphore, #tpu.memory_space<semaphore_mem>>)
    %dma_start3A_593 = arith.constant 48 : i32
    %dma_start3A_594 = arith.constant 0 : i32
    %dma_start3A_595 = arith.constant 0 : i32
    %dma_start3A_596 = arith.constant 0 : i32
    %dma_start3A_597 = tpu.memref_slice %arg9[%dma_start3A_594, %dma_start3A_595, %dma_start3A_596] : memref<16x50x32xf32, #tpu.memory_space<vmem>> -> memref<1x50x32xf32, #tpu.memory_space<vmem>>
    %dma_start3A_598 = tpu.memref_squeeze %dma_start3A_597 : memref<1x50x32xf32, #tpu.memory_space<vmem>> -> memref<50x32xf32, #tpu.memory_space<vmem>>
    %dma_start3A_599 = arith.constant 0 : i32
    %dma_start3A_600 = tpu.memref_slice %arg5[%dma_start3A_593, %dma_start3A_599] : memref<512x50xi32, #tpu.memory_space<vmem>> -> memref<1x50xi32, #tpu.memory_space<vmem>>
    %dma_start3A_601 = tpu.memref_squeeze %dma_start3A_600 : memref<1x50xi32, #tpu.memory_space<vmem>> -> memref<50xi32, #tpu.memory_space<vmem>>
    %dma_start3A_602 = arith.constant 0 : i32
    %dma_start3A_603 = arith.constant 0 : i32
    %dma_start3A_604 = tpu.memref_slice %arg2[%dma_start3A_602, %dma_start3A_603] : memref<1000000x32xf32, #tpu.memory_space<hbm>> -> memref<1000000x32xf32, #tpu.memory_space<hbm>>
    tpu.enqueue_indirect_dma source(%dma_start3A_604 : memref<1000000x32xf32, #tpu.memory_space<hbm>>) target(%dma_start3A_598 : memref<50x32xf32, #tpu.memory_space<vmem>>) offsets(%dma_start3A_601 : memref<50xi32, #tpu.memory_space<vmem>>) semaphore(%arg13 : memref<!tpu.dma_semaphore, #tpu.memory_space<semaphore_mem>>)
    %dma_start3A_605 = arith.constant 49 : i32
    %dma_start3A_606 = arith.constant 1 : i32
    %dma_start3A_607 = arith.constant 0 : i32
    %dma_start3A_608 = arith.constant 0 : i32
    %dma_start3A_609 = tpu.memref_slice %arg9[%dma_start3A_606, %dma_start3A_607, %dma_start3A_608] : memref<16x50x32xf32, #tpu.memory_space<vmem>> -> memref<1x50x32xf32, #tpu.memory_space<vmem>>
    %dma_start3A_610 = tpu.memref_squeeze %dma_start3A_609 : memref<1x50x32xf32, #tpu.memory_space<vmem>> -> memref<50x32xf32, #tpu.memory_space<vmem>>
    %dma_start3A_611 = arith.constant 0 : i32
    %dma_start3A_612 = tpu.memref_slice %arg5[%dma_start3A_605, %dma_start3A_611] : memref<512x50xi32, #tpu.memory_space<vmem>> -> memref<1x50xi32, #tpu.memory_space<vmem>>
    %dma_start3A_613 = tpu.memref_squeeze %dma_start3A_612 : memref<1x50xi32, #tpu.memory_space<vmem>> -> memref<50xi32, #tpu.memory_space<vmem>>
    %dma_start3A_614 = arith.constant 0 : i32
    %dma_start3A_615 = arith.constant 0 : i32
    %dma_start3A_616 = tpu.memref_slice %arg2[%dma_start3A_614, %dma_start3A_615] : memref<1000000x32xf32, #tpu.memory_space<hbm>> -> memref<1000000x32xf32, #tpu.memory_space<hbm>>
    tpu.enqueue_indirect_dma source(%dma_start3A_616 : memref<1000000x32xf32, #tpu.memory_space<hbm>>) target(%dma_start3A_610 : memref<50x32xf32, #tpu.memory_space<vmem>>) offsets(%dma_start3A_613 : memref<50xi32, #tpu.memory_space<vmem>>) semaphore(%arg13 : memref<!tpu.dma_semaphore, #tpu.memory_space<semaphore_mem>>)
    %dma_start3A_617 = arith.constant 50 : i32
    %dma_start3A_618 = arith.constant 2 : i32
    %dma_start3A_619 = arith.constant 0 : i32
    %dma_start3A_620 = arith.constant 0 : i32
    %dma_start3A_621 = tpu.memref_slice %arg9[%dma_start3A_618, %dma_start3A_619, %dma_start3A_620] : memref<16x50x32xf32, #tpu.memory_space<vmem>> -> memref<1x50x32xf32, #tpu.memory_space<vmem>>
    %dma_start3A_622 = tpu.memref_squeeze %dma_start3A_621 : memref<1x50x32xf32, #tpu.memory_space<vmem>> -> memref<50x32xf32, #tpu.memory_space<vmem>>
    %dma_start3A_623 = arith.constant 0 : i32
    %dma_start3A_624 = tpu.memref_slice %arg5[%dma_start3A_617, %dma_start3A_623] : memref<512x50xi32, #tpu.memory_space<vmem>> -> memref<1x50xi32, #tpu.memory_space<vmem>>
    %dma_start3A_625 = tpu.memref_squeeze %dma_start3A_624 : memref<1x50xi32, #tpu.memory_space<vmem>> -> memref<50xi32, #tpu.memory_space<vmem>>
    %dma_start3A_626 = arith.constant 0 : i32
    %dma_start3A_627 = arith.constant 0 : i32
    %dma_start3A_628 = tpu.memref_slice %arg2[%dma_start3A_626, %dma_start3A_627] : memref<1000000x32xf32, #tpu.memory_space<hbm>> -> memref<1000000x32xf32, #tpu.memory_space<hbm>>
    tpu.enqueue_indirect_dma source(%dma_start3A_628 : memref<1000000x32xf32, #tpu.memory_space<hbm>>) target(%dma_start3A_622 : memref<50x32xf32, #tpu.memory_space<vmem>>) offsets(%dma_start3A_625 : memref<50xi32, #tpu.memory_space<vmem>>) semaphore(%arg13 : memref<!tpu.dma_semaphore, #tpu.memory_space<semaphore_mem>>)
    %dma_start3A_629 = arith.constant 51 : i32
    %dma_start3A_630 = arith.constant 3 : i32
    %dma_start3A_631 = arith.constant 0 : i32
    %dma_start3A_632 = arith.constant 0 : i32
    %dma_start3A_633 = tpu.memref_slice %arg9[%dma_start3A_630, %dma_start3A_631, %dma_start3A_632] : memref<16x50x32xf32, #tpu.memory_space<vmem>> -> memref<1x50x32xf32, #tpu.memory_space<vmem>>
    %dma_start3A_634 = tpu.memref_squeeze %dma_start3A_633 : memref<1x50x32xf32, #tpu.memory_space<vmem>> -> memref<50x32xf32, #tpu.memory_space<vmem>>
    %dma_start3A_635 = arith.constant 0 : i32
    %dma_start3A_636 = tpu.memref_slice %arg5[%dma_start3A_629, %dma_start3A_635] : memref<512x50xi32, #tpu.memory_space<vmem>> -> memref<1x50xi32, #tpu.memory_space<vmem>>
    %dma_start3A_637 = tpu.memref_squeeze %dma_start3A_636 : memref<1x50xi32, #tpu.memory_space<vmem>> -> memref<50xi32, #tpu.memory_space<vmem>>
    %dma_start3A_638 = arith.constant 0 : i32
    %dma_start3A_639 = arith.constant 0 : i32
    %dma_start3A_640 = tpu.memref_slice %arg2[%dma_start3A_638, %dma_start3A_639] : memref<1000000x32xf32, #tpu.memory_space<hbm>> -> memref<1000000x32xf32, #tpu.memory_space<hbm>>
    tpu.enqueue_indirect_dma source(%dma_start3A_640 : memref<1000000x32xf32, #tpu.memory_space<hbm>>) target(%dma_start3A_634 : memref<50x32xf32, #tpu.memory_space<vmem>>) offsets(%dma_start3A_637 : memref<50xi32, #tpu.memory_space<vmem>>) semaphore(%arg13 : memref<!tpu.dma_semaphore, #tpu.memory_space<semaphore_mem>>)
    %dma_start3A_641 = arith.constant 52 : i32
    %dma_start3A_642 = arith.constant 4 : i32
    %dma_start3A_643 = arith.constant 0 : i32
    %dma_start3A_644 = arith.constant 0 : i32
    %dma_start3A_645 = tpu.memref_slice %arg9[%dma_start3A_642, %dma_start3A_643, %dma_start3A_644] : memref<16x50x32xf32, #tpu.memory_space<vmem>> -> memref<1x50x32xf32, #tpu.memory_space<vmem>>
    %dma_start3A_646 = tpu.memref_squeeze %dma_start3A_645 : memref<1x50x32xf32, #tpu.memory_space<vmem>> -> memref<50x32xf32, #tpu.memory_space<vmem>>
    %dma_start3A_647 = arith.constant 0 : i32
    %dma_start3A_648 = tpu.memref_slice %arg5[%dma_start3A_641, %dma_start3A_647] : memref<512x50xi32, #tpu.memory_space<vmem>> -> memref<1x50xi32, #tpu.memory_space<vmem>>
    %dma_start3A_649 = tpu.memref_squeeze %dma_start3A_648 : memref<1x50xi32, #tpu.memory_space<vmem>> -> memref<50xi32, #tpu.memory_space<vmem>>
    %dma_start3A_650 = arith.constant 0 : i32
    %dma_start3A_651 = arith.constant 0 : i32
    %dma_start3A_652 = tpu.memref_slice %arg2[%dma_start3A_650, %dma_start3A_651] : memref<1000000x32xf32, #tpu.memory_space<hbm>> -> memref<1000000x32xf32, #tpu.memory_space<hbm>>
    tpu.enqueue_indirect_dma source(%dma_start3A_652 : memref<1000000x32xf32, #tpu.memory_space<hbm>>) target(%dma_start3A_646 : memref<50x32xf32, #tpu.memory_space<vmem>>) offsets(%dma_start3A_649 : memref<50xi32, #tpu.memory_space<vmem>>) semaphore(%arg13 : memref<!tpu.dma_semaphore, #tpu.memory_space<semaphore_mem>>)
    %dma_start3A_653 = arith.constant 53 : i32
    %dma_start3A_654 = arith.constant 5 : i32
    %dma_start3A_655 = arith.constant 0 : i32
    %dma_start3A_656 = arith.constant 0 : i32
    %dma_start3A_657 = tpu.memref_slice %arg9[%dma_start3A_654, %dma_start3A_655, %dma_start3A_656] : memref<16x50x32xf32, #tpu.memory_space<vmem>> -> memref<1x50x32xf32, #tpu.memory_space<vmem>>
    %dma_start3A_658 = tpu.memref_squeeze %dma_start3A_657 : memref<1x50x32xf32, #tpu.memory_space<vmem>> -> memref<50x32xf32, #tpu.memory_space<vmem>>
    %dma_start3A_659 = arith.constant 0 : i32
    %dma_start3A_660 = tpu.memref_slice %arg5[%dma_start3A_653, %dma_start3A_659] : memref<512x50xi32, #tpu.memory_space<vmem>> -> memref<1x50xi32, #tpu.memory_space<vmem>>
    %dma_start3A_661 = tpu.memref_squeeze %dma_start3A_660 : memref<1x50xi32, #tpu.memory_space<vmem>> -> memref<50xi32, #tpu.memory_space<vmem>>
    %dma_start3A_662 = arith.constant 0 : i32
    %dma_start3A_663 = arith.constant 0 : i32
    %dma_start3A_664 = tpu.memref_slice %arg2[%dma_start3A_662, %dma_start3A_663] : memref<1000000x32xf32, #tpu.memory_space<hbm>> -> memref<1000000x32xf32, #tpu.memory_space<hbm>>
    tpu.enqueue_indirect_dma source(%dma_start3A_664 : memref<1000000x32xf32, #tpu.memory_space<hbm>>) target(%dma_start3A_658 : memref<50x32xf32, #tpu.memory_space<vmem>>) offsets(%dma_start3A_661 : memref<50xi32, #tpu.memory_space<vmem>>) semaphore(%arg13 : memref<!tpu.dma_semaphore, #tpu.memory_space<semaphore_mem>>)
    %dma_start3A_665 = arith.constant 54 : i32
    %dma_start3A_666 = arith.constant 6 : i32
    %dma_start3A_667 = arith.constant 0 : i32
    %dma_start3A_668 = arith.constant 0 : i32
    %dma_start3A_669 = tpu.memref_slice %arg9[%dma_start3A_666, %dma_start3A_667, %dma_start3A_668] : memref<16x50x32xf32, #tpu.memory_space<vmem>> -> memref<1x50x32xf32, #tpu.memory_space<vmem>>
    %dma_start3A_670 = tpu.memref_squeeze %dma_start3A_669 : memref<1x50x32xf32, #tpu.memory_space<vmem>> -> memref<50x32xf32, #tpu.memory_space<vmem>>
    %dma_start3A_671 = arith.constant 0 : i32
    %dma_start3A_672 = tpu.memref_slice %arg5[%dma_start3A_665, %dma_start3A_671] : memref<512x50xi32, #tpu.memory_space<vmem>> -> memref<1x50xi32, #tpu.memory_space<vmem>>
    %dma_start3A_673 = tpu.memref_squeeze %dma_start3A_672 : memref<1x50xi32, #tpu.memory_space<vmem>> -> memref<50xi32, #tpu.memory_space<vmem>>
    %dma_start3A_674 = arith.constant 0 : i32
    %dma_start3A_675 = arith.constant 0 : i32
    %dma_start3A_676 = tpu.memref_slice %arg2[%dma_start3A_674, %dma_start3A_675] : memref<1000000x32xf32, #tpu.memory_space<hbm>> -> memref<1000000x32xf32, #tpu.memory_space<hbm>>
    tpu.enqueue_indirect_dma source(%dma_start3A_676 : memref<1000000x32xf32, #tpu.memory_space<hbm>>) target(%dma_start3A_670 : memref<50x32xf32, #tpu.memory_space<vmem>>) offsets(%dma_start3A_673 : memref<50xi32, #tpu.memory_space<vmem>>) semaphore(%arg13 : memref<!tpu.dma_semaphore, #tpu.memory_space<semaphore_mem>>)
    %dma_start3A_677 = arith.constant 55 : i32
    %dma_start3A_678 = arith.constant 7 : i32
    %dma_start3A_679 = arith.constant 0 : i32
    %dma_start3A_680 = arith.constant 0 : i32
    %dma_start3A_681 = tpu.memref_slice %arg9[%dma_start3A_678, %dma_start3A_679, %dma_start3A_680] : memref<16x50x32xf32, #tpu.memory_space<vmem>> -> memref<1x50x32xf32, #tpu.memory_space<vmem>>
    %dma_start3A_682 = tpu.memref_squeeze %dma_start3A_681 : memref<1x50x32xf32, #tpu.memory_space<vmem>> -> memref<50x32xf32, #tpu.memory_space<vmem>>
    %dma_start3A_683 = arith.constant 0 : i32
    %dma_start3A_684 = tpu.memref_slice %arg5[%dma_start3A_677, %dma_start3A_683] : memref<512x50xi32, #tpu.memory_space<vmem>> -> memref<1x50xi32, #tpu.memory_space<vmem>>
    %dma_start3A_685 = tpu.memref_squeeze %dma_start3A_684 : memref<1x50xi32, #tpu.memory_space<vmem>> -> memref<50xi32, #tpu.memory_space<vmem>>
    %dma_start3A_686 = arith.constant 0 : i32
    %dma_start3A_687 = arith.constant 0 : i32
    %dma_start3A_688 = tpu.memref_slice %arg2[%dma_start3A_686, %dma_start3A_687] : memref<1000000x32xf32, #tpu.memory_space<hbm>> -> memref<1000000x32xf32, #tpu.memory_space<hbm>>
    tpu.enqueue_indirect_dma source(%dma_start3A_688 : memref<1000000x32xf32, #tpu.memory_space<hbm>>) target(%dma_start3A_682 : memref<50x32xf32, #tpu.memory_space<vmem>>) offsets(%dma_start3A_685 : memref<50xi32, #tpu.memory_space<vmem>>) semaphore(%arg13 : memref<!tpu.dma_semaphore, #tpu.memory_space<semaphore_mem>>)
    %dma_start3A_689 = arith.constant 56 : i32
    %dma_start3A_690 = arith.constant 8 : i32
    %dma_start3A_691 = arith.constant 0 : i32
    %dma_start3A_692 = arith.constant 0 : i32
    %dma_start3A_693 = tpu.memref_slice %arg9[%dma_start3A_690, %dma_start3A_691, %dma_start3A_692] : memref<16x50x32xf32, #tpu.memory_space<vmem>> -> memref<1x50x32xf32, #tpu.memory_space<vmem>>
    %dma_start3A_694 = tpu.memref_squeeze %dma_start3A_693 : memref<1x50x32xf32, #tpu.memory_space<vmem>> -> memref<50x32xf32, #tpu.memory_space<vmem>>
    %dma_start3A_695 = arith.constant 0 : i32
    %dma_start3A_696 = tpu.memref_slice %arg5[%dma_start3A_689, %dma_start3A_695] : memref<512x50xi32, #tpu.memory_space<vmem>> -> memref<1x50xi32, #tpu.memory_space<vmem>>
    %dma_start3A_697 = tpu.memref_squeeze %dma_start3A_696 : memref<1x50xi32, #tpu.memory_space<vmem>> -> memref<50xi32, #tpu.memory_space<vmem>>
    %dma_start3A_698 = arith.constant 0 : i32
    %dma_start3A_699 = arith.constant 0 : i32
    %dma_start3A_700 = tpu.memref_slice %arg2[%dma_start3A_698, %dma_start3A_699] : memref<1000000x32xf32, #tpu.memory_space<hbm>> -> memref<1000000x32xf32, #tpu.memory_space<hbm>>
    tpu.enqueue_indirect_dma source(%dma_start3A_700 : memref<1000000x32xf32, #tpu.memory_space<hbm>>) target(%dma_start3A_694 : memref<50x32xf32, #tpu.memory_space<vmem>>) offsets(%dma_start3A_697 : memref<50xi32, #tpu.memory_space<vmem>>) semaphore(%arg13 : memref<!tpu.dma_semaphore, #tpu.memory_space<semaphore_mem>>)
    %dma_start3A_701 = arith.constant 57 : i32
    %dma_start3A_702 = arith.constant 9 : i32
    %dma_start3A_703 = arith.constant 0 : i32
    %dma_start3A_704 = arith.constant 0 : i32
    %dma_start3A_705 = tpu.memref_slice %arg9[%dma_start3A_702, %dma_start3A_703, %dma_start3A_704] : memref<16x50x32xf32, #tpu.memory_space<vmem>> -> memref<1x50x32xf32, #tpu.memory_space<vmem>>
    %dma_start3A_706 = tpu.memref_squeeze %dma_start3A_705 : memref<1x50x32xf32, #tpu.memory_space<vmem>> -> memref<50x32xf32, #tpu.memory_space<vmem>>
    %dma_start3A_707 = arith.constant 0 : i32
    %dma_start3A_708 = tpu.memref_slice %arg5[%dma_start3A_701, %dma_start3A_707] : memref<512x50xi32, #tpu.memory_space<vmem>> -> memref<1x50xi32, #tpu.memory_space<vmem>>
    %dma_start3A_709 = tpu.memref_squeeze %dma_start3A_708 : memref<1x50xi32, #tpu.memory_space<vmem>> -> memref<50xi32, #tpu.memory_space<vmem>>
    %dma_start3A_710 = arith.constant 0 : i32
    %dma_start3A_711 = arith.constant 0 : i32
    %dma_start3A_712 = tpu.memref_slice %arg2[%dma_start3A_710, %dma_start3A_711] : memref<1000000x32xf32, #tpu.memory_space<hbm>> -> memref<1000000x32xf32, #tpu.memory_space<hbm>>
    tpu.enqueue_indirect_dma source(%dma_start3A_712 : memref<1000000x32xf32, #tpu.memory_space<hbm>>) target(%dma_start3A_706 : memref<50x32xf32, #tpu.memory_space<vmem>>) offsets(%dma_start3A_709 : memref<50xi32, #tpu.memory_space<vmem>>) semaphore(%arg13 : memref<!tpu.dma_semaphore, #tpu.memory_space<semaphore_mem>>)
    %dma_start3A_713 = arith.constant 58 : i32
    %dma_start3A_714 = arith.constant 10 : i32
    %dma_start3A_715 = arith.constant 0 : i32
    %dma_start3A_716 = arith.constant 0 : i32
    %dma_start3A_717 = tpu.memref_slice %arg9[%dma_start3A_714, %dma_start3A_715, %dma_start3A_716] : memref<16x50x32xf32, #tpu.memory_space<vmem>> -> memref<1x50x32xf32, #tpu.memory_space<vmem>>
    %dma_start3A_718 = tpu.memref_squeeze %dma_start3A_717 : memref<1x50x32xf32, #tpu.memory_space<vmem>> -> memref<50x32xf32, #tpu.memory_space<vmem>>
    %dma_start3A_719 = arith.constant 0 : i32
    %dma_start3A_720 = tpu.memref_slice %arg5[%dma_start3A_713, %dma_start3A_719] : memref<512x50xi32, #tpu.memory_space<vmem>> -> memref<1x50xi32, #tpu.memory_space<vmem>>
    %dma_start3A_721 = tpu.memref_squeeze %dma_start3A_720 : memref<1x50xi32, #tpu.memory_space<vmem>> -> memref<50xi32, #tpu.memory_space<vmem>>
    %dma_start3A_722 = arith.constant 0 : i32
    %dma_start3A_723 = arith.constant 0 : i32
    %dma_start3A_724 = tpu.memref_slice %arg2[%dma_start3A_722, %dma_start3A_723] : memref<1000000x32xf32, #tpu.memory_space<hbm>> -> memref<1000000x32xf32, #tpu.memory_space<hbm>>
    tpu.enqueue_indirect_dma source(%dma_start3A_724 : memref<1000000x32xf32, #tpu.memory_space<hbm>>) target(%dma_start3A_718 : memref<50x32xf32, #tpu.memory_space<vmem>>) offsets(%dma_start3A_721 : memref<50xi32, #tpu.memory_space<vmem>>) semaphore(%arg13 : memref<!tpu.dma_semaphore, #tpu.memory_space<semaphore_mem>>)
    %dma_start3A_725 = arith.constant 59 : i32
    %dma_start3A_726 = arith.constant 11 : i32
    %dma_start3A_727 = arith.constant 0 : i32
    %dma_start3A_728 = arith.constant 0 : i32
    %dma_start3A_729 = tpu.memref_slice %arg9[%dma_start3A_726, %dma_start3A_727, %dma_start3A_728] : memref<16x50x32xf32, #tpu.memory_space<vmem>> -> memref<1x50x32xf32, #tpu.memory_space<vmem>>
    %dma_start3A_730 = tpu.memref_squeeze %dma_start3A_729 : memref<1x50x32xf32, #tpu.memory_space<vmem>> -> memref<50x32xf32, #tpu.memory_space<vmem>>
    %dma_start3A_731 = arith.constant 0 : i32
    %dma_start3A_732 = tpu.memref_slice %arg5[%dma_start3A_725, %dma_start3A_731] : memref<512x50xi32, #tpu.memory_space<vmem>> -> memref<1x50xi32, #tpu.memory_space<vmem>>
    %dma_start3A_733 = tpu.memref_squeeze %dma_start3A_732 : memref<1x50xi32, #tpu.memory_space<vmem>> -> memref<50xi32, #tpu.memory_space<vmem>>
    %dma_start3A_734 = arith.constant 0 : i32
    %dma_start3A_735 = arith.constant 0 : i32
    %dma_start3A_736 = tpu.memref_slice %arg2[%dma_start3A_734, %dma_start3A_735] : memref<1000000x32xf32, #tpu.memory_space<hbm>> -> memref<1000000x32xf32, #tpu.memory_space<hbm>>
    tpu.enqueue_indirect_dma source(%dma_start3A_736 : memref<1000000x32xf32, #tpu.memory_space<hbm>>) target(%dma_start3A_730 : memref<50x32xf32, #tpu.memory_space<vmem>>) offsets(%dma_start3A_733 : memref<50xi32, #tpu.memory_space<vmem>>) semaphore(%arg13 : memref<!tpu.dma_semaphore, #tpu.memory_space<semaphore_mem>>)
    %dma_start3A_737 = arith.constant 60 : i32
    %dma_start3A_738 = arith.constant 12 : i32
    %dma_start3A_739 = arith.constant 0 : i32
    %dma_start3A_740 = arith.constant 0 : i32
    %dma_start3A_741 = tpu.memref_slice %arg9[%dma_start3A_738, %dma_start3A_739, %dma_start3A_740] : memref<16x50x32xf32, #tpu.memory_space<vmem>> -> memref<1x50x32xf32, #tpu.memory_space<vmem>>
    %dma_start3A_742 = tpu.memref_squeeze %dma_start3A_741 : memref<1x50x32xf32, #tpu.memory_space<vmem>> -> memref<50x32xf32, #tpu.memory_space<vmem>>
    %dma_start3A_743 = arith.constant 0 : i32
    %dma_start3A_744 = tpu.memref_slice %arg5[%dma_start3A_737, %dma_start3A_743] : memref<512x50xi32, #tpu.memory_space<vmem>> -> memref<1x50xi32, #tpu.memory_space<vmem>>
    %dma_start3A_745 = tpu.memref_squeeze %dma_start3A_744 : memref<1x50xi32, #tpu.memory_space<vmem>> -> memref<50xi32, #tpu.memory_space<vmem>>
    %dma_start3A_746 = arith.constant 0 : i32
    %dma_start3A_747 = arith.constant 0 : i32
    %dma_start3A_748 = tpu.memref_slice %arg2[%dma_start3A_746, %dma_start3A_747] : memref<1000000x32xf32, #tpu.memory_space<hbm>> -> memref<1000000x32xf32, #tpu.memory_space<hbm>>
    tpu.enqueue_indirect_dma source(%dma_start3A_748 : memref<1000000x32xf32, #tpu.memory_space<hbm>>) target(%dma_start3A_742 : memref<50x32xf32, #tpu.memory_space<vmem>>) offsets(%dma_start3A_745 : memref<50xi32, #tpu.memory_space<vmem>>) semaphore(%arg13 : memref<!tpu.dma_semaphore, #tpu.memory_space<semaphore_mem>>)
    %dma_start3A_749 = arith.constant 61 : i32
    %dma_start3A_750 = arith.constant 13 : i32
    %dma_start3A_751 = arith.constant 0 : i32
    %dma_start3A_752 = arith.constant 0 : i32
    %dma_start3A_753 = tpu.memref_slice %arg9[%dma_start3A_750, %dma_start3A_751, %dma_start3A_752] : memref<16x50x32xf32, #tpu.memory_space<vmem>> -> memref<1x50x32xf32, #tpu.memory_space<vmem>>
    %dma_start3A_754 = tpu.memref_squeeze %dma_start3A_753 : memref<1x50x32xf32, #tpu.memory_space<vmem>> -> memref<50x32xf32, #tpu.memory_space<vmem>>
    %dma_start3A_755 = arith.constant 0 : i32
    %dma_start3A_756 = tpu.memref_slice %arg5[%dma_start3A_749, %dma_start3A_755] : memref<512x50xi32, #tpu.memory_space<vmem>> -> memref<1x50xi32, #tpu.memory_space<vmem>>
    %dma_start3A_757 = tpu.memref_squeeze %dma_start3A_756 : memref<1x50xi32, #tpu.memory_space<vmem>> -> memref<50xi32, #tpu.memory_space<vmem>>
    %dma_start3A_758 = arith.constant 0 : i32
    %dma_start3A_759 = arith.constant 0 : i32
    %dma_start3A_760 = tpu.memref_slice %arg2[%dma_start3A_758, %dma_start3A_759] : memref<1000000x32xf32, #tpu.memory_space<hbm>> -> memref<1000000x32xf32, #tpu.memory_space<hbm>>
    tpu.enqueue_indirect_dma source(%dma_start3A_760 : memref<1000000x32xf32, #tpu.memory_space<hbm>>) target(%dma_start3A_754 : memref<50x32xf32, #tpu.memory_space<vmem>>) offsets(%dma_start3A_757 : memref<50xi32, #tpu.memory_space<vmem>>) semaphore(%arg13 : memref<!tpu.dma_semaphore, #tpu.memory_space<semaphore_mem>>)
    %dma_start3A_761 = arith.constant 62 : i32
    %dma_start3A_762 = arith.constant 14 : i32
    %dma_start3A_763 = arith.constant 0 : i32
    %dma_start3A_764 = arith.constant 0 : i32
    %dma_start3A_765 = tpu.memref_slice %arg9[%dma_start3A_762, %dma_start3A_763, %dma_start3A_764] : memref<16x50x32xf32, #tpu.memory_space<vmem>> -> memref<1x50x32xf32, #tpu.memory_space<vmem>>
    %dma_start3A_766 = tpu.memref_squeeze %dma_start3A_765 : memref<1x50x32xf32, #tpu.memory_space<vmem>> -> memref<50x32xf32, #tpu.memory_space<vmem>>
    %dma_start3A_767 = arith.constant 0 : i32
    %dma_start3A_768 = tpu.memref_slice %arg5[%dma_start3A_761, %dma_start3A_767] : memref<512x50xi32, #tpu.memory_space<vmem>> -> memref<1x50xi32, #tpu.memory_space<vmem>>
    %dma_start3A_769 = tpu.memref_squeeze %dma_start3A_768 : memref<1x50xi32, #tpu.memory_space<vmem>> -> memref<50xi32, #tpu.memory_space<vmem>>
    %dma_start3A_770 = arith.constant 0 : i32
    %dma_start3A_771 = arith.constant 0 : i32
    %dma_start3A_772 = tpu.memref_slice %arg2[%dma_start3A_770, %dma_start3A_771] : memref<1000000x32xf32, #tpu.memory_space<hbm>> -> memref<1000000x32xf32, #tpu.memory_space<hbm>>
    tpu.enqueue_indirect_dma source(%dma_start3A_772 : memref<1000000x32xf32, #tpu.memory_space<hbm>>) target(%dma_start3A_766 : memref<50x32xf32, #tpu.memory_space<vmem>>) offsets(%dma_start3A_769 : memref<50xi32, #tpu.memory_space<vmem>>) semaphore(%arg13 : memref<!tpu.dma_semaphore, #tpu.memory_space<semaphore_mem>>)
    %dma_start3A_773 = arith.constant 63 : i32
    %dma_start3A_774 = arith.constant 15 : i32
    %dma_start3A_775 = arith.constant 0 : i32
    %dma_start3A_776 = arith.constant 0 : i32
    %dma_start3A_777 = tpu.memref_slice %arg9[%dma_start3A_774, %dma_start3A_775, %dma_start3A_776] : memref<16x50x32xf32, #tpu.memory_space<vmem>> -> memref<1x50x32xf32, #tpu.memory_space<vmem>>
    %dma_start3A_778 = tpu.memref_squeeze %dma_start3A_777 : memref<1x50x32xf32, #tpu.memory_space<vmem>> -> memref<50x32xf32, #tpu.memory_space<vmem>>
    %dma_start3A_779 = arith.constant 0 : i32
    %dma_start3A_780 = tpu.memref_slice %arg5[%dma_start3A_773, %dma_start3A_779] : memref<512x50xi32, #tpu.memory_space<vmem>> -> memref<1x50xi32, #tpu.memory_space<vmem>>
    %dma_start3A_781 = tpu.memref_squeeze %dma_start3A_780 : memref<1x50xi32, #tpu.memory_space<vmem>> -> memref<50xi32, #tpu.memory_space<vmem>>
    %dma_start3A_782 = arith.constant 0 : i32
    %dma_start3A_783 = arith.constant 0 : i32
    %dma_start3A_784 = tpu.memref_slice %arg2[%dma_start3A_782, %dma_start3A_783] : memref<1000000x32xf32, #tpu.memory_space<hbm>> -> memref<1000000x32xf32, #tpu.memory_space<hbm>>
    tpu.enqueue_indirect_dma source(%dma_start3A_784 : memref<1000000x32xf32, #tpu.memory_space<hbm>>) target(%dma_start3A_778 : memref<50x32xf32, #tpu.memory_space<vmem>>) offsets(%dma_start3A_781 : memref<50xi32, #tpu.memory_space<vmem>>) semaphore(%arg13 : memref<!tpu.dma_semaphore, #tpu.memory_space<semaphore_mem>>)
    %dma_wait3A_785 = arith.constant 0 : i32
    %dma_wait3A_786 = arith.constant 0 : i32
    %dma_wait3A_787 = arith.constant 0 : i32
    %dma_wait3A_788 = tpu.memref_slice %arg4[%dma_wait3A_785, %dma_wait3A_786, %dma_wait3A_787] : memref<16384x56x128xf32, #tpu.memory_space<hbm>> -> memref<16x50x32xf32, #tpu.memory_space<hbm>>
    %dma_wait3A_789 = arith.constant 0 : i32
    %dma_wait3A_790 = arith.constant 0 : i32
    %dma_wait3A_791 = arith.constant 0 : i32
    %dma_wait3A_792 = tpu.memref_slice %arg4[%dma_wait3A_789, %dma_wait3A_790, %dma_wait3A_791] : memref<16384x56x128xf32, #tpu.memory_space<hbm>> -> memref<16x50x32xf32, #tpu.memory_space<hbm>>
    tpu.wait_dma2 semaphore(%arg11 : memref<!tpu.dma_semaphore, #tpu.memory_space<semaphore_mem>>) src(%dma_wait3A_792 : memref<16x50x32xf32, #tpu.memory_space<hbm>>) dst(%arg7 : memref<16x50x32xf32, #tpu.memory_space<vmem>>)
    %add3A_793 = arith.constant 16 : i32
    %add3A_794 = arith.addi %mul3A_2, %add3A_793 : i32
    %dma_start3A_795 = arith.constant 0 : i32
    %dma_start3A_796 = arith.constant 0 : i32
    %dma_start3A_797 = tpu.memref_slice %arg4[%add3A_794, %dma_start3A_795, %dma_start3A_796] : memref<16384x56x128xf32, #tpu.memory_space<hbm>> -> memref<16x50x32xf32, #tpu.memory_space<hbm>>
    %dma_start3A_798 = arith.constant 0 : i32
    %dma_start3A_799 = arith.constant 0 : i32
    %dma_start3A_800 = tpu.memref_slice %arg4[%add3A_794, %dma_start3A_798, %dma_start3A_799] : memref<16384x56x128xf32, #tpu.memory_space<hbm>> -> memref<16x50x32xf32, #tpu.memory_space<hbm>>
    tpu.enqueue_dma source(%arg7 : memref<16x50x32xf32, #tpu.memory_space<vmem>>) target(%dma_start3A_800 : memref<16x50x32xf32, #tpu.memory_space<hbm>>) target_semaphore(%arg15 : memref<!tpu.dma_semaphore, #tpu.memory_space<semaphore_mem>>)
    %dma_wait3A_801 = arith.constant 0 : i32
    %dma_wait3A_802 = arith.constant 0 : i32
    %dma_wait3A_803 = arith.constant 0 : i32
    %dma_wait3A_804 = tpu.memref_slice %arg4[%dma_wait3A_801, %dma_wait3A_802, %dma_wait3A_803] : memref<16384x56x128xf32, #tpu.memory_space<hbm>> -> memref<16x50x32xf32, #tpu.memory_space<hbm>>
    %dma_wait3A_805 = arith.constant 0 : i32
    %dma_wait3A_806 = arith.constant 0 : i32
    %dma_wait3A_807 = arith.constant 0 : i32
    %dma_wait3A_808 = tpu.memref_slice %arg4[%dma_wait3A_805, %dma_wait3A_806, %dma_wait3A_807] : memref<16384x56x128xf32, #tpu.memory_space<hbm>> -> memref<16x50x32xf32, #tpu.memory_space<hbm>>
    tpu.wait_dma2 semaphore(%arg14 : memref<!tpu.dma_semaphore, #tpu.memory_space<semaphore_mem>>) src(%arg6 : memref<16x50x32xf32, #tpu.memory_space<vmem>>) dst(%dma_wait3A_808 : memref<16x50x32xf32, #tpu.memory_space<hbm>>)
    %dma_start3A_809 = arith.constant 64 : i32
    %dma_start3A_810 = arith.constant 0 : i32
    %dma_start3A_811 = arith.constant 0 : i32
    %dma_start3A_812 = arith.constant 0 : i32
    %dma_start3A_813 = tpu.memref_slice %arg6[%dma_start3A_810, %dma_start3A_811, %dma_start3A_812] : memref<16x50x32xf32, #tpu.memory_space<vmem>> -> memref<1x50x32xf32, #tpu.memory_space<vmem>>
    %dma_start3A_814 = tpu.memref_squeeze %dma_start3A_813 : memref<1x50x32xf32, #tpu.memory_space<vmem>> -> memref<50x32xf32, #tpu.memory_space<vmem>>
    %dma_start3A_815 = arith.constant 0 : i32
    %dma_start3A_816 = tpu.memref_slice %arg5[%dma_start3A_809, %dma_start3A_815] : memref<512x50xi32, #tpu.memory_space<vmem>> -> memref<1x50xi32, #tpu.memory_space<vmem>>
    %dma_start3A_817 = tpu.memref_squeeze %dma_start3A_816 : memref<1x50xi32, #tpu.memory_space<vmem>> -> memref<50xi32, #tpu.memory_space<vmem>>
    %dma_start3A_818 = arith.constant 0 : i32
    %dma_start3A_819 = arith.constant 0 : i32
    %dma_start3A_820 = tpu.memref_slice %arg2[%dma_start3A_818, %dma_start3A_819] : memref<1000000x32xf32, #tpu.memory_space<hbm>> -> memref<1000000x32xf32, #tpu.memory_space<hbm>>
    tpu.enqueue_indirect_dma source(%dma_start3A_820 : memref<1000000x32xf32, #tpu.memory_space<hbm>>) target(%dma_start3A_814 : memref<50x32xf32, #tpu.memory_space<vmem>>) offsets(%dma_start3A_817 : memref<50xi32, #tpu.memory_space<vmem>>) semaphore(%arg10 : memref<!tpu.dma_semaphore, #tpu.memory_space<semaphore_mem>>)
    %dma_start3A_821 = arith.constant 65 : i32
    %dma_start3A_822 = arith.constant 1 : i32
    %dma_start3A_823 = arith.constant 0 : i32
    %dma_start3A_824 = arith.constant 0 : i32
    %dma_start3A_825 = tpu.memref_slice %arg6[%dma_start3A_822, %dma_start3A_823, %dma_start3A_824] : memref<16x50x32xf32, #tpu.memory_space<vmem>> -> memref<1x50x32xf32, #tpu.memory_space<vmem>>
    %dma_start3A_826 = tpu.memref_squeeze %dma_start3A_825 : memref<1x50x32xf32, #tpu.memory_space<vmem>> -> memref<50x32xf32, #tpu.memory_space<vmem>>
    %dma_start3A_827 = arith.constant 0 : i32
    %dma_start3A_828 = tpu.memref_slice %arg5[%dma_start3A_821, %dma_start3A_827] : memref<512x50xi32, #tpu.memory_space<vmem>> -> memref<1x50xi32, #tpu.memory_space<vmem>>
    %dma_start3A_829 = tpu.memref_squeeze %dma_start3A_828 : memref<1x50xi32, #tpu.memory_space<vmem>> -> memref<50xi32, #tpu.memory_space<vmem>>
    %dma_start3A_830 = arith.constant 0 : i32
    %dma_start3A_831 = arith.constant 0 : i32
    %dma_start3A_832 = tpu.memref_slice %arg2[%dma_start3A_830, %dma_start3A_831] : memref<1000000x32xf32, #tpu.memory_space<hbm>> -> memref<1000000x32xf32, #tpu.memory_space<hbm>>
    tpu.enqueue_indirect_dma source(%dma_start3A_832 : memref<1000000x32xf32, #tpu.memory_space<hbm>>) target(%dma_start3A_826 : memref<50x32xf32, #tpu.memory_space<vmem>>) offsets(%dma_start3A_829 : memref<50xi32, #tpu.memory_space<vmem>>) semaphore(%arg10 : memref<!tpu.dma_semaphore, #tpu.memory_space<semaphore_mem>>)
    %dma_start3A_833 = arith.constant 66 : i32
    %dma_start3A_834 = arith.constant 2 : i32
    %dma_start3A_835 = arith.constant 0 : i32
    %dma_start3A_836 = arith.constant 0 : i32
    %dma_start3A_837 = tpu.memref_slice %arg6[%dma_start3A_834, %dma_start3A_835, %dma_start3A_836] : memref<16x50x32xf32, #tpu.memory_space<vmem>> -> memref<1x50x32xf32, #tpu.memory_space<vmem>>
    %dma_start3A_838 = tpu.memref_squeeze %dma_start3A_837 : memref<1x50x32xf32, #tpu.memory_space<vmem>> -> memref<50x32xf32, #tpu.memory_space<vmem>>
    %dma_start3A_839 = arith.constant 0 : i32
    %dma_start3A_840 = tpu.memref_slice %arg5[%dma_start3A_833, %dma_start3A_839] : memref<512x50xi32, #tpu.memory_space<vmem>> -> memref<1x50xi32, #tpu.memory_space<vmem>>
    %dma_start3A_841 = tpu.memref_squeeze %dma_start3A_840 : memref<1x50xi32, #tpu.memory_space<vmem>> -> memref<50xi32, #tpu.memory_space<vmem>>
    %dma_start3A_842 = arith.constant 0 : i32
    %dma_start3A_843 = arith.constant 0 : i32
    %dma_start3A_844 = tpu.memref_slice %arg2[%dma_start3A_842, %dma_start3A_843] : memref<1000000x32xf32, #tpu.memory_space<hbm>> -> memref<1000000x32xf32, #tpu.memory_space<hbm>>
    tpu.enqueue_indirect_dma source(%dma_start3A_844 : memref<1000000x32xf32, #tpu.memory_space<hbm>>) target(%dma_start3A_838 : memref<50x32xf32, #tpu.memory_space<vmem>>) offsets(%dma_start3A_841 : memref<50xi32, #tpu.memory_space<vmem>>) semaphore(%arg10 : memref<!tpu.dma_semaphore, #tpu.memory_space<semaphore_mem>>)
    %dma_start3A_845 = arith.constant 67 : i32
    %dma_start3A_846 = arith.constant 3 : i32
    %dma_start3A_847 = arith.constant 0 : i32
    %dma_start3A_848 = arith.constant 0 : i32
    %dma_start3A_849 = tpu.memref_slice %arg6[%dma_start3A_846, %dma_start3A_847, %dma_start3A_848] : memref<16x50x32xf32, #tpu.memory_space<vmem>> -> memref<1x50x32xf32, #tpu.memory_space<vmem>>
    %dma_start3A_850 = tpu.memref_squeeze %dma_start3A_849 : memref<1x50x32xf32, #tpu.memory_space<vmem>> -> memref<50x32xf32, #tpu.memory_space<vmem>>
    %dma_start3A_851 = arith.constant 0 : i32
    %dma_start3A_852 = tpu.memref_slice %arg5[%dma_start3A_845, %dma_start3A_851] : memref<512x50xi32, #tpu.memory_space<vmem>> -> memref<1x50xi32, #tpu.memory_space<vmem>>
    %dma_start3A_853 = tpu.memref_squeeze %dma_start3A_852 : memref<1x50xi32, #tpu.memory_space<vmem>> -> memref<50xi32, #tpu.memory_space<vmem>>
    %dma_start3A_854 = arith.constant 0 : i32
    %dma_start3A_855 = arith.constant 0 : i32
    %dma_start3A_856 = tpu.memref_slice %arg2[%dma_start3A_854, %dma_start3A_855] : memref<1000000x32xf32, #tpu.memory_space<hbm>> -> memref<1000000x32xf32, #tpu.memory_space<hbm>>
    tpu.enqueue_indirect_dma source(%dma_start3A_856 : memref<1000000x32xf32, #tpu.memory_space<hbm>>) target(%dma_start3A_850 : memref<50x32xf32, #tpu.memory_space<vmem>>) offsets(%dma_start3A_853 : memref<50xi32, #tpu.memory_space<vmem>>) semaphore(%arg10 : memref<!tpu.dma_semaphore, #tpu.memory_space<semaphore_mem>>)
    %dma_start3A_857 = arith.constant 68 : i32
    %dma_start3A_858 = arith.constant 4 : i32
    %dma_start3A_859 = arith.constant 0 : i32
    %dma_start3A_860 = arith.constant 0 : i32
    %dma_start3A_861 = tpu.memref_slice %arg6[%dma_start3A_858, %dma_start3A_859, %dma_start3A_860] : memref<16x50x32xf32, #tpu.memory_space<vmem>> -> memref<1x50x32xf32, #tpu.memory_space<vmem>>
    %dma_start3A_862 = tpu.memref_squeeze %dma_start3A_861 : memref<1x50x32xf32, #tpu.memory_space<vmem>> -> memref<50x32xf32, #tpu.memory_space<vmem>>
    %dma_start3A_863 = arith.constant 0 : i32
    %dma_start3A_864 = tpu.memref_slice %arg5[%dma_start3A_857, %dma_start3A_863] : memref<512x50xi32, #tpu.memory_space<vmem>> -> memref<1x50xi32, #tpu.memory_space<vmem>>
    %dma_start3A_865 = tpu.memref_squeeze %dma_start3A_864 : memref<1x50xi32, #tpu.memory_space<vmem>> -> memref<50xi32, #tpu.memory_space<vmem>>
    %dma_start3A_866 = arith.constant 0 : i32
    %dma_start3A_867 = arith.constant 0 : i32
    %dma_start3A_868 = tpu.memref_slice %arg2[%dma_start3A_866, %dma_start3A_867] : memref<1000000x32xf32, #tpu.memory_space<hbm>> -> memref<1000000x32xf32, #tpu.memory_space<hbm>>
    tpu.enqueue_indirect_dma source(%dma_start3A_868 : memref<1000000x32xf32, #tpu.memory_space<hbm>>) target(%dma_start3A_862 : memref<50x32xf32, #tpu.memory_space<vmem>>) offsets(%dma_start3A_865 : memref<50xi32, #tpu.memory_space<vmem>>) semaphore(%arg10 : memref<!tpu.dma_semaphore, #tpu.memory_space<semaphore_mem>>)
    %dma_start3A_869 = arith.constant 69 : i32
    %dma_start3A_870 = arith.constant 5 : i32
    %dma_start3A_871 = arith.constant 0 : i32
    %dma_start3A_872 = arith.constant 0 : i32
    %dma_start3A_873 = tpu.memref_slice %arg6[%dma_start3A_870, %dma_start3A_871, %dma_start3A_872] : memref<16x50x32xf32, #tpu.memory_space<vmem>> -> memref<1x50x32xf32, #tpu.memory_space<vmem>>
    %dma_start3A_874 = tpu.memref_squeeze %dma_start3A_873 : memref<1x50x32xf32, #tpu.memory_space<vmem>> -> memref<50x32xf32, #tpu.memory_space<vmem>>
    %dma_start3A_875 = arith.constant 0 : i32
    %dma_start3A_876 = tpu.memref_slice %arg5[%dma_start3A_869, %dma_start3A_875] : memref<512x50xi32, #tpu.memory_space<vmem>> -> memref<1x50xi32, #tpu.memory_space<vmem>>
    %dma_start3A_877 = tpu.memref_squeeze %dma_start3A_876 : memref<1x50xi32, #tpu.memory_space<vmem>> -> memref<50xi32, #tpu.memory_space<vmem>>
    %dma_start3A_878 = arith.constant 0 : i32
    %dma_start3A_879 = arith.constant 0 : i32
    %dma_start3A_880 = tpu.memref_slice %arg2[%dma_start3A_878, %dma_start3A_879] : memref<1000000x32xf32, #tpu.memory_space<hbm>> -> memref<1000000x32xf32, #tpu.memory_space<hbm>>
    tpu.enqueue_indirect_dma source(%dma_start3A_880 : memref<1000000x32xf32, #tpu.memory_space<hbm>>) target(%dma_start3A_874 : memref<50x32xf32, #tpu.memory_space<vmem>>) offsets(%dma_start3A_877 : memref<50xi32, #tpu.memory_space<vmem>>) semaphore(%arg10 : memref<!tpu.dma_semaphore, #tpu.memory_space<semaphore_mem>>)
    %dma_start3A_881 = arith.constant 70 : i32
    %dma_start3A_882 = arith.constant 6 : i32
    %dma_start3A_883 = arith.constant 0 : i32
    %dma_start3A_884 = arith.constant 0 : i32
    %dma_start3A_885 = tpu.memref_slice %arg6[%dma_start3A_882, %dma_start3A_883, %dma_start3A_884] : memref<16x50x32xf32, #tpu.memory_space<vmem>> -> memref<1x50x32xf32, #tpu.memory_space<vmem>>
    %dma_start3A_886 = tpu.memref_squeeze %dma_start3A_885 : memref<1x50x32xf32, #tpu.memory_space<vmem>> -> memref<50x32xf32, #tpu.memory_space<vmem>>
    %dma_start3A_887 = arith.constant 0 : i32
    %dma_start3A_888 = tpu.memref_slice %arg5[%dma_start3A_881, %dma_start3A_887] : memref<512x50xi32, #tpu.memory_space<vmem>> -> memref<1x50xi32, #tpu.memory_space<vmem>>
    %dma_start3A_889 = tpu.memref_squeeze %dma_start3A_888 : memref<1x50xi32, #tpu.memory_space<vmem>> -> memref<50xi32, #tpu.memory_space<vmem>>
    %dma_start3A_890 = arith.constant 0 : i32
    %dma_start3A_891 = arith.constant 0 : i32
    %dma_start3A_892 = tpu.memref_slice %arg2[%dma_start3A_890, %dma_start3A_891] : memref<1000000x32xf32, #tpu.memory_space<hbm>> -> memref<1000000x32xf32, #tpu.memory_space<hbm>>
    tpu.enqueue_indirect_dma source(%dma_start3A_892 : memref<1000000x32xf32, #tpu.memory_space<hbm>>) target(%dma_start3A_886 : memref<50x32xf32, #tpu.memory_space<vmem>>) offsets(%dma_start3A_889 : memref<50xi32, #tpu.memory_space<vmem>>) semaphore(%arg10 : memref<!tpu.dma_semaphore, #tpu.memory_space<semaphore_mem>>)
    %dma_start3A_893 = arith.constant 71 : i32
    %dma_start3A_894 = arith.constant 7 : i32
    %dma_start3A_895 = arith.constant 0 : i32
    %dma_start3A_896 = arith.constant 0 : i32
    %dma_start3A_897 = tpu.memref_slice %arg6[%dma_start3A_894, %dma_start3A_895, %dma_start3A_896] : memref<16x50x32xf32, #tpu.memory_space<vmem>> -> memref<1x50x32xf32, #tpu.memory_space<vmem>>
    %dma_start3A_898 = tpu.memref_squeeze %dma_start3A_897 : memref<1x50x32xf32, #tpu.memory_space<vmem>> -> memref<50x32xf32, #tpu.memory_space<vmem>>
    %dma_start3A_899 = arith.constant 0 : i32
    %dma_start3A_900 = tpu.memref_slice %arg5[%dma_start3A_893, %dma_start3A_899] : memref<512x50xi32, #tpu.memory_space<vmem>> -> memref<1x50xi32, #tpu.memory_space<vmem>>
    %dma_start3A_901 = tpu.memref_squeeze %dma_start3A_900 : memref<1x50xi32, #tpu.memory_space<vmem>> -> memref<50xi32, #tpu.memory_space<vmem>>
    %dma_start3A_902 = arith.constant 0 : i32
    %dma_start3A_903 = arith.constant 0 : i32
    %dma_start3A_904 = tpu.memref_slice %arg2[%dma_start3A_902, %dma_start3A_903] : memref<1000000x32xf32, #tpu.memory_space<hbm>> -> memref<1000000x32xf32, #tpu.memory_space<hbm>>
    tpu.enqueue_indirect_dma source(%dma_start3A_904 : memref<1000000x32xf32, #tpu.memory_space<hbm>>) target(%dma_start3A_898 : memref<50x32xf32, #tpu.memory_space<vmem>>) offsets(%dma_start3A_901 : memref<50xi32, #tpu.memory_space<vmem>>) semaphore(%arg10 : memref<!tpu.dma_semaphore, #tpu.memory_space<semaphore_mem>>)
    %dma_start3A_905 = arith.constant 72 : i32
    %dma_start3A_906 = arith.constant 8 : i32
    %dma_start3A_907 = arith.constant 0 : i32
    %dma_start3A_908 = arith.constant 0 : i32
    %dma_start3A_909 = tpu.memref_slice %arg6[%dma_start3A_906, %dma_start3A_907, %dma_start3A_908] : memref<16x50x32xf32, #tpu.memory_space<vmem>> -> memref<1x50x32xf32, #tpu.memory_space<vmem>>
    %dma_start3A_910 = tpu.memref_squeeze %dma_start3A_909 : memref<1x50x32xf32, #tpu.memory_space<vmem>> -> memref<50x32xf32, #tpu.memory_space<vmem>>
    %dma_start3A_911 = arith.constant 0 : i32
    %dma_start3A_912 = tpu.memref_slice %arg5[%dma_start3A_905, %dma_start3A_911] : memref<512x50xi32, #tpu.memory_space<vmem>> -> memref<1x50xi32, #tpu.memory_space<vmem>>
    %dma_start3A_913 = tpu.memref_squeeze %dma_start3A_912 : memref<1x50xi32, #tpu.memory_space<vmem>> -> memref<50xi32, #tpu.memory_space<vmem>>
    %dma_start3A_914 = arith.constant 0 : i32
    %dma_start3A_915 = arith.constant 0 : i32
    %dma_start3A_916 = tpu.memref_slice %arg2[%dma_start3A_914, %dma_start3A_915] : memref<1000000x32xf32, #tpu.memory_space<hbm>> -> memref<1000000x32xf32, #tpu.memory_space<hbm>>
    tpu.enqueue_indirect_dma source(%dma_start3A_916 : memref<1000000x32xf32, #tpu.memory_space<hbm>>) target(%dma_start3A_910 : memref<50x32xf32, #tpu.memory_space<vmem>>) offsets(%dma_start3A_913 : memref<50xi32, #tpu.memory_space<vmem>>) semaphore(%arg10 : memref<!tpu.dma_semaphore, #tpu.memory_space<semaphore_mem>>)
    %dma_start3A_917 = arith.constant 73 : i32
    %dma_start3A_918 = arith.constant 9 : i32
    %dma_start3A_919 = arith.constant 0 : i32
    %dma_start3A_920 = arith.constant 0 : i32
    %dma_start3A_921 = tpu.memref_slice %arg6[%dma_start3A_918, %dma_start3A_919, %dma_start3A_920] : memref<16x50x32xf32, #tpu.memory_space<vmem>> -> memref<1x50x32xf32, #tpu.memory_space<vmem>>
    %dma_start3A_922 = tpu.memref_squeeze %dma_start3A_921 : memref<1x50x32xf32, #tpu.memory_space<vmem>> -> memref<50x32xf32, #tpu.memory_space<vmem>>
    %dma_start3A_923 = arith.constant 0 : i32
    %dma_start3A_924 = tpu.memref_slice %arg5[%dma_start3A_917, %dma_start3A_923] : memref<512x50xi32, #tpu.memory_space<vmem>> -> memref<1x50xi32, #tpu.memory_space<vmem>>
    %dma_start3A_925 = tpu.memref_squeeze %dma_start3A_924 : memref<1x50xi32, #tpu.memory_space<vmem>> -> memref<50xi32, #tpu.memory_space<vmem>>
    %dma_start3A_926 = arith.constant 0 : i32
    %dma_start3A_927 = arith.constant 0 : i32
    %dma_start3A_928 = tpu.memref_slice %arg2[%dma_start3A_926, %dma_start3A_927] : memref<1000000x32xf32, #tpu.memory_space<hbm>> -> memref<1000000x32xf32, #tpu.memory_space<hbm>>
    tpu.enqueue_indirect_dma source(%dma_start3A_928 : memref<1000000x32xf32, #tpu.memory_space<hbm>>) target(%dma_start3A_922 : memref<50x32xf32, #tpu.memory_space<vmem>>) offsets(%dma_start3A_925 : memref<50xi32, #tpu.memory_space<vmem>>) semaphore(%arg10 : memref<!tpu.dma_semaphore, #tpu.memory_space<semaphore_mem>>)
    %dma_start3A_929 = arith.constant 74 : i32
    %dma_start3A_930 = arith.constant 10 : i32
    %dma_start3A_931 = arith.constant 0 : i32
    %dma_start3A_932 = arith.constant 0 : i32
    %dma_start3A_933 = tpu.memref_slice %arg6[%dma_start3A_930, %dma_start3A_931, %dma_start3A_932] : memref<16x50x32xf32, #tpu.memory_space<vmem>> -> memref<1x50x32xf32, #tpu.memory_space<vmem>>
    %dma_start3A_934 = tpu.memref_squeeze %dma_start3A_933 : memref<1x50x32xf32, #tpu.memory_space<vmem>> -> memref<50x32xf32, #tpu.memory_space<vmem>>
    %dma_start3A_935 = arith.constant 0 : i32
    %dma_start3A_936 = tpu.memref_slice %arg5[%dma_start3A_929, %dma_start3A_935] : memref<512x50xi32, #tpu.memory_space<vmem>> -> memref<1x50xi32, #tpu.memory_space<vmem>>
    %dma_start3A_937 = tpu.memref_squeeze %dma_start3A_936 : memref<1x50xi32, #tpu.memory_space<vmem>> -> memref<50xi32, #tpu.memory_space<vmem>>
    %dma_start3A_938 = arith.constant 0 : i32
    %dma_start3A_939 = arith.constant 0 : i32
    %dma_start3A_940 = tpu.memref_slice %arg2[%dma_start3A_938, %dma_start3A_939] : memref<1000000x32xf32, #tpu.memory_space<hbm>> -> memref<1000000x32xf32, #tpu.memory_space<hbm>>
    tpu.enqueue_indirect_dma source(%dma_start3A_940 : memref<1000000x32xf32, #tpu.memory_space<hbm>>) target(%dma_start3A_934 : memref<50x32xf32, #tpu.memory_space<vmem>>) offsets(%dma_start3A_937 : memref<50xi32, #tpu.memory_space<vmem>>) semaphore(%arg10 : memref<!tpu.dma_semaphore, #tpu.memory_space<semaphore_mem>>)
    %dma_start3A_941 = arith.constant 75 : i32
    %dma_start3A_942 = arith.constant 11 : i32
    %dma_start3A_943 = arith.constant 0 : i32
    %dma_start3A_944 = arith.constant 0 : i32
    %dma_start3A_945 = tpu.memref_slice %arg6[%dma_start3A_942, %dma_start3A_943, %dma_start3A_944] : memref<16x50x32xf32, #tpu.memory_space<vmem>> -> memref<1x50x32xf32, #tpu.memory_space<vmem>>
    %dma_start3A_946 = tpu.memref_squeeze %dma_start3A_945 : memref<1x50x32xf32, #tpu.memory_space<vmem>> -> memref<50x32xf32, #tpu.memory_space<vmem>>
    %dma_start3A_947 = arith.constant 0 : i32
    %dma_start3A_948 = tpu.memref_slice %arg5[%dma_start3A_941, %dma_start3A_947] : memref<512x50xi32, #tpu.memory_space<vmem>> -> memref<1x50xi32, #tpu.memory_space<vmem>>
    %dma_start3A_949 = tpu.memref_squeeze %dma_start3A_948 : memref<1x50xi32, #tpu.memory_space<vmem>> -> memref<50xi32, #tpu.memory_space<vmem>>
    %dma_start3A_950 = arith.constant 0 : i32
    %dma_start3A_951 = arith.constant 0 : i32
    %dma_start3A_952 = tpu.memref_slice %arg2[%dma_start3A_950, %dma_start3A_951] : memref<1000000x32xf32, #tpu.memory_space<hbm>> -> memref<1000000x32xf32, #tpu.memory_space<hbm>>
    tpu.enqueue_indirect_dma source(%dma_start3A_952 : memref<1000000x32xf32, #tpu.memory_space<hbm>>) target(%dma_start3A_946 : memref<50x32xf32, #tpu.memory_space<vmem>>) offsets(%dma_start3A_949 : memref<50xi32, #tpu.memory_space<vmem>>) semaphore(%arg10 : memref<!tpu.dma_semaphore, #tpu.memory_space<semaphore_mem>>)
    %dma_start3A_953 = arith.constant 76 : i32
    %dma_start3A_954 = arith.constant 12 : i32
    %dma_start3A_955 = arith.constant 0 : i32
    %dma_start3A_956 = arith.constant 0 : i32
    %dma_start3A_957 = tpu.memref_slice %arg6[%dma_start3A_954, %dma_start3A_955, %dma_start3A_956] : memref<16x50x32xf32, #tpu.memory_space<vmem>> -> memref<1x50x32xf32, #tpu.memory_space<vmem>>
    %dma_start3A_958 = tpu.memref_squeeze %dma_start3A_957 : memref<1x50x32xf32, #tpu.memory_space<vmem>> -> memref<50x32xf32, #tpu.memory_space<vmem>>
    %dma_start3A_959 = arith.constant 0 : i32
    %dma_start3A_960 = tpu.memref_slice %arg5[%dma_start3A_953, %dma_start3A_959] : memref<512x50xi32, #tpu.memory_space<vmem>> -> memref<1x50xi32, #tpu.memory_space<vmem>>
    %dma_start3A_961 = tpu.memref_squeeze %dma_start3A_960 : memref<1x50xi32, #tpu.memory_space<vmem>> -> memref<50xi32, #tpu.memory_space<vmem>>
    %dma_start3A_962 = arith.constant 0 : i32
    %dma_start3A_963 = arith.constant 0 : i32
    %dma_start3A_964 = tpu.memref_slice %arg2[%dma_start3A_962, %dma_start3A_963] : memref<1000000x32xf32, #tpu.memory_space<hbm>> -> memref<1000000x32xf32, #tpu.memory_space<hbm>>
    tpu.enqueue_indirect_dma source(%dma_start3A_964 : memref<1000000x32xf32, #tpu.memory_space<hbm>>) target(%dma_start3A_958 : memref<50x32xf32, #tpu.memory_space<vmem>>) offsets(%dma_start3A_961 : memref<50xi32, #tpu.memory_space<vmem>>) semaphore(%arg10 : memref<!tpu.dma_semaphore, #tpu.memory_space<semaphore_mem>>)
    %dma_start3A_965 = arith.constant 77 : i32
    %dma_start3A_966 = arith.constant 13 : i32
    %dma_start3A_967 = arith.constant 0 : i32
    %dma_start3A_968 = arith.constant 0 : i32
    %dma_start3A_969 = tpu.memref_slice %arg6[%dma_start3A_966, %dma_start3A_967, %dma_start3A_968] : memref<16x50x32xf32, #tpu.memory_space<vmem>> -> memref<1x50x32xf32, #tpu.memory_space<vmem>>
    %dma_start3A_970 = tpu.memref_squeeze %dma_start3A_969 : memref<1x50x32xf32, #tpu.memory_space<vmem>> -> memref<50x32xf32, #tpu.memory_space<vmem>>
    %dma_start3A_971 = arith.constant 0 : i32
    %dma_start3A_972 = tpu.memref_slice %arg5[%dma_start3A_965, %dma_start3A_971] : memref<512x50xi32, #tpu.memory_space<vmem>> -> memref<1x50xi32, #tpu.memory_space<vmem>>
    %dma_start3A_973 = tpu.memref_squeeze %dma_start3A_972 : memref<1x50xi32, #tpu.memory_space<vmem>> -> memref<50xi32, #tpu.memory_space<vmem>>
    %dma_start3A_974 = arith.constant 0 : i32
    %dma_start3A_975 = arith.constant 0 : i32
    %dma_start3A_976 = tpu.memref_slice %arg2[%dma_start3A_974, %dma_start3A_975] : memref<1000000x32xf32, #tpu.memory_space<hbm>> -> memref<1000000x32xf32, #tpu.memory_space<hbm>>
    tpu.enqueue_indirect_dma source(%dma_start3A_976 : memref<1000000x32xf32, #tpu.memory_space<hbm>>) target(%dma_start3A_970 : memref<50x32xf32, #tpu.memory_space<vmem>>) offsets(%dma_start3A_973 : memref<50xi32, #tpu.memory_space<vmem>>) semaphore(%arg10 : memref<!tpu.dma_semaphore, #tpu.memory_space<semaphore_mem>>)
    %dma_start3A_977 = arith.constant 78 : i32
    %dma_start3A_978 = arith.constant 14 : i32
    %dma_start3A_979 = arith.constant 0 : i32
    %dma_start3A_980 = arith.constant 0 : i32
    %dma_start3A_981 = tpu.memref_slice %arg6[%dma_start3A_978, %dma_start3A_979, %dma_start3A_980] : memref<16x50x32xf32, #tpu.memory_space<vmem>> -> memref<1x50x32xf32, #tpu.memory_space<vmem>>
    %dma_start3A_982 = tpu.memref_squeeze %dma_start3A_981 : memref<1x50x32xf32, #tpu.memory_space<vmem>> -> memref<50x32xf32, #tpu.memory_space<vmem>>
    %dma_start3A_983 = arith.constant 0 : i32
    %dma_start3A_984 = tpu.memref_slice %arg5[%dma_start3A_977, %dma_start3A_983] : memref<512x50xi32, #tpu.memory_space<vmem>> -> memref<1x50xi32, #tpu.memory_space<vmem>>
    %dma_start3A_985 = tpu.memref_squeeze %dma_start3A_984 : memref<1x50xi32, #tpu.memory_space<vmem>> -> memref<50xi32, #tpu.memory_space<vmem>>
    %dma_start3A_986 = arith.constant 0 : i32
    %dma_start3A_987 = arith.constant 0 : i32
    %dma_start3A_988 = tpu.memref_slice %arg2[%dma_start3A_986, %dma_start3A_987] : memref<1000000x32xf32, #tpu.memory_space<hbm>> -> memref<1000000x32xf32, #tpu.memory_space<hbm>>
    tpu.enqueue_indirect_dma source(%dma_start3A_988 : memref<1000000x32xf32, #tpu.memory_space<hbm>>) target(%dma_start3A_982 : memref<50x32xf32, #tpu.memory_space<vmem>>) offsets(%dma_start3A_985 : memref<50xi32, #tpu.memory_space<vmem>>) semaphore(%arg10 : memref<!tpu.dma_semaphore, #tpu.memory_space<semaphore_mem>>)
    %dma_start3A_989 = arith.constant 79 : i32
    %dma_start3A_990 = arith.constant 15 : i32
    %dma_start3A_991 = arith.constant 0 : i32
    %dma_start3A_992 = arith.constant 0 : i32
    %dma_start3A_993 = tpu.memref_slice %arg6[%dma_start3A_990, %dma_start3A_991, %dma_start3A_992] : memref<16x50x32xf32, #tpu.memory_space<vmem>> -> memref<1x50x32xf32, #tpu.memory_space<vmem>>
    %dma_start3A_994 = tpu.memref_squeeze %dma_start3A_993 : memref<1x50x32xf32, #tpu.memory_space<vmem>> -> memref<50x32xf32, #tpu.memory_space<vmem>>
    %dma_start3A_995 = arith.constant 0 : i32
    %dma_start3A_996 = tpu.memref_slice %arg5[%dma_start3A_989, %dma_start3A_995] : memref<512x50xi32, #tpu.memory_space<vmem>> -> memref<1x50xi32, #tpu.memory_space<vmem>>
    %dma_start3A_997 = tpu.memref_squeeze %dma_start3A_996 : memref<1x50xi32, #tpu.memory_space<vmem>> -> memref<50xi32, #tpu.memory_space<vmem>>
    %dma_start3A_998 = arith.constant 0 : i32
    %dma_start3A_999 = arith.constant 0 : i32
    %dma_start3A_1000 = tpu.memref_slice %arg2[%dma_start3A_998, %dma_start3A_999] : memref<1000000x32xf32, #tpu.memory_space<hbm>> -> memref<1000000x32xf32, #tpu.memory_space<hbm>>
    tpu.enqueue_indirect_dma source(%dma_start3A_1000 : memref<1000000x32xf32, #tpu.memory_space<hbm>>) target(%dma_start3A_994 : memref<50x32xf32, #tpu.memory_space<vmem>>) offsets(%dma_start3A_997 : memref<50xi32, #tpu.memory_space<vmem>>) semaphore(%arg10 : memref<!tpu.dma_semaphore, #tpu.memory_space<semaphore_mem>>)
    %dma_wait3A_1001 = arith.constant 0 : i32
    %dma_wait3A_1002 = arith.constant 0 : i32
    %dma_wait3A_1003 = arith.constant 0 : i32
    %dma_wait3A_1004 = tpu.memref_slice %arg4[%dma_wait3A_1001, %dma_wait3A_1002, %dma_wait3A_1003] : memref<16384x56x128xf32, #tpu.memory_space<hbm>> -> memref<16x50x32xf32, #tpu.memory_space<hbm>>
    %dma_wait3A_1005 = arith.constant 0 : i32
    %dma_wait3A_1006 = arith.constant 0 : i32
    %dma_wait3A_1007 = arith.constant 0 : i32
    %dma_wait3A_1008 = tpu.memref_slice %arg4[%dma_wait3A_1005, %dma_wait3A_1006, %dma_wait3A_1007] : memref<16384x56x128xf32, #tpu.memory_space<hbm>> -> memref<16x50x32xf32, #tpu.memory_space<hbm>>
    tpu.wait_dma2 semaphore(%arg12 : memref<!tpu.dma_semaphore, #tpu.memory_space<semaphore_mem>>) src(%dma_wait3A_1008 : memref<16x50x32xf32, #tpu.memory_space<hbm>>) dst(%arg8 : memref<16x50x32xf32, #tpu.memory_space<vmem>>)
    %add3A_1009 = arith.constant 32 : i32
    %add3A_1010 = arith.addi %mul3A_2, %add3A_1009 : i32
    %dma_start3A_1011 = arith.constant 0 : i32
    %dma_start3A_1012 = arith.constant 0 : i32
    %dma_start3A_1013 = tpu.memref_slice %arg4[%add3A_1010, %dma_start3A_1011, %dma_start3A_1012] : memref<16384x56x128xf32, #tpu.memory_space<hbm>> -> memref<16x50x32xf32, #tpu.memory_space<hbm>>
    %dma_start3A_1014 = arith.constant 0 : i32
    %dma_start3A_1015 = arith.constant 0 : i32
    %dma_start3A_1016 = tpu.memref_slice %arg4[%add3A_1010, %dma_start3A_1014, %dma_start3A_1015] : memref<16384x56x128xf32, #tpu.memory_space<hbm>> -> memref<16x50x32xf32, #tpu.memory_space<hbm>>
    tpu.enqueue_dma source(%arg8 : memref<16x50x32xf32, #tpu.memory_space<vmem>>) target(%dma_start3A_1016 : memref<16x50x32xf32, #tpu.memory_space<hbm>>) target_semaphore(%arg16 : memref<!tpu.dma_semaphore, #tpu.memory_space<semaphore_mem>>)
    %dma_wait3A_1017 = arith.constant 0 : i32
    %dma_wait3A_1018 = arith.constant 0 : i32
    %dma_wait3A_1019 = arith.constant 0 : i32
    %dma_wait3A_1020 = tpu.memref_slice %arg4[%dma_wait3A_1017, %dma_wait3A_1018, %dma_wait3A_1019] : memref<16384x56x128xf32, #tpu.memory_space<hbm>> -> memref<16x50x32xf32, #tpu.memory_space<hbm>>
    %dma_wait3A_1021 = arith.constant 0 : i32
    %dma_wait3A_1022 = arith.constant 0 : i32
    %dma_wait3A_1023 = arith.constant 0 : i32
    %dma_wait3A_1024 = tpu.memref_slice %arg4[%dma_wait3A_1021, %dma_wait3A_1022, %dma_wait3A_1023] : memref<16384x56x128xf32, #tpu.memory_space<hbm>> -> memref<16x50x32xf32, #tpu.memory_space<hbm>>
    tpu.wait_dma2 semaphore(%arg15 : memref<!tpu.dma_semaphore, #tpu.memory_space<semaphore_mem>>) src(%arg7 : memref<16x50x32xf32, #tpu.memory_space<vmem>>) dst(%dma_wait3A_1024 : memref<16x50x32xf32, #tpu.memory_space<hbm>>)
    %dma_start3A_1025 = arith.constant 80 : i32
    %dma_start3A_1026 = arith.constant 0 : i32
    %dma_start3A_1027 = arith.constant 0 : i32
    %dma_start3A_1028 = arith.constant 0 : i32
    %dma_start3A_1029 = tpu.memref_slice %arg7[%dma_start3A_1026, %dma_start3A_1027, %dma_start3A_1028] : memref<16x50x32xf32, #tpu.memory_space<vmem>> -> memref<1x50x32xf32, #tpu.memory_space<vmem>>
    %dma_start3A_1030 = tpu.memref_squeeze %dma_start3A_1029 : memref<1x50x32xf32, #tpu.memory_space<vmem>> -> memref<50x32xf32, #tpu.memory_space<vmem>>
    %dma_start3A_1031 = arith.constant 0 : i32
    %dma_start3A_1032 = tpu.memref_slice %arg5[%dma_start3A_1025, %dma_start3A_1031] : memref<512x50xi32, #tpu.memory_space<vmem>> -> memref<1x50xi32, #tpu.memory_space<vmem>>
    %dma_start3A_1033 = tpu.memref_squeeze %dma_start3A_1032 : memref<1x50xi32, #tpu.memory_space<vmem>> -> memref<50xi32, #tpu.memory_space<vmem>>
    %dma_start3A_1034 = arith.constant 0 : i32
    %dma_start3A_1035 = arith.constant 0 : i32
    %dma_start3A_1036 = tpu.memref_slice %arg2[%dma_start3A_1034, %dma_start3A_1035] : memref<1000000x32xf32, #tpu.memory_space<hbm>> -> memref<1000000x32xf32, #tpu.memory_space<hbm>>
    tpu.enqueue_indirect_dma source(%dma_start3A_1036 : memref<1000000x32xf32, #tpu.memory_space<hbm>>) target(%dma_start3A_1030 : memref<50x32xf32, #tpu.memory_space<vmem>>) offsets(%dma_start3A_1033 : memref<50xi32, #tpu.memory_space<vmem>>) semaphore(%arg11 : memref<!tpu.dma_semaphore, #tpu.memory_space<semaphore_mem>>)
    %dma_start3A_1037 = arith.constant 81 : i32
    %dma_start3A_1038 = arith.constant 1 : i32
    %dma_start3A_1039 = arith.constant 0 : i32
    %dma_start3A_1040 = arith.constant 0 : i32
    %dma_start3A_1041 = tpu.memref_slice %arg7[%dma_start3A_1038, %dma_start3A_1039, %dma_start3A_1040] : memref<16x50x32xf32, #tpu.memory_space<vmem>> -> memref<1x50x32xf32, #tpu.memory_space<vmem>>
    %dma_start3A_1042 = tpu.memref_squeeze %dma_start3A_1041 : memref<1x50x32xf32, #tpu.memory_space<vmem>> -> memref<50x32xf32, #tpu.memory_space<vmem>>
    %dma_start3A_1043 = arith.constant 0 : i32
    %dma_start3A_1044 = tpu.memref_slice %arg5[%dma_start3A_1037, %dma_start3A_1043] : memref<512x50xi32, #tpu.memory_space<vmem>> -> memref<1x50xi32, #tpu.memory_space<vmem>>
    %dma_start3A_1045 = tpu.memref_squeeze %dma_start3A_1044 : memref<1x50xi32, #tpu.memory_space<vmem>> -> memref<50xi32, #tpu.memory_space<vmem>>
    %dma_start3A_1046 = arith.constant 0 : i32
    %dma_start3A_1047 = arith.constant 0 : i32
    %dma_start3A_1048 = tpu.memref_slice %arg2[%dma_start3A_1046, %dma_start3A_1047] : memref<1000000x32xf32, #tpu.memory_space<hbm>> -> memref<1000000x32xf32, #tpu.memory_space<hbm>>
    tpu.enqueue_indirect_dma source(%dma_start3A_1048 : memref<1000000x32xf32, #tpu.memory_space<hbm>>) target(%dma_start3A_1042 : memref<50x32xf32, #tpu.memory_space<vmem>>) offsets(%dma_start3A_1045 : memref<50xi32, #tpu.memory_space<vmem>>) semaphore(%arg11 : memref<!tpu.dma_semaphore, #tpu.memory_space<semaphore_mem>>)
    %dma_start3A_1049 = arith.constant 82 : i32
    %dma_start3A_1050 = arith.constant 2 : i32
    %dma_start3A_1051 = arith.constant 0 : i32
    %dma_start3A_1052 = arith.constant 0 : i32
    %dma_start3A_1053 = tpu.memref_slice %arg7[%dma_start3A_1050, %dma_start3A_1051, %dma_start3A_1052] : memref<16x50x32xf32, #tpu.memory_space<vmem>> -> memref<1x50x32xf32, #tpu.memory_space<vmem>>
    %dma_start3A_1054 = tpu.memref_squeeze %dma_start3A_1053 : memref<1x50x32xf32, #tpu.memory_space<vmem>> -> memref<50x32xf32, #tpu.memory_space<vmem>>
    %dma_start3A_1055 = arith.constant 0 : i32
    %dma_start3A_1056 = tpu.memref_slice %arg5[%dma_start3A_1049, %dma_start3A_1055] : memref<512x50xi32, #tpu.memory_space<vmem>> -> memref<1x50xi32, #tpu.memory_space<vmem>>
    %dma_start3A_1057 = tpu.memref_squeeze %dma_start3A_1056 : memref<1x50xi32, #tpu.memory_space<vmem>> -> memref<50xi32, #tpu.memory_space<vmem>>
    %dma_start3A_1058 = arith.constant 0 : i32
    %dma_start3A_1059 = arith.constant 0 : i32
    %dma_start3A_1060 = tpu.memref_slice %arg2[%dma_start3A_1058, %dma_start3A_1059] : memref<1000000x32xf32, #tpu.memory_space<hbm>> -> memref<1000000x32xf32, #tpu.memory_space<hbm>>
    tpu.enqueue_indirect_dma source(%dma_start3A_1060 : memref<1000000x32xf32, #tpu.memory_space<hbm>>) target(%dma_start3A_1054 : memref<50x32xf32, #tpu.memory_space<vmem>>) offsets(%dma_start3A_1057 : memref<50xi32, #tpu.memory_space<vmem>>) semaphore(%arg11 : memref<!tpu.dma_semaphore, #tpu.memory_space<semaphore_mem>>)
    %dma_start3A_1061 = arith.constant 83 : i32
    %dma_start3A_1062 = arith.constant 3 : i32
    %dma_start3A_1063 = arith.constant 0 : i32
    %dma_start3A_1064 = arith.constant 0 : i32
    %dma_start3A_1065 = tpu.memref_slice %arg7[%dma_start3A_1062, %dma_start3A_1063, %dma_start3A_1064] : memref<16x50x32xf32, #tpu.memory_space<vmem>> -> memref<1x50x32xf32, #tpu.memory_space<vmem>>
    %dma_start3A_1066 = tpu.memref_squeeze %dma_start3A_1065 : memref<1x50x32xf32, #tpu.memory_space<vmem>> -> memref<50x32xf32, #tpu.memory_space<vmem>>
    %dma_start3A_1067 = arith.constant 0 : i32
    %dma_start3A_1068 = tpu.memref_slice %arg5[%dma_start3A_1061, %dma_start3A_1067] : memref<512x50xi32, #tpu.memory_space<vmem>> -> memref<1x50xi32, #tpu.memory_space<vmem>>
    %dma_start3A_1069 = tpu.memref_squeeze %dma_start3A_1068 : memref<1x50xi32, #tpu.memory_space<vmem>> -> memref<50xi32, #tpu.memory_space<vmem>>
    %dma_start3A_1070 = arith.constant 0 : i32
    %dma_start3A_1071 = arith.constant 0 : i32
    %dma_start3A_1072 = tpu.memref_slice %arg2[%dma_start3A_1070, %dma_start3A_1071] : memref<1000000x32xf32, #tpu.memory_space<hbm>> -> memref<1000000x32xf32, #tpu.memory_space<hbm>>
    tpu.enqueue_indirect_dma source(%dma_start3A_1072 : memref<1000000x32xf32, #tpu.memory_space<hbm>>) target(%dma_start3A_1066 : memref<50x32xf32, #tpu.memory_space<vmem>>) offsets(%dma_start3A_1069 : memref<50xi32, #tpu.memory_space<vmem>>) semaphore(%arg11 : memref<!tpu.dma_semaphore, #tpu.memory_space<semaphore_mem>>)
    %dma_start3A_1073 = arith.constant 84 : i32
    %dma_start3A_1074 = arith.constant 4 : i32
    %dma_start3A_1075 = arith.constant 0 : i32
    %dma_start3A_1076 = arith.constant 0 : i32
    %dma_start3A_1077 = tpu.memref_slice %arg7[%dma_start3A_1074, %dma_start3A_1075, %dma_start3A_1076] : memref<16x50x32xf32, #tpu.memory_space<vmem>> -> memref<1x50x32xf32, #tpu.memory_space<vmem>>
    %dma_start3A_1078 = tpu.memref_squeeze %dma_start3A_1077 : memref<1x50x32xf32, #tpu.memory_space<vmem>> -> memref<50x32xf32, #tpu.memory_space<vmem>>
    %dma_start3A_1079 = arith.constant 0 : i32
    %dma_start3A_1080 = tpu.memref_slice %arg5[%dma_start3A_1073, %dma_start3A_1079] : memref<512x50xi32, #tpu.memory_space<vmem>> -> memref<1x50xi32, #tpu.memory_space<vmem>>
    %dma_start3A_1081 = tpu.memref_squeeze %dma_start3A_1080 : memref<1x50xi32, #tpu.memory_space<vmem>> -> memref<50xi32, #tpu.memory_space<vmem>>
    %dma_start3A_1082 = arith.constant 0 : i32
    %dma_start3A_1083 = arith.constant 0 : i32
    %dma_start3A_1084 = tpu.memref_slice %arg2[%dma_start3A_1082, %dma_start3A_1083] : memref<1000000x32xf32, #tpu.memory_space<hbm>> -> memref<1000000x32xf32, #tpu.memory_space<hbm>>
    tpu.enqueue_indirect_dma source(%dma_start3A_1084 : memref<1000000x32xf32, #tpu.memory_space<hbm>>) target(%dma_start3A_1078 : memref<50x32xf32, #tpu.memory_space<vmem>>) offsets(%dma_start3A_1081 : memref<50xi32, #tpu.memory_space<vmem>>) semaphore(%arg11 : memref<!tpu.dma_semaphore, #tpu.memory_space<semaphore_mem>>)
    %dma_start3A_1085 = arith.constant 85 : i32
    %dma_start3A_1086 = arith.constant 5 : i32
    %dma_start3A_1087 = arith.constant 0 : i32
    %dma_start3A_1088 = arith.constant 0 : i32
    %dma_start3A_1089 = tpu.memref_slice %arg7[%dma_start3A_1086, %dma_start3A_1087, %dma_start3A_1088] : memref<16x50x32xf32, #tpu.memory_space<vmem>> -> memref<1x50x32xf32, #tpu.memory_space<vmem>>
    %dma_start3A_1090 = tpu.memref_squeeze %dma_start3A_1089 : memref<1x50x32xf32, #tpu.memory_space<vmem>> -> memref<50x32xf32, #tpu.memory_space<vmem>>
    %dma_start3A_1091 = arith.constant 0 : i32
    %dma_start3A_1092 = tpu.memref_slice %arg5[%dma_start3A_1085, %dma_start3A_1091] : memref<512x50xi32, #tpu.memory_space<vmem>> -> memref<1x50xi32, #tpu.memory_space<vmem>>
    %dma_start3A_1093 = tpu.memref_squeeze %dma_start3A_1092 : memref<1x50xi32, #tpu.memory_space<vmem>> -> memref<50xi32, #tpu.memory_space<vmem>>
    %dma_start3A_1094 = arith.constant 0 : i32
    %dma_start3A_1095 = arith.constant 0 : i32
    %dma_start3A_1096 = tpu.memref_slice %arg2[%dma_start3A_1094, %dma_start3A_1095] : memref<1000000x32xf32, #tpu.memory_space<hbm>> -> memref<1000000x32xf32, #tpu.memory_space<hbm>>
    tpu.enqueue_indirect_dma source(%dma_start3A_1096 : memref<1000000x32xf32, #tpu.memory_space<hbm>>) target(%dma_start3A_1090 : memref<50x32xf32, #tpu.memory_space<vmem>>) offsets(%dma_start3A_1093 : memref<50xi32, #tpu.memory_space<vmem>>) semaphore(%arg11 : memref<!tpu.dma_semaphore, #tpu.memory_space<semaphore_mem>>)
    %dma_start3A_1097 = arith.constant 86 : i32
    %dma_start3A_1098 = arith.constant 6 : i32
    %dma_start3A_1099 = arith.constant 0 : i32
    %dma_start3A_1100 = arith.constant 0 : i32
    %dma_start3A_1101 = tpu.memref_slice %arg7[%dma_start3A_1098, %dma_start3A_1099, %dma_start3A_1100] : memref<16x50x32xf32, #tpu.memory_space<vmem>> -> memref<1x50x32xf32, #tpu.memory_space<vmem>>
    %dma_start3A_1102 = tpu.memref_squeeze %dma_start3A_1101 : memref<1x50x32xf32, #tpu.memory_space<vmem>> -> memref<50x32xf32, #tpu.memory_space<vmem>>
    %dma_start3A_1103 = arith.constant 0 : i32
    %dma_start3A_1104 = tpu.memref_slice %arg5[%dma_start3A_1097, %dma_start3A_1103] : memref<512x50xi32, #tpu.memory_space<vmem>> -> memref<1x50xi32, #tpu.memory_space<vmem>>
    %dma_start3A_1105 = tpu.memref_squeeze %dma_start3A_1104 : memref<1x50xi32, #tpu.memory_space<vmem>> -> memref<50xi32, #tpu.memory_space<vmem>>
    %dma_start3A_1106 = arith.constant 0 : i32
    %dma_start3A_1107 = arith.constant 0 : i32
    %dma_start3A_1108 = tpu.memref_slice %arg2[%dma_start3A_1106, %dma_start3A_1107] : memref<1000000x32xf32, #tpu.memory_space<hbm>> -> memref<1000000x32xf32, #tpu.memory_space<hbm>>
    tpu.enqueue_indirect_dma source(%dma_start3A_1108 : memref<1000000x32xf32, #tpu.memory_space<hbm>>) target(%dma_start3A_1102 : memref<50x32xf32, #tpu.memory_space<vmem>>) offsets(%dma_start3A_1105 : memref<50xi32, #tpu.memory_space<vmem>>) semaphore(%arg11 : memref<!tpu.dma_semaphore, #tpu.memory_space<semaphore_mem>>)
    %dma_start3A_1109 = arith.constant 87 : i32
    %dma_start3A_1110 = arith.constant 7 : i32
    %dma_start3A_1111 = arith.constant 0 : i32
    %dma_start3A_1112 = arith.constant 0 : i32
    %dma_start3A_1113 = tpu.memref_slice %arg7[%dma_start3A_1110, %dma_start3A_1111, %dma_start3A_1112] : memref<16x50x32xf32, #tpu.memory_space<vmem>> -> memref<1x50x32xf32, #tpu.memory_space<vmem>>
    %dma_start3A_1114 = tpu.memref_squeeze %dma_start3A_1113 : memref<1x50x32xf32, #tpu.memory_space<vmem>> -> memref<50x32xf32, #tpu.memory_space<vmem>>
    %dma_start3A_1115 = arith.constant 0 : i32
    %dma_start3A_1116 = tpu.memref_slice %arg5[%dma_start3A_1109, %dma_start3A_1115] : memref<512x50xi32, #tpu.memory_space<vmem>> -> memref<1x50xi32, #tpu.memory_space<vmem>>
    %dma_start3A_1117 = tpu.memref_squeeze %dma_start3A_1116 : memref<1x50xi32, #tpu.memory_space<vmem>> -> memref<50xi32, #tpu.memory_space<vmem>>
    %dma_start3A_1118 = arith.constant 0 : i32
    %dma_start3A_1119 = arith.constant 0 : i32
    %dma_start3A_1120 = tpu.memref_slice %arg2[%dma_start3A_1118, %dma_start3A_1119] : memref<1000000x32xf32, #tpu.memory_space<hbm>> -> memref<1000000x32xf32, #tpu.memory_space<hbm>>
    tpu.enqueue_indirect_dma source(%dma_start3A_1120 : memref<1000000x32xf32, #tpu.memory_space<hbm>>) target(%dma_start3A_1114 : memref<50x32xf32, #tpu.memory_space<vmem>>) offsets(%dma_start3A_1117 : memref<50xi32, #tpu.memory_space<vmem>>) semaphore(%arg11 : memref<!tpu.dma_semaphore, #tpu.memory_space<semaphore_mem>>)
    %dma_start3A_1121 = arith.constant 88 : i32
    %dma_start3A_1122 = arith.constant 8 : i32
    %dma_start3A_1123 = arith.constant 0 : i32
    %dma_start3A_1124 = arith.constant 0 : i32
    %dma_start3A_1125 = tpu.memref_slice %arg7[%dma_start3A_1122, %dma_start3A_1123, %dma_start3A_1124] : memref<16x50x32xf32, #tpu.memory_space<vmem>> -> memref<1x50x32xf32, #tpu.memory_space<vmem>>
    %dma_start3A_1126 = tpu.memref_squeeze %dma_start3A_1125 : memref<1x50x32xf32, #tpu.memory_space<vmem>> -> memref<50x32xf32, #tpu.memory_space<vmem>>
    %dma_start3A_1127 = arith.constant 0 : i32
    %dma_start3A_1128 = tpu.memref_slice %arg5[%dma_start3A_1121, %dma_start3A_1127] : memref<512x50xi32, #tpu.memory_space<vmem>> -> memref<1x50xi32, #tpu.memory_space<vmem>>
    %dma_start3A_1129 = tpu.memref_squeeze %dma_start3A_1128 : memref<1x50xi32, #tpu.memory_space<vmem>> -> memref<50xi32, #tpu.memory_space<vmem>>
    %dma_start3A_1130 = arith.constant 0 : i32
    %dma_start3A_1131 = arith.constant 0 : i32
    %dma_start3A_1132 = tpu.memref_slice %arg2[%dma_start3A_1130, %dma_start3A_1131] : memref<1000000x32xf32, #tpu.memory_space<hbm>> -> memref<1000000x32xf32, #tpu.memory_space<hbm>>
    tpu.enqueue_indirect_dma source(%dma_start3A_1132 : memref<1000000x32xf32, #tpu.memory_space<hbm>>) target(%dma_start3A_1126 : memref<50x32xf32, #tpu.memory_space<vmem>>) offsets(%dma_start3A_1129 : memref<50xi32, #tpu.memory_space<vmem>>) semaphore(%arg11 : memref<!tpu.dma_semaphore, #tpu.memory_space<semaphore_mem>>)
    %dma_start3A_1133 = arith.constant 89 : i32
    %dma_start3A_1134 = arith.constant 9 : i32
    %dma_start3A_1135 = arith.constant 0 : i32
    %dma_start3A_1136 = arith.constant 0 : i32
    %dma_start3A_1137 = tpu.memref_slice %arg7[%dma_start3A_1134, %dma_start3A_1135, %dma_start3A_1136] : memref<16x50x32xf32, #tpu.memory_space<vmem>> -> memref<1x50x32xf32, #tpu.memory_space<vmem>>
    %dma_start3A_1138 = tpu.memref_squeeze %dma_start3A_1137 : memref<1x50x32xf32, #tpu.memory_space<vmem>> -> memref<50x32xf32, #tpu.memory_space<vmem>>
    %dma_start3A_1139 = arith.constant 0 : i32
    %dma_start3A_1140 = tpu.memref_slice %arg5[%dma_start3A_1133, %dma_start3A_1139] : memref<512x50xi32, #tpu.memory_space<vmem>> -> memref<1x50xi32, #tpu.memory_space<vmem>>
    %dma_start3A_1141 = tpu.memref_squeeze %dma_start3A_1140 : memref<1x50xi32, #tpu.memory_space<vmem>> -> memref<50xi32, #tpu.memory_space<vmem>>
    %dma_start3A_1142 = arith.constant 0 : i32
    %dma_start3A_1143 = arith.constant 0 : i32
    %dma_start3A_1144 = tpu.memref_slice %arg2[%dma_start3A_1142, %dma_start3A_1143] : memref<1000000x32xf32, #tpu.memory_space<hbm>> -> memref<1000000x32xf32, #tpu.memory_space<hbm>>
    tpu.enqueue_indirect_dma source(%dma_start3A_1144 : memref<1000000x32xf32, #tpu.memory_space<hbm>>) target(%dma_start3A_1138 : memref<50x32xf32, #tpu.memory_space<vmem>>) offsets(%dma_start3A_1141 : memref<50xi32, #tpu.memory_space<vmem>>) semaphore(%arg11 : memref<!tpu.dma_semaphore, #tpu.memory_space<semaphore_mem>>)
    %dma_start3A_1145 = arith.constant 90 : i32
    %dma_start3A_1146 = arith.constant 10 : i32
    %dma_start3A_1147 = arith.constant 0 : i32
    %dma_start3A_1148 = arith.constant 0 : i32
    %dma_start3A_1149 = tpu.memref_slice %arg7[%dma_start3A_1146, %dma_start3A_1147, %dma_start3A_1148] : memref<16x50x32xf32, #tpu.memory_space<vmem>> -> memref<1x50x32xf32, #tpu.memory_space<vmem>>
    %dma_start3A_1150 = tpu.memref_squeeze %dma_start3A_1149 : memref<1x50x32xf32, #tpu.memory_space<vmem>> -> memref<50x32xf32, #tpu.memory_space<vmem>>
    %dma_start3A_1151 = arith.constant 0 : i32
    %dma_start3A_1152 = tpu.memref_slice %arg5[%dma_start3A_1145, %dma_start3A_1151] : memref<512x50xi32, #tpu.memory_space<vmem>> -> memref<1x50xi32, #tpu.memory_space<vmem>>
    %dma_start3A_1153 = tpu.memref_squeeze %dma_start3A_1152 : memref<1x50xi32, #tpu.memory_space<vmem>> -> memref<50xi32, #tpu.memory_space<vmem>>
    %dma_start3A_1154 = arith.constant 0 : i32
    %dma_start3A_1155 = arith.constant 0 : i32
    %dma_start3A_1156 = tpu.memref_slice %arg2[%dma_start3A_1154, %dma_start3A_1155] : memref<1000000x32xf32, #tpu.memory_space<hbm>> -> memref<1000000x32xf32, #tpu.memory_space<hbm>>
    tpu.enqueue_indirect_dma source(%dma_start3A_1156 : memref<1000000x32xf32, #tpu.memory_space<hbm>>) target(%dma_start3A_1150 : memref<50x32xf32, #tpu.memory_space<vmem>>) offsets(%dma_start3A_1153 : memref<50xi32, #tpu.memory_space<vmem>>) semaphore(%arg11 : memref<!tpu.dma_semaphore, #tpu.memory_space<semaphore_mem>>)
    %dma_start3A_1157 = arith.constant 91 : i32
    %dma_start3A_1158 = arith.constant 11 : i32
    %dma_start3A_1159 = arith.constant 0 : i32
    %dma_start3A_1160 = arith.constant 0 : i32
    %dma_start3A_1161 = tpu.memref_slice %arg7[%dma_start3A_1158, %dma_start3A_1159, %dma_start3A_1160] : memref<16x50x32xf32, #tpu.memory_space<vmem>> -> memref<1x50x32xf32, #tpu.memory_space<vmem>>
    %dma_start3A_1162 = tpu.memref_squeeze %dma_start3A_1161 : memref<1x50x32xf32, #tpu.memory_space<vmem>> -> memref<50x32xf32, #tpu.memory_space<vmem>>
    %dma_start3A_1163 = arith.constant 0 : i32
    %dma_start3A_1164 = tpu.memref_slice %arg5[%dma_start3A_1157, %dma_start3A_1163] : memref<512x50xi32, #tpu.memory_space<vmem>> -> memref<1x50xi32, #tpu.memory_space<vmem>>
    %dma_start3A_1165 = tpu.memref_squeeze %dma_start3A_1164 : memref<1x50xi32, #tpu.memory_space<vmem>> -> memref<50xi32, #tpu.memory_space<vmem>>
    %dma_start3A_1166 = arith.constant 0 : i32
    %dma_start3A_1167 = arith.constant 0 : i32
    %dma_start3A_1168 = tpu.memref_slice %arg2[%dma_start3A_1166, %dma_start3A_1167] : memref<1000000x32xf32, #tpu.memory_space<hbm>> -> memref<1000000x32xf32, #tpu.memory_space<hbm>>
    tpu.enqueue_indirect_dma source(%dma_start3A_1168 : memref<1000000x32xf32, #tpu.memory_space<hbm>>) target(%dma_start3A_1162 : memref<50x32xf32, #tpu.memory_space<vmem>>) offsets(%dma_start3A_1165 : memref<50xi32, #tpu.memory_space<vmem>>) semaphore(%arg11 : memref<!tpu.dma_semaphore, #tpu.memory_space<semaphore_mem>>)
    %dma_start3A_1169 = arith.constant 92 : i32
    %dma_start3A_1170 = arith.constant 12 : i32
    %dma_start3A_1171 = arith.constant 0 : i32
    %dma_start3A_1172 = arith.constant 0 : i32
    %dma_start3A_1173 = tpu.memref_slice %arg7[%dma_start3A_1170, %dma_start3A_1171, %dma_start3A_1172] : memref<16x50x32xf32, #tpu.memory_space<vmem>> -> memref<1x50x32xf32, #tpu.memory_space<vmem>>
    %dma_start3A_1174 = tpu.memref_squeeze %dma_start3A_1173 : memref<1x50x32xf32, #tpu.memory_space<vmem>> -> memref<50x32xf32, #tpu.memory_space<vmem>>
    %dma_start3A_1175 = arith.constant 0 : i32
    %dma_start3A_1176 = tpu.memref_slice %arg5[%dma_start3A_1169, %dma_start3A_1175] : memref<512x50xi32, #tpu.memory_space<vmem>> -> memref<1x50xi32, #tpu.memory_space<vmem>>
    %dma_start3A_1177 = tpu.memref_squeeze %dma_start3A_1176 : memref<1x50xi32, #tpu.memory_space<vmem>> -> memref<50xi32, #tpu.memory_space<vmem>>
    %dma_start3A_1178 = arith.constant 0 : i32
    %dma_start3A_1179 = arith.constant 0 : i32
    %dma_start3A_1180 = tpu.memref_slice %arg2[%dma_start3A_1178, %dma_start3A_1179] : memref<1000000x32xf32, #tpu.memory_space<hbm>> -> memref<1000000x32xf32, #tpu.memory_space<hbm>>
    tpu.enqueue_indirect_dma source(%dma_start3A_1180 : memref<1000000x32xf32, #tpu.memory_space<hbm>>) target(%dma_start3A_1174 : memref<50x32xf32, #tpu.memory_space<vmem>>) offsets(%dma_start3A_1177 : memref<50xi32, #tpu.memory_space<vmem>>) semaphore(%arg11 : memref<!tpu.dma_semaphore, #tpu.memory_space<semaphore_mem>>)
    %dma_start3A_1181 = arith.constant 93 : i32
    %dma_start3A_1182 = arith.constant 13 : i32
    %dma_start3A_1183 = arith.constant 0 : i32
    %dma_start3A_1184 = arith.constant 0 : i32
    %dma_start3A_1185 = tpu.memref_slice %arg7[%dma_start3A_1182, %dma_start3A_1183, %dma_start3A_1184] : memref<16x50x32xf32, #tpu.memory_space<vmem>> -> memref<1x50x32xf32, #tpu.memory_space<vmem>>
    %dma_start3A_1186 = tpu.memref_squeeze %dma_start3A_1185 : memref<1x50x32xf32, #tpu.memory_space<vmem>> -> memref<50x32xf32, #tpu.memory_space<vmem>>
    %dma_start3A_1187 = arith.constant 0 : i32
    %dma_start3A_1188 = tpu.memref_slice %arg5[%dma_start3A_1181, %dma_start3A_1187] : memref<512x50xi32, #tpu.memory_space<vmem>> -> memref<1x50xi32, #tpu.memory_space<vmem>>
    %dma_start3A_1189 = tpu.memref_squeeze %dma_start3A_1188 : memref<1x50xi32, #tpu.memory_space<vmem>> -> memref<50xi32, #tpu.memory_space<vmem>>
    %dma_start3A_1190 = arith.constant 0 : i32
    %dma_start3A_1191 = arith.constant 0 : i32
    %dma_start3A_1192 = tpu.memref_slice %arg2[%dma_start3A_1190, %dma_start3A_1191] : memref<1000000x32xf32, #tpu.memory_space<hbm>> -> memref<1000000x32xf32, #tpu.memory_space<hbm>>
    tpu.enqueue_indirect_dma source(%dma_start3A_1192 : memref<1000000x32xf32, #tpu.memory_space<hbm>>) target(%dma_start3A_1186 : memref<50x32xf32, #tpu.memory_space<vmem>>) offsets(%dma_start3A_1189 : memref<50xi32, #tpu.memory_space<vmem>>) semaphore(%arg11 : memref<!tpu.dma_semaphore, #tpu.memory_space<semaphore_mem>>)
    %dma_start3A_1193 = arith.constant 94 : i32
    %dma_start3A_1194 = arith.constant 14 : i32
    %dma_start3A_1195 = arith.constant 0 : i32
    %dma_start3A_1196 = arith.constant 0 : i32
    %dma_start3A_1197 = tpu.memref_slice %arg7[%dma_start3A_1194, %dma_start3A_1195, %dma_start3A_1196] : memref<16x50x32xf32, #tpu.memory_space<vmem>> -> memref<1x50x32xf32, #tpu.memory_space<vmem>>
    %dma_start3A_1198 = tpu.memref_squeeze %dma_start3A_1197 : memref<1x50x32xf32, #tpu.memory_space<vmem>> -> memref<50x32xf32, #tpu.memory_space<vmem>>
    %dma_start3A_1199 = arith.constant 0 : i32
    %dma_start3A_1200 = tpu.memref_slice %arg5[%dma_start3A_1193, %dma_start3A_1199] : memref<512x50xi32, #tpu.memory_space<vmem>> -> memref<1x50xi32, #tpu.memory_space<vmem>>
    %dma_start3A_1201 = tpu.memref_squeeze %dma_start3A_1200 : memref<1x50xi32, #tpu.memory_space<vmem>> -> memref<50xi32, #tpu.memory_space<vmem>>
    %dma_start3A_1202 = arith.constant 0 : i32
    %dma_start3A_1203 = arith.constant 0 : i32
    %dma_start3A_1204 = tpu.memref_slice %arg2[%dma_start3A_1202, %dma_start3A_1203] : memref<1000000x32xf32, #tpu.memory_space<hbm>> -> memref<1000000x32xf32, #tpu.memory_space<hbm>>
    tpu.enqueue_indirect_dma source(%dma_start3A_1204 : memref<1000000x32xf32, #tpu.memory_space<hbm>>) target(%dma_start3A_1198 : memref<50x32xf32, #tpu.memory_space<vmem>>) offsets(%dma_start3A_1201 : memref<50xi32, #tpu.memory_space<vmem>>) semaphore(%arg11 : memref<!tpu.dma_semaphore, #tpu.memory_space<semaphore_mem>>)
    %dma_start3A_1205 = arith.constant 95 : i32
    %dma_start3A_1206 = arith.constant 15 : i32
    %dma_start3A_1207 = arith.constant 0 : i32
    %dma_start3A_1208 = arith.constant 0 : i32
    %dma_start3A_1209 = tpu.memref_slice %arg7[%dma_start3A_1206, %dma_start3A_1207, %dma_start3A_1208] : memref<16x50x32xf32, #tpu.memory_space<vmem>> -> memref<1x50x32xf32, #tpu.memory_space<vmem>>
    %dma_start3A_1210 = tpu.memref_squeeze %dma_start3A_1209 : memref<1x50x32xf32, #tpu.memory_space<vmem>> -> memref<50x32xf32, #tpu.memory_space<vmem>>
    %dma_start3A_1211 = arith.constant 0 : i32
    %dma_start3A_1212 = tpu.memref_slice %arg5[%dma_start3A_1205, %dma_start3A_1211] : memref<512x50xi32, #tpu.memory_space<vmem>> -> memref<1x50xi32, #tpu.memory_space<vmem>>
    %dma_start3A_1213 = tpu.memref_squeeze %dma_start3A_1212 : memref<1x50xi32, #tpu.memory_space<vmem>> -> memref<50xi32, #tpu.memory_space<vmem>>
    %dma_start3A_1214 = arith.constant 0 : i32
    %dma_start3A_1215 = arith.constant 0 : i32
    %dma_start3A_1216 = tpu.memref_slice %arg2[%dma_start3A_1214, %dma_start3A_1215] : memref<1000000x32xf32, #tpu.memory_space<hbm>> -> memref<1000000x32xf32, #tpu.memory_space<hbm>>
    tpu.enqueue_indirect_dma source(%dma_start3A_1216 : memref<1000000x32xf32, #tpu.memory_space<hbm>>) target(%dma_start3A_1210 : memref<50x32xf32, #tpu.memory_space<vmem>>) offsets(%dma_start3A_1213 : memref<50xi32, #tpu.memory_space<vmem>>) semaphore(%arg11 : memref<!tpu.dma_semaphore, #tpu.memory_space<semaphore_mem>>)
    %dma_wait3A_1217 = arith.constant 0 : i32
    %dma_wait3A_1218 = arith.constant 0 : i32
    %dma_wait3A_1219 = arith.constant 0 : i32
    %dma_wait3A_1220 = tpu.memref_slice %arg4[%dma_wait3A_1217, %dma_wait3A_1218, %dma_wait3A_1219] : memref<16384x56x128xf32, #tpu.memory_space<hbm>> -> memref<16x50x32xf32, #tpu.memory_space<hbm>>
    %dma_wait3A_1221 = arith.constant 0 : i32
    %dma_wait3A_1222 = arith.constant 0 : i32
    %dma_wait3A_1223 = arith.constant 0 : i32
    %dma_wait3A_1224 = tpu.memref_slice %arg4[%dma_wait3A_1221, %dma_wait3A_1222, %dma_wait3A_1223] : memref<16384x56x128xf32, #tpu.memory_space<hbm>> -> memref<16x50x32xf32, #tpu.memory_space<hbm>>
    tpu.wait_dma2 semaphore(%arg13 : memref<!tpu.dma_semaphore, #tpu.memory_space<semaphore_mem>>) src(%dma_wait3A_1224 : memref<16x50x32xf32, #tpu.memory_space<hbm>>) dst(%arg9 : memref<16x50x32xf32, #tpu.memory_space<vmem>>)
    %add3A_1225 = arith.constant 48 : i32
    %add3A_1226 = arith.addi %mul3A_2, %add3A_1225 : i32
    %dma_start3A_1227 = arith.constant 0 : i32
    %dma_start3A_1228 = arith.constant 0 : i32
    %dma_start3A_1229 = tpu.memref_slice %arg4[%add3A_1226, %dma_start3A_1227, %dma_start3A_1228] : memref<16384x56x128xf32, #tpu.memory_space<hbm>> -> memref<16x50x32xf32, #tpu.memory_space<hbm>>
    %dma_start3A_1230 = arith.constant 0 : i32
    %dma_start3A_1231 = arith.constant 0 : i32
    %dma_start3A_1232 = tpu.memref_slice %arg4[%add3A_1226, %dma_start3A_1230, %dma_start3A_1231] : memref<16384x56x128xf32, #tpu.memory_space<hbm>> -> memref<16x50x32xf32, #tpu.memory_space<hbm>>
    tpu.enqueue_dma source(%arg9 : memref<16x50x32xf32, #tpu.memory_space<vmem>>) target(%dma_start3A_1232 : memref<16x50x32xf32, #tpu.memory_space<hbm>>) target_semaphore(%arg17 : memref<!tpu.dma_semaphore, #tpu.memory_space<semaphore_mem>>)
    %dma_wait3A_1233 = arith.constant 0 : i32
    %dma_wait3A_1234 = arith.constant 0 : i32
    %dma_wait3A_1235 = arith.constant 0 : i32
    %dma_wait3A_1236 = tpu.memref_slice %arg4[%dma_wait3A_1233, %dma_wait3A_1234, %dma_wait3A_1235] : memref<16384x56x128xf32, #tpu.memory_space<hbm>> -> memref<16x50x32xf32, #tpu.memory_space<hbm>>
    %dma_wait3A_1237 = arith.constant 0 : i32
    %dma_wait3A_1238 = arith.constant 0 : i32
    %dma_wait3A_1239 = arith.constant 0 : i32
    %dma_wait3A_1240 = tpu.memref_slice %arg4[%dma_wait3A_1237, %dma_wait3A_1238, %dma_wait3A_1239] : memref<16384x56x128xf32, #tpu.memory_space<hbm>> -> memref<16x50x32xf32, #tpu.memory_space<hbm>>
    tpu.wait_dma2 semaphore(%arg16 : memref<!tpu.dma_semaphore, #tpu.memory_space<semaphore_mem>>) src(%arg8 : memref<16x50x32xf32, #tpu.memory_space<vmem>>) dst(%dma_wait3A_1240 : memref<16x50x32xf32, #tpu.memory_space<hbm>>)
    %dma_start3A_1241 = arith.constant 96 : i32
    %dma_start3A_1242 = arith.constant 0 : i32
    %dma_start3A_1243 = arith.constant 0 : i32
    %dma_start3A_1244 = arith.constant 0 : i32
    %dma_start3A_1245 = tpu.memref_slice %arg8[%dma_start3A_1242, %dma_start3A_1243, %dma_start3A_1244] : memref<16x50x32xf32, #tpu.memory_space<vmem>> -> memref<1x50x32xf32, #tpu.memory_space<vmem>>
    %dma_start3A_1246 = tpu.memref_squeeze %dma_start3A_1245 : memref<1x50x32xf32, #tpu.memory_space<vmem>> -> memref<50x32xf32, #tpu.memory_space<vmem>>
    %dma_start3A_1247 = arith.constant 0 : i32
    %dma_start3A_1248 = tpu.memref_slice %arg5[%dma_start3A_1241, %dma_start3A_1247] : memref<512x50xi32, #tpu.memory_space<vmem>> -> memref<1x50xi32, #tpu.memory_space<vmem>>
    %dma_start3A_1249 = tpu.memref_squeeze %dma_start3A_1248 : memref<1x50xi32, #tpu.memory_space<vmem>> -> memref<50xi32, #tpu.memory_space<vmem>>
    %dma_start3A_1250 = arith.constant 0 : i32
    %dma_start3A_1251 = arith.constant 0 : i32
    %dma_start3A_1252 = tpu.memref_slice %arg2[%dma_start3A_1250, %dma_start3A_1251] : memref<1000000x32xf32, #tpu.memory_space<hbm>> -> memref<1000000x32xf32, #tpu.memory_space<hbm>>
    tpu.enqueue_indirect_dma source(%dma_start3A_1252 : memref<1000000x32xf32, #tpu.memory_space<hbm>>) target(%dma_start3A_1246 : memref<50x32xf32, #tpu.memory_space<vmem>>) offsets(%dma_start3A_1249 : memref<50xi32, #tpu.memory_space<vmem>>) semaphore(%arg12 : memref<!tpu.dma_semaphore, #tpu.memory_space<semaphore_mem>>)
    %dma_start3A_1253 = arith.constant 97 : i32
    %dma_start3A_1254 = arith.constant 1 : i32
    %dma_start3A_1255 = arith.constant 0 : i32
    %dma_start3A_1256 = arith.constant 0 : i32
    %dma_start3A_1257 = tpu.memref_slice %arg8[%dma_start3A_1254, %dma_start3A_1255, %dma_start3A_1256] : memref<16x50x32xf32, #tpu.memory_space<vmem>> -> memref<1x50x32xf32, #tpu.memory_space<vmem>>
    %dma_start3A_1258 = tpu.memref_squeeze %dma_start3A_1257 : memref<1x50x32xf32, #tpu.memory_space<vmem>> -> memref<50x32xf32, #tpu.memory_space<vmem>>
    %dma_start3A_1259 = arith.constant 0 : i32
    %dma_start3A_1260 = tpu.memref_slice %arg5[%dma_start3A_1253, %dma_start3A_1259] : memref<512x50xi32, #tpu.memory_space<vmem>> -> memref<1x50xi32, #tpu.memory_space<vmem>>
    %dma_start3A_1261 = tpu.memref_squeeze %dma_start3A_1260 : memref<1x50xi32, #tpu.memory_space<vmem>> -> memref<50xi32, #tpu.memory_space<vmem>>
    %dma_start3A_1262 = arith.constant 0 : i32
    %dma_start3A_1263 = arith.constant 0 : i32
    %dma_start3A_1264 = tpu.memref_slice %arg2[%dma_start3A_1262, %dma_start3A_1263] : memref<1000000x32xf32, #tpu.memory_space<hbm>> -> memref<1000000x32xf32, #tpu.memory_space<hbm>>
    tpu.enqueue_indirect_dma source(%dma_start3A_1264 : memref<1000000x32xf32, #tpu.memory_space<hbm>>) target(%dma_start3A_1258 : memref<50x32xf32, #tpu.memory_space<vmem>>) offsets(%dma_start3A_1261 : memref<50xi32, #tpu.memory_space<vmem>>) semaphore(%arg12 : memref<!tpu.dma_semaphore, #tpu.memory_space<semaphore_mem>>)
    %dma_start3A_1265 = arith.constant 98 : i32
    %dma_start3A_1266 = arith.constant 2 : i32
    %dma_start3A_1267 = arith.constant 0 : i32
    %dma_start3A_1268 = arith.constant 0 : i32
    %dma_start3A_1269 = tpu.memref_slice %arg8[%dma_start3A_1266, %dma_start3A_1267, %dma_start3A_1268] : memref<16x50x32xf32, #tpu.memory_space<vmem>> -> memref<1x50x32xf32, #tpu.memory_space<vmem>>
    %dma_start3A_1270 = tpu.memref_squeeze %dma_start3A_1269 : memref<1x50x32xf32, #tpu.memory_space<vmem>> -> memref<50x32xf32, #tpu.memory_space<vmem>>
    %dma_start3A_1271 = arith.constant 0 : i32
    %dma_start3A_1272 = tpu.memref_slice %arg5[%dma_start3A_1265, %dma_start3A_1271] : memref<512x50xi32, #tpu.memory_space<vmem>> -> memref<1x50xi32, #tpu.memory_space<vmem>>
    %dma_start3A_1273 = tpu.memref_squeeze %dma_start3A_1272 : memref<1x50xi32, #tpu.memory_space<vmem>> -> memref<50xi32, #tpu.memory_space<vmem>>
    %dma_start3A_1274 = arith.constant 0 : i32
    %dma_start3A_1275 = arith.constant 0 : i32
    %dma_start3A_1276 = tpu.memref_slice %arg2[%dma_start3A_1274, %dma_start3A_1275] : memref<1000000x32xf32, #tpu.memory_space<hbm>> -> memref<1000000x32xf32, #tpu.memory_space<hbm>>
    tpu.enqueue_indirect_dma source(%dma_start3A_1276 : memref<1000000x32xf32, #tpu.memory_space<hbm>>) target(%dma_start3A_1270 : memref<50x32xf32, #tpu.memory_space<vmem>>) offsets(%dma_start3A_1273 : memref<50xi32, #tpu.memory_space<vmem>>) semaphore(%arg12 : memref<!tpu.dma_semaphore, #tpu.memory_space<semaphore_mem>>)
    %dma_start3A_1277 = arith.constant 99 : i32
    %dma_start3A_1278 = arith.constant 3 : i32
    %dma_start3A_1279 = arith.constant 0 : i32
    %dma_start3A_1280 = arith.constant 0 : i32
    %dma_start3A_1281 = tpu.memref_slice %arg8[%dma_start3A_1278, %dma_start3A_1279, %dma_start3A_1280] : memref<16x50x32xf32, #tpu.memory_space<vmem>> -> memref<1x50x32xf32, #tpu.memory_space<vmem>>
    %dma_start3A_1282 = tpu.memref_squeeze %dma_start3A_1281 : memref<1x50x32xf32, #tpu.memory_space<vmem>> -> memref<50x32xf32, #tpu.memory_space<vmem>>
    %dma_start3A_1283 = arith.constant 0 : i32
    %dma_start3A_1284 = tpu.memref_slice %arg5[%dma_start3A_1277, %dma_start3A_1283] : memref<512x50xi32, #tpu.memory_space<vmem>> -> memref<1x50xi32, #tpu.memory_space<vmem>>
    %dma_start3A_1285 = tpu.memref_squeeze %dma_start3A_1284 : memref<1x50xi32, #tpu.memory_space<vmem>> -> memref<50xi32, #tpu.memory_space<vmem>>
    %dma_start3A_1286 = arith.constant 0 : i32
    %dma_start3A_1287 = arith.constant 0 : i32
    %dma_start3A_1288 = tpu.memref_slice %arg2[%dma_start3A_1286, %dma_start3A_1287] : memref<1000000x32xf32, #tpu.memory_space<hbm>> -> memref<1000000x32xf32, #tpu.memory_space<hbm>>
    tpu.enqueue_indirect_dma source(%dma_start3A_1288 : memref<1000000x32xf32, #tpu.memory_space<hbm>>) target(%dma_start3A_1282 : memref<50x32xf32, #tpu.memory_space<vmem>>) offsets(%dma_start3A_1285 : memref<50xi32, #tpu.memory_space<vmem>>) semaphore(%arg12 : memref<!tpu.dma_semaphore, #tpu.memory_space<semaphore_mem>>)
    %dma_start3A_1289 = arith.constant 100 : i32
    %dma_start3A_1290 = arith.constant 4 : i32
    %dma_start3A_1291 = arith.constant 0 : i32
    %dma_start3A_1292 = arith.constant 0 : i32
    %dma_start3A_1293 = tpu.memref_slice %arg8[%dma_start3A_1290, %dma_start3A_1291, %dma_start3A_1292] : memref<16x50x32xf32, #tpu.memory_space<vmem>> -> memref<1x50x32xf32, #tpu.memory_space<vmem>>
    %dma_start3A_1294 = tpu.memref_squeeze %dma_start3A_1293 : memref<1x50x32xf32, #tpu.memory_space<vmem>> -> memref<50x32xf32, #tpu.memory_space<vmem>>
    %dma_start3A_1295 = arith.constant 0 : i32
    %dma_start3A_1296 = tpu.memref_slice %arg5[%dma_start3A_1289, %dma_start3A_1295] : memref<512x50xi32, #tpu.memory_space<vmem>> -> memref<1x50xi32, #tpu.memory_space<vmem>>
    %dma_start3A_1297 = tpu.memref_squeeze %dma_start3A_1296 : memref<1x50xi32, #tpu.memory_space<vmem>> -> memref<50xi32, #tpu.memory_space<vmem>>
    %dma_start3A_1298 = arith.constant 0 : i32
    %dma_start3A_1299 = arith.constant 0 : i32
    %dma_start3A_1300 = tpu.memref_slice %arg2[%dma_start3A_1298, %dma_start3A_1299] : memref<1000000x32xf32, #tpu.memory_space<hbm>> -> memref<1000000x32xf32, #tpu.memory_space<hbm>>
    tpu.enqueue_indirect_dma source(%dma_start3A_1300 : memref<1000000x32xf32, #tpu.memory_space<hbm>>) target(%dma_start3A_1294 : memref<50x32xf32, #tpu.memory_space<vmem>>) offsets(%dma_start3A_1297 : memref<50xi32, #tpu.memory_space<vmem>>) semaphore(%arg12 : memref<!tpu.dma_semaphore, #tpu.memory_space<semaphore_mem>>)
    %dma_start3A_1301 = arith.constant 101 : i32
    %dma_start3A_1302 = arith.constant 5 : i32
    %dma_start3A_1303 = arith.constant 0 : i32
    %dma_start3A_1304 = arith.constant 0 : i32
    %dma_start3A_1305 = tpu.memref_slice %arg8[%dma_start3A_1302, %dma_start3A_1303, %dma_start3A_1304] : memref<16x50x32xf32, #tpu.memory_space<vmem>> -> memref<1x50x32xf32, #tpu.memory_space<vmem>>
    %dma_start3A_1306 = tpu.memref_squeeze %dma_start3A_1305 : memref<1x50x32xf32, #tpu.memory_space<vmem>> -> memref<50x32xf32, #tpu.memory_space<vmem>>
    %dma_start3A_1307 = arith.constant 0 : i32
    %dma_start3A_1308 = tpu.memref_slice %arg5[%dma_start3A_1301, %dma_start3A_1307] : memref<512x50xi32, #tpu.memory_space<vmem>> -> memref<1x50xi32, #tpu.memory_space<vmem>>
    %dma_start3A_1309 = tpu.memref_squeeze %dma_start3A_1308 : memref<1x50xi32, #tpu.memory_space<vmem>> -> memref<50xi32, #tpu.memory_space<vmem>>
    %dma_start3A_1310 = arith.constant 0 : i32
    %dma_start3A_1311 = arith.constant 0 : i32
    %dma_start3A_1312 = tpu.memref_slice %arg2[%dma_start3A_1310, %dma_start3A_1311] : memref<1000000x32xf32, #tpu.memory_space<hbm>> -> memref<1000000x32xf32, #tpu.memory_space<hbm>>
    tpu.enqueue_indirect_dma source(%dma_start3A_1312 : memref<1000000x32xf32, #tpu.memory_space<hbm>>) target(%dma_start3A_1306 : memref<50x32xf32, #tpu.memory_space<vmem>>) offsets(%dma_start3A_1309 : memref<50xi32, #tpu.memory_space<vmem>>) semaphore(%arg12 : memref<!tpu.dma_semaphore, #tpu.memory_space<semaphore_mem>>)
    %dma_start3A_1313 = arith.constant 102 : i32
    %dma_start3A_1314 = arith.constant 6 : i32
    %dma_start3A_1315 = arith.constant 0 : i32
    %dma_start3A_1316 = arith.constant 0 : i32
    %dma_start3A_1317 = tpu.memref_slice %arg8[%dma_start3A_1314, %dma_start3A_1315, %dma_start3A_1316] : memref<16x50x32xf32, #tpu.memory_space<vmem>> -> memref<1x50x32xf32, #tpu.memory_space<vmem>>
    %dma_start3A_1318 = tpu.memref_squeeze %dma_start3A_1317 : memref<1x50x32xf32, #tpu.memory_space<vmem>> -> memref<50x32xf32, #tpu.memory_space<vmem>>
    %dma_start3A_1319 = arith.constant 0 : i32
    %dma_start3A_1320 = tpu.memref_slice %arg5[%dma_start3A_1313, %dma_start3A_1319] : memref<512x50xi32, #tpu.memory_space<vmem>> -> memref<1x50xi32, #tpu.memory_space<vmem>>
    %dma_start3A_1321 = tpu.memref_squeeze %dma_start3A_1320 : memref<1x50xi32, #tpu.memory_space<vmem>> -> memref<50xi32, #tpu.memory_space<vmem>>
    %dma_start3A_1322 = arith.constant 0 : i32
    %dma_start3A_1323 = arith.constant 0 : i32
    %dma_start3A_1324 = tpu.memref_slice %arg2[%dma_start3A_1322, %dma_start3A_1323] : memref<1000000x32xf32, #tpu.memory_space<hbm>> -> memref<1000000x32xf32, #tpu.memory_space<hbm>>
    tpu.enqueue_indirect_dma source(%dma_start3A_1324 : memref<1000000x32xf32, #tpu.memory_space<hbm>>) target(%dma_start3A_1318 : memref<50x32xf32, #tpu.memory_space<vmem>>) offsets(%dma_start3A_1321 : memref<50xi32, #tpu.memory_space<vmem>>) semaphore(%arg12 : memref<!tpu.dma_semaphore, #tpu.memory_space<semaphore_mem>>)
    %dma_start3A_1325 = arith.constant 103 : i32
    %dma_start3A_1326 = arith.constant 7 : i32
    %dma_start3A_1327 = arith.constant 0 : i32
    %dma_start3A_1328 = arith.constant 0 : i32
    %dma_start3A_1329 = tpu.memref_slice %arg8[%dma_start3A_1326, %dma_start3A_1327, %dma_start3A_1328] : memref<16x50x32xf32, #tpu.memory_space<vmem>> -> memref<1x50x32xf32, #tpu.memory_space<vmem>>
    %dma_start3A_1330 = tpu.memref_squeeze %dma_start3A_1329 : memref<1x50x32xf32, #tpu.memory_space<vmem>> -> memref<50x32xf32, #tpu.memory_space<vmem>>
    %dma_start3A_1331 = arith.constant 0 : i32
    %dma_start3A_1332 = tpu.memref_slice %arg5[%dma_start3A_1325, %dma_start3A_1331] : memref<512x50xi32, #tpu.memory_space<vmem>> -> memref<1x50xi32, #tpu.memory_space<vmem>>
    %dma_start3A_1333 = tpu.memref_squeeze %dma_start3A_1332 : memref<1x50xi32, #tpu.memory_space<vmem>> -> memref<50xi32, #tpu.memory_space<vmem>>
    %dma_start3A_1334 = arith.constant 0 : i32
    %dma_start3A_1335 = arith.constant 0 : i32
    %dma_start3A_1336 = tpu.memref_slice %arg2[%dma_start3A_1334, %dma_start3A_1335] : memref<1000000x32xf32, #tpu.memory_space<hbm>> -> memref<1000000x32xf32, #tpu.memory_space<hbm>>
    tpu.enqueue_indirect_dma source(%dma_start3A_1336 : memref<1000000x32xf32, #tpu.memory_space<hbm>>) target(%dma_start3A_1330 : memref<50x32xf32, #tpu.memory_space<vmem>>) offsets(%dma_start3A_1333 : memref<50xi32, #tpu.memory_space<vmem>>) semaphore(%arg12 : memref<!tpu.dma_semaphore, #tpu.memory_space<semaphore_mem>>)
    %dma_start3A_1337 = arith.constant 104 : i32
    %dma_start3A_1338 = arith.constant 8 : i32
    %dma_start3A_1339 = arith.constant 0 : i32
    %dma_start3A_1340 = arith.constant 0 : i32
    %dma_start3A_1341 = tpu.memref_slice %arg8[%dma_start3A_1338, %dma_start3A_1339, %dma_start3A_1340] : memref<16x50x32xf32, #tpu.memory_space<vmem>> -> memref<1x50x32xf32, #tpu.memory_space<vmem>>
    %dma_start3A_1342 = tpu.memref_squeeze %dma_start3A_1341 : memref<1x50x32xf32, #tpu.memory_space<vmem>> -> memref<50x32xf32, #tpu.memory_space<vmem>>
    %dma_start3A_1343 = arith.constant 0 : i32
    %dma_start3A_1344 = tpu.memref_slice %arg5[%dma_start3A_1337, %dma_start3A_1343] : memref<512x50xi32, #tpu.memory_space<vmem>> -> memref<1x50xi32, #tpu.memory_space<vmem>>
    %dma_start3A_1345 = tpu.memref_squeeze %dma_start3A_1344 : memref<1x50xi32, #tpu.memory_space<vmem>> -> memref<50xi32, #tpu.memory_space<vmem>>
    %dma_start3A_1346 = arith.constant 0 : i32
    %dma_start3A_1347 = arith.constant 0 : i32
    %dma_start3A_1348 = tpu.memref_slice %arg2[%dma_start3A_1346, %dma_start3A_1347] : memref<1000000x32xf32, #tpu.memory_space<hbm>> -> memref<1000000x32xf32, #tpu.memory_space<hbm>>
    tpu.enqueue_indirect_dma source(%dma_start3A_1348 : memref<1000000x32xf32, #tpu.memory_space<hbm>>) target(%dma_start3A_1342 : memref<50x32xf32, #tpu.memory_space<vmem>>) offsets(%dma_start3A_1345 : memref<50xi32, #tpu.memory_space<vmem>>) semaphore(%arg12 : memref<!tpu.dma_semaphore, #tpu.memory_space<semaphore_mem>>)
    %dma_start3A_1349 = arith.constant 105 : i32
    %dma_start3A_1350 = arith.constant 9 : i32
    %dma_start3A_1351 = arith.constant 0 : i32
    %dma_start3A_1352 = arith.constant 0 : i32
    %dma_start3A_1353 = tpu.memref_slice %arg8[%dma_start3A_1350, %dma_start3A_1351, %dma_start3A_1352] : memref<16x50x32xf32, #tpu.memory_space<vmem>> -> memref<1x50x32xf32, #tpu.memory_space<vmem>>
    %dma_start3A_1354 = tpu.memref_squeeze %dma_start3A_1353 : memref<1x50x32xf32, #tpu.memory_space<vmem>> -> memref<50x32xf32, #tpu.memory_space<vmem>>
    %dma_start3A_1355 = arith.constant 0 : i32
    %dma_start3A_1356 = tpu.memref_slice %arg5[%dma_start3A_1349, %dma_start3A_1355] : memref<512x50xi32, #tpu.memory_space<vmem>> -> memref<1x50xi32, #tpu.memory_space<vmem>>
    %dma_start3A_1357 = tpu.memref_squeeze %dma_start3A_1356 : memref<1x50xi32, #tpu.memory_space<vmem>> -> memref<50xi32, #tpu.memory_space<vmem>>
    %dma_start3A_1358 = arith.constant 0 : i32
    %dma_start3A_1359 = arith.constant 0 : i32
    %dma_start3A_1360 = tpu.memref_slice %arg2[%dma_start3A_1358, %dma_start3A_1359] : memref<1000000x32xf32, #tpu.memory_space<hbm>> -> memref<1000000x32xf32, #tpu.memory_space<hbm>>
    tpu.enqueue_indirect_dma source(%dma_start3A_1360 : memref<1000000x32xf32, #tpu.memory_space<hbm>>) target(%dma_start3A_1354 : memref<50x32xf32, #tpu.memory_space<vmem>>) offsets(%dma_start3A_1357 : memref<50xi32, #tpu.memory_space<vmem>>) semaphore(%arg12 : memref<!tpu.dma_semaphore, #tpu.memory_space<semaphore_mem>>)
    %dma_start3A_1361 = arith.constant 106 : i32
    %dma_start3A_1362 = arith.constant 10 : i32
    %dma_start3A_1363 = arith.constant 0 : i32
    %dma_start3A_1364 = arith.constant 0 : i32
    %dma_start3A_1365 = tpu.memref_slice %arg8[%dma_start3A_1362, %dma_start3A_1363, %dma_start3A_1364] : memref<16x50x32xf32, #tpu.memory_space<vmem>> -> memref<1x50x32xf32, #tpu.memory_space<vmem>>
    %dma_start3A_1366 = tpu.memref_squeeze %dma_start3A_1365 : memref<1x50x32xf32, #tpu.memory_space<vmem>> -> memref<50x32xf32, #tpu.memory_space<vmem>>
    %dma_start3A_1367 = arith.constant 0 : i32
    %dma_start3A_1368 = tpu.memref_slice %arg5[%dma_start3A_1361, %dma_start3A_1367] : memref<512x50xi32, #tpu.memory_space<vmem>> -> memref<1x50xi32, #tpu.memory_space<vmem>>
    %dma_start3A_1369 = tpu.memref_squeeze %dma_start3A_1368 : memref<1x50xi32, #tpu.memory_space<vmem>> -> memref<50xi32, #tpu.memory_space<vmem>>
    %dma_start3A_1370 = arith.constant 0 : i32
    %dma_start3A_1371 = arith.constant 0 : i32
    %dma_start3A_1372 = tpu.memref_slice %arg2[%dma_start3A_1370, %dma_start3A_1371] : memref<1000000x32xf32, #tpu.memory_space<hbm>> -> memref<1000000x32xf32, #tpu.memory_space<hbm>>
    tpu.enqueue_indirect_dma source(%dma_start3A_1372 : memref<1000000x32xf32, #tpu.memory_space<hbm>>) target(%dma_start3A_1366 : memref<50x32xf32, #tpu.memory_space<vmem>>) offsets(%dma_start3A_1369 : memref<50xi32, #tpu.memory_space<vmem>>) semaphore(%arg12 : memref<!tpu.dma_semaphore, #tpu.memory_space<semaphore_mem>>)
    %dma_start3A_1373 = arith.constant 107 : i32
    %dma_start3A_1374 = arith.constant 11 : i32
    %dma_start3A_1375 = arith.constant 0 : i32
    %dma_start3A_1376 = arith.constant 0 : i32
    %dma_start3A_1377 = tpu.memref_slice %arg8[%dma_start3A_1374, %dma_start3A_1375, %dma_start3A_1376] : memref<16x50x32xf32, #tpu.memory_space<vmem>> -> memref<1x50x32xf32, #tpu.memory_space<vmem>>
    %dma_start3A_1378 = tpu.memref_squeeze %dma_start3A_1377 : memref<1x50x32xf32, #tpu.memory_space<vmem>> -> memref<50x32xf32, #tpu.memory_space<vmem>>
    %dma_start3A_1379 = arith.constant 0 : i32
    %dma_start3A_1380 = tpu.memref_slice %arg5[%dma_start3A_1373, %dma_start3A_1379] : memref<512x50xi32, #tpu.memory_space<vmem>> -> memref<1x50xi32, #tpu.memory_space<vmem>>
    %dma_start3A_1381 = tpu.memref_squeeze %dma_start3A_1380 : memref<1x50xi32, #tpu.memory_space<vmem>> -> memref<50xi32, #tpu.memory_space<vmem>>
    %dma_start3A_1382 = arith.constant 0 : i32
    %dma_start3A_1383 = arith.constant 0 : i32
    %dma_start3A_1384 = tpu.memref_slice %arg2[%dma_start3A_1382, %dma_start3A_1383] : memref<1000000x32xf32, #tpu.memory_space<hbm>> -> memref<1000000x32xf32, #tpu.memory_space<hbm>>
    tpu.enqueue_indirect_dma source(%dma_start3A_1384 : memref<1000000x32xf32, #tpu.memory_space<hbm>>) target(%dma_start3A_1378 : memref<50x32xf32, #tpu.memory_space<vmem>>) offsets(%dma_start3A_1381 : memref<50xi32, #tpu.memory_space<vmem>>) semaphore(%arg12 : memref<!tpu.dma_semaphore, #tpu.memory_space<semaphore_mem>>)
    %dma_start3A_1385 = arith.constant 108 : i32
    %dma_start3A_1386 = arith.constant 12 : i32
    %dma_start3A_1387 = arith.constant 0 : i32
    %dma_start3A_1388 = arith.constant 0 : i32
    %dma_start3A_1389 = tpu.memref_slice %arg8[%dma_start3A_1386, %dma_start3A_1387, %dma_start3A_1388] : memref<16x50x32xf32, #tpu.memory_space<vmem>> -> memref<1x50x32xf32, #tpu.memory_space<vmem>>
    %dma_start3A_1390 = tpu.memref_squeeze %dma_start3A_1389 : memref<1x50x32xf32, #tpu.memory_space<vmem>> -> memref<50x32xf32, #tpu.memory_space<vmem>>
    %dma_start3A_1391 = arith.constant 0 : i32
    %dma_start3A_1392 = tpu.memref_slice %arg5[%dma_start3A_1385, %dma_start3A_1391] : memref<512x50xi32, #tpu.memory_space<vmem>> -> memref<1x50xi32, #tpu.memory_space<vmem>>
    %dma_start3A_1393 = tpu.memref_squeeze %dma_start3A_1392 : memref<1x50xi32, #tpu.memory_space<vmem>> -> memref<50xi32, #tpu.memory_space<vmem>>
    %dma_start3A_1394 = arith.constant 0 : i32
    %dma_start3A_1395 = arith.constant 0 : i32
    %dma_start3A_1396 = tpu.memref_slice %arg2[%dma_start3A_1394, %dma_start3A_1395] : memref<1000000x32xf32, #tpu.memory_space<hbm>> -> memref<1000000x32xf32, #tpu.memory_space<hbm>>
    tpu.enqueue_indirect_dma source(%dma_start3A_1396 : memref<1000000x32xf32, #tpu.memory_space<hbm>>) target(%dma_start3A_1390 : memref<50x32xf32, #tpu.memory_space<vmem>>) offsets(%dma_start3A_1393 : memref<50xi32, #tpu.memory_space<vmem>>) semaphore(%arg12 : memref<!tpu.dma_semaphore, #tpu.memory_space<semaphore_mem>>)
    %dma_start3A_1397 = arith.constant 109 : i32
    %dma_start3A_1398 = arith.constant 13 : i32
    %dma_start3A_1399 = arith.constant 0 : i32
    %dma_start3A_1400 = arith.constant 0 : i32
    %dma_start3A_1401 = tpu.memref_slice %arg8[%dma_start3A_1398, %dma_start3A_1399, %dma_start3A_1400] : memref<16x50x32xf32, #tpu.memory_space<vmem>> -> memref<1x50x32xf32, #tpu.memory_space<vmem>>
    %dma_start3A_1402 = tpu.memref_squeeze %dma_start3A_1401 : memref<1x50x32xf32, #tpu.memory_space<vmem>> -> memref<50x32xf32, #tpu.memory_space<vmem>>
    %dma_start3A_1403 = arith.constant 0 : i32
    %dma_start3A_1404 = tpu.memref_slice %arg5[%dma_start3A_1397, %dma_start3A_1403] : memref<512x50xi32, #tpu.memory_space<vmem>> -> memref<1x50xi32, #tpu.memory_space<vmem>>
    %dma_start3A_1405 = tpu.memref_squeeze %dma_start3A_1404 : memref<1x50xi32, #tpu.memory_space<vmem>> -> memref<50xi32, #tpu.memory_space<vmem>>
    %dma_start3A_1406 = arith.constant 0 : i32
    %dma_start3A_1407 = arith.constant 0 : i32
    %dma_start3A_1408 = tpu.memref_slice %arg2[%dma_start3A_1406, %dma_start3A_1407] : memref<1000000x32xf32, #tpu.memory_space<hbm>> -> memref<1000000x32xf32, #tpu.memory_space<hbm>>
    tpu.enqueue_indirect_dma source(%dma_start3A_1408 : memref<1000000x32xf32, #tpu.memory_space<hbm>>) target(%dma_start3A_1402 : memref<50x32xf32, #tpu.memory_space<vmem>>) offsets(%dma_start3A_1405 : memref<50xi32, #tpu.memory_space<vmem>>) semaphore(%arg12 : memref<!tpu.dma_semaphore, #tpu.memory_space<semaphore_mem>>)
    %dma_start3A_1409 = arith.constant 110 : i32
    %dma_start3A_1410 = arith.constant 14 : i32
    %dma_start3A_1411 = arith.constant 0 : i32
    %dma_start3A_1412 = arith.constant 0 : i32
    %dma_start3A_1413 = tpu.memref_slice %arg8[%dma_start3A_1410, %dma_start3A_1411, %dma_start3A_1412] : memref<16x50x32xf32, #tpu.memory_space<vmem>> -> memref<1x50x32xf32, #tpu.memory_space<vmem>>
    %dma_start3A_1414 = tpu.memref_squeeze %dma_start3A_1413 : memref<1x50x32xf32, #tpu.memory_space<vmem>> -> memref<50x32xf32, #tpu.memory_space<vmem>>
    %dma_start3A_1415 = arith.constant 0 : i32
    %dma_start3A_1416 = tpu.memref_slice %arg5[%dma_start3A_1409, %dma_start3A_1415] : memref<512x50xi32, #tpu.memory_space<vmem>> -> memref<1x50xi32, #tpu.memory_space<vmem>>
    %dma_start3A_1417 = tpu.memref_squeeze %dma_start3A_1416 : memref<1x50xi32, #tpu.memory_space<vmem>> -> memref<50xi32, #tpu.memory_space<vmem>>
    %dma_start3A_1418 = arith.constant 0 : i32
    %dma_start3A_1419 = arith.constant 0 : i32
    %dma_start3A_1420 = tpu.memref_slice %arg2[%dma_start3A_1418, %dma_start3A_1419] : memref<1000000x32xf32, #tpu.memory_space<hbm>> -> memref<1000000x32xf32, #tpu.memory_space<hbm>>
    tpu.enqueue_indirect_dma source(%dma_start3A_1420 : memref<1000000x32xf32, #tpu.memory_space<hbm>>) target(%dma_start3A_1414 : memref<50x32xf32, #tpu.memory_space<vmem>>) offsets(%dma_start3A_1417 : memref<50xi32, #tpu.memory_space<vmem>>) semaphore(%arg12 : memref<!tpu.dma_semaphore, #tpu.memory_space<semaphore_mem>>)
    %dma_start3A_1421 = arith.constant 111 : i32
    %dma_start3A_1422 = arith.constant 15 : i32
    %dma_start3A_1423 = arith.constant 0 : i32
    %dma_start3A_1424 = arith.constant 0 : i32
    %dma_start3A_1425 = tpu.memref_slice %arg8[%dma_start3A_1422, %dma_start3A_1423, %dma_start3A_1424] : memref<16x50x32xf32, #tpu.memory_space<vmem>> -> memref<1x50x32xf32, #tpu.memory_space<vmem>>
    %dma_start3A_1426 = tpu.memref_squeeze %dma_start3A_1425 : memref<1x50x32xf32, #tpu.memory_space<vmem>> -> memref<50x32xf32, #tpu.memory_space<vmem>>
    %dma_start3A_1427 = arith.constant 0 : i32
    %dma_start3A_1428 = tpu.memref_slice %arg5[%dma_start3A_1421, %dma_start3A_1427] : memref<512x50xi32, #tpu.memory_space<vmem>> -> memref<1x50xi32, #tpu.memory_space<vmem>>
    %dma_start3A_1429 = tpu.memref_squeeze %dma_start3A_1428 : memref<1x50xi32, #tpu.memory_space<vmem>> -> memref<50xi32, #tpu.memory_space<vmem>>
    %dma_start3A_1430 = arith.constant 0 : i32
    %dma_start3A_1431 = arith.constant 0 : i32
    %dma_start3A_1432 = tpu.memref_slice %arg2[%dma_start3A_1430, %dma_start3A_1431] : memref<1000000x32xf32, #tpu.memory_space<hbm>> -> memref<1000000x32xf32, #tpu.memory_space<hbm>>
    tpu.enqueue_indirect_dma source(%dma_start3A_1432 : memref<1000000x32xf32, #tpu.memory_space<hbm>>) target(%dma_start3A_1426 : memref<50x32xf32, #tpu.memory_space<vmem>>) offsets(%dma_start3A_1429 : memref<50xi32, #tpu.memory_space<vmem>>) semaphore(%arg12 : memref<!tpu.dma_semaphore, #tpu.memory_space<semaphore_mem>>)
    %scan3A = arith.constant 0 : i32
    %scan3A_1433 = arith.constant 1 : i32
    %scan3A_1434 = arith.constant 6 : i32
    %scan3A_1435 = arith.addi %scan3A_1433, %scan3A_1434 : i32
    %scan3A_1436 = arith.constant 1 : i32
    scf.for %scan3A_1734 = %scan3A_1433 to %scan3A_1435 step %scan3A_1436  : i32 {
      %mul3A_1735 = arith.constant 4 : i32
      %mul3A_1736 = arith.muli %scan3A_1734, %mul3A_1735 : i32
      %add3A_1737 = arith.constant 0 : i32
      %add3A_1738 = arith.addi %mul3A_1736, %add3A_1737 : i32
      %dma_wait3A_1739 = arith.constant 0 : i32
      %dma_wait3A_1740 = arith.constant 0 : i32
      %dma_wait3A_1741 = arith.constant 0 : i32
      %dma_wait3A_1742 = tpu.memref_slice %arg4[%dma_wait3A_1739, %dma_wait3A_1740, %dma_wait3A_1741] : memref<16384x56x128xf32, #tpu.memory_space<hbm>> -> memref<16x50x32xf32, #tpu.memory_space<hbm>>
      %dma_wait3A_1743 = arith.constant 0 : i32
      %dma_wait3A_1744 = arith.constant 0 : i32
      %dma_wait3A_1745 = arith.constant 0 : i32
      %dma_wait3A_1746 = tpu.memref_slice %arg4[%dma_wait3A_1743, %dma_wait3A_1744, %dma_wait3A_1745] : memref<16384x56x128xf32, #tpu.memory_space<hbm>> -> memref<16x50x32xf32, #tpu.memory_space<hbm>>
      tpu.wait_dma2 semaphore(%arg10 : memref<!tpu.dma_semaphore, #tpu.memory_space<semaphore_mem>>) src(%dma_wait3A_1746 : memref<16x50x32xf32, #tpu.memory_space<hbm>>) dst(%arg6 : memref<16x50x32xf32, #tpu.memory_space<vmem>>)
      %mul3A_1747 = arith.constant 16 : i32
      %mul3A_1748 = arith.muli %add3A_1738, %mul3A_1747 : i32
      %add3A_1749 = arith.addi %mul3A_2, %mul3A_1748 : i32
      %dma_start3A_1750 = arith.constant 0 : i32
      %dma_start3A_1751 = arith.constant 0 : i32
      %dma_start3A_1752 = tpu.memref_slice %arg4[%add3A_1749, %dma_start3A_1750, %dma_start3A_1751] : memref<16384x56x128xf32, #tpu.memory_space<hbm>> -> memref<16x50x32xf32, #tpu.memory_space<hbm>>
      %dma_start3A_1753 = arith.constant 0 : i32
      %dma_start3A_1754 = arith.constant 0 : i32
      %dma_start3A_1755 = tpu.memref_slice %arg4[%add3A_1749, %dma_start3A_1753, %dma_start3A_1754] : memref<16384x56x128xf32, #tpu.memory_space<hbm>> -> memref<16x50x32xf32, #tpu.memory_space<hbm>>
      tpu.enqueue_dma source(%arg6 : memref<16x50x32xf32, #tpu.memory_space<vmem>>) target(%dma_start3A_1755 : memref<16x50x32xf32, #tpu.memory_space<hbm>>) target_semaphore(%arg14 : memref<!tpu.dma_semaphore, #tpu.memory_space<semaphore_mem>>)
      %dma_wait3A_1756 = arith.constant 0 : i32
      %dma_wait3A_1757 = arith.constant 0 : i32
      %dma_wait3A_1758 = arith.constant 0 : i32
      %dma_wait3A_1759 = tpu.memref_slice %arg4[%dma_wait3A_1756, %dma_wait3A_1757, %dma_wait3A_1758] : memref<16384x56x128xf32, #tpu.memory_space<hbm>> -> memref<16x50x32xf32, #tpu.memory_space<hbm>>
      %dma_wait3A_1760 = arith.constant 0 : i32
      %dma_wait3A_1761 = arith.constant 0 : i32
      %dma_wait3A_1762 = arith.constant 0 : i32
      %dma_wait3A_1763 = tpu.memref_slice %arg4[%dma_wait3A_1760, %dma_wait3A_1761, %dma_wait3A_1762] : memref<16384x56x128xf32, #tpu.memory_space<hbm>> -> memref<16x50x32xf32, #tpu.memory_space<hbm>>
      tpu.wait_dma2 semaphore(%arg17 : memref<!tpu.dma_semaphore, #tpu.memory_space<semaphore_mem>>) src(%arg9 : memref<16x50x32xf32, #tpu.memory_space<vmem>>) dst(%dma_wait3A_1763 : memref<16x50x32xf32, #tpu.memory_space<hbm>>)
      %add3A_1764 = arith.constant 4 : i32
      %add3A_1765 = arith.addi %add3A_1738, %add3A_1764 : i32
      %sub3A = arith.constant 1 : i32
      %sub3A_1766 = arith.subi %add3A_1765, %sub3A : i32
      %mul3A_1767 = arith.constant 16 : i32
      %mul3A_1768 = arith.muli %sub3A_1766, %mul3A_1767 : i32
      %add3A_1769 = arith.constant 0 : i32
      %add3A_1770 = arith.addi %mul3A_1768, %add3A_1769 : i32
      %dma_start3A_1771 = arith.constant 0 : i32
      %dma_start3A_1772 = arith.constant 0 : i32
      %dma_start3A_1773 = arith.constant 0 : i32
      %dma_start3A_1774 = tpu.memref_slice %arg9[%dma_start3A_1771, %dma_start3A_1772, %dma_start3A_1773] : memref<16x50x32xf32, #tpu.memory_space<vmem>> -> memref<1x50x32xf32, #tpu.memory_space<vmem>>
      %dma_start3A_1775 = tpu.memref_squeeze %dma_start3A_1774 : memref<1x50x32xf32, #tpu.memory_space<vmem>> -> memref<50x32xf32, #tpu.memory_space<vmem>>
      %dma_start3A_1776 = arith.constant 0 : i32
      %dma_start3A_1777 = tpu.memref_slice %arg5[%add3A_1770, %dma_start3A_1776] : memref<512x50xi32, #tpu.memory_space<vmem>> -> memref<1x50xi32, #tpu.memory_space<vmem>>
      %dma_start3A_1778 = tpu.memref_squeeze %dma_start3A_1777 : memref<1x50xi32, #tpu.memory_space<vmem>> -> memref<50xi32, #tpu.memory_space<vmem>>
      %dma_start3A_1779 = arith.constant 0 : i32
      %dma_start3A_1780 = arith.constant 0 : i32
      %dma_start3A_1781 = tpu.memref_slice %arg2[%dma_start3A_1779, %dma_start3A_1780] : memref<1000000x32xf32, #tpu.memory_space<hbm>> -> memref<1000000x32xf32, #tpu.memory_space<hbm>>
      tpu.enqueue_indirect_dma source(%dma_start3A_1781 : memref<1000000x32xf32, #tpu.memory_space<hbm>>) target(%dma_start3A_1775 : memref<50x32xf32, #tpu.memory_space<vmem>>) offsets(%dma_start3A_1778 : memref<50xi32, #tpu.memory_space<vmem>>) semaphore(%arg13 : memref<!tpu.dma_semaphore, #tpu.memory_space<semaphore_mem>>)
      %mul3A_1782 = arith.constant 16 : i32
      %mul3A_1783 = arith.muli %sub3A_1766, %mul3A_1782 : i32
      %add3A_1784 = arith.constant 1 : i32
      %add3A_1785 = arith.addi %mul3A_1783, %add3A_1784 : i32
      %dma_start3A_1786 = arith.constant 1 : i32
      %dma_start3A_1787 = arith.constant 0 : i32
      %dma_start3A_1788 = arith.constant 0 : i32
      %dma_start3A_1789 = tpu.memref_slice %arg9[%dma_start3A_1786, %dma_start3A_1787, %dma_start3A_1788] : memref<16x50x32xf32, #tpu.memory_space<vmem>> -> memref<1x50x32xf32, #tpu.memory_space<vmem>>
      %dma_start3A_1790 = tpu.memref_squeeze %dma_start3A_1789 : memref<1x50x32xf32, #tpu.memory_space<vmem>> -> memref<50x32xf32, #tpu.memory_space<vmem>>
      %dma_start3A_1791 = arith.constant 0 : i32
      %dma_start3A_1792 = tpu.memref_slice %arg5[%add3A_1785, %dma_start3A_1791] : memref<512x50xi32, #tpu.memory_space<vmem>> -> memref<1x50xi32, #tpu.memory_space<vmem>>
      %dma_start3A_1793 = tpu.memref_squeeze %dma_start3A_1792 : memref<1x50xi32, #tpu.memory_space<vmem>> -> memref<50xi32, #tpu.memory_space<vmem>>
      %dma_start3A_1794 = arith.constant 0 : i32
      %dma_start3A_1795 = arith.constant 0 : i32
      %dma_start3A_1796 = tpu.memref_slice %arg2[%dma_start3A_1794, %dma_start3A_1795] : memref<1000000x32xf32, #tpu.memory_space<hbm>> -> memref<1000000x32xf32, #tpu.memory_space<hbm>>
      tpu.enqueue_indirect_dma source(%dma_start3A_1796 : memref<1000000x32xf32, #tpu.memory_space<hbm>>) target(%dma_start3A_1790 : memref<50x32xf32, #tpu.memory_space<vmem>>) offsets(%dma_start3A_1793 : memref<50xi32, #tpu.memory_space<vmem>>) semaphore(%arg13 : memref<!tpu.dma_semaphore, #tpu.memory_space<semaphore_mem>>)
      %mul3A_1797 = arith.constant 16 : i32
      %mul3A_1798 = arith.muli %sub3A_1766, %mul3A_1797 : i32
      %add3A_1799 = arith.constant 2 : i32
      %add3A_1800 = arith.addi %mul3A_1798, %add3A_1799 : i32
      %dma_start3A_1801 = arith.constant 2 : i32
      %dma_start3A_1802 = arith.constant 0 : i32
      %dma_start3A_1803 = arith.constant 0 : i32
      %dma_start3A_1804 = tpu.memref_slice %arg9[%dma_start3A_1801, %dma_start3A_1802, %dma_start3A_1803] : memref<16x50x32xf32, #tpu.memory_space<vmem>> -> memref<1x50x32xf32, #tpu.memory_space<vmem>>
      %dma_start3A_1805 = tpu.memref_squeeze %dma_start3A_1804 : memref<1x50x32xf32, #tpu.memory_space<vmem>> -> memref<50x32xf32, #tpu.memory_space<vmem>>
      %dma_start3A_1806 = arith.constant 0 : i32
      %dma_start3A_1807 = tpu.memref_slice %arg5[%add3A_1800, %dma_start3A_1806] : memref<512x50xi32, #tpu.memory_space<vmem>> -> memref<1x50xi32, #tpu.memory_space<vmem>>
      %dma_start3A_1808 = tpu.memref_squeeze %dma_start3A_1807 : memref<1x50xi32, #tpu.memory_space<vmem>> -> memref<50xi32, #tpu.memory_space<vmem>>
      %dma_start3A_1809 = arith.constant 0 : i32
      %dma_start3A_1810 = arith.constant 0 : i32
      %dma_start3A_1811 = tpu.memref_slice %arg2[%dma_start3A_1809, %dma_start3A_1810] : memref<1000000x32xf32, #tpu.memory_space<hbm>> -> memref<1000000x32xf32, #tpu.memory_space<hbm>>
      tpu.enqueue_indirect_dma source(%dma_start3A_1811 : memref<1000000x32xf32, #tpu.memory_space<hbm>>) target(%dma_start3A_1805 : memref<50x32xf32, #tpu.memory_space<vmem>>) offsets(%dma_start3A_1808 : memref<50xi32, #tpu.memory_space<vmem>>) semaphore(%arg13 : memref<!tpu.dma_semaphore, #tpu.memory_space<semaphore_mem>>)
      %mul3A_1812 = arith.constant 16 : i32
      %mul3A_1813 = arith.muli %sub3A_1766, %mul3A_1812 : i32
      %add3A_1814 = arith.constant 3 : i32
      %add3A_1815 = arith.addi %mul3A_1813, %add3A_1814 : i32
      %dma_start3A_1816 = arith.constant 3 : i32
      %dma_start3A_1817 = arith.constant 0 : i32
      %dma_start3A_1818 = arith.constant 0 : i32
      %dma_start3A_1819 = tpu.memref_slice %arg9[%dma_start3A_1816, %dma_start3A_1817, %dma_start3A_1818] : memref<16x50x32xf32, #tpu.memory_space<vmem>> -> memref<1x50x32xf32, #tpu.memory_space<vmem>>
      %dma_start3A_1820 = tpu.memref_squeeze %dma_start3A_1819 : memref<1x50x32xf32, #tpu.memory_space<vmem>> -> memref<50x32xf32, #tpu.memory_space<vmem>>
      %dma_start3A_1821 = arith.constant 0 : i32
      %dma_start3A_1822 = tpu.memref_slice %arg5[%add3A_1815, %dma_start3A_1821] : memref<512x50xi32, #tpu.memory_space<vmem>> -> memref<1x50xi32, #tpu.memory_space<vmem>>
      %dma_start3A_1823 = tpu.memref_squeeze %dma_start3A_1822 : memref<1x50xi32, #tpu.memory_space<vmem>> -> memref<50xi32, #tpu.memory_space<vmem>>
      %dma_start3A_1824 = arith.constant 0 : i32
      %dma_start3A_1825 = arith.constant 0 : i32
      %dma_start3A_1826 = tpu.memref_slice %arg2[%dma_start3A_1824, %dma_start3A_1825] : memref<1000000x32xf32, #tpu.memory_space<hbm>> -> memref<1000000x32xf32, #tpu.memory_space<hbm>>
      tpu.enqueue_indirect_dma source(%dma_start3A_1826 : memref<1000000x32xf32, #tpu.memory_space<hbm>>) target(%dma_start3A_1820 : memref<50x32xf32, #tpu.memory_space<vmem>>) offsets(%dma_start3A_1823 : memref<50xi32, #tpu.memory_space<vmem>>) semaphore(%arg13 : memref<!tpu.dma_semaphore, #tpu.memory_space<semaphore_mem>>)
      %mul3A_1827 = arith.constant 16 : i32
      %mul3A_1828 = arith.muli %sub3A_1766, %mul3A_1827 : i32
      %add3A_1829 = arith.constant 4 : i32
      %add3A_1830 = arith.addi %mul3A_1828, %add3A_1829 : i32
      %dma_start3A_1831 = arith.constant 4 : i32
      %dma_start3A_1832 = arith.constant 0 : i32
      %dma_start3A_1833 = arith.constant 0 : i32
      %dma_start3A_1834 = tpu.memref_slice %arg9[%dma_start3A_1831, %dma_start3A_1832, %dma_start3A_1833] : memref<16x50x32xf32, #tpu.memory_space<vmem>> -> memref<1x50x32xf32, #tpu.memory_space<vmem>>
      %dma_start3A_1835 = tpu.memref_squeeze %dma_start3A_1834 : memref<1x50x32xf32, #tpu.memory_space<vmem>> -> memref<50x32xf32, #tpu.memory_space<vmem>>
      %dma_start3A_1836 = arith.constant 0 : i32
      %dma_start3A_1837 = tpu.memref_slice %arg5[%add3A_1830, %dma_start3A_1836] : memref<512x50xi32, #tpu.memory_space<vmem>> -> memref<1x50xi32, #tpu.memory_space<vmem>>
      %dma_start3A_1838 = tpu.memref_squeeze %dma_start3A_1837 : memref<1x50xi32, #tpu.memory_space<vmem>> -> memref<50xi32, #tpu.memory_space<vmem>>
      %dma_start3A_1839 = arith.constant 0 : i32
      %dma_start3A_1840 = arith.constant 0 : i32
      %dma_start3A_1841 = tpu.memref_slice %arg2[%dma_start3A_1839, %dma_start3A_1840] : memref<1000000x32xf32, #tpu.memory_space<hbm>> -> memref<1000000x32xf32, #tpu.memory_space<hbm>>
      tpu.enqueue_indirect_dma source(%dma_start3A_1841 : memref<1000000x32xf32, #tpu.memory_space<hbm>>) target(%dma_start3A_1835 : memref<50x32xf32, #tpu.memory_space<vmem>>) offsets(%dma_start3A_1838 : memref<50xi32, #tpu.memory_space<vmem>>) semaphore(%arg13 : memref<!tpu.dma_semaphore, #tpu.memory_space<semaphore_mem>>)
      %mul3A_1842 = arith.constant 16 : i32
      %mul3A_1843 = arith.muli %sub3A_1766, %mul3A_1842 : i32
      %add3A_1844 = arith.constant 5 : i32
      %add3A_1845 = arith.addi %mul3A_1843, %add3A_1844 : i32
      %dma_start3A_1846 = arith.constant 5 : i32
      %dma_start3A_1847 = arith.constant 0 : i32
      %dma_start3A_1848 = arith.constant 0 : i32
      %dma_start3A_1849 = tpu.memref_slice %arg9[%dma_start3A_1846, %dma_start3A_1847, %dma_start3A_1848] : memref<16x50x32xf32, #tpu.memory_space<vmem>> -> memref<1x50x32xf32, #tpu.memory_space<vmem>>
      %dma_start3A_1850 = tpu.memref_squeeze %dma_start3A_1849 : memref<1x50x32xf32, #tpu.memory_space<vmem>> -> memref<50x32xf32, #tpu.memory_space<vmem>>
      %dma_start3A_1851 = arith.constant 0 : i32
      %dma_start3A_1852 = tpu.memref_slice %arg5[%add3A_1845, %dma_start3A_1851] : memref<512x50xi32, #tpu.memory_space<vmem>> -> memref<1x50xi32, #tpu.memory_space<vmem>>
      %dma_start3A_1853 = tpu.memref_squeeze %dma_start3A_1852 : memref<1x50xi32, #tpu.memory_space<vmem>> -> memref<50xi32, #tpu.memory_space<vmem>>
      %dma_start3A_1854 = arith.constant 0 : i32
      %dma_start3A_1855 = arith.constant 0 : i32
      %dma_start3A_1856 = tpu.memref_slice %arg2[%dma_start3A_1854, %dma_start3A_1855] : memref<1000000x32xf32, #tpu.memory_space<hbm>> -> memref<1000000x32xf32, #tpu.memory_space<hbm>>
      tpu.enqueue_indirect_dma source(%dma_start3A_1856 : memref<1000000x32xf32, #tpu.memory_space<hbm>>) target(%dma_start3A_1850 : memref<50x32xf32, #tpu.memory_space<vmem>>) offsets(%dma_start3A_1853 : memref<50xi32, #tpu.memory_space<vmem>>) semaphore(%arg13 : memref<!tpu.dma_semaphore, #tpu.memory_space<semaphore_mem>>)
      %mul3A_1857 = arith.constant 16 : i32
      %mul3A_1858 = arith.muli %sub3A_1766, %mul3A_1857 : i32
      %add3A_1859 = arith.constant 6 : i32
      %add3A_1860 = arith.addi %mul3A_1858, %add3A_1859 : i32
      %dma_start3A_1861 = arith.constant 6 : i32
      %dma_start3A_1862 = arith.constant 0 : i32
      %dma_start3A_1863 = arith.constant 0 : i32
      %dma_start3A_1864 = tpu.memref_slice %arg9[%dma_start3A_1861, %dma_start3A_1862, %dma_start3A_1863] : memref<16x50x32xf32, #tpu.memory_space<vmem>> -> memref<1x50x32xf32, #tpu.memory_space<vmem>>
      %dma_start3A_1865 = tpu.memref_squeeze %dma_start3A_1864 : memref<1x50x32xf32, #tpu.memory_space<vmem>> -> memref<50x32xf32, #tpu.memory_space<vmem>>
      %dma_start3A_1866 = arith.constant 0 : i32
      %dma_start3A_1867 = tpu.memref_slice %arg5[%add3A_1860, %dma_start3A_1866] : memref<512x50xi32, #tpu.memory_space<vmem>> -> memref<1x50xi32, #tpu.memory_space<vmem>>
      %dma_start3A_1868 = tpu.memref_squeeze %dma_start3A_1867 : memref<1x50xi32, #tpu.memory_space<vmem>> -> memref<50xi32, #tpu.memory_space<vmem>>
      %dma_start3A_1869 = arith.constant 0 : i32
      %dma_start3A_1870 = arith.constant 0 : i32
      %dma_start3A_1871 = tpu.memref_slice %arg2[%dma_start3A_1869, %dma_start3A_1870] : memref<1000000x32xf32, #tpu.memory_space<hbm>> -> memref<1000000x32xf32, #tpu.memory_space<hbm>>
      tpu.enqueue_indirect_dma source(%dma_start3A_1871 : memref<1000000x32xf32, #tpu.memory_space<hbm>>) target(%dma_start3A_1865 : memref<50x32xf32, #tpu.memory_space<vmem>>) offsets(%dma_start3A_1868 : memref<50xi32, #tpu.memory_space<vmem>>) semaphore(%arg13 : memref<!tpu.dma_semaphore, #tpu.memory_space<semaphore_mem>>)
      %mul3A_1872 = arith.constant 16 : i32
      %mul3A_1873 = arith.muli %sub3A_1766, %mul3A_1872 : i32
      %add3A_1874 = arith.constant 7 : i32
      %add3A_1875 = arith.addi %mul3A_1873, %add3A_1874 : i32
      %dma_start3A_1876 = arith.constant 7 : i32
      %dma_start3A_1877 = arith.constant 0 : i32
      %dma_start3A_1878 = arith.constant 0 : i32
      %dma_start3A_1879 = tpu.memref_slice %arg9[%dma_start3A_1876, %dma_start3A_1877, %dma_start3A_1878] : memref<16x50x32xf32, #tpu.memory_space<vmem>> -> memref<1x50x32xf32, #tpu.memory_space<vmem>>
      %dma_start3A_1880 = tpu.memref_squeeze %dma_start3A_1879 : memref<1x50x32xf32, #tpu.memory_space<vmem>> -> memref<50x32xf32, #tpu.memory_space<vmem>>
      %dma_start3A_1881 = arith.constant 0 : i32
      %dma_start3A_1882 = tpu.memref_slice %arg5[%add3A_1875, %dma_start3A_1881] : memref<512x50xi32, #tpu.memory_space<vmem>> -> memref<1x50xi32, #tpu.memory_space<vmem>>
      %dma_start3A_1883 = tpu.memref_squeeze %dma_start3A_1882 : memref<1x50xi32, #tpu.memory_space<vmem>> -> memref<50xi32, #tpu.memory_space<vmem>>
      %dma_start3A_1884 = arith.constant 0 : i32
      %dma_start3A_1885 = arith.constant 0 : i32
      %dma_start3A_1886 = tpu.memref_slice %arg2[%dma_start3A_1884, %dma_start3A_1885] : memref<1000000x32xf32, #tpu.memory_space<hbm>> -> memref<1000000x32xf32, #tpu.memory_space<hbm>>
      tpu.enqueue_indirect_dma source(%dma_start3A_1886 : memref<1000000x32xf32, #tpu.memory_space<hbm>>) target(%dma_start3A_1880 : memref<50x32xf32, #tpu.memory_space<vmem>>) offsets(%dma_start3A_1883 : memref<50xi32, #tpu.memory_space<vmem>>) semaphore(%arg13 : memref<!tpu.dma_semaphore, #tpu.memory_space<semaphore_mem>>)
      %mul3A_1887 = arith.constant 16 : i32
      %mul3A_1888 = arith.muli %sub3A_1766, %mul3A_1887 : i32
      %add3A_1889 = arith.constant 8 : i32
      %add3A_1890 = arith.addi %mul3A_1888, %add3A_1889 : i32
      %dma_start3A_1891 = arith.constant 8 : i32
      %dma_start3A_1892 = arith.constant 0 : i32
      %dma_start3A_1893 = arith.constant 0 : i32
      %dma_start3A_1894 = tpu.memref_slice %arg9[%dma_start3A_1891, %dma_start3A_1892, %dma_start3A_1893] : memref<16x50x32xf32, #tpu.memory_space<vmem>> -> memref<1x50x32xf32, #tpu.memory_space<vmem>>
      %dma_start3A_1895 = tpu.memref_squeeze %dma_start3A_1894 : memref<1x50x32xf32, #tpu.memory_space<vmem>> -> memref<50x32xf32, #tpu.memory_space<vmem>>
      %dma_start3A_1896 = arith.constant 0 : i32
      %dma_start3A_1897 = tpu.memref_slice %arg5[%add3A_1890, %dma_start3A_1896] : memref<512x50xi32, #tpu.memory_space<vmem>> -> memref<1x50xi32, #tpu.memory_space<vmem>>
      %dma_start3A_1898 = tpu.memref_squeeze %dma_start3A_1897 : memref<1x50xi32, #tpu.memory_space<vmem>> -> memref<50xi32, #tpu.memory_space<vmem>>
      %dma_start3A_1899 = arith.constant 0 : i32
      %dma_start3A_1900 = arith.constant 0 : i32
      %dma_start3A_1901 = tpu.memref_slice %arg2[%dma_start3A_1899, %dma_start3A_1900] : memref<1000000x32xf32, #tpu.memory_space<hbm>> -> memref<1000000x32xf32, #tpu.memory_space<hbm>>
      tpu.enqueue_indirect_dma source(%dma_start3A_1901 : memref<1000000x32xf32, #tpu.memory_space<hbm>>) target(%dma_start3A_1895 : memref<50x32xf32, #tpu.memory_space<vmem>>) offsets(%dma_start3A_1898 : memref<50xi32, #tpu.memory_space<vmem>>) semaphore(%arg13 : memref<!tpu.dma_semaphore, #tpu.memory_space<semaphore_mem>>)
      %mul3A_1902 = arith.constant 16 : i32
      %mul3A_1903 = arith.muli %sub3A_1766, %mul3A_1902 : i32
      %add3A_1904 = arith.constant 9 : i32
      %add3A_1905 = arith.addi %mul3A_1903, %add3A_1904 : i32
      %dma_start3A_1906 = arith.constant 9 : i32
      %dma_start3A_1907 = arith.constant 0 : i32
      %dma_start3A_1908 = arith.constant 0 : i32
      %dma_start3A_1909 = tpu.memref_slice %arg9[%dma_start3A_1906, %dma_start3A_1907, %dma_start3A_1908] : memref<16x50x32xf32, #tpu.memory_space<vmem>> -> memref<1x50x32xf32, #tpu.memory_space<vmem>>
      %dma_start3A_1910 = tpu.memref_squeeze %dma_start3A_1909 : memref<1x50x32xf32, #tpu.memory_space<vmem>> -> memref<50x32xf32, #tpu.memory_space<vmem>>
      %dma_start3A_1911 = arith.constant 0 : i32
      %dma_start3A_1912 = tpu.memref_slice %arg5[%add3A_1905, %dma_start3A_1911] : memref<512x50xi32, #tpu.memory_space<vmem>> -> memref<1x50xi32, #tpu.memory_space<vmem>>
      %dma_start3A_1913 = tpu.memref_squeeze %dma_start3A_1912 : memref<1x50xi32, #tpu.memory_space<vmem>> -> memref<50xi32, #tpu.memory_space<vmem>>
      %dma_start3A_1914 = arith.constant 0 : i32
      %dma_start3A_1915 = arith.constant 0 : i32
      %dma_start3A_1916 = tpu.memref_slice %arg2[%dma_start3A_1914, %dma_start3A_1915] : memref<1000000x32xf32, #tpu.memory_space<hbm>> -> memref<1000000x32xf32, #tpu.memory_space<hbm>>
      tpu.enqueue_indirect_dma source(%dma_start3A_1916 : memref<1000000x32xf32, #tpu.memory_space<hbm>>) target(%dma_start3A_1910 : memref<50x32xf32, #tpu.memory_space<vmem>>) offsets(%dma_start3A_1913 : memref<50xi32, #tpu.memory_space<vmem>>) semaphore(%arg13 : memref<!tpu.dma_semaphore, #tpu.memory_space<semaphore_mem>>)
      %mul3A_1917 = arith.constant 16 : i32
      %mul3A_1918 = arith.muli %sub3A_1766, %mul3A_1917 : i32
      %add3A_1919 = arith.constant 10 : i32
      %add3A_1920 = arith.addi %mul3A_1918, %add3A_1919 : i32
      %dma_start3A_1921 = arith.constant 10 : i32
      %dma_start3A_1922 = arith.constant 0 : i32
      %dma_start3A_1923 = arith.constant 0 : i32
      %dma_start3A_1924 = tpu.memref_slice %arg9[%dma_start3A_1921, %dma_start3A_1922, %dma_start3A_1923] : memref<16x50x32xf32, #tpu.memory_space<vmem>> -> memref<1x50x32xf32, #tpu.memory_space<vmem>>
      %dma_start3A_1925 = tpu.memref_squeeze %dma_start3A_1924 : memref<1x50x32xf32, #tpu.memory_space<vmem>> -> memref<50x32xf32, #tpu.memory_space<vmem>>
      %dma_start3A_1926 = arith.constant 0 : i32
      %dma_start3A_1927 = tpu.memref_slice %arg5[%add3A_1920, %dma_start3A_1926] : memref<512x50xi32, #tpu.memory_space<vmem>> -> memref<1x50xi32, #tpu.memory_space<vmem>>
      %dma_start3A_1928 = tpu.memref_squeeze %dma_start3A_1927 : memref<1x50xi32, #tpu.memory_space<vmem>> -> memref<50xi32, #tpu.memory_space<vmem>>
      %dma_start3A_1929 = arith.constant 0 : i32
      %dma_start3A_1930 = arith.constant 0 : i32
      %dma_start3A_1931 = tpu.memref_slice %arg2[%dma_start3A_1929, %dma_start3A_1930] : memref<1000000x32xf32, #tpu.memory_space<hbm>> -> memref<1000000x32xf32, #tpu.memory_space<hbm>>
      tpu.enqueue_indirect_dma source(%dma_start3A_1931 : memref<1000000x32xf32, #tpu.memory_space<hbm>>) target(%dma_start3A_1925 : memref<50x32xf32, #tpu.memory_space<vmem>>) offsets(%dma_start3A_1928 : memref<50xi32, #tpu.memory_space<vmem>>) semaphore(%arg13 : memref<!tpu.dma_semaphore, #tpu.memory_space<semaphore_mem>>)
      %mul3A_1932 = arith.constant 16 : i32
      %mul3A_1933 = arith.muli %sub3A_1766, %mul3A_1932 : i32
      %add3A_1934 = arith.constant 11 : i32
      %add3A_1935 = arith.addi %mul3A_1933, %add3A_1934 : i32
      %dma_start3A_1936 = arith.constant 11 : i32
      %dma_start3A_1937 = arith.constant 0 : i32
      %dma_start3A_1938 = arith.constant 0 : i32
      %dma_start3A_1939 = tpu.memref_slice %arg9[%dma_start3A_1936, %dma_start3A_1937, %dma_start3A_1938] : memref<16x50x32xf32, #tpu.memory_space<vmem>> -> memref<1x50x32xf32, #tpu.memory_space<vmem>>
      %dma_start3A_1940 = tpu.memref_squeeze %dma_start3A_1939 : memref<1x50x32xf32, #tpu.memory_space<vmem>> -> memref<50x32xf32, #tpu.memory_space<vmem>>
      %dma_start3A_1941 = arith.constant 0 : i32
      %dma_start3A_1942 = tpu.memref_slice %arg5[%add3A_1935, %dma_start3A_1941] : memref<512x50xi32, #tpu.memory_space<vmem>> -> memref<1x50xi32, #tpu.memory_space<vmem>>
      %dma_start3A_1943 = tpu.memref_squeeze %dma_start3A_1942 : memref<1x50xi32, #tpu.memory_space<vmem>> -> memref<50xi32, #tpu.memory_space<vmem>>
      %dma_start3A_1944 = arith.constant 0 : i32
      %dma_start3A_1945 = arith.constant 0 : i32
      %dma_start3A_1946 = tpu.memref_slice %arg2[%dma_start3A_1944, %dma_start3A_1945] : memref<1000000x32xf32, #tpu.memory_space<hbm>> -> memref<1000000x32xf32, #tpu.memory_space<hbm>>
      tpu.enqueue_indirect_dma source(%dma_start3A_1946 : memref<1000000x32xf32, #tpu.memory_space<hbm>>) target(%dma_start3A_1940 : memref<50x32xf32, #tpu.memory_space<vmem>>) offsets(%dma_start3A_1943 : memref<50xi32, #tpu.memory_space<vmem>>) semaphore(%arg13 : memref<!tpu.dma_semaphore, #tpu.memory_space<semaphore_mem>>)
      %mul3A_1947 = arith.constant 16 : i32
      %mul3A_1948 = arith.muli %sub3A_1766, %mul3A_1947 : i32
      %add3A_1949 = arith.constant 12 : i32
      %add3A_1950 = arith.addi %mul3A_1948, %add3A_1949 : i32
      %dma_start3A_1951 = arith.constant 12 : i32
      %dma_start3A_1952 = arith.constant 0 : i32
      %dma_start3A_1953 = arith.constant 0 : i32
      %dma_start3A_1954 = tpu.memref_slice %arg9[%dma_start3A_1951, %dma_start3A_1952, %dma_start3A_1953] : memref<16x50x32xf32, #tpu.memory_space<vmem>> -> memref<1x50x32xf32, #tpu.memory_space<vmem>>
      %dma_start3A_1955 = tpu.memref_squeeze %dma_start3A_1954 : memref<1x50x32xf32, #tpu.memory_space<vmem>> -> memref<50x32xf32, #tpu.memory_space<vmem>>
      %dma_start3A_1956 = arith.constant 0 : i32
      %dma_start3A_1957 = tpu.memref_slice %arg5[%add3A_1950, %dma_start3A_1956] : memref<512x50xi32, #tpu.memory_space<vmem>> -> memref<1x50xi32, #tpu.memory_space<vmem>>
      %dma_start3A_1958 = tpu.memref_squeeze %dma_start3A_1957 : memref<1x50xi32, #tpu.memory_space<vmem>> -> memref<50xi32, #tpu.memory_space<vmem>>
      %dma_start3A_1959 = arith.constant 0 : i32
      %dma_start3A_1960 = arith.constant 0 : i32
      %dma_start3A_1961 = tpu.memref_slice %arg2[%dma_start3A_1959, %dma_start3A_1960] : memref<1000000x32xf32, #tpu.memory_space<hbm>> -> memref<1000000x32xf32, #tpu.memory_space<hbm>>
      tpu.enqueue_indirect_dma source(%dma_start3A_1961 : memref<1000000x32xf32, #tpu.memory_space<hbm>>) target(%dma_start3A_1955 : memref<50x32xf32, #tpu.memory_space<vmem>>) offsets(%dma_start3A_1958 : memref<50xi32, #tpu.memory_space<vmem>>) semaphore(%arg13 : memref<!tpu.dma_semaphore, #tpu.memory_space<semaphore_mem>>)
      %mul3A_1962 = arith.constant 16 : i32
      %mul3A_1963 = arith.muli %sub3A_1766, %mul3A_1962 : i32
      %add3A_1964 = arith.constant 13 : i32
      %add3A_1965 = arith.addi %mul3A_1963, %add3A_1964 : i32
      %dma_start3A_1966 = arith.constant 13 : i32
      %dma_start3A_1967 = arith.constant 0 : i32
      %dma_start3A_1968 = arith.constant 0 : i32
      %dma_start3A_1969 = tpu.memref_slice %arg9[%dma_start3A_1966, %dma_start3A_1967, %dma_start3A_1968] : memref<16x50x32xf32, #tpu.memory_space<vmem>> -> memref<1x50x32xf32, #tpu.memory_space<vmem>>
      %dma_start3A_1970 = tpu.memref_squeeze %dma_start3A_1969 : memref<1x50x32xf32, #tpu.memory_space<vmem>> -> memref<50x32xf32, #tpu.memory_space<vmem>>
      %dma_start3A_1971 = arith.constant 0 : i32
      %dma_start3A_1972 = tpu.memref_slice %arg5[%add3A_1965, %dma_start3A_1971] : memref<512x50xi32, #tpu.memory_space<vmem>> -> memref<1x50xi32, #tpu.memory_space<vmem>>
      %dma_start3A_1973 = tpu.memref_squeeze %dma_start3A_1972 : memref<1x50xi32, #tpu.memory_space<vmem>> -> memref<50xi32, #tpu.memory_space<vmem>>
      %dma_start3A_1974 = arith.constant 0 : i32
      %dma_start3A_1975 = arith.constant 0 : i32
      %dma_start3A_1976 = tpu.memref_slice %arg2[%dma_start3A_1974, %dma_start3A_1975] : memref<1000000x32xf32, #tpu.memory_space<hbm>> -> memref<1000000x32xf32, #tpu.memory_space<hbm>>
      tpu.enqueue_indirect_dma source(%dma_start3A_1976 : memref<1000000x32xf32, #tpu.memory_space<hbm>>) target(%dma_start3A_1970 : memref<50x32xf32, #tpu.memory_space<vmem>>) offsets(%dma_start3A_1973 : memref<50xi32, #tpu.memory_space<vmem>>) semaphore(%arg13 : memref<!tpu.dma_semaphore, #tpu.memory_space<semaphore_mem>>)
      %mul3A_1977 = arith.constant 16 : i32
      %mul3A_1978 = arith.muli %sub3A_1766, %mul3A_1977 : i32
      %add3A_1979 = arith.constant 14 : i32
      %add3A_1980 = arith.addi %mul3A_1978, %add3A_1979 : i32
      %dma_start3A_1981 = arith.constant 14 : i32
      %dma_start3A_1982 = arith.constant 0 : i32
      %dma_start3A_1983 = arith.constant 0 : i32
      %dma_start3A_1984 = tpu.memref_slice %arg9[%dma_start3A_1981, %dma_start3A_1982, %dma_start3A_1983] : memref<16x50x32xf32, #tpu.memory_space<vmem>> -> memref<1x50x32xf32, #tpu.memory_space<vmem>>
      %dma_start3A_1985 = tpu.memref_squeeze %dma_start3A_1984 : memref<1x50x32xf32, #tpu.memory_space<vmem>> -> memref<50x32xf32, #tpu.memory_space<vmem>>
      %dma_start3A_1986 = arith.constant 0 : i32
      %dma_start3A_1987 = tpu.memref_slice %arg5[%add3A_1980, %dma_start3A_1986] : memref<512x50xi32, #tpu.memory_space<vmem>> -> memref<1x50xi32, #tpu.memory_space<vmem>>
      %dma_start3A_1988 = tpu.memref_squeeze %dma_start3A_1987 : memref<1x50xi32, #tpu.memory_space<vmem>> -> memref<50xi32, #tpu.memory_space<vmem>>
      %dma_start3A_1989 = arith.constant 0 : i32
      %dma_start3A_1990 = arith.constant 0 : i32
      %dma_start3A_1991 = tpu.memref_slice %arg2[%dma_start3A_1989, %dma_start3A_1990] : memref<1000000x32xf32, #tpu.memory_space<hbm>> -> memref<1000000x32xf32, #tpu.memory_space<hbm>>
      tpu.enqueue_indirect_dma source(%dma_start3A_1991 : memref<1000000x32xf32, #tpu.memory_space<hbm>>) target(%dma_start3A_1985 : memref<50x32xf32, #tpu.memory_space<vmem>>) offsets(%dma_start3A_1988 : memref<50xi32, #tpu.memory_space<vmem>>) semaphore(%arg13 : memref<!tpu.dma_semaphore, #tpu.memory_space<semaphore_mem>>)
      %mul3A_1992 = arith.constant 16 : i32
      %mul3A_1993 = arith.muli %sub3A_1766, %mul3A_1992 : i32
      %add3A_1994 = arith.constant 15 : i32
      %add3A_1995 = arith.addi %mul3A_1993, %add3A_1994 : i32
      %dma_start3A_1996 = arith.constant 15 : i32
      %dma_start3A_1997 = arith.constant 0 : i32
      %dma_start3A_1998 = arith.constant 0 : i32
      %dma_start3A_1999 = tpu.memref_slice %arg9[%dma_start3A_1996, %dma_start3A_1997, %dma_start3A_1998] : memref<16x50x32xf32, #tpu.memory_space<vmem>> -> memref<1x50x32xf32, #tpu.memory_space<vmem>>
      %dma_start3A_2000 = tpu.memref_squeeze %dma_start3A_1999 : memref<1x50x32xf32, #tpu.memory_space<vmem>> -> memref<50x32xf32, #tpu.memory_space<vmem>>
      %dma_start3A_2001 = arith.constant 0 : i32
      %dma_start3A_2002 = tpu.memref_slice %arg5[%add3A_1995, %dma_start3A_2001] : memref<512x50xi32, #tpu.memory_space<vmem>> -> memref<1x50xi32, #tpu.memory_space<vmem>>
      %dma_start3A_2003 = tpu.memref_squeeze %dma_start3A_2002 : memref<1x50xi32, #tpu.memory_space<vmem>> -> memref<50xi32, #tpu.memory_space<vmem>>
      %dma_start3A_2004 = arith.constant 0 : i32
      %dma_start3A_2005 = arith.constant 0 : i32
      %dma_start3A_2006 = tpu.memref_slice %arg2[%dma_start3A_2004, %dma_start3A_2005] : memref<1000000x32xf32, #tpu.memory_space<hbm>> -> memref<1000000x32xf32, #tpu.memory_space<hbm>>
      tpu.enqueue_indirect_dma source(%dma_start3A_2006 : memref<1000000x32xf32, #tpu.memory_space<hbm>>) target(%dma_start3A_2000 : memref<50x32xf32, #tpu.memory_space<vmem>>) offsets(%dma_start3A_2003 : memref<50xi32, #tpu.memory_space<vmem>>) semaphore(%arg13 : memref<!tpu.dma_semaphore, #tpu.memory_space<semaphore_mem>>)
      %add3A_2007 = arith.constant 1 : i32
      %add3A_2008 = arith.addi %mul3A_1736, %add3A_2007 : i32
      %dma_wait3A_2009 = arith.constant 0 : i32
      %dma_wait3A_2010 = arith.constant 0 : i32
      %dma_wait3A_2011 = arith.constant 0 : i32
      %dma_wait3A_2012 = tpu.memref_slice %arg4[%dma_wait3A_2009, %dma_wait3A_2010, %dma_wait3A_2011] : memref<16384x56x128xf32, #tpu.memory_space<hbm>> -> memref<16x50x32xf32, #tpu.memory_space<hbm>>
      %dma_wait3A_2013 = arith.constant 0 : i32
      %dma_wait3A_2014 = arith.constant 0 : i32
      %dma_wait3A_2015 = arith.constant 0 : i32
      %dma_wait3A_2016 = tpu.memref_slice %arg4[%dma_wait3A_2013, %dma_wait3A_2014, %dma_wait3A_2015] : memref<16384x56x128xf32, #tpu.memory_space<hbm>> -> memref<16x50x32xf32, #tpu.memory_space<hbm>>
      tpu.wait_dma2 semaphore(%arg11 : memref<!tpu.dma_semaphore, #tpu.memory_space<semaphore_mem>>) src(%dma_wait3A_2016 : memref<16x50x32xf32, #tpu.memory_space<hbm>>) dst(%arg7 : memref<16x50x32xf32, #tpu.memory_space<vmem>>)
      %mul3A_2017 = arith.constant 16 : i32
      %mul3A_2018 = arith.muli %add3A_2008, %mul3A_2017 : i32
      %add3A_2019 = arith.addi %mul3A_2, %mul3A_2018 : i32
      %dma_start3A_2020 = arith.constant 0 : i32
      %dma_start3A_2021 = arith.constant 0 : i32
      %dma_start3A_2022 = tpu.memref_slice %arg4[%add3A_2019, %dma_start3A_2020, %dma_start3A_2021] : memref<16384x56x128xf32, #tpu.memory_space<hbm>> -> memref<16x50x32xf32, #tpu.memory_space<hbm>>
      %dma_start3A_2023 = arith.constant 0 : i32
      %dma_start3A_2024 = arith.constant 0 : i32
      %dma_start3A_2025 = tpu.memref_slice %arg4[%add3A_2019, %dma_start3A_2023, %dma_start3A_2024] : memref<16384x56x128xf32, #tpu.memory_space<hbm>> -> memref<16x50x32xf32, #tpu.memory_space<hbm>>
      tpu.enqueue_dma source(%arg7 : memref<16x50x32xf32, #tpu.memory_space<vmem>>) target(%dma_start3A_2025 : memref<16x50x32xf32, #tpu.memory_space<hbm>>) target_semaphore(%arg15 : memref<!tpu.dma_semaphore, #tpu.memory_space<semaphore_mem>>)
      %dma_wait3A_2026 = arith.constant 0 : i32
      %dma_wait3A_2027 = arith.constant 0 : i32
      %dma_wait3A_2028 = arith.constant 0 : i32
      %dma_wait3A_2029 = tpu.memref_slice %arg4[%dma_wait3A_2026, %dma_wait3A_2027, %dma_wait3A_2028] : memref<16384x56x128xf32, #tpu.memory_space<hbm>> -> memref<16x50x32xf32, #tpu.memory_space<hbm>>
      %dma_wait3A_2030 = arith.constant 0 : i32
      %dma_wait3A_2031 = arith.constant 0 : i32
      %dma_wait3A_2032 = arith.constant 0 : i32
      %dma_wait3A_2033 = tpu.memref_slice %arg4[%dma_wait3A_2030, %dma_wait3A_2031, %dma_wait3A_2032] : memref<16384x56x128xf32, #tpu.memory_space<hbm>> -> memref<16x50x32xf32, #tpu.memory_space<hbm>>
      tpu.wait_dma2 semaphore(%arg14 : memref<!tpu.dma_semaphore, #tpu.memory_space<semaphore_mem>>) src(%arg6 : memref<16x50x32xf32, #tpu.memory_space<vmem>>) dst(%dma_wait3A_2033 : memref<16x50x32xf32, #tpu.memory_space<hbm>>)
      %add3A_2034 = arith.constant 4 : i32
      %add3A_2035 = arith.addi %add3A_2008, %add3A_2034 : i32
      %sub3A_2036 = arith.constant 1 : i32
      %sub3A_2037 = arith.subi %add3A_2035, %sub3A_2036 : i32
      %mul3A_2038 = arith.constant 16 : i32
      %mul3A_2039 = arith.muli %sub3A_2037, %mul3A_2038 : i32
      %add3A_2040 = arith.constant 0 : i32
      %add3A_2041 = arith.addi %mul3A_2039, %add3A_2040 : i32
      %dma_start3A_2042 = arith.constant 0 : i32
      %dma_start3A_2043 = arith.constant 0 : i32
      %dma_start3A_2044 = arith.constant 0 : i32
      %dma_start3A_2045 = tpu.memref_slice %arg6[%dma_start3A_2042, %dma_start3A_2043, %dma_start3A_2044] : memref<16x50x32xf32, #tpu.memory_space<vmem>> -> memref<1x50x32xf32, #tpu.memory_space<vmem>>
      %dma_start3A_2046 = tpu.memref_squeeze %dma_start3A_2045 : memref<1x50x32xf32, #tpu.memory_space<vmem>> -> memref<50x32xf32, #tpu.memory_space<vmem>>
      %dma_start3A_2047 = arith.constant 0 : i32
      %dma_start3A_2048 = tpu.memref_slice %arg5[%add3A_2041, %dma_start3A_2047] : memref<512x50xi32, #tpu.memory_space<vmem>> -> memref<1x50xi32, #tpu.memory_space<vmem>>
      %dma_start3A_2049 = tpu.memref_squeeze %dma_start3A_2048 : memref<1x50xi32, #tpu.memory_space<vmem>> -> memref<50xi32, #tpu.memory_space<vmem>>
      %dma_start3A_2050 = arith.constant 0 : i32
      %dma_start3A_2051 = arith.constant 0 : i32
      %dma_start3A_2052 = tpu.memref_slice %arg2[%dma_start3A_2050, %dma_start3A_2051] : memref<1000000x32xf32, #tpu.memory_space<hbm>> -> memref<1000000x32xf32, #tpu.memory_space<hbm>>
      tpu.enqueue_indirect_dma source(%dma_start3A_2052 : memref<1000000x32xf32, #tpu.memory_space<hbm>>) target(%dma_start3A_2046 : memref<50x32xf32, #tpu.memory_space<vmem>>) offsets(%dma_start3A_2049 : memref<50xi32, #tpu.memory_space<vmem>>) semaphore(%arg10 : memref<!tpu.dma_semaphore, #tpu.memory_space<semaphore_mem>>)
      %mul3A_2053 = arith.constant 16 : i32
      %mul3A_2054 = arith.muli %sub3A_2037, %mul3A_2053 : i32
      %add3A_2055 = arith.constant 1 : i32
      %add3A_2056 = arith.addi %mul3A_2054, %add3A_2055 : i32
      %dma_start3A_2057 = arith.constant 1 : i32
      %dma_start3A_2058 = arith.constant 0 : i32
      %dma_start3A_2059 = arith.constant 0 : i32
      %dma_start3A_2060 = tpu.memref_slice %arg6[%dma_start3A_2057, %dma_start3A_2058, %dma_start3A_2059] : memref<16x50x32xf32, #tpu.memory_space<vmem>> -> memref<1x50x32xf32, #tpu.memory_space<vmem>>
      %dma_start3A_2061 = tpu.memref_squeeze %dma_start3A_2060 : memref<1x50x32xf32, #tpu.memory_space<vmem>> -> memref<50x32xf32, #tpu.memory_space<vmem>>
      %dma_start3A_2062 = arith.constant 0 : i32
      %dma_start3A_2063 = tpu.memref_slice %arg5[%add3A_2056, %dma_start3A_2062] : memref<512x50xi32, #tpu.memory_space<vmem>> -> memref<1x50xi32, #tpu.memory_space<vmem>>
      %dma_start3A_2064 = tpu.memref_squeeze %dma_start3A_2063 : memref<1x50xi32, #tpu.memory_space<vmem>> -> memref<50xi32, #tpu.memory_space<vmem>>
      %dma_start3A_2065 = arith.constant 0 : i32
      %dma_start3A_2066 = arith.constant 0 : i32
      %dma_start3A_2067 = tpu.memref_slice %arg2[%dma_start3A_2065, %dma_start3A_2066] : memref<1000000x32xf32, #tpu.memory_space<hbm>> -> memref<1000000x32xf32, #tpu.memory_space<hbm>>
      tpu.enqueue_indirect_dma source(%dma_start3A_2067 : memref<1000000x32xf32, #tpu.memory_space<hbm>>) target(%dma_start3A_2061 : memref<50x32xf32, #tpu.memory_space<vmem>>) offsets(%dma_start3A_2064 : memref<50xi32, #tpu.memory_space<vmem>>) semaphore(%arg10 : memref<!tpu.dma_semaphore, #tpu.memory_space<semaphore_mem>>)
      %mul3A_2068 = arith.constant 16 : i32
      %mul3A_2069 = arith.muli %sub3A_2037, %mul3A_2068 : i32
      %add3A_2070 = arith.constant 2 : i32
      %add3A_2071 = arith.addi %mul3A_2069, %add3A_2070 : i32
      %dma_start3A_2072 = arith.constant 2 : i32
      %dma_start3A_2073 = arith.constant 0 : i32
      %dma_start3A_2074 = arith.constant 0 : i32
      %dma_start3A_2075 = tpu.memref_slice %arg6[%dma_start3A_2072, %dma_start3A_2073, %dma_start3A_2074] : memref<16x50x32xf32, #tpu.memory_space<vmem>> -> memref<1x50x32xf32, #tpu.memory_space<vmem>>
      %dma_start3A_2076 = tpu.memref_squeeze %dma_start3A_2075 : memref<1x50x32xf32, #tpu.memory_space<vmem>> -> memref<50x32xf32, #tpu.memory_space<vmem>>
      %dma_start3A_2077 = arith.constant 0 : i32
      %dma_start3A_2078 = tpu.memref_slice %arg5[%add3A_2071, %dma_start3A_2077] : memref<512x50xi32, #tpu.memory_space<vmem>> -> memref<1x50xi32, #tpu.memory_space<vmem>>
      %dma_start3A_2079 = tpu.memref_squeeze %dma_start3A_2078 : memref<1x50xi32, #tpu.memory_space<vmem>> -> memref<50xi32, #tpu.memory_space<vmem>>
      %dma_start3A_2080 = arith.constant 0 : i32
      %dma_start3A_2081 = arith.constant 0 : i32
      %dma_start3A_2082 = tpu.memref_slice %arg2[%dma_start3A_2080, %dma_start3A_2081] : memref<1000000x32xf32, #tpu.memory_space<hbm>> -> memref<1000000x32xf32, #tpu.memory_space<hbm>>
      tpu.enqueue_indirect_dma source(%dma_start3A_2082 : memref<1000000x32xf32, #tpu.memory_space<hbm>>) target(%dma_start3A_2076 : memref<50x32xf32, #tpu.memory_space<vmem>>) offsets(%dma_start3A_2079 : memref<50xi32, #tpu.memory_space<vmem>>) semaphore(%arg10 : memref<!tpu.dma_semaphore, #tpu.memory_space<semaphore_mem>>)
      %mul3A_2083 = arith.constant 16 : i32
      %mul3A_2084 = arith.muli %sub3A_2037, %mul3A_2083 : i32
      %add3A_2085 = arith.constant 3 : i32
      %add3A_2086 = arith.addi %mul3A_2084, %add3A_2085 : i32
      %dma_start3A_2087 = arith.constant 3 : i32
      %dma_start3A_2088 = arith.constant 0 : i32
      %dma_start3A_2089 = arith.constant 0 : i32
      %dma_start3A_2090 = tpu.memref_slice %arg6[%dma_start3A_2087, %dma_start3A_2088, %dma_start3A_2089] : memref<16x50x32xf32, #tpu.memory_space<vmem>> -> memref<1x50x32xf32, #tpu.memory_space<vmem>>
      %dma_start3A_2091 = tpu.memref_squeeze %dma_start3A_2090 : memref<1x50x32xf32, #tpu.memory_space<vmem>> -> memref<50x32xf32, #tpu.memory_space<vmem>>
      %dma_start3A_2092 = arith.constant 0 : i32
      %dma_start3A_2093 = tpu.memref_slice %arg5[%add3A_2086, %dma_start3A_2092] : memref<512x50xi32, #tpu.memory_space<vmem>> -> memref<1x50xi32, #tpu.memory_space<vmem>>
      %dma_start3A_2094 = tpu.memref_squeeze %dma_start3A_2093 : memref<1x50xi32, #tpu.memory_space<vmem>> -> memref<50xi32, #tpu.memory_space<vmem>>
      %dma_start3A_2095 = arith.constant 0 : i32
      %dma_start3A_2096 = arith.constant 0 : i32
      %dma_start3A_2097 = tpu.memref_slice %arg2[%dma_start3A_2095, %dma_start3A_2096] : memref<1000000x32xf32, #tpu.memory_space<hbm>> -> memref<1000000x32xf32, #tpu.memory_space<hbm>>
      tpu.enqueue_indirect_dma source(%dma_start3A_2097 : memref<1000000x32xf32, #tpu.memory_space<hbm>>) target(%dma_start3A_2091 : memref<50x32xf32, #tpu.memory_space<vmem>>) offsets(%dma_start3A_2094 : memref<50xi32, #tpu.memory_space<vmem>>) semaphore(%arg10 : memref<!tpu.dma_semaphore, #tpu.memory_space<semaphore_mem>>)
      %mul3A_2098 = arith.constant 16 : i32
      %mul3A_2099 = arith.muli %sub3A_2037, %mul3A_2098 : i32
      %add3A_2100 = arith.constant 4 : i32
      %add3A_2101 = arith.addi %mul3A_2099, %add3A_2100 : i32
      %dma_start3A_2102 = arith.constant 4 : i32
      %dma_start3A_2103 = arith.constant 0 : i32
      %dma_start3A_2104 = arith.constant 0 : i32
      %dma_start3A_2105 = tpu.memref_slice %arg6[%dma_start3A_2102, %dma_start3A_2103, %dma_start3A_2104] : memref<16x50x32xf32, #tpu.memory_space<vmem>> -> memref<1x50x32xf32, #tpu.memory_space<vmem>>
      %dma_start3A_2106 = tpu.memref_squeeze %dma_start3A_2105 : memref<1x50x32xf32, #tpu.memory_space<vmem>> -> memref<50x32xf32, #tpu.memory_space<vmem>>
      %dma_start3A_2107 = arith.constant 0 : i32
      %dma_start3A_2108 = tpu.memref_slice %arg5[%add3A_2101, %dma_start3A_2107] : memref<512x50xi32, #tpu.memory_space<vmem>> -> memref<1x50xi32, #tpu.memory_space<vmem>>
      %dma_start3A_2109 = tpu.memref_squeeze %dma_start3A_2108 : memref<1x50xi32, #tpu.memory_space<vmem>> -> memref<50xi32, #tpu.memory_space<vmem>>
      %dma_start3A_2110 = arith.constant 0 : i32
      %dma_start3A_2111 = arith.constant 0 : i32
      %dma_start3A_2112 = tpu.memref_slice %arg2[%dma_start3A_2110, %dma_start3A_2111] : memref<1000000x32xf32, #tpu.memory_space<hbm>> -> memref<1000000x32xf32, #tpu.memory_space<hbm>>
      tpu.enqueue_indirect_dma source(%dma_start3A_2112 : memref<1000000x32xf32, #tpu.memory_space<hbm>>) target(%dma_start3A_2106 : memref<50x32xf32, #tpu.memory_space<vmem>>) offsets(%dma_start3A_2109 : memref<50xi32, #tpu.memory_space<vmem>>) semaphore(%arg10 : memref<!tpu.dma_semaphore, #tpu.memory_space<semaphore_mem>>)
      %mul3A_2113 = arith.constant 16 : i32
      %mul3A_2114 = arith.muli %sub3A_2037, %mul3A_2113 : i32
      %add3A_2115 = arith.constant 5 : i32
      %add3A_2116 = arith.addi %mul3A_2114, %add3A_2115 : i32
      %dma_start3A_2117 = arith.constant 5 : i32
      %dma_start3A_2118 = arith.constant 0 : i32
      %dma_start3A_2119 = arith.constant 0 : i32
      %dma_start3A_2120 = tpu.memref_slice %arg6[%dma_start3A_2117, %dma_start3A_2118, %dma_start3A_2119] : memref<16x50x32xf32, #tpu.memory_space<vmem>> -> memref<1x50x32xf32, #tpu.memory_space<vmem>>
      %dma_start3A_2121 = tpu.memref_squeeze %dma_start3A_2120 : memref<1x50x32xf32, #tpu.memory_space<vmem>> -> memref<50x32xf32, #tpu.memory_space<vmem>>
      %dma_start3A_2122 = arith.constant 0 : i32
      %dma_start3A_2123 = tpu.memref_slice %arg5[%add3A_2116, %dma_start3A_2122] : memref<512x50xi32, #tpu.memory_space<vmem>> -> memref<1x50xi32, #tpu.memory_space<vmem>>
      %dma_start3A_2124 = tpu.memref_squeeze %dma_start3A_2123 : memref<1x50xi32, #tpu.memory_space<vmem>> -> memref<50xi32, #tpu.memory_space<vmem>>
      %dma_start3A_2125 = arith.constant 0 : i32
      %dma_start3A_2126 = arith.constant 0 : i32
      %dma_start3A_2127 = tpu.memref_slice %arg2[%dma_start3A_2125, %dma_start3A_2126] : memref<1000000x32xf32, #tpu.memory_space<hbm>> -> memref<1000000x32xf32, #tpu.memory_space<hbm>>
      tpu.enqueue_indirect_dma source(%dma_start3A_2127 : memref<1000000x32xf32, #tpu.memory_space<hbm>>) target(%dma_start3A_2121 : memref<50x32xf32, #tpu.memory_space<vmem>>) offsets(%dma_start3A_2124 : memref<50xi32, #tpu.memory_space<vmem>>) semaphore(%arg10 : memref<!tpu.dma_semaphore, #tpu.memory_space<semaphore_mem>>)
      %mul3A_2128 = arith.constant 16 : i32
      %mul3A_2129 = arith.muli %sub3A_2037, %mul3A_2128 : i32
      %add3A_2130 = arith.constant 6 : i32
      %add3A_2131 = arith.addi %mul3A_2129, %add3A_2130 : i32
      %dma_start3A_2132 = arith.constant 6 : i32
      %dma_start3A_2133 = arith.constant 0 : i32
      %dma_start3A_2134 = arith.constant 0 : i32
      %dma_start3A_2135 = tpu.memref_slice %arg6[%dma_start3A_2132, %dma_start3A_2133, %dma_start3A_2134] : memref<16x50x32xf32, #tpu.memory_space<vmem>> -> memref<1x50x32xf32, #tpu.memory_space<vmem>>
      %dma_start3A_2136 = tpu.memref_squeeze %dma_start3A_2135 : memref<1x50x32xf32, #tpu.memory_space<vmem>> -> memref<50x32xf32, #tpu.memory_space<vmem>>
      %dma_start3A_2137 = arith.constant 0 : i32
      %dma_start3A_2138 = tpu.memref_slice %arg5[%add3A_2131, %dma_start3A_2137] : memref<512x50xi32, #tpu.memory_space<vmem>> -> memref<1x50xi32, #tpu.memory_space<vmem>>
      %dma_start3A_2139 = tpu.memref_squeeze %dma_start3A_2138 : memref<1x50xi32, #tpu.memory_space<vmem>> -> memref<50xi32, #tpu.memory_space<vmem>>
      %dma_start3A_2140 = arith.constant 0 : i32
      %dma_start3A_2141 = arith.constant 0 : i32
      %dma_start3A_2142 = tpu.memref_slice %arg2[%dma_start3A_2140, %dma_start3A_2141] : memref<1000000x32xf32, #tpu.memory_space<hbm>> -> memref<1000000x32xf32, #tpu.memory_space<hbm>>
      tpu.enqueue_indirect_dma source(%dma_start3A_2142 : memref<1000000x32xf32, #tpu.memory_space<hbm>>) target(%dma_start3A_2136 : memref<50x32xf32, #tpu.memory_space<vmem>>) offsets(%dma_start3A_2139 : memref<50xi32, #tpu.memory_space<vmem>>) semaphore(%arg10 : memref<!tpu.dma_semaphore, #tpu.memory_space<semaphore_mem>>)
      %mul3A_2143 = arith.constant 16 : i32
      %mul3A_2144 = arith.muli %sub3A_2037, %mul3A_2143 : i32
      %add3A_2145 = arith.constant 7 : i32
      %add3A_2146 = arith.addi %mul3A_2144, %add3A_2145 : i32
      %dma_start3A_2147 = arith.constant 7 : i32
      %dma_start3A_2148 = arith.constant 0 : i32
      %dma_start3A_2149 = arith.constant 0 : i32
      %dma_start3A_2150 = tpu.memref_slice %arg6[%dma_start3A_2147, %dma_start3A_2148, %dma_start3A_2149] : memref<16x50x32xf32, #tpu.memory_space<vmem>> -> memref<1x50x32xf32, #tpu.memory_space<vmem>>
      %dma_start3A_2151 = tpu.memref_squeeze %dma_start3A_2150 : memref<1x50x32xf32, #tpu.memory_space<vmem>> -> memref<50x32xf32, #tpu.memory_space<vmem>>
      %dma_start3A_2152 = arith.constant 0 : i32
      %dma_start3A_2153 = tpu.memref_slice %arg5[%add3A_2146, %dma_start3A_2152] : memref<512x50xi32, #tpu.memory_space<vmem>> -> memref<1x50xi32, #tpu.memory_space<vmem>>
      %dma_start3A_2154 = tpu.memref_squeeze %dma_start3A_2153 : memref<1x50xi32, #tpu.memory_space<vmem>> -> memref<50xi32, #tpu.memory_space<vmem>>
      %dma_start3A_2155 = arith.constant 0 : i32
      %dma_start3A_2156 = arith.constant 0 : i32
      %dma_start3A_2157 = tpu.memref_slice %arg2[%dma_start3A_2155, %dma_start3A_2156] : memref<1000000x32xf32, #tpu.memory_space<hbm>> -> memref<1000000x32xf32, #tpu.memory_space<hbm>>
      tpu.enqueue_indirect_dma source(%dma_start3A_2157 : memref<1000000x32xf32, #tpu.memory_space<hbm>>) target(%dma_start3A_2151 : memref<50x32xf32, #tpu.memory_space<vmem>>) offsets(%dma_start3A_2154 : memref<50xi32, #tpu.memory_space<vmem>>) semaphore(%arg10 : memref<!tpu.dma_semaphore, #tpu.memory_space<semaphore_mem>>)
      %mul3A_2158 = arith.constant 16 : i32
      %mul3A_2159 = arith.muli %sub3A_2037, %mul3A_2158 : i32
      %add3A_2160 = arith.constant 8 : i32
      %add3A_2161 = arith.addi %mul3A_2159, %add3A_2160 : i32
      %dma_start3A_2162 = arith.constant 8 : i32
      %dma_start3A_2163 = arith.constant 0 : i32
      %dma_start3A_2164 = arith.constant 0 : i32
      %dma_start3A_2165 = tpu.memref_slice %arg6[%dma_start3A_2162, %dma_start3A_2163, %dma_start3A_2164] : memref<16x50x32xf32, #tpu.memory_space<vmem>> -> memref<1x50x32xf32, #tpu.memory_space<vmem>>
      %dma_start3A_2166 = tpu.memref_squeeze %dma_start3A_2165 : memref<1x50x32xf32, #tpu.memory_space<vmem>> -> memref<50x32xf32, #tpu.memory_space<vmem>>
      %dma_start3A_2167 = arith.constant 0 : i32
      %dma_start3A_2168 = tpu.memref_slice %arg5[%add3A_2161, %dma_start3A_2167] : memref<512x50xi32, #tpu.memory_space<vmem>> -> memref<1x50xi32, #tpu.memory_space<vmem>>
      %dma_start3A_2169 = tpu.memref_squeeze %dma_start3A_2168 : memref<1x50xi32, #tpu.memory_space<vmem>> -> memref<50xi32, #tpu.memory_space<vmem>>
      %dma_start3A_2170 = arith.constant 0 : i32
      %dma_start3A_2171 = arith.constant 0 : i32
      %dma_start3A_2172 = tpu.memref_slice %arg2[%dma_start3A_2170, %dma_start3A_2171] : memref<1000000x32xf32, #tpu.memory_space<hbm>> -> memref<1000000x32xf32, #tpu.memory_space<hbm>>
      tpu.enqueue_indirect_dma source(%dma_start3A_2172 : memref<1000000x32xf32, #tpu.memory_space<hbm>>) target(%dma_start3A_2166 : memref<50x32xf32, #tpu.memory_space<vmem>>) offsets(%dma_start3A_2169 : memref<50xi32, #tpu.memory_space<vmem>>) semaphore(%arg10 : memref<!tpu.dma_semaphore, #tpu.memory_space<semaphore_mem>>)
      %mul3A_2173 = arith.constant 16 : i32
      %mul3A_2174 = arith.muli %sub3A_2037, %mul3A_2173 : i32
      %add3A_2175 = arith.constant 9 : i32
      %add3A_2176 = arith.addi %mul3A_2174, %add3A_2175 : i32
      %dma_start3A_2177 = arith.constant 9 : i32
      %dma_start3A_2178 = arith.constant 0 : i32
      %dma_start3A_2179 = arith.constant 0 : i32
      %dma_start3A_2180 = tpu.memref_slice %arg6[%dma_start3A_2177, %dma_start3A_2178, %dma_start3A_2179] : memref<16x50x32xf32, #tpu.memory_space<vmem>> -> memref<1x50x32xf32, #tpu.memory_space<vmem>>
      %dma_start3A_2181 = tpu.memref_squeeze %dma_start3A_2180 : memref<1x50x32xf32, #tpu.memory_space<vmem>> -> memref<50x32xf32, #tpu.memory_space<vmem>>
      %dma_start3A_2182 = arith.constant 0 : i32
      %dma_start3A_2183 = tpu.memref_slice %arg5[%add3A_2176, %dma_start3A_2182] : memref<512x50xi32, #tpu.memory_space<vmem>> -> memref<1x50xi32, #tpu.memory_space<vmem>>
      %dma_start3A_2184 = tpu.memref_squeeze %dma_start3A_2183 : memref<1x50xi32, #tpu.memory_space<vmem>> -> memref<50xi32, #tpu.memory_space<vmem>>
      %dma_start3A_2185 = arith.constant 0 : i32
      %dma_start3A_2186 = arith.constant 0 : i32
      %dma_start3A_2187 = tpu.memref_slice %arg2[%dma_start3A_2185, %dma_start3A_2186] : memref<1000000x32xf32, #tpu.memory_space<hbm>> -> memref<1000000x32xf32, #tpu.memory_space<hbm>>
      tpu.enqueue_indirect_dma source(%dma_start3A_2187 : memref<1000000x32xf32, #tpu.memory_space<hbm>>) target(%dma_start3A_2181 : memref<50x32xf32, #tpu.memory_space<vmem>>) offsets(%dma_start3A_2184 : memref<50xi32, #tpu.memory_space<vmem>>) semaphore(%arg10 : memref<!tpu.dma_semaphore, #tpu.memory_space<semaphore_mem>>)
      %mul3A_2188 = arith.constant 16 : i32
      %mul3A_2189 = arith.muli %sub3A_2037, %mul3A_2188 : i32
      %add3A_2190 = arith.constant 10 : i32
      %add3A_2191 = arith.addi %mul3A_2189, %add3A_2190 : i32
      %dma_start3A_2192 = arith.constant 10 : i32
      %dma_start3A_2193 = arith.constant 0 : i32
      %dma_start3A_2194 = arith.constant 0 : i32
      %dma_start3A_2195 = tpu.memref_slice %arg6[%dma_start3A_2192, %dma_start3A_2193, %dma_start3A_2194] : memref<16x50x32xf32, #tpu.memory_space<vmem>> -> memref<1x50x32xf32, #tpu.memory_space<vmem>>
      %dma_start3A_2196 = tpu.memref_squeeze %dma_start3A_2195 : memref<1x50x32xf32, #tpu.memory_space<vmem>> -> memref<50x32xf32, #tpu.memory_space<vmem>>
      %dma_start3A_2197 = arith.constant 0 : i32
      %dma_start3A_2198 = tpu.memref_slice %arg5[%add3A_2191, %dma_start3A_2197] : memref<512x50xi32, #tpu.memory_space<vmem>> -> memref<1x50xi32, #tpu.memory_space<vmem>>
      %dma_start3A_2199 = tpu.memref_squeeze %dma_start3A_2198 : memref<1x50xi32, #tpu.memory_space<vmem>> -> memref<50xi32, #tpu.memory_space<vmem>>
      %dma_start3A_2200 = arith.constant 0 : i32
      %dma_start3A_2201 = arith.constant 0 : i32
      %dma_start3A_2202 = tpu.memref_slice %arg2[%dma_start3A_2200, %dma_start3A_2201] : memref<1000000x32xf32, #tpu.memory_space<hbm>> -> memref<1000000x32xf32, #tpu.memory_space<hbm>>
      tpu.enqueue_indirect_dma source(%dma_start3A_2202 : memref<1000000x32xf32, #tpu.memory_space<hbm>>) target(%dma_start3A_2196 : memref<50x32xf32, #tpu.memory_space<vmem>>) offsets(%dma_start3A_2199 : memref<50xi32, #tpu.memory_space<vmem>>) semaphore(%arg10 : memref<!tpu.dma_semaphore, #tpu.memory_space<semaphore_mem>>)
      %mul3A_2203 = arith.constant 16 : i32
      %mul3A_2204 = arith.muli %sub3A_2037, %mul3A_2203 : i32
      %add3A_2205 = arith.constant 11 : i32
      %add3A_2206 = arith.addi %mul3A_2204, %add3A_2205 : i32
      %dma_start3A_2207 = arith.constant 11 : i32
      %dma_start3A_2208 = arith.constant 0 : i32
      %dma_start3A_2209 = arith.constant 0 : i32
      %dma_start3A_2210 = tpu.memref_slice %arg6[%dma_start3A_2207, %dma_start3A_2208, %dma_start3A_2209] : memref<16x50x32xf32, #tpu.memory_space<vmem>> -> memref<1x50x32xf32, #tpu.memory_space<vmem>>
      %dma_start3A_2211 = tpu.memref_squeeze %dma_start3A_2210 : memref<1x50x32xf32, #tpu.memory_space<vmem>> -> memref<50x32xf32, #tpu.memory_space<vmem>>
      %dma_start3A_2212 = arith.constant 0 : i32
      %dma_start3A_2213 = tpu.memref_slice %arg5[%add3A_2206, %dma_start3A_2212] : memref<512x50xi32, #tpu.memory_space<vmem>> -> memref<1x50xi32, #tpu.memory_space<vmem>>
      %dma_start3A_2214 = tpu.memref_squeeze %dma_start3A_2213 : memref<1x50xi32, #tpu.memory_space<vmem>> -> memref<50xi32, #tpu.memory_space<vmem>>
      %dma_start3A_2215 = arith.constant 0 : i32
      %dma_start3A_2216 = arith.constant 0 : i32
      %dma_start3A_2217 = tpu.memref_slice %arg2[%dma_start3A_2215, %dma_start3A_2216] : memref<1000000x32xf32, #tpu.memory_space<hbm>> -> memref<1000000x32xf32, #tpu.memory_space<hbm>>
      tpu.enqueue_indirect_dma source(%dma_start3A_2217 : memref<1000000x32xf32, #tpu.memory_space<hbm>>) target(%dma_start3A_2211 : memref<50x32xf32, #tpu.memory_space<vmem>>) offsets(%dma_start3A_2214 : memref<50xi32, #tpu.memory_space<vmem>>) semaphore(%arg10 : memref<!tpu.dma_semaphore, #tpu.memory_space<semaphore_mem>>)
      %mul3A_2218 = arith.constant 16 : i32
      %mul3A_2219 = arith.muli %sub3A_2037, %mul3A_2218 : i32
      %add3A_2220 = arith.constant 12 : i32
      %add3A_2221 = arith.addi %mul3A_2219, %add3A_2220 : i32
      %dma_start3A_2222 = arith.constant 12 : i32
      %dma_start3A_2223 = arith.constant 0 : i32
      %dma_start3A_2224 = arith.constant 0 : i32
      %dma_start3A_2225 = tpu.memref_slice %arg6[%dma_start3A_2222, %dma_start3A_2223, %dma_start3A_2224] : memref<16x50x32xf32, #tpu.memory_space<vmem>> -> memref<1x50x32xf32, #tpu.memory_space<vmem>>
      %dma_start3A_2226 = tpu.memref_squeeze %dma_start3A_2225 : memref<1x50x32xf32, #tpu.memory_space<vmem>> -> memref<50x32xf32, #tpu.memory_space<vmem>>
      %dma_start3A_2227 = arith.constant 0 : i32
      %dma_start3A_2228 = tpu.memref_slice %arg5[%add3A_2221, %dma_start3A_2227] : memref<512x50xi32, #tpu.memory_space<vmem>> -> memref<1x50xi32, #tpu.memory_space<vmem>>
      %dma_start3A_2229 = tpu.memref_squeeze %dma_start3A_2228 : memref<1x50xi32, #tpu.memory_space<vmem>> -> memref<50xi32, #tpu.memory_space<vmem>>
      %dma_start3A_2230 = arith.constant 0 : i32
      %dma_start3A_2231 = arith.constant 0 : i32
      %dma_start3A_2232 = tpu.memref_slice %arg2[%dma_start3A_2230, %dma_start3A_2231] : memref<1000000x32xf32, #tpu.memory_space<hbm>> -> memref<1000000x32xf32, #tpu.memory_space<hbm>>
      tpu.enqueue_indirect_dma source(%dma_start3A_2232 : memref<1000000x32xf32, #tpu.memory_space<hbm>>) target(%dma_start3A_2226 : memref<50x32xf32, #tpu.memory_space<vmem>>) offsets(%dma_start3A_2229 : memref<50xi32, #tpu.memory_space<vmem>>) semaphore(%arg10 : memref<!tpu.dma_semaphore, #tpu.memory_space<semaphore_mem>>)
      %mul3A_2233 = arith.constant 16 : i32
      %mul3A_2234 = arith.muli %sub3A_2037, %mul3A_2233 : i32
      %add3A_2235 = arith.constant 13 : i32
      %add3A_2236 = arith.addi %mul3A_2234, %add3A_2235 : i32
      %dma_start3A_2237 = arith.constant 13 : i32
      %dma_start3A_2238 = arith.constant 0 : i32
      %dma_start3A_2239 = arith.constant 0 : i32
      %dma_start3A_2240 = tpu.memref_slice %arg6[%dma_start3A_2237, %dma_start3A_2238, %dma_start3A_2239] : memref<16x50x32xf32, #tpu.memory_space<vmem>> -> memref<1x50x32xf32, #tpu.memory_space<vmem>>
      %dma_start3A_2241 = tpu.memref_squeeze %dma_start3A_2240 : memref<1x50x32xf32, #tpu.memory_space<vmem>> -> memref<50x32xf32, #tpu.memory_space<vmem>>
      %dma_start3A_2242 = arith.constant 0 : i32
      %dma_start3A_2243 = tpu.memref_slice %arg5[%add3A_2236, %dma_start3A_2242] : memref<512x50xi32, #tpu.memory_space<vmem>> -> memref<1x50xi32, #tpu.memory_space<vmem>>
      %dma_start3A_2244 = tpu.memref_squeeze %dma_start3A_2243 : memref<1x50xi32, #tpu.memory_space<vmem>> -> memref<50xi32, #tpu.memory_space<vmem>>
      %dma_start3A_2245 = arith.constant 0 : i32
      %dma_start3A_2246 = arith.constant 0 : i32
      %dma_start3A_2247 = tpu.memref_slice %arg2[%dma_start3A_2245, %dma_start3A_2246] : memref<1000000x32xf32, #tpu.memory_space<hbm>> -> memref<1000000x32xf32, #tpu.memory_space<hbm>>
      tpu.enqueue_indirect_dma source(%dma_start3A_2247 : memref<1000000x32xf32, #tpu.memory_space<hbm>>) target(%dma_start3A_2241 : memref<50x32xf32, #tpu.memory_space<vmem>>) offsets(%dma_start3A_2244 : memref<50xi32, #tpu.memory_space<vmem>>) semaphore(%arg10 : memref<!tpu.dma_semaphore, #tpu.memory_space<semaphore_mem>>)
      %mul3A_2248 = arith.constant 16 : i32
      %mul3A_2249 = arith.muli %sub3A_2037, %mul3A_2248 : i32
      %add3A_2250 = arith.constant 14 : i32
      %add3A_2251 = arith.addi %mul3A_2249, %add3A_2250 : i32
      %dma_start3A_2252 = arith.constant 14 : i32
      %dma_start3A_2253 = arith.constant 0 : i32
      %dma_start3A_2254 = arith.constant 0 : i32
      %dma_start3A_2255 = tpu.memref_slice %arg6[%dma_start3A_2252, %dma_start3A_2253, %dma_start3A_2254] : memref<16x50x32xf32, #tpu.memory_space<vmem>> -> memref<1x50x32xf32, #tpu.memory_space<vmem>>
      %dma_start3A_2256 = tpu.memref_squeeze %dma_start3A_2255 : memref<1x50x32xf32, #tpu.memory_space<vmem>> -> memref<50x32xf32, #tpu.memory_space<vmem>>
      %dma_start3A_2257 = arith.constant 0 : i32
      %dma_start3A_2258 = tpu.memref_slice %arg5[%add3A_2251, %dma_start3A_2257] : memref<512x50xi32, #tpu.memory_space<vmem>> -> memref<1x50xi32, #tpu.memory_space<vmem>>
      %dma_start3A_2259 = tpu.memref_squeeze %dma_start3A_2258 : memref<1x50xi32, #tpu.memory_space<vmem>> -> memref<50xi32, #tpu.memory_space<vmem>>
      %dma_start3A_2260 = arith.constant 0 : i32
      %dma_start3A_2261 = arith.constant 0 : i32
      %dma_start3A_2262 = tpu.memref_slice %arg2[%dma_start3A_2260, %dma_start3A_2261] : memref<1000000x32xf32, #tpu.memory_space<hbm>> -> memref<1000000x32xf32, #tpu.memory_space<hbm>>
      tpu.enqueue_indirect_dma source(%dma_start3A_2262 : memref<1000000x32xf32, #tpu.memory_space<hbm>>) target(%dma_start3A_2256 : memref<50x32xf32, #tpu.memory_space<vmem>>) offsets(%dma_start3A_2259 : memref<50xi32, #tpu.memory_space<vmem>>) semaphore(%arg10 : memref<!tpu.dma_semaphore, #tpu.memory_space<semaphore_mem>>)
      %mul3A_2263 = arith.constant 16 : i32
      %mul3A_2264 = arith.muli %sub3A_2037, %mul3A_2263 : i32
      %add3A_2265 = arith.constant 15 : i32
      %add3A_2266 = arith.addi %mul3A_2264, %add3A_2265 : i32
      %dma_start3A_2267 = arith.constant 15 : i32
      %dma_start3A_2268 = arith.constant 0 : i32
      %dma_start3A_2269 = arith.constant 0 : i32
      %dma_start3A_2270 = tpu.memref_slice %arg6[%dma_start3A_2267, %dma_start3A_2268, %dma_start3A_2269] : memref<16x50x32xf32, #tpu.memory_space<vmem>> -> memref<1x50x32xf32, #tpu.memory_space<vmem>>
      %dma_start3A_2271 = tpu.memref_squeeze %dma_start3A_2270 : memref<1x50x32xf32, #tpu.memory_space<vmem>> -> memref<50x32xf32, #tpu.memory_space<vmem>>
      %dma_start3A_2272 = arith.constant 0 : i32
      %dma_start3A_2273 = tpu.memref_slice %arg5[%add3A_2266, %dma_start3A_2272] : memref<512x50xi32, #tpu.memory_space<vmem>> -> memref<1x50xi32, #tpu.memory_space<vmem>>
      %dma_start3A_2274 = tpu.memref_squeeze %dma_start3A_2273 : memref<1x50xi32, #tpu.memory_space<vmem>> -> memref<50xi32, #tpu.memory_space<vmem>>
      %dma_start3A_2275 = arith.constant 0 : i32
      %dma_start3A_2276 = arith.constant 0 : i32
      %dma_start3A_2277 = tpu.memref_slice %arg2[%dma_start3A_2275, %dma_start3A_2276] : memref<1000000x32xf32, #tpu.memory_space<hbm>> -> memref<1000000x32xf32, #tpu.memory_space<hbm>>
      tpu.enqueue_indirect_dma source(%dma_start3A_2277 : memref<1000000x32xf32, #tpu.memory_space<hbm>>) target(%dma_start3A_2271 : memref<50x32xf32, #tpu.memory_space<vmem>>) offsets(%dma_start3A_2274 : memref<50xi32, #tpu.memory_space<vmem>>) semaphore(%arg10 : memref<!tpu.dma_semaphore, #tpu.memory_space<semaphore_mem>>)
      %add3A_2278 = arith.constant 2 : i32
      %add3A_2279 = arith.addi %mul3A_1736, %add3A_2278 : i32
      %dma_wait3A_2280 = arith.constant 0 : i32
      %dma_wait3A_2281 = arith.constant 0 : i32
      %dma_wait3A_2282 = arith.constant 0 : i32
      %dma_wait3A_2283 = tpu.memref_slice %arg4[%dma_wait3A_2280, %dma_wait3A_2281, %dma_wait3A_2282] : memref<16384x56x128xf32, #tpu.memory_space<hbm>> -> memref<16x50x32xf32, #tpu.memory_space<hbm>>
      %dma_wait3A_2284 = arith.constant 0 : i32
      %dma_wait3A_2285 = arith.constant 0 : i32
      %dma_wait3A_2286 = arith.constant 0 : i32
      %dma_wait3A_2287 = tpu.memref_slice %arg4[%dma_wait3A_2284, %dma_wait3A_2285, %dma_wait3A_2286] : memref<16384x56x128xf32, #tpu.memory_space<hbm>> -> memref<16x50x32xf32, #tpu.memory_space<hbm>>
      tpu.wait_dma2 semaphore(%arg12 : memref<!tpu.dma_semaphore, #tpu.memory_space<semaphore_mem>>) src(%dma_wait3A_2287 : memref<16x50x32xf32, #tpu.memory_space<hbm>>) dst(%arg8 : memref<16x50x32xf32, #tpu.memory_space<vmem>>)
      %mul3A_2288 = arith.constant 16 : i32
      %mul3A_2289 = arith.muli %add3A_2279, %mul3A_2288 : i32
      %add3A_2290 = arith.addi %mul3A_2, %mul3A_2289 : i32
      %dma_start3A_2291 = arith.constant 0 : i32
      %dma_start3A_2292 = arith.constant 0 : i32
      %dma_start3A_2293 = tpu.memref_slice %arg4[%add3A_2290, %dma_start3A_2291, %dma_start3A_2292] : memref<16384x56x128xf32, #tpu.memory_space<hbm>> -> memref<16x50x32xf32, #tpu.memory_space<hbm>>
      %dma_start3A_2294 = arith.constant 0 : i32
      %dma_start3A_2295 = arith.constant 0 : i32
      %dma_start3A_2296 = tpu.memref_slice %arg4[%add3A_2290, %dma_start3A_2294, %dma_start3A_2295] : memref<16384x56x128xf32, #tpu.memory_space<hbm>> -> memref<16x50x32xf32, #tpu.memory_space<hbm>>
      tpu.enqueue_dma source(%arg8 : memref<16x50x32xf32, #tpu.memory_space<vmem>>) target(%dma_start3A_2296 : memref<16x50x32xf32, #tpu.memory_space<hbm>>) target_semaphore(%arg16 : memref<!tpu.dma_semaphore, #tpu.memory_space<semaphore_mem>>)
      %dma_wait3A_2297 = arith.constant 0 : i32
      %dma_wait3A_2298 = arith.constant 0 : i32
      %dma_wait3A_2299 = arith.constant 0 : i32
      %dma_wait3A_2300 = tpu.memref_slice %arg4[%dma_wait3A_2297, %dma_wait3A_2298, %dma_wait3A_2299] : memref<16384x56x128xf32, #tpu.memory_space<hbm>> -> memref<16x50x32xf32, #tpu.memory_space<hbm>>
      %dma_wait3A_2301 = arith.constant 0 : i32
      %dma_wait3A_2302 = arith.constant 0 : i32
      %dma_wait3A_2303 = arith.constant 0 : i32
      %dma_wait3A_2304 = tpu.memref_slice %arg4[%dma_wait3A_2301, %dma_wait3A_2302, %dma_wait3A_2303] : memref<16384x56x128xf32, #tpu.memory_space<hbm>> -> memref<16x50x32xf32, #tpu.memory_space<hbm>>
      tpu.wait_dma2 semaphore(%arg15 : memref<!tpu.dma_semaphore, #tpu.memory_space<semaphore_mem>>) src(%arg7 : memref<16x50x32xf32, #tpu.memory_space<vmem>>) dst(%dma_wait3A_2304 : memref<16x50x32xf32, #tpu.memory_space<hbm>>)
      %add3A_2305 = arith.constant 4 : i32
      %add3A_2306 = arith.addi %add3A_2279, %add3A_2305 : i32
      %sub3A_2307 = arith.constant 1 : i32
      %sub3A_2308 = arith.subi %add3A_2306, %sub3A_2307 : i32
      %mul3A_2309 = arith.constant 16 : i32
      %mul3A_2310 = arith.muli %sub3A_2308, %mul3A_2309 : i32
      %add3A_2311 = arith.constant 0 : i32
      %add3A_2312 = arith.addi %mul3A_2310, %add3A_2311 : i32
      %dma_start3A_2313 = arith.constant 0 : i32
      %dma_start3A_2314 = arith.constant 0 : i32
      %dma_start3A_2315 = arith.constant 0 : i32
      %dma_start3A_2316 = tpu.memref_slice %arg7[%dma_start3A_2313, %dma_start3A_2314, %dma_start3A_2315] : memref<16x50x32xf32, #tpu.memory_space<vmem>> -> memref<1x50x32xf32, #tpu.memory_space<vmem>>
      %dma_start3A_2317 = tpu.memref_squeeze %dma_start3A_2316 : memref<1x50x32xf32, #tpu.memory_space<vmem>> -> memref<50x32xf32, #tpu.memory_space<vmem>>
      %dma_start3A_2318 = arith.constant 0 : i32
      %dma_start3A_2319 = tpu.memref_slice %arg5[%add3A_2312, %dma_start3A_2318] : memref<512x50xi32, #tpu.memory_space<vmem>> -> memref<1x50xi32, #tpu.memory_space<vmem>>
      %dma_start3A_2320 = tpu.memref_squeeze %dma_start3A_2319 : memref<1x50xi32, #tpu.memory_space<vmem>> -> memref<50xi32, #tpu.memory_space<vmem>>
      %dma_start3A_2321 = arith.constant 0 : i32
      %dma_start3A_2322 = arith.constant 0 : i32
      %dma_start3A_2323 = tpu.memref_slice %arg2[%dma_start3A_2321, %dma_start3A_2322] : memref<1000000x32xf32, #tpu.memory_space<hbm>> -> memref<1000000x32xf32, #tpu.memory_space<hbm>>
      tpu.enqueue_indirect_dma source(%dma_start3A_2323 : memref<1000000x32xf32, #tpu.memory_space<hbm>>) target(%dma_start3A_2317 : memref<50x32xf32, #tpu.memory_space<vmem>>) offsets(%dma_start3A_2320 : memref<50xi32, #tpu.memory_space<vmem>>) semaphore(%arg11 : memref<!tpu.dma_semaphore, #tpu.memory_space<semaphore_mem>>)
      %mul3A_2324 = arith.constant 16 : i32
      %mul3A_2325 = arith.muli %sub3A_2308, %mul3A_2324 : i32
      %add3A_2326 = arith.constant 1 : i32
      %add3A_2327 = arith.addi %mul3A_2325, %add3A_2326 : i32
      %dma_start3A_2328 = arith.constant 1 : i32
      %dma_start3A_2329 = arith.constant 0 : i32
      %dma_start3A_2330 = arith.constant 0 : i32
      %dma_start3A_2331 = tpu.memref_slice %arg7[%dma_start3A_2328, %dma_start3A_2329, %dma_start3A_2330] : memref<16x50x32xf32, #tpu.memory_space<vmem>> -> memref<1x50x32xf32, #tpu.memory_space<vmem>>
      %dma_start3A_2332 = tpu.memref_squeeze %dma_start3A_2331 : memref<1x50x32xf32, #tpu.memory_space<vmem>> -> memref<50x32xf32, #tpu.memory_space<vmem>>
      %dma_start3A_2333 = arith.constant 0 : i32
      %dma_start3A_2334 = tpu.memref_slice %arg5[%add3A_2327, %dma_start3A_2333] : memref<512x50xi32, #tpu.memory_space<vmem>> -> memref<1x50xi32, #tpu.memory_space<vmem>>
      %dma_start3A_2335 = tpu.memref_squeeze %dma_start3A_2334 : memref<1x50xi32, #tpu.memory_space<vmem>> -> memref<50xi32, #tpu.memory_space<vmem>>
      %dma_start3A_2336 = arith.constant 0 : i32
      %dma_start3A_2337 = arith.constant 0 : i32
      %dma_start3A_2338 = tpu.memref_slice %arg2[%dma_start3A_2336, %dma_start3A_2337] : memref<1000000x32xf32, #tpu.memory_space<hbm>> -> memref<1000000x32xf32, #tpu.memory_space<hbm>>
      tpu.enqueue_indirect_dma source(%dma_start3A_2338 : memref<1000000x32xf32, #tpu.memory_space<hbm>>) target(%dma_start3A_2332 : memref<50x32xf32, #tpu.memory_space<vmem>>) offsets(%dma_start3A_2335 : memref<50xi32, #tpu.memory_space<vmem>>) semaphore(%arg11 : memref<!tpu.dma_semaphore, #tpu.memory_space<semaphore_mem>>)
      %mul3A_2339 = arith.constant 16 : i32
      %mul3A_2340 = arith.muli %sub3A_2308, %mul3A_2339 : i32
      %add3A_2341 = arith.constant 2 : i32
      %add3A_2342 = arith.addi %mul3A_2340, %add3A_2341 : i32
      %dma_start3A_2343 = arith.constant 2 : i32
      %dma_start3A_2344 = arith.constant 0 : i32
      %dma_start3A_2345 = arith.constant 0 : i32
      %dma_start3A_2346 = tpu.memref_slice %arg7[%dma_start3A_2343, %dma_start3A_2344, %dma_start3A_2345] : memref<16x50x32xf32, #tpu.memory_space<vmem>> -> memref<1x50x32xf32, #tpu.memory_space<vmem>>
      %dma_start3A_2347 = tpu.memref_squeeze %dma_start3A_2346 : memref<1x50x32xf32, #tpu.memory_space<vmem>> -> memref<50x32xf32, #tpu.memory_space<vmem>>
      %dma_start3A_2348 = arith.constant 0 : i32
      %dma_start3A_2349 = tpu.memref_slice %arg5[%add3A_2342, %dma_start3A_2348] : memref<512x50xi32, #tpu.memory_space<vmem>> -> memref<1x50xi32, #tpu.memory_space<vmem>>
      %dma_start3A_2350 = tpu.memref_squeeze %dma_start3A_2349 : memref<1x50xi32, #tpu.memory_space<vmem>> -> memref<50xi32, #tpu.memory_space<vmem>>
      %dma_start3A_2351 = arith.constant 0 : i32
      %dma_start3A_2352 = arith.constant 0 : i32
      %dma_start3A_2353 = tpu.memref_slice %arg2[%dma_start3A_2351, %dma_start3A_2352] : memref<1000000x32xf32, #tpu.memory_space<hbm>> -> memref<1000000x32xf32, #tpu.memory_space<hbm>>
      tpu.enqueue_indirect_dma source(%dma_start3A_2353 : memref<1000000x32xf32, #tpu.memory_space<hbm>>) target(%dma_start3A_2347 : memref<50x32xf32, #tpu.memory_space<vmem>>) offsets(%dma_start3A_2350 : memref<50xi32, #tpu.memory_space<vmem>>) semaphore(%arg11 : memref<!tpu.dma_semaphore, #tpu.memory_space<semaphore_mem>>)
      %mul3A_2354 = arith.constant 16 : i32
      %mul3A_2355 = arith.muli %sub3A_2308, %mul3A_2354 : i32
      %add3A_2356 = arith.constant 3 : i32
      %add3A_2357 = arith.addi %mul3A_2355, %add3A_2356 : i32
      %dma_start3A_2358 = arith.constant 3 : i32
      %dma_start3A_2359 = arith.constant 0 : i32
      %dma_start3A_2360 = arith.constant 0 : i32
      %dma_start3A_2361 = tpu.memref_slice %arg7[%dma_start3A_2358, %dma_start3A_2359, %dma_start3A_2360] : memref<16x50x32xf32, #tpu.memory_space<vmem>> -> memref<1x50x32xf32, #tpu.memory_space<vmem>>
      %dma_start3A_2362 = tpu.memref_squeeze %dma_start3A_2361 : memref<1x50x32xf32, #tpu.memory_space<vmem>> -> memref<50x32xf32, #tpu.memory_space<vmem>>
      %dma_start3A_2363 = arith.constant 0 : i32
      %dma_start3A_2364 = tpu.memref_slice %arg5[%add3A_2357, %dma_start3A_2363] : memref<512x50xi32, #tpu.memory_space<vmem>> -> memref<1x50xi32, #tpu.memory_space<vmem>>
      %dma_start3A_2365 = tpu.memref_squeeze %dma_start3A_2364 : memref<1x50xi32, #tpu.memory_space<vmem>> -> memref<50xi32, #tpu.memory_space<vmem>>
      %dma_start3A_2366 = arith.constant 0 : i32
      %dma_start3A_2367 = arith.constant 0 : i32
      %dma_start3A_2368 = tpu.memref_slice %arg2[%dma_start3A_2366, %dma_start3A_2367] : memref<1000000x32xf32, #tpu.memory_space<hbm>> -> memref<1000000x32xf32, #tpu.memory_space<hbm>>
      tpu.enqueue_indirect_dma source(%dma_start3A_2368 : memref<1000000x32xf32, #tpu.memory_space<hbm>>) target(%dma_start3A_2362 : memref<50x32xf32, #tpu.memory_space<vmem>>) offsets(%dma_start3A_2365 : memref<50xi32, #tpu.memory_space<vmem>>) semaphore(%arg11 : memref<!tpu.dma_semaphore, #tpu.memory_space<semaphore_mem>>)
      %mul3A_2369 = arith.constant 16 : i32
      %mul3A_2370 = arith.muli %sub3A_2308, %mul3A_2369 : i32
      %add3A_2371 = arith.constant 4 : i32
      %add3A_2372 = arith.addi %mul3A_2370, %add3A_2371 : i32
      %dma_start3A_2373 = arith.constant 4 : i32
      %dma_start3A_2374 = arith.constant 0 : i32
      %dma_start3A_2375 = arith.constant 0 : i32
      %dma_start3A_2376 = tpu.memref_slice %arg7[%dma_start3A_2373, %dma_start3A_2374, %dma_start3A_2375] : memref<16x50x32xf32, #tpu.memory_space<vmem>> -> memref<1x50x32xf32, #tpu.memory_space<vmem>>
      %dma_start3A_2377 = tpu.memref_squeeze %dma_start3A_2376 : memref<1x50x32xf32, #tpu.memory_space<vmem>> -> memref<50x32xf32, #tpu.memory_space<vmem>>
      %dma_start3A_2378 = arith.constant 0 : i32
      %dma_start3A_2379 = tpu.memref_slice %arg5[%add3A_2372, %dma_start3A_2378] : memref<512x50xi32, #tpu.memory_space<vmem>> -> memref<1x50xi32, #tpu.memory_space<vmem>>
      %dma_start3A_2380 = tpu.memref_squeeze %dma_start3A_2379 : memref<1x50xi32, #tpu.memory_space<vmem>> -> memref<50xi32, #tpu.memory_space<vmem>>
      %dma_start3A_2381 = arith.constant 0 : i32
      %dma_start3A_2382 = arith.constant 0 : i32
      %dma_start3A_2383 = tpu.memref_slice %arg2[%dma_start3A_2381, %dma_start3A_2382] : memref<1000000x32xf32, #tpu.memory_space<hbm>> -> memref<1000000x32xf32, #tpu.memory_space<hbm>>
      tpu.enqueue_indirect_dma source(%dma_start3A_2383 : memref<1000000x32xf32, #tpu.memory_space<hbm>>) target(%dma_start3A_2377 : memref<50x32xf32, #tpu.memory_space<vmem>>) offsets(%dma_start3A_2380 : memref<50xi32, #tpu.memory_space<vmem>>) semaphore(%arg11 : memref<!tpu.dma_semaphore, #tpu.memory_space<semaphore_mem>>)
      %mul3A_2384 = arith.constant 16 : i32
      %mul3A_2385 = arith.muli %sub3A_2308, %mul3A_2384 : i32
      %add3A_2386 = arith.constant 5 : i32
      %add3A_2387 = arith.addi %mul3A_2385, %add3A_2386 : i32
      %dma_start3A_2388 = arith.constant 5 : i32
      %dma_start3A_2389 = arith.constant 0 : i32
      %dma_start3A_2390 = arith.constant 0 : i32
      %dma_start3A_2391 = tpu.memref_slice %arg7[%dma_start3A_2388, %dma_start3A_2389, %dma_start3A_2390] : memref<16x50x32xf32, #tpu.memory_space<vmem>> -> memref<1x50x32xf32, #tpu.memory_space<vmem>>
      %dma_start3A_2392 = tpu.memref_squeeze %dma_start3A_2391 : memref<1x50x32xf32, #tpu.memory_space<vmem>> -> memref<50x32xf32, #tpu.memory_space<vmem>>
      %dma_start3A_2393 = arith.constant 0 : i32
      %dma_start3A_2394 = tpu.memref_slice %arg5[%add3A_2387, %dma_start3A_2393] : memref<512x50xi32, #tpu.memory_space<vmem>> -> memref<1x50xi32, #tpu.memory_space<vmem>>
      %dma_start3A_2395 = tpu.memref_squeeze %dma_start3A_2394 : memref<1x50xi32, #tpu.memory_space<vmem>> -> memref<50xi32, #tpu.memory_space<vmem>>
      %dma_start3A_2396 = arith.constant 0 : i32
      %dma_start3A_2397 = arith.constant 0 : i32
      %dma_start3A_2398 = tpu.memref_slice %arg2[%dma_start3A_2396, %dma_start3A_2397] : memref<1000000x32xf32, #tpu.memory_space<hbm>> -> memref<1000000x32xf32, #tpu.memory_space<hbm>>
      tpu.enqueue_indirect_dma source(%dma_start3A_2398 : memref<1000000x32xf32, #tpu.memory_space<hbm>>) target(%dma_start3A_2392 : memref<50x32xf32, #tpu.memory_space<vmem>>) offsets(%dma_start3A_2395 : memref<50xi32, #tpu.memory_space<vmem>>) semaphore(%arg11 : memref<!tpu.dma_semaphore, #tpu.memory_space<semaphore_mem>>)
      %mul3A_2399 = arith.constant 16 : i32
      %mul3A_2400 = arith.muli %sub3A_2308, %mul3A_2399 : i32
      %add3A_2401 = arith.constant 6 : i32
      %add3A_2402 = arith.addi %mul3A_2400, %add3A_2401 : i32
      %dma_start3A_2403 = arith.constant 6 : i32
      %dma_start3A_2404 = arith.constant 0 : i32
      %dma_start3A_2405 = arith.constant 0 : i32
      %dma_start3A_2406 = tpu.memref_slice %arg7[%dma_start3A_2403, %dma_start3A_2404, %dma_start3A_2405] : memref<16x50x32xf32, #tpu.memory_space<vmem>> -> memref<1x50x32xf32, #tpu.memory_space<vmem>>
      %dma_start3A_2407 = tpu.memref_squeeze %dma_start3A_2406 : memref<1x50x32xf32, #tpu.memory_space<vmem>> -> memref<50x32xf32, #tpu.memory_space<vmem>>
      %dma_start3A_2408 = arith.constant 0 : i32
      %dma_start3A_2409 = tpu.memref_slice %arg5[%add3A_2402, %dma_start3A_2408] : memref<512x50xi32, #tpu.memory_space<vmem>> -> memref<1x50xi32, #tpu.memory_space<vmem>>
      %dma_start3A_2410 = tpu.memref_squeeze %dma_start3A_2409 : memref<1x50xi32, #tpu.memory_space<vmem>> -> memref<50xi32, #tpu.memory_space<vmem>>
      %dma_start3A_2411 = arith.constant 0 : i32
      %dma_start3A_2412 = arith.constant 0 : i32
      %dma_start3A_2413 = tpu.memref_slice %arg2[%dma_start3A_2411, %dma_start3A_2412] : memref<1000000x32xf32, #tpu.memory_space<hbm>> -> memref<1000000x32xf32, #tpu.memory_space<hbm>>
      tpu.enqueue_indirect_dma source(%dma_start3A_2413 : memref<1000000x32xf32, #tpu.memory_space<hbm>>) target(%dma_start3A_2407 : memref<50x32xf32, #tpu.memory_space<vmem>>) offsets(%dma_start3A_2410 : memref<50xi32, #tpu.memory_space<vmem>>) semaphore(%arg11 : memref<!tpu.dma_semaphore, #tpu.memory_space<semaphore_mem>>)
      %mul3A_2414 = arith.constant 16 : i32
      %mul3A_2415 = arith.muli %sub3A_2308, %mul3A_2414 : i32
      %add3A_2416 = arith.constant 7 : i32
      %add3A_2417 = arith.addi %mul3A_2415, %add3A_2416 : i32
      %dma_start3A_2418 = arith.constant 7 : i32
      %dma_start3A_2419 = arith.constant 0 : i32
      %dma_start3A_2420 = arith.constant 0 : i32
      %dma_start3A_2421 = tpu.memref_slice %arg7[%dma_start3A_2418, %dma_start3A_2419, %dma_start3A_2420] : memref<16x50x32xf32, #tpu.memory_space<vmem>> -> memref<1x50x32xf32, #tpu.memory_space<vmem>>
      %dma_start3A_2422 = tpu.memref_squeeze %dma_start3A_2421 : memref<1x50x32xf32, #tpu.memory_space<vmem>> -> memref<50x32xf32, #tpu.memory_space<vmem>>
      %dma_start3A_2423 = arith.constant 0 : i32
      %dma_start3A_2424 = tpu.memref_slice %arg5[%add3A_2417, %dma_start3A_2423] : memref<512x50xi32, #tpu.memory_space<vmem>> -> memref<1x50xi32, #tpu.memory_space<vmem>>
      %dma_start3A_2425 = tpu.memref_squeeze %dma_start3A_2424 : memref<1x50xi32, #tpu.memory_space<vmem>> -> memref<50xi32, #tpu.memory_space<vmem>>
      %dma_start3A_2426 = arith.constant 0 : i32
      %dma_start3A_2427 = arith.constant 0 : i32
      %dma_start3A_2428 = tpu.memref_slice %arg2[%dma_start3A_2426, %dma_start3A_2427] : memref<1000000x32xf32, #tpu.memory_space<hbm>> -> memref<1000000x32xf32, #tpu.memory_space<hbm>>
      tpu.enqueue_indirect_dma source(%dma_start3A_2428 : memref<1000000x32xf32, #tpu.memory_space<hbm>>) target(%dma_start3A_2422 : memref<50x32xf32, #tpu.memory_space<vmem>>) offsets(%dma_start3A_2425 : memref<50xi32, #tpu.memory_space<vmem>>) semaphore(%arg11 : memref<!tpu.dma_semaphore, #tpu.memory_space<semaphore_mem>>)
      %mul3A_2429 = arith.constant 16 : i32
      %mul3A_2430 = arith.muli %sub3A_2308, %mul3A_2429 : i32
      %add3A_2431 = arith.constant 8 : i32
      %add3A_2432 = arith.addi %mul3A_2430, %add3A_2431 : i32
      %dma_start3A_2433 = arith.constant 8 : i32
      %dma_start3A_2434 = arith.constant 0 : i32
      %dma_start3A_2435 = arith.constant 0 : i32
      %dma_start3A_2436 = tpu.memref_slice %arg7[%dma_start3A_2433, %dma_start3A_2434, %dma_start3A_2435] : memref<16x50x32xf32, #tpu.memory_space<vmem>> -> memref<1x50x32xf32, #tpu.memory_space<vmem>>
      %dma_start3A_2437 = tpu.memref_squeeze %dma_start3A_2436 : memref<1x50x32xf32, #tpu.memory_space<vmem>> -> memref<50x32xf32, #tpu.memory_space<vmem>>
      %dma_start3A_2438 = arith.constant 0 : i32
      %dma_start3A_2439 = tpu.memref_slice %arg5[%add3A_2432, %dma_start3A_2438] : memref<512x50xi32, #tpu.memory_space<vmem>> -> memref<1x50xi32, #tpu.memory_space<vmem>>
      %dma_start3A_2440 = tpu.memref_squeeze %dma_start3A_2439 : memref<1x50xi32, #tpu.memory_space<vmem>> -> memref<50xi32, #tpu.memory_space<vmem>>
      %dma_start3A_2441 = arith.constant 0 : i32
      %dma_start3A_2442 = arith.constant 0 : i32
      %dma_start3A_2443 = tpu.memref_slice %arg2[%dma_start3A_2441, %dma_start3A_2442] : memref<1000000x32xf32, #tpu.memory_space<hbm>> -> memref<1000000x32xf32, #tpu.memory_space<hbm>>
      tpu.enqueue_indirect_dma source(%dma_start3A_2443 : memref<1000000x32xf32, #tpu.memory_space<hbm>>) target(%dma_start3A_2437 : memref<50x32xf32, #tpu.memory_space<vmem>>) offsets(%dma_start3A_2440 : memref<50xi32, #tpu.memory_space<vmem>>) semaphore(%arg11 : memref<!tpu.dma_semaphore, #tpu.memory_space<semaphore_mem>>)
      %mul3A_2444 = arith.constant 16 : i32
      %mul3A_2445 = arith.muli %sub3A_2308, %mul3A_2444 : i32
      %add3A_2446 = arith.constant 9 : i32
      %add3A_2447 = arith.addi %mul3A_2445, %add3A_2446 : i32
      %dma_start3A_2448 = arith.constant 9 : i32
      %dma_start3A_2449 = arith.constant 0 : i32
      %dma_start3A_2450 = arith.constant 0 : i32
      %dma_start3A_2451 = tpu.memref_slice %arg7[%dma_start3A_2448, %dma_start3A_2449, %dma_start3A_2450] : memref<16x50x32xf32, #tpu.memory_space<vmem>> -> memref<1x50x32xf32, #tpu.memory_space<vmem>>
      %dma_start3A_2452 = tpu.memref_squeeze %dma_start3A_2451 : memref<1x50x32xf32, #tpu.memory_space<vmem>> -> memref<50x32xf32, #tpu.memory_space<vmem>>
      %dma_start3A_2453 = arith.constant 0 : i32
      %dma_start3A_2454 = tpu.memref_slice %arg5[%add3A_2447, %dma_start3A_2453] : memref<512x50xi32, #tpu.memory_space<vmem>> -> memref<1x50xi32, #tpu.memory_space<vmem>>
      %dma_start3A_2455 = tpu.memref_squeeze %dma_start3A_2454 : memref<1x50xi32, #tpu.memory_space<vmem>> -> memref<50xi32, #tpu.memory_space<vmem>>
      %dma_start3A_2456 = arith.constant 0 : i32
      %dma_start3A_2457 = arith.constant 0 : i32
      %dma_start3A_2458 = tpu.memref_slice %arg2[%dma_start3A_2456, %dma_start3A_2457] : memref<1000000x32xf32, #tpu.memory_space<hbm>> -> memref<1000000x32xf32, #tpu.memory_space<hbm>>
      tpu.enqueue_indirect_dma source(%dma_start3A_2458 : memref<1000000x32xf32, #tpu.memory_space<hbm>>) target(%dma_start3A_2452 : memref<50x32xf32, #tpu.memory_space<vmem>>) offsets(%dma_start3A_2455 : memref<50xi32, #tpu.memory_space<vmem>>) semaphore(%arg11 : memref<!tpu.dma_semaphore, #tpu.memory_space<semaphore_mem>>)
      %mul3A_2459 = arith.constant 16 : i32
      %mul3A_2460 = arith.muli %sub3A_2308, %mul3A_2459 : i32
      %add3A_2461 = arith.constant 10 : i32
      %add3A_2462 = arith.addi %mul3A_2460, %add3A_2461 : i32
      %dma_start3A_2463 = arith.constant 10 : i32
      %dma_start3A_2464 = arith.constant 0 : i32
      %dma_start3A_2465 = arith.constant 0 : i32
      %dma_start3A_2466 = tpu.memref_slice %arg7[%dma_start3A_2463, %dma_start3A_2464, %dma_start3A_2465] : memref<16x50x32xf32, #tpu.memory_space<vmem>> -> memref<1x50x32xf32, #tpu.memory_space<vmem>>
      %dma_start3A_2467 = tpu.memref_squeeze %dma_start3A_2466 : memref<1x50x32xf32, #tpu.memory_space<vmem>> -> memref<50x32xf32, #tpu.memory_space<vmem>>
      %dma_start3A_2468 = arith.constant 0 : i32
      %dma_start3A_2469 = tpu.memref_slice %arg5[%add3A_2462, %dma_start3A_2468] : memref<512x50xi32, #tpu.memory_space<vmem>> -> memref<1x50xi32, #tpu.memory_space<vmem>>
      %dma_start3A_2470 = tpu.memref_squeeze %dma_start3A_2469 : memref<1x50xi32, #tpu.memory_space<vmem>> -> memref<50xi32, #tpu.memory_space<vmem>>
      %dma_start3A_2471 = arith.constant 0 : i32
      %dma_start3A_2472 = arith.constant 0 : i32
      %dma_start3A_2473 = tpu.memref_slice %arg2[%dma_start3A_2471, %dma_start3A_2472] : memref<1000000x32xf32, #tpu.memory_space<hbm>> -> memref<1000000x32xf32, #tpu.memory_space<hbm>>
      tpu.enqueue_indirect_dma source(%dma_start3A_2473 : memref<1000000x32xf32, #tpu.memory_space<hbm>>) target(%dma_start3A_2467 : memref<50x32xf32, #tpu.memory_space<vmem>>) offsets(%dma_start3A_2470 : memref<50xi32, #tpu.memory_space<vmem>>) semaphore(%arg11 : memref<!tpu.dma_semaphore, #tpu.memory_space<semaphore_mem>>)
      %mul3A_2474 = arith.constant 16 : i32
      %mul3A_2475 = arith.muli %sub3A_2308, %mul3A_2474 : i32
      %add3A_2476 = arith.constant 11 : i32
      %add3A_2477 = arith.addi %mul3A_2475, %add3A_2476 : i32
      %dma_start3A_2478 = arith.constant 11 : i32
      %dma_start3A_2479 = arith.constant 0 : i32
      %dma_start3A_2480 = arith.constant 0 : i32
      %dma_start3A_2481 = tpu.memref_slice %arg7[%dma_start3A_2478, %dma_start3A_2479, %dma_start3A_2480] : memref<16x50x32xf32, #tpu.memory_space<vmem>> -> memref<1x50x32xf32, #tpu.memory_space<vmem>>
      %dma_start3A_2482 = tpu.memref_squeeze %dma_start3A_2481 : memref<1x50x32xf32, #tpu.memory_space<vmem>> -> memref<50x32xf32, #tpu.memory_space<vmem>>
      %dma_start3A_2483 = arith.constant 0 : i32
      %dma_start3A_2484 = tpu.memref_slice %arg5[%add3A_2477, %dma_start3A_2483] : memref<512x50xi32, #tpu.memory_space<vmem>> -> memref<1x50xi32, #tpu.memory_space<vmem>>
      %dma_start3A_2485 = tpu.memref_squeeze %dma_start3A_2484 : memref<1x50xi32, #tpu.memory_space<vmem>> -> memref<50xi32, #tpu.memory_space<vmem>>
      %dma_start3A_2486 = arith.constant 0 : i32
      %dma_start3A_2487 = arith.constant 0 : i32
      %dma_start3A_2488 = tpu.memref_slice %arg2[%dma_start3A_2486, %dma_start3A_2487] : memref<1000000x32xf32, #tpu.memory_space<hbm>> -> memref<1000000x32xf32, #tpu.memory_space<hbm>>
      tpu.enqueue_indirect_dma source(%dma_start3A_2488 : memref<1000000x32xf32, #tpu.memory_space<hbm>>) target(%dma_start3A_2482 : memref<50x32xf32, #tpu.memory_space<vmem>>) offsets(%dma_start3A_2485 : memref<50xi32, #tpu.memory_space<vmem>>) semaphore(%arg11 : memref<!tpu.dma_semaphore, #tpu.memory_space<semaphore_mem>>)
      %mul3A_2489 = arith.constant 16 : i32
      %mul3A_2490 = arith.muli %sub3A_2308, %mul3A_2489 : i32
      %add3A_2491 = arith.constant 12 : i32
      %add3A_2492 = arith.addi %mul3A_2490, %add3A_2491 : i32
      %dma_start3A_2493 = arith.constant 12 : i32
      %dma_start3A_2494 = arith.constant 0 : i32
      %dma_start3A_2495 = arith.constant 0 : i32
      %dma_start3A_2496 = tpu.memref_slice %arg7[%dma_start3A_2493, %dma_start3A_2494, %dma_start3A_2495] : memref<16x50x32xf32, #tpu.memory_space<vmem>> -> memref<1x50x32xf32, #tpu.memory_space<vmem>>
      %dma_start3A_2497 = tpu.memref_squeeze %dma_start3A_2496 : memref<1x50x32xf32, #tpu.memory_space<vmem>> -> memref<50x32xf32, #tpu.memory_space<vmem>>
      %dma_start3A_2498 = arith.constant 0 : i32
      %dma_start3A_2499 = tpu.memref_slice %arg5[%add3A_2492, %dma_start3A_2498] : memref<512x50xi32, #tpu.memory_space<vmem>> -> memref<1x50xi32, #tpu.memory_space<vmem>>
      %dma_start3A_2500 = tpu.memref_squeeze %dma_start3A_2499 : memref<1x50xi32, #tpu.memory_space<vmem>> -> memref<50xi32, #tpu.memory_space<vmem>>
      %dma_start3A_2501 = arith.constant 0 : i32
      %dma_start3A_2502 = arith.constant 0 : i32
      %dma_start3A_2503 = tpu.memref_slice %arg2[%dma_start3A_2501, %dma_start3A_2502] : memref<1000000x32xf32, #tpu.memory_space<hbm>> -> memref<1000000x32xf32, #tpu.memory_space<hbm>>
      tpu.enqueue_indirect_dma source(%dma_start3A_2503 : memref<1000000x32xf32, #tpu.memory_space<hbm>>) target(%dma_start3A_2497 : memref<50x32xf32, #tpu.memory_space<vmem>>) offsets(%dma_start3A_2500 : memref<50xi32, #tpu.memory_space<vmem>>) semaphore(%arg11 : memref<!tpu.dma_semaphore, #tpu.memory_space<semaphore_mem>>)
      %mul3A_2504 = arith.constant 16 : i32
      %mul3A_2505 = arith.muli %sub3A_2308, %mul3A_2504 : i32
      %add3A_2506 = arith.constant 13 : i32
      %add3A_2507 = arith.addi %mul3A_2505, %add3A_2506 : i32
      %dma_start3A_2508 = arith.constant 13 : i32
      %dma_start3A_2509 = arith.constant 0 : i32
      %dma_start3A_2510 = arith.constant 0 : i32
      %dma_start3A_2511 = tpu.memref_slice %arg7[%dma_start3A_2508, %dma_start3A_2509, %dma_start3A_2510] : memref<16x50x32xf32, #tpu.memory_space<vmem>> -> memref<1x50x32xf32, #tpu.memory_space<vmem>>
      %dma_start3A_2512 = tpu.memref_squeeze %dma_start3A_2511 : memref<1x50x32xf32, #tpu.memory_space<vmem>> -> memref<50x32xf32, #tpu.memory_space<vmem>>
      %dma_start3A_2513 = arith.constant 0 : i32
      %dma_start3A_2514 = tpu.memref_slice %arg5[%add3A_2507, %dma_start3A_2513] : memref<512x50xi32, #tpu.memory_space<vmem>> -> memref<1x50xi32, #tpu.memory_space<vmem>>
      %dma_start3A_2515 = tpu.memref_squeeze %dma_start3A_2514 : memref<1x50xi32, #tpu.memory_space<vmem>> -> memref<50xi32, #tpu.memory_space<vmem>>
      %dma_start3A_2516 = arith.constant 0 : i32
      %dma_start3A_2517 = arith.constant 0 : i32
      %dma_start3A_2518 = tpu.memref_slice %arg2[%dma_start3A_2516, %dma_start3A_2517] : memref<1000000x32xf32, #tpu.memory_space<hbm>> -> memref<1000000x32xf32, #tpu.memory_space<hbm>>
      tpu.enqueue_indirect_dma source(%dma_start3A_2518 : memref<1000000x32xf32, #tpu.memory_space<hbm>>) target(%dma_start3A_2512 : memref<50x32xf32, #tpu.memory_space<vmem>>) offsets(%dma_start3A_2515 : memref<50xi32, #tpu.memory_space<vmem>>) semaphore(%arg11 : memref<!tpu.dma_semaphore, #tpu.memory_space<semaphore_mem>>)
      %mul3A_2519 = arith.constant 16 : i32
      %mul3A_2520 = arith.muli %sub3A_2308, %mul3A_2519 : i32
      %add3A_2521 = arith.constant 14 : i32
      %add3A_2522 = arith.addi %mul3A_2520, %add3A_2521 : i32
      %dma_start3A_2523 = arith.constant 14 : i32
      %dma_start3A_2524 = arith.constant 0 : i32
      %dma_start3A_2525 = arith.constant 0 : i32
      %dma_start3A_2526 = tpu.memref_slice %arg7[%dma_start3A_2523, %dma_start3A_2524, %dma_start3A_2525] : memref<16x50x32xf32, #tpu.memory_space<vmem>> -> memref<1x50x32xf32, #tpu.memory_space<vmem>>
      %dma_start3A_2527 = tpu.memref_squeeze %dma_start3A_2526 : memref<1x50x32xf32, #tpu.memory_space<vmem>> -> memref<50x32xf32, #tpu.memory_space<vmem>>
      %dma_start3A_2528 = arith.constant 0 : i32
      %dma_start3A_2529 = tpu.memref_slice %arg5[%add3A_2522, %dma_start3A_2528] : memref<512x50xi32, #tpu.memory_space<vmem>> -> memref<1x50xi32, #tpu.memory_space<vmem>>
      %dma_start3A_2530 = tpu.memref_squeeze %dma_start3A_2529 : memref<1x50xi32, #tpu.memory_space<vmem>> -> memref<50xi32, #tpu.memory_space<vmem>>
      %dma_start3A_2531 = arith.constant 0 : i32
      %dma_start3A_2532 = arith.constant 0 : i32
      %dma_start3A_2533 = tpu.memref_slice %arg2[%dma_start3A_2531, %dma_start3A_2532] : memref<1000000x32xf32, #tpu.memory_space<hbm>> -> memref<1000000x32xf32, #tpu.memory_space<hbm>>
      tpu.enqueue_indirect_dma source(%dma_start3A_2533 : memref<1000000x32xf32, #tpu.memory_space<hbm>>) target(%dma_start3A_2527 : memref<50x32xf32, #tpu.memory_space<vmem>>) offsets(%dma_start3A_2530 : memref<50xi32, #tpu.memory_space<vmem>>) semaphore(%arg11 : memref<!tpu.dma_semaphore, #tpu.memory_space<semaphore_mem>>)
      %mul3A_2534 = arith.constant 16 : i32
      %mul3A_2535 = arith.muli %sub3A_2308, %mul3A_2534 : i32
      %add3A_2536 = arith.constant 15 : i32
      %add3A_2537 = arith.addi %mul3A_2535, %add3A_2536 : i32
      %dma_start3A_2538 = arith.constant 15 : i32
      %dma_start3A_2539 = arith.constant 0 : i32
      %dma_start3A_2540 = arith.constant 0 : i32
      %dma_start3A_2541 = tpu.memref_slice %arg7[%dma_start3A_2538, %dma_start3A_2539, %dma_start3A_2540] : memref<16x50x32xf32, #tpu.memory_space<vmem>> -> memref<1x50x32xf32, #tpu.memory_space<vmem>>
      %dma_start3A_2542 = tpu.memref_squeeze %dma_start3A_2541 : memref<1x50x32xf32, #tpu.memory_space<vmem>> -> memref<50x32xf32, #tpu.memory_space<vmem>>
      %dma_start3A_2543 = arith.constant 0 : i32
      %dma_start3A_2544 = tpu.memref_slice %arg5[%add3A_2537, %dma_start3A_2543] : memref<512x50xi32, #tpu.memory_space<vmem>> -> memref<1x50xi32, #tpu.memory_space<vmem>>
      %dma_start3A_2545 = tpu.memref_squeeze %dma_start3A_2544 : memref<1x50xi32, #tpu.memory_space<vmem>> -> memref<50xi32, #tpu.memory_space<vmem>>
      %dma_start3A_2546 = arith.constant 0 : i32
      %dma_start3A_2547 = arith.constant 0 : i32
      %dma_start3A_2548 = tpu.memref_slice %arg2[%dma_start3A_2546, %dma_start3A_2547] : memref<1000000x32xf32, #tpu.memory_space<hbm>> -> memref<1000000x32xf32, #tpu.memory_space<hbm>>
      tpu.enqueue_indirect_dma source(%dma_start3A_2548 : memref<1000000x32xf32, #tpu.memory_space<hbm>>) target(%dma_start3A_2542 : memref<50x32xf32, #tpu.memory_space<vmem>>) offsets(%dma_start3A_2545 : memref<50xi32, #tpu.memory_space<vmem>>) semaphore(%arg11 : memref<!tpu.dma_semaphore, #tpu.memory_space<semaphore_mem>>)
      %add3A_2549 = arith.constant 3 : i32
      %add3A_2550 = arith.addi %mul3A_1736, %add3A_2549 : i32
      %dma_wait3A_2551 = arith.constant 0 : i32
      %dma_wait3A_2552 = arith.constant 0 : i32
      %dma_wait3A_2553 = arith.constant 0 : i32
      %dma_wait3A_2554 = tpu.memref_slice %arg4[%dma_wait3A_2551, %dma_wait3A_2552, %dma_wait3A_2553] : memref<16384x56x128xf32, #tpu.memory_space<hbm>> -> memref<16x50x32xf32, #tpu.memory_space<hbm>>
      %dma_wait3A_2555 = arith.constant 0 : i32
      %dma_wait3A_2556 = arith.constant 0 : i32
      %dma_wait3A_2557 = arith.constant 0 : i32
      %dma_wait3A_2558 = tpu.memref_slice %arg4[%dma_wait3A_2555, %dma_wait3A_2556, %dma_wait3A_2557] : memref<16384x56x128xf32, #tpu.memory_space<hbm>> -> memref<16x50x32xf32, #tpu.memory_space<hbm>>
      tpu.wait_dma2 semaphore(%arg13 : memref<!tpu.dma_semaphore, #tpu.memory_space<semaphore_mem>>) src(%dma_wait3A_2558 : memref<16x50x32xf32, #tpu.memory_space<hbm>>) dst(%arg9 : memref<16x50x32xf32, #tpu.memory_space<vmem>>)
      %mul3A_2559 = arith.constant 16 : i32
      %mul3A_2560 = arith.muli %add3A_2550, %mul3A_2559 : i32
      %add3A_2561 = arith.addi %mul3A_2, %mul3A_2560 : i32
      %dma_start3A_2562 = arith.constant 0 : i32
      %dma_start3A_2563 = arith.constant 0 : i32
      %dma_start3A_2564 = tpu.memref_slice %arg4[%add3A_2561, %dma_start3A_2562, %dma_start3A_2563] : memref<16384x56x128xf32, #tpu.memory_space<hbm>> -> memref<16x50x32xf32, #tpu.memory_space<hbm>>
      %dma_start3A_2565 = arith.constant 0 : i32
      %dma_start3A_2566 = arith.constant 0 : i32
      %dma_start3A_2567 = tpu.memref_slice %arg4[%add3A_2561, %dma_start3A_2565, %dma_start3A_2566] : memref<16384x56x128xf32, #tpu.memory_space<hbm>> -> memref<16x50x32xf32, #tpu.memory_space<hbm>>
      tpu.enqueue_dma source(%arg9 : memref<16x50x32xf32, #tpu.memory_space<vmem>>) target(%dma_start3A_2567 : memref<16x50x32xf32, #tpu.memory_space<hbm>>) target_semaphore(%arg17 : memref<!tpu.dma_semaphore, #tpu.memory_space<semaphore_mem>>)
      %dma_wait3A_2568 = arith.constant 0 : i32
      %dma_wait3A_2569 = arith.constant 0 : i32
      %dma_wait3A_2570 = arith.constant 0 : i32
      %dma_wait3A_2571 = tpu.memref_slice %arg4[%dma_wait3A_2568, %dma_wait3A_2569, %dma_wait3A_2570] : memref<16384x56x128xf32, #tpu.memory_space<hbm>> -> memref<16x50x32xf32, #tpu.memory_space<hbm>>
      %dma_wait3A_2572 = arith.constant 0 : i32
      %dma_wait3A_2573 = arith.constant 0 : i32
      %dma_wait3A_2574 = arith.constant 0 : i32
      %dma_wait3A_2575 = tpu.memref_slice %arg4[%dma_wait3A_2572, %dma_wait3A_2573, %dma_wait3A_2574] : memref<16384x56x128xf32, #tpu.memory_space<hbm>> -> memref<16x50x32xf32, #tpu.memory_space<hbm>>
      tpu.wait_dma2 semaphore(%arg16 : memref<!tpu.dma_semaphore, #tpu.memory_space<semaphore_mem>>) src(%arg8 : memref<16x50x32xf32, #tpu.memory_space<vmem>>) dst(%dma_wait3A_2575 : memref<16x50x32xf32, #tpu.memory_space<hbm>>)
      %add3A_2576 = arith.constant 4 : i32
      %add3A_2577 = arith.addi %add3A_2550, %add3A_2576 : i32
      %sub3A_2578 = arith.constant 1 : i32
      %sub3A_2579 = arith.subi %add3A_2577, %sub3A_2578 : i32
      %mul3A_2580 = arith.constant 16 : i32
      %mul3A_2581 = arith.muli %sub3A_2579, %mul3A_2580 : i32
      %add3A_2582 = arith.constant 0 : i32
      %add3A_2583 = arith.addi %mul3A_2581, %add3A_2582 : i32
      %dma_start3A_2584 = arith.constant 0 : i32
      %dma_start3A_2585 = arith.constant 0 : i32
      %dma_start3A_2586 = arith.constant 0 : i32
      %dma_start3A_2587 = tpu.memref_slice %arg8[%dma_start3A_2584, %dma_start3A_2585, %dma_start3A_2586] : memref<16x50x32xf32, #tpu.memory_space<vmem>> -> memref<1x50x32xf32, #tpu.memory_space<vmem>>
      %dma_start3A_2588 = tpu.memref_squeeze %dma_start3A_2587 : memref<1x50x32xf32, #tpu.memory_space<vmem>> -> memref<50x32xf32, #tpu.memory_space<vmem>>
      %dma_start3A_2589 = arith.constant 0 : i32
      %dma_start3A_2590 = tpu.memref_slice %arg5[%add3A_2583, %dma_start3A_2589] : memref<512x50xi32, #tpu.memory_space<vmem>> -> memref<1x50xi32, #tpu.memory_space<vmem>>
      %dma_start3A_2591 = tpu.memref_squeeze %dma_start3A_2590 : memref<1x50xi32, #tpu.memory_space<vmem>> -> memref<50xi32, #tpu.memory_space<vmem>>
      %dma_start3A_2592 = arith.constant 0 : i32
      %dma_start3A_2593 = arith.constant 0 : i32
      %dma_start3A_2594 = tpu.memref_slice %arg2[%dma_start3A_2592, %dma_start3A_2593] : memref<1000000x32xf32, #tpu.memory_space<hbm>> -> memref<1000000x32xf32, #tpu.memory_space<hbm>>
      tpu.enqueue_indirect_dma source(%dma_start3A_2594 : memref<1000000x32xf32, #tpu.memory_space<hbm>>) target(%dma_start3A_2588 : memref<50x32xf32, #tpu.memory_space<vmem>>) offsets(%dma_start3A_2591 : memref<50xi32, #tpu.memory_space<vmem>>) semaphore(%arg12 : memref<!tpu.dma_semaphore, #tpu.memory_space<semaphore_mem>>)
      %mul3A_2595 = arith.constant 16 : i32
      %mul3A_2596 = arith.muli %sub3A_2579, %mul3A_2595 : i32
      %add3A_2597 = arith.constant 1 : i32
      %add3A_2598 = arith.addi %mul3A_2596, %add3A_2597 : i32
      %dma_start3A_2599 = arith.constant 1 : i32
      %dma_start3A_2600 = arith.constant 0 : i32
      %dma_start3A_2601 = arith.constant 0 : i32
      %dma_start3A_2602 = tpu.memref_slice %arg8[%dma_start3A_2599, %dma_start3A_2600, %dma_start3A_2601] : memref<16x50x32xf32, #tpu.memory_space<vmem>> -> memref<1x50x32xf32, #tpu.memory_space<vmem>>
      %dma_start3A_2603 = tpu.memref_squeeze %dma_start3A_2602 : memref<1x50x32xf32, #tpu.memory_space<vmem>> -> memref<50x32xf32, #tpu.memory_space<vmem>>
      %dma_start3A_2604 = arith.constant 0 : i32
      %dma_start3A_2605 = tpu.memref_slice %arg5[%add3A_2598, %dma_start3A_2604] : memref<512x50xi32, #tpu.memory_space<vmem>> -> memref<1x50xi32, #tpu.memory_space<vmem>>
      %dma_start3A_2606 = tpu.memref_squeeze %dma_start3A_2605 : memref<1x50xi32, #tpu.memory_space<vmem>> -> memref<50xi32, #tpu.memory_space<vmem>>
      %dma_start3A_2607 = arith.constant 0 : i32
      %dma_start3A_2608 = arith.constant 0 : i32
      %dma_start3A_2609 = tpu.memref_slice %arg2[%dma_start3A_2607, %dma_start3A_2608] : memref<1000000x32xf32, #tpu.memory_space<hbm>> -> memref<1000000x32xf32, #tpu.memory_space<hbm>>
      tpu.enqueue_indirect_dma source(%dma_start3A_2609 : memref<1000000x32xf32, #tpu.memory_space<hbm>>) target(%dma_start3A_2603 : memref<50x32xf32, #tpu.memory_space<vmem>>) offsets(%dma_start3A_2606 : memref<50xi32, #tpu.memory_space<vmem>>) semaphore(%arg12 : memref<!tpu.dma_semaphore, #tpu.memory_space<semaphore_mem>>)
      %mul3A_2610 = arith.constant 16 : i32
      %mul3A_2611 = arith.muli %sub3A_2579, %mul3A_2610 : i32
      %add3A_2612 = arith.constant 2 : i32
      %add3A_2613 = arith.addi %mul3A_2611, %add3A_2612 : i32
      %dma_start3A_2614 = arith.constant 2 : i32
      %dma_start3A_2615 = arith.constant 0 : i32
      %dma_start3A_2616 = arith.constant 0 : i32
      %dma_start3A_2617 = tpu.memref_slice %arg8[%dma_start3A_2614, %dma_start3A_2615, %dma_start3A_2616] : memref<16x50x32xf32, #tpu.memory_space<vmem>> -> memref<1x50x32xf32, #tpu.memory_space<vmem>>
      %dma_start3A_2618 = tpu.memref_squeeze %dma_start3A_2617 : memref<1x50x32xf32, #tpu.memory_space<vmem>> -> memref<50x32xf32, #tpu.memory_space<vmem>>
      %dma_start3A_2619 = arith.constant 0 : i32
      %dma_start3A_2620 = tpu.memref_slice %arg5[%add3A_2613, %dma_start3A_2619] : memref<512x50xi32, #tpu.memory_space<vmem>> -> memref<1x50xi32, #tpu.memory_space<vmem>>
      %dma_start3A_2621 = tpu.memref_squeeze %dma_start3A_2620 : memref<1x50xi32, #tpu.memory_space<vmem>> -> memref<50xi32, #tpu.memory_space<vmem>>
      %dma_start3A_2622 = arith.constant 0 : i32
      %dma_start3A_2623 = arith.constant 0 : i32
      %dma_start3A_2624 = tpu.memref_slice %arg2[%dma_start3A_2622, %dma_start3A_2623] : memref<1000000x32xf32, #tpu.memory_space<hbm>> -> memref<1000000x32xf32, #tpu.memory_space<hbm>>
      tpu.enqueue_indirect_dma source(%dma_start3A_2624 : memref<1000000x32xf32, #tpu.memory_space<hbm>>) target(%dma_start3A_2618 : memref<50x32xf32, #tpu.memory_space<vmem>>) offsets(%dma_start3A_2621 : memref<50xi32, #tpu.memory_space<vmem>>) semaphore(%arg12 : memref<!tpu.dma_semaphore, #tpu.memory_space<semaphore_mem>>)
      %mul3A_2625 = arith.constant 16 : i32
      %mul3A_2626 = arith.muli %sub3A_2579, %mul3A_2625 : i32
      %add3A_2627 = arith.constant 3 : i32
      %add3A_2628 = arith.addi %mul3A_2626, %add3A_2627 : i32
      %dma_start3A_2629 = arith.constant 3 : i32
      %dma_start3A_2630 = arith.constant 0 : i32
      %dma_start3A_2631 = arith.constant 0 : i32
      %dma_start3A_2632 = tpu.memref_slice %arg8[%dma_start3A_2629, %dma_start3A_2630, %dma_start3A_2631] : memref<16x50x32xf32, #tpu.memory_space<vmem>> -> memref<1x50x32xf32, #tpu.memory_space<vmem>>
      %dma_start3A_2633 = tpu.memref_squeeze %dma_start3A_2632 : memref<1x50x32xf32, #tpu.memory_space<vmem>> -> memref<50x32xf32, #tpu.memory_space<vmem>>
      %dma_start3A_2634 = arith.constant 0 : i32
      %dma_start3A_2635 = tpu.memref_slice %arg5[%add3A_2628, %dma_start3A_2634] : memref<512x50xi32, #tpu.memory_space<vmem>> -> memref<1x50xi32, #tpu.memory_space<vmem>>
      %dma_start3A_2636 = tpu.memref_squeeze %dma_start3A_2635 : memref<1x50xi32, #tpu.memory_space<vmem>> -> memref<50xi32, #tpu.memory_space<vmem>>
      %dma_start3A_2637 = arith.constant 0 : i32
      %dma_start3A_2638 = arith.constant 0 : i32
      %dma_start3A_2639 = tpu.memref_slice %arg2[%dma_start3A_2637, %dma_start3A_2638] : memref<1000000x32xf32, #tpu.memory_space<hbm>> -> memref<1000000x32xf32, #tpu.memory_space<hbm>>
      tpu.enqueue_indirect_dma source(%dma_start3A_2639 : memref<1000000x32xf32, #tpu.memory_space<hbm>>) target(%dma_start3A_2633 : memref<50x32xf32, #tpu.memory_space<vmem>>) offsets(%dma_start3A_2636 : memref<50xi32, #tpu.memory_space<vmem>>) semaphore(%arg12 : memref<!tpu.dma_semaphore, #tpu.memory_space<semaphore_mem>>)
      %mul3A_2640 = arith.constant 16 : i32
      %mul3A_2641 = arith.muli %sub3A_2579, %mul3A_2640 : i32
      %add3A_2642 = arith.constant 4 : i32
      %add3A_2643 = arith.addi %mul3A_2641, %add3A_2642 : i32
      %dma_start3A_2644 = arith.constant 4 : i32
      %dma_start3A_2645 = arith.constant 0 : i32
      %dma_start3A_2646 = arith.constant 0 : i32
      %dma_start3A_2647 = tpu.memref_slice %arg8[%dma_start3A_2644, %dma_start3A_2645, %dma_start3A_2646] : memref<16x50x32xf32, #tpu.memory_space<vmem>> -> memref<1x50x32xf32, #tpu.memory_space<vmem>>
      %dma_start3A_2648 = tpu.memref_squeeze %dma_start3A_2647 : memref<1x50x32xf32, #tpu.memory_space<vmem>> -> memref<50x32xf32, #tpu.memory_space<vmem>>
      %dma_start3A_2649 = arith.constant 0 : i32
      %dma_start3A_2650 = tpu.memref_slice %arg5[%add3A_2643, %dma_start3A_2649] : memref<512x50xi32, #tpu.memory_space<vmem>> -> memref<1x50xi32, #tpu.memory_space<vmem>>
      %dma_start3A_2651 = tpu.memref_squeeze %dma_start3A_2650 : memref<1x50xi32, #tpu.memory_space<vmem>> -> memref<50xi32, #tpu.memory_space<vmem>>
      %dma_start3A_2652 = arith.constant 0 : i32
      %dma_start3A_2653 = arith.constant 0 : i32
      %dma_start3A_2654 = tpu.memref_slice %arg2[%dma_start3A_2652, %dma_start3A_2653] : memref<1000000x32xf32, #tpu.memory_space<hbm>> -> memref<1000000x32xf32, #tpu.memory_space<hbm>>
      tpu.enqueue_indirect_dma source(%dma_start3A_2654 : memref<1000000x32xf32, #tpu.memory_space<hbm>>) target(%dma_start3A_2648 : memref<50x32xf32, #tpu.memory_space<vmem>>) offsets(%dma_start3A_2651 : memref<50xi32, #tpu.memory_space<vmem>>) semaphore(%arg12 : memref<!tpu.dma_semaphore, #tpu.memory_space<semaphore_mem>>)
      %mul3A_2655 = arith.constant 16 : i32
      %mul3A_2656 = arith.muli %sub3A_2579, %mul3A_2655 : i32
      %add3A_2657 = arith.constant 5 : i32
      %add3A_2658 = arith.addi %mul3A_2656, %add3A_2657 : i32
      %dma_start3A_2659 = arith.constant 5 : i32
      %dma_start3A_2660 = arith.constant 0 : i32
      %dma_start3A_2661 = arith.constant 0 : i32
      %dma_start3A_2662 = tpu.memref_slice %arg8[%dma_start3A_2659, %dma_start3A_2660, %dma_start3A_2661] : memref<16x50x32xf32, #tpu.memory_space<vmem>> -> memref<1x50x32xf32, #tpu.memory_space<vmem>>
      %dma_start3A_2663 = tpu.memref_squeeze %dma_start3A_2662 : memref<1x50x32xf32, #tpu.memory_space<vmem>> -> memref<50x32xf32, #tpu.memory_space<vmem>>
      %dma_start3A_2664 = arith.constant 0 : i32
      %dma_start3A_2665 = tpu.memref_slice %arg5[%add3A_2658, %dma_start3A_2664] : memref<512x50xi32, #tpu.memory_space<vmem>> -> memref<1x50xi32, #tpu.memory_space<vmem>>
      %dma_start3A_2666 = tpu.memref_squeeze %dma_start3A_2665 : memref<1x50xi32, #tpu.memory_space<vmem>> -> memref<50xi32, #tpu.memory_space<vmem>>
      %dma_start3A_2667 = arith.constant 0 : i32
      %dma_start3A_2668 = arith.constant 0 : i32
      %dma_start3A_2669 = tpu.memref_slice %arg2[%dma_start3A_2667, %dma_start3A_2668] : memref<1000000x32xf32, #tpu.memory_space<hbm>> -> memref<1000000x32xf32, #tpu.memory_space<hbm>>
      tpu.enqueue_indirect_dma source(%dma_start3A_2669 : memref<1000000x32xf32, #tpu.memory_space<hbm>>) target(%dma_start3A_2663 : memref<50x32xf32, #tpu.memory_space<vmem>>) offsets(%dma_start3A_2666 : memref<50xi32, #tpu.memory_space<vmem>>) semaphore(%arg12 : memref<!tpu.dma_semaphore, #tpu.memory_space<semaphore_mem>>)
      %mul3A_2670 = arith.constant 16 : i32
      %mul3A_2671 = arith.muli %sub3A_2579, %mul3A_2670 : i32
      %add3A_2672 = arith.constant 6 : i32
      %add3A_2673 = arith.addi %mul3A_2671, %add3A_2672 : i32
      %dma_start3A_2674 = arith.constant 6 : i32
      %dma_start3A_2675 = arith.constant 0 : i32
      %dma_start3A_2676 = arith.constant 0 : i32
      %dma_start3A_2677 = tpu.memref_slice %arg8[%dma_start3A_2674, %dma_start3A_2675, %dma_start3A_2676] : memref<16x50x32xf32, #tpu.memory_space<vmem>> -> memref<1x50x32xf32, #tpu.memory_space<vmem>>
      %dma_start3A_2678 = tpu.memref_squeeze %dma_start3A_2677 : memref<1x50x32xf32, #tpu.memory_space<vmem>> -> memref<50x32xf32, #tpu.memory_space<vmem>>
      %dma_start3A_2679 = arith.constant 0 : i32
      %dma_start3A_2680 = tpu.memref_slice %arg5[%add3A_2673, %dma_start3A_2679] : memref<512x50xi32, #tpu.memory_space<vmem>> -> memref<1x50xi32, #tpu.memory_space<vmem>>
      %dma_start3A_2681 = tpu.memref_squeeze %dma_start3A_2680 : memref<1x50xi32, #tpu.memory_space<vmem>> -> memref<50xi32, #tpu.memory_space<vmem>>
      %dma_start3A_2682 = arith.constant 0 : i32
      %dma_start3A_2683 = arith.constant 0 : i32
      %dma_start3A_2684 = tpu.memref_slice %arg2[%dma_start3A_2682, %dma_start3A_2683] : memref<1000000x32xf32, #tpu.memory_space<hbm>> -> memref<1000000x32xf32, #tpu.memory_space<hbm>>
      tpu.enqueue_indirect_dma source(%dma_start3A_2684 : memref<1000000x32xf32, #tpu.memory_space<hbm>>) target(%dma_start3A_2678 : memref<50x32xf32, #tpu.memory_space<vmem>>) offsets(%dma_start3A_2681 : memref<50xi32, #tpu.memory_space<vmem>>) semaphore(%arg12 : memref<!tpu.dma_semaphore, #tpu.memory_space<semaphore_mem>>)
      %mul3A_2685 = arith.constant 16 : i32
      %mul3A_2686 = arith.muli %sub3A_2579, %mul3A_2685 : i32
      %add3A_2687 = arith.constant 7 : i32
      %add3A_2688 = arith.addi %mul3A_2686, %add3A_2687 : i32
      %dma_start3A_2689 = arith.constant 7 : i32
      %dma_start3A_2690 = arith.constant 0 : i32
      %dma_start3A_2691 = arith.constant 0 : i32
      %dma_start3A_2692 = tpu.memref_slice %arg8[%dma_start3A_2689, %dma_start3A_2690, %dma_start3A_2691] : memref<16x50x32xf32, #tpu.memory_space<vmem>> -> memref<1x50x32xf32, #tpu.memory_space<vmem>>
      %dma_start3A_2693 = tpu.memref_squeeze %dma_start3A_2692 : memref<1x50x32xf32, #tpu.memory_space<vmem>> -> memref<50x32xf32, #tpu.memory_space<vmem>>
      %dma_start3A_2694 = arith.constant 0 : i32
      %dma_start3A_2695 = tpu.memref_slice %arg5[%add3A_2688, %dma_start3A_2694] : memref<512x50xi32, #tpu.memory_space<vmem>> -> memref<1x50xi32, #tpu.memory_space<vmem>>
      %dma_start3A_2696 = tpu.memref_squeeze %dma_start3A_2695 : memref<1x50xi32, #tpu.memory_space<vmem>> -> memref<50xi32, #tpu.memory_space<vmem>>
      %dma_start3A_2697 = arith.constant 0 : i32
      %dma_start3A_2698 = arith.constant 0 : i32
      %dma_start3A_2699 = tpu.memref_slice %arg2[%dma_start3A_2697, %dma_start3A_2698] : memref<1000000x32xf32, #tpu.memory_space<hbm>> -> memref<1000000x32xf32, #tpu.memory_space<hbm>>
      tpu.enqueue_indirect_dma source(%dma_start3A_2699 : memref<1000000x32xf32, #tpu.memory_space<hbm>>) target(%dma_start3A_2693 : memref<50x32xf32, #tpu.memory_space<vmem>>) offsets(%dma_start3A_2696 : memref<50xi32, #tpu.memory_space<vmem>>) semaphore(%arg12 : memref<!tpu.dma_semaphore, #tpu.memory_space<semaphore_mem>>)
      %mul3A_2700 = arith.constant 16 : i32
      %mul3A_2701 = arith.muli %sub3A_2579, %mul3A_2700 : i32
      %add3A_2702 = arith.constant 8 : i32
      %add3A_2703 = arith.addi %mul3A_2701, %add3A_2702 : i32
      %dma_start3A_2704 = arith.constant 8 : i32
      %dma_start3A_2705 = arith.constant 0 : i32
      %dma_start3A_2706 = arith.constant 0 : i32
      %dma_start3A_2707 = tpu.memref_slice %arg8[%dma_start3A_2704, %dma_start3A_2705, %dma_start3A_2706] : memref<16x50x32xf32, #tpu.memory_space<vmem>> -> memref<1x50x32xf32, #tpu.memory_space<vmem>>
      %dma_start3A_2708 = tpu.memref_squeeze %dma_start3A_2707 : memref<1x50x32xf32, #tpu.memory_space<vmem>> -> memref<50x32xf32, #tpu.memory_space<vmem>>
      %dma_start3A_2709 = arith.constant 0 : i32
      %dma_start3A_2710 = tpu.memref_slice %arg5[%add3A_2703, %dma_start3A_2709] : memref<512x50xi32, #tpu.memory_space<vmem>> -> memref<1x50xi32, #tpu.memory_space<vmem>>
      %dma_start3A_2711 = tpu.memref_squeeze %dma_start3A_2710 : memref<1x50xi32, #tpu.memory_space<vmem>> -> memref<50xi32, #tpu.memory_space<vmem>>
      %dma_start3A_2712 = arith.constant 0 : i32
      %dma_start3A_2713 = arith.constant 0 : i32
      %dma_start3A_2714 = tpu.memref_slice %arg2[%dma_start3A_2712, %dma_start3A_2713] : memref<1000000x32xf32, #tpu.memory_space<hbm>> -> memref<1000000x32xf32, #tpu.memory_space<hbm>>
      tpu.enqueue_indirect_dma source(%dma_start3A_2714 : memref<1000000x32xf32, #tpu.memory_space<hbm>>) target(%dma_start3A_2708 : memref<50x32xf32, #tpu.memory_space<vmem>>) offsets(%dma_start3A_2711 : memref<50xi32, #tpu.memory_space<vmem>>) semaphore(%arg12 : memref<!tpu.dma_semaphore, #tpu.memory_space<semaphore_mem>>)
      %mul3A_2715 = arith.constant 16 : i32
      %mul3A_2716 = arith.muli %sub3A_2579, %mul3A_2715 : i32
      %add3A_2717 = arith.constant 9 : i32
      %add3A_2718 = arith.addi %mul3A_2716, %add3A_2717 : i32
      %dma_start3A_2719 = arith.constant 9 : i32
      %dma_start3A_2720 = arith.constant 0 : i32
      %dma_start3A_2721 = arith.constant 0 : i32
      %dma_start3A_2722 = tpu.memref_slice %arg8[%dma_start3A_2719, %dma_start3A_2720, %dma_start3A_2721] : memref<16x50x32xf32, #tpu.memory_space<vmem>> -> memref<1x50x32xf32, #tpu.memory_space<vmem>>
      %dma_start3A_2723 = tpu.memref_squeeze %dma_start3A_2722 : memref<1x50x32xf32, #tpu.memory_space<vmem>> -> memref<50x32xf32, #tpu.memory_space<vmem>>
      %dma_start3A_2724 = arith.constant 0 : i32
      %dma_start3A_2725 = tpu.memref_slice %arg5[%add3A_2718, %dma_start3A_2724] : memref<512x50xi32, #tpu.memory_space<vmem>> -> memref<1x50xi32, #tpu.memory_space<vmem>>
      %dma_start3A_2726 = tpu.memref_squeeze %dma_start3A_2725 : memref<1x50xi32, #tpu.memory_space<vmem>> -> memref<50xi32, #tpu.memory_space<vmem>>
      %dma_start3A_2727 = arith.constant 0 : i32
      %dma_start3A_2728 = arith.constant 0 : i32
      %dma_start3A_2729 = tpu.memref_slice %arg2[%dma_start3A_2727, %dma_start3A_2728] : memref<1000000x32xf32, #tpu.memory_space<hbm>> -> memref<1000000x32xf32, #tpu.memory_space<hbm>>
      tpu.enqueue_indirect_dma source(%dma_start3A_2729 : memref<1000000x32xf32, #tpu.memory_space<hbm>>) target(%dma_start3A_2723 : memref<50x32xf32, #tpu.memory_space<vmem>>) offsets(%dma_start3A_2726 : memref<50xi32, #tpu.memory_space<vmem>>) semaphore(%arg12 : memref<!tpu.dma_semaphore, #tpu.memory_space<semaphore_mem>>)
      %mul3A_2730 = arith.constant 16 : i32
      %mul3A_2731 = arith.muli %sub3A_2579, %mul3A_2730 : i32
      %add3A_2732 = arith.constant 10 : i32
      %add3A_2733 = arith.addi %mul3A_2731, %add3A_2732 : i32
      %dma_start3A_2734 = arith.constant 10 : i32
      %dma_start3A_2735 = arith.constant 0 : i32
      %dma_start3A_2736 = arith.constant 0 : i32
      %dma_start3A_2737 = tpu.memref_slice %arg8[%dma_start3A_2734, %dma_start3A_2735, %dma_start3A_2736] : memref<16x50x32xf32, #tpu.memory_space<vmem>> -> memref<1x50x32xf32, #tpu.memory_space<vmem>>
      %dma_start3A_2738 = tpu.memref_squeeze %dma_start3A_2737 : memref<1x50x32xf32, #tpu.memory_space<vmem>> -> memref<50x32xf32, #tpu.memory_space<vmem>>
      %dma_start3A_2739 = arith.constant 0 : i32
      %dma_start3A_2740 = tpu.memref_slice %arg5[%add3A_2733, %dma_start3A_2739] : memref<512x50xi32, #tpu.memory_space<vmem>> -> memref<1x50xi32, #tpu.memory_space<vmem>>
      %dma_start3A_2741 = tpu.memref_squeeze %dma_start3A_2740 : memref<1x50xi32, #tpu.memory_space<vmem>> -> memref<50xi32, #tpu.memory_space<vmem>>
      %dma_start3A_2742 = arith.constant 0 : i32
      %dma_start3A_2743 = arith.constant 0 : i32
      %dma_start3A_2744 = tpu.memref_slice %arg2[%dma_start3A_2742, %dma_start3A_2743] : memref<1000000x32xf32, #tpu.memory_space<hbm>> -> memref<1000000x32xf32, #tpu.memory_space<hbm>>
      tpu.enqueue_indirect_dma source(%dma_start3A_2744 : memref<1000000x32xf32, #tpu.memory_space<hbm>>) target(%dma_start3A_2738 : memref<50x32xf32, #tpu.memory_space<vmem>>) offsets(%dma_start3A_2741 : memref<50xi32, #tpu.memory_space<vmem>>) semaphore(%arg12 : memref<!tpu.dma_semaphore, #tpu.memory_space<semaphore_mem>>)
      %mul3A_2745 = arith.constant 16 : i32
      %mul3A_2746 = arith.muli %sub3A_2579, %mul3A_2745 : i32
      %add3A_2747 = arith.constant 11 : i32
      %add3A_2748 = arith.addi %mul3A_2746, %add3A_2747 : i32
      %dma_start3A_2749 = arith.constant 11 : i32
      %dma_start3A_2750 = arith.constant 0 : i32
      %dma_start3A_2751 = arith.constant 0 : i32
      %dma_start3A_2752 = tpu.memref_slice %arg8[%dma_start3A_2749, %dma_start3A_2750, %dma_start3A_2751] : memref<16x50x32xf32, #tpu.memory_space<vmem>> -> memref<1x50x32xf32, #tpu.memory_space<vmem>>
      %dma_start3A_2753 = tpu.memref_squeeze %dma_start3A_2752 : memref<1x50x32xf32, #tpu.memory_space<vmem>> -> memref<50x32xf32, #tpu.memory_space<vmem>>
      %dma_start3A_2754 = arith.constant 0 : i32
      %dma_start3A_2755 = tpu.memref_slice %arg5[%add3A_2748, %dma_start3A_2754] : memref<512x50xi32, #tpu.memory_space<vmem>> -> memref<1x50xi32, #tpu.memory_space<vmem>>
      %dma_start3A_2756 = tpu.memref_squeeze %dma_start3A_2755 : memref<1x50xi32, #tpu.memory_space<vmem>> -> memref<50xi32, #tpu.memory_space<vmem>>
      %dma_start3A_2757 = arith.constant 0 : i32
      %dma_start3A_2758 = arith.constant 0 : i32
      %dma_start3A_2759 = tpu.memref_slice %arg2[%dma_start3A_2757, %dma_start3A_2758] : memref<1000000x32xf32, #tpu.memory_space<hbm>> -> memref<1000000x32xf32, #tpu.memory_space<hbm>>
      tpu.enqueue_indirect_dma source(%dma_start3A_2759 : memref<1000000x32xf32, #tpu.memory_space<hbm>>) target(%dma_start3A_2753 : memref<50x32xf32, #tpu.memory_space<vmem>>) offsets(%dma_start3A_2756 : memref<50xi32, #tpu.memory_space<vmem>>) semaphore(%arg12 : memref<!tpu.dma_semaphore, #tpu.memory_space<semaphore_mem>>)
      %mul3A_2760 = arith.constant 16 : i32
      %mul3A_2761 = arith.muli %sub3A_2579, %mul3A_2760 : i32
      %add3A_2762 = arith.constant 12 : i32
      %add3A_2763 = arith.addi %mul3A_2761, %add3A_2762 : i32
      %dma_start3A_2764 = arith.constant 12 : i32
      %dma_start3A_2765 = arith.constant 0 : i32
      %dma_start3A_2766 = arith.constant 0 : i32
      %dma_start3A_2767 = tpu.memref_slice %arg8[%dma_start3A_2764, %dma_start3A_2765, %dma_start3A_2766] : memref<16x50x32xf32, #tpu.memory_space<vmem>> -> memref<1x50x32xf32, #tpu.memory_space<vmem>>
      %dma_start3A_2768 = tpu.memref_squeeze %dma_start3A_2767 : memref<1x50x32xf32, #tpu.memory_space<vmem>> -> memref<50x32xf32, #tpu.memory_space<vmem>>
      %dma_start3A_2769 = arith.constant 0 : i32
      %dma_start3A_2770 = tpu.memref_slice %arg5[%add3A_2763, %dma_start3A_2769] : memref<512x50xi32, #tpu.memory_space<vmem>> -> memref<1x50xi32, #tpu.memory_space<vmem>>
      %dma_start3A_2771 = tpu.memref_squeeze %dma_start3A_2770 : memref<1x50xi32, #tpu.memory_space<vmem>> -> memref<50xi32, #tpu.memory_space<vmem>>
      %dma_start3A_2772 = arith.constant 0 : i32
      %dma_start3A_2773 = arith.constant 0 : i32
      %dma_start3A_2774 = tpu.memref_slice %arg2[%dma_start3A_2772, %dma_start3A_2773] : memref<1000000x32xf32, #tpu.memory_space<hbm>> -> memref<1000000x32xf32, #tpu.memory_space<hbm>>
      tpu.enqueue_indirect_dma source(%dma_start3A_2774 : memref<1000000x32xf32, #tpu.memory_space<hbm>>) target(%dma_start3A_2768 : memref<50x32xf32, #tpu.memory_space<vmem>>) offsets(%dma_start3A_2771 : memref<50xi32, #tpu.memory_space<vmem>>) semaphore(%arg12 : memref<!tpu.dma_semaphore, #tpu.memory_space<semaphore_mem>>)
      %mul3A_2775 = arith.constant 16 : i32
      %mul3A_2776 = arith.muli %sub3A_2579, %mul3A_2775 : i32
      %add3A_2777 = arith.constant 13 : i32
      %add3A_2778 = arith.addi %mul3A_2776, %add3A_2777 : i32
      %dma_start3A_2779 = arith.constant 13 : i32
      %dma_start3A_2780 = arith.constant 0 : i32
      %dma_start3A_2781 = arith.constant 0 : i32
      %dma_start3A_2782 = tpu.memref_slice %arg8[%dma_start3A_2779, %dma_start3A_2780, %dma_start3A_2781] : memref<16x50x32xf32, #tpu.memory_space<vmem>> -> memref<1x50x32xf32, #tpu.memory_space<vmem>>
      %dma_start3A_2783 = tpu.memref_squeeze %dma_start3A_2782 : memref<1x50x32xf32, #tpu.memory_space<vmem>> -> memref<50x32xf32, #tpu.memory_space<vmem>>
      %dma_start3A_2784 = arith.constant 0 : i32
      %dma_start3A_2785 = tpu.memref_slice %arg5[%add3A_2778, %dma_start3A_2784] : memref<512x50xi32, #tpu.memory_space<vmem>> -> memref<1x50xi32, #tpu.memory_space<vmem>>
      %dma_start3A_2786 = tpu.memref_squeeze %dma_start3A_2785 : memref<1x50xi32, #tpu.memory_space<vmem>> -> memref<50xi32, #tpu.memory_space<vmem>>
      %dma_start3A_2787 = arith.constant 0 : i32
      %dma_start3A_2788 = arith.constant 0 : i32
      %dma_start3A_2789 = tpu.memref_slice %arg2[%dma_start3A_2787, %dma_start3A_2788] : memref<1000000x32xf32, #tpu.memory_space<hbm>> -> memref<1000000x32xf32, #tpu.memory_space<hbm>>
      tpu.enqueue_indirect_dma source(%dma_start3A_2789 : memref<1000000x32xf32, #tpu.memory_space<hbm>>) target(%dma_start3A_2783 : memref<50x32xf32, #tpu.memory_space<vmem>>) offsets(%dma_start3A_2786 : memref<50xi32, #tpu.memory_space<vmem>>) semaphore(%arg12 : memref<!tpu.dma_semaphore, #tpu.memory_space<semaphore_mem>>)
      %mul3A_2790 = arith.constant 16 : i32
      %mul3A_2791 = arith.muli %sub3A_2579, %mul3A_2790 : i32
      %add3A_2792 = arith.constant 14 : i32
      %add3A_2793 = arith.addi %mul3A_2791, %add3A_2792 : i32
      %dma_start3A_2794 = arith.constant 14 : i32
      %dma_start3A_2795 = arith.constant 0 : i32
      %dma_start3A_2796 = arith.constant 0 : i32
      %dma_start3A_2797 = tpu.memref_slice %arg8[%dma_start3A_2794, %dma_start3A_2795, %dma_start3A_2796] : memref<16x50x32xf32, #tpu.memory_space<vmem>> -> memref<1x50x32xf32, #tpu.memory_space<vmem>>
      %dma_start3A_2798 = tpu.memref_squeeze %dma_start3A_2797 : memref<1x50x32xf32, #tpu.memory_space<vmem>> -> memref<50x32xf32, #tpu.memory_space<vmem>>
      %dma_start3A_2799 = arith.constant 0 : i32
      %dma_start3A_2800 = tpu.memref_slice %arg5[%add3A_2793, %dma_start3A_2799] : memref<512x50xi32, #tpu.memory_space<vmem>> -> memref<1x50xi32, #tpu.memory_space<vmem>>
      %dma_start3A_2801 = tpu.memref_squeeze %dma_start3A_2800 : memref<1x50xi32, #tpu.memory_space<vmem>> -> memref<50xi32, #tpu.memory_space<vmem>>
      %dma_start3A_2802 = arith.constant 0 : i32
      %dma_start3A_2803 = arith.constant 0 : i32
      %dma_start3A_2804 = tpu.memref_slice %arg2[%dma_start3A_2802, %dma_start3A_2803] : memref<1000000x32xf32, #tpu.memory_space<hbm>> -> memref<1000000x32xf32, #tpu.memory_space<hbm>>
      tpu.enqueue_indirect_dma source(%dma_start3A_2804 : memref<1000000x32xf32, #tpu.memory_space<hbm>>) target(%dma_start3A_2798 : memref<50x32xf32, #tpu.memory_space<vmem>>) offsets(%dma_start3A_2801 : memref<50xi32, #tpu.memory_space<vmem>>) semaphore(%arg12 : memref<!tpu.dma_semaphore, #tpu.memory_space<semaphore_mem>>)
      %mul3A_2805 = arith.constant 16 : i32
      %mul3A_2806 = arith.muli %sub3A_2579, %mul3A_2805 : i32
      %add3A_2807 = arith.constant 15 : i32
      %add3A_2808 = arith.addi %mul3A_2806, %add3A_2807 : i32
      %dma_start3A_2809 = arith.constant 15 : i32
      %dma_start3A_2810 = arith.constant 0 : i32
      %dma_start3A_2811 = arith.constant 0 : i32
      %dma_start3A_2812 = tpu.memref_slice %arg8[%dma_start3A_2809, %dma_start3A_2810, %dma_start3A_2811] : memref<16x50x32xf32, #tpu.memory_space<vmem>> -> memref<1x50x32xf32, #tpu.memory_space<vmem>>
      %dma_start3A_2813 = tpu.memref_squeeze %dma_start3A_2812 : memref<1x50x32xf32, #tpu.memory_space<vmem>> -> memref<50x32xf32, #tpu.memory_space<vmem>>
      %dma_start3A_2814 = arith.constant 0 : i32
      %dma_start3A_2815 = tpu.memref_slice %arg5[%add3A_2808, %dma_start3A_2814] : memref<512x50xi32, #tpu.memory_space<vmem>> -> memref<1x50xi32, #tpu.memory_space<vmem>>
      %dma_start3A_2816 = tpu.memref_squeeze %dma_start3A_2815 : memref<1x50xi32, #tpu.memory_space<vmem>> -> memref<50xi32, #tpu.memory_space<vmem>>
      %dma_start3A_2817 = arith.constant 0 : i32
      %dma_start3A_2818 = arith.constant 0 : i32
      %dma_start3A_2819 = tpu.memref_slice %arg2[%dma_start3A_2817, %dma_start3A_2818] : memref<1000000x32xf32, #tpu.memory_space<hbm>> -> memref<1000000x32xf32, #tpu.memory_space<hbm>>
      tpu.enqueue_indirect_dma source(%dma_start3A_2819 : memref<1000000x32xf32, #tpu.memory_space<hbm>>) target(%dma_start3A_2813 : memref<50x32xf32, #tpu.memory_space<vmem>>) offsets(%dma_start3A_2816 : memref<50xi32, #tpu.memory_space<vmem>>) semaphore(%arg12 : memref<!tpu.dma_semaphore, #tpu.memory_space<semaphore_mem>>)
    }
    %scan3A_1437 = arith.constant 6 : i32
    %dma_wait3A_1438 = arith.constant 0 : i32
    %dma_wait3A_1439 = arith.constant 0 : i32
    %dma_wait3A_1440 = arith.constant 0 : i32
    %dma_wait3A_1441 = tpu.memref_slice %arg4[%dma_wait3A_1438, %dma_wait3A_1439, %dma_wait3A_1440] : memref<16384x56x128xf32, #tpu.memory_space<hbm>> -> memref<16x50x32xf32, #tpu.memory_space<hbm>>
    %dma_wait3A_1442 = arith.constant 0 : i32
    %dma_wait3A_1443 = arith.constant 0 : i32
    %dma_wait3A_1444 = arith.constant 0 : i32
    %dma_wait3A_1445 = tpu.memref_slice %arg4[%dma_wait3A_1442, %dma_wait3A_1443, %dma_wait3A_1444] : memref<16384x56x128xf32, #tpu.memory_space<hbm>> -> memref<16x50x32xf32, #tpu.memory_space<hbm>>
    tpu.wait_dma2 semaphore(%arg10 : memref<!tpu.dma_semaphore, #tpu.memory_space<semaphore_mem>>) src(%dma_wait3A_1445 : memref<16x50x32xf32, #tpu.memory_space<hbm>>) dst(%arg6 : memref<16x50x32xf32, #tpu.memory_space<vmem>>)
    %add3A_1446 = arith.constant 448 : i32
    %add3A_1447 = arith.addi %mul3A_2, %add3A_1446 : i32
    %dma_start3A_1448 = arith.constant 0 : i32
    %dma_start3A_1449 = arith.constant 0 : i32
    %dma_start3A_1450 = tpu.memref_slice %arg4[%add3A_1447, %dma_start3A_1448, %dma_start3A_1449] : memref<16384x56x128xf32, #tpu.memory_space<hbm>> -> memref<16x50x32xf32, #tpu.memory_space<hbm>>
    %dma_start3A_1451 = arith.constant 0 : i32
    %dma_start3A_1452 = arith.constant 0 : i32
    %dma_start3A_1453 = tpu.memref_slice %arg4[%add3A_1447, %dma_start3A_1451, %dma_start3A_1452] : memref<16384x56x128xf32, #tpu.memory_space<hbm>> -> memref<16x50x32xf32, #tpu.memory_space<hbm>>
    tpu.enqueue_dma source(%arg6 : memref<16x50x32xf32, #tpu.memory_space<vmem>>) target(%dma_start3A_1453 : memref<16x50x32xf32, #tpu.memory_space<hbm>>) target_semaphore(%arg14 : memref<!tpu.dma_semaphore, #tpu.memory_space<semaphore_mem>>)
    %dma_wait3A_1454 = arith.constant 0 : i32
    %dma_wait3A_1455 = arith.constant 0 : i32
    %dma_wait3A_1456 = arith.constant 0 : i32
    %dma_wait3A_1457 = tpu.memref_slice %arg4[%dma_wait3A_1454, %dma_wait3A_1455, %dma_wait3A_1456] : memref<16384x56x128xf32, #tpu.memory_space<hbm>> -> memref<16x50x32xf32, #tpu.memory_space<hbm>>
    %dma_wait3A_1458 = arith.constant 0 : i32
    %dma_wait3A_1459 = arith.constant 0 : i32
    %dma_wait3A_1460 = arith.constant 0 : i32
    %dma_wait3A_1461 = tpu.memref_slice %arg4[%dma_wait3A_1458, %dma_wait3A_1459, %dma_wait3A_1460] : memref<16384x56x128xf32, #tpu.memory_space<hbm>> -> memref<16x50x32xf32, #tpu.memory_space<hbm>>
    tpu.wait_dma2 semaphore(%arg17 : memref<!tpu.dma_semaphore, #tpu.memory_space<semaphore_mem>>) src(%arg9 : memref<16x50x32xf32, #tpu.memory_space<vmem>>) dst(%dma_wait3A_1461 : memref<16x50x32xf32, #tpu.memory_space<hbm>>)
    %dma_start3A_1462 = arith.constant 496 : i32
    %dma_start3A_1463 = arith.constant 0 : i32
    %dma_start3A_1464 = arith.constant 0 : i32
    %dma_start3A_1465 = arith.constant 0 : i32
    %dma_start3A_1466 = tpu.memref_slice %arg9[%dma_start3A_1463, %dma_start3A_1464, %dma_start3A_1465] : memref<16x50x32xf32, #tpu.memory_space<vmem>> -> memref<1x50x32xf32, #tpu.memory_space<vmem>>
    %dma_start3A_1467 = tpu.memref_squeeze %dma_start3A_1466 : memref<1x50x32xf32, #tpu.memory_space<vmem>> -> memref<50x32xf32, #tpu.memory_space<vmem>>
    %dma_start3A_1468 = arith.constant 0 : i32
    %dma_start3A_1469 = tpu.memref_slice %arg5[%dma_start3A_1462, %dma_start3A_1468] : memref<512x50xi32, #tpu.memory_space<vmem>> -> memref<1x50xi32, #tpu.memory_space<vmem>>
    %dma_start3A_1470 = tpu.memref_squeeze %dma_start3A_1469 : memref<1x50xi32, #tpu.memory_space<vmem>> -> memref<50xi32, #tpu.memory_space<vmem>>
    %dma_start3A_1471 = arith.constant 0 : i32
    %dma_start3A_1472 = arith.constant 0 : i32
    %dma_start3A_1473 = tpu.memref_slice %arg2[%dma_start3A_1471, %dma_start3A_1472] : memref<1000000x32xf32, #tpu.memory_space<hbm>> -> memref<1000000x32xf32, #tpu.memory_space<hbm>>
    tpu.enqueue_indirect_dma source(%dma_start3A_1473 : memref<1000000x32xf32, #tpu.memory_space<hbm>>) target(%dma_start3A_1467 : memref<50x32xf32, #tpu.memory_space<vmem>>) offsets(%dma_start3A_1470 : memref<50xi32, #tpu.memory_space<vmem>>) semaphore(%arg13 : memref<!tpu.dma_semaphore, #tpu.memory_space<semaphore_mem>>)
    %dma_start3A_1474 = arith.constant 497 : i32
    %dma_start3A_1475 = arith.constant 1 : i32
    %dma_start3A_1476 = arith.constant 0 : i32
    %dma_start3A_1477 = arith.constant 0 : i32
    %dma_start3A_1478 = tpu.memref_slice %arg9[%dma_start3A_1475, %dma_start3A_1476, %dma_start3A_1477] : memref<16x50x32xf32, #tpu.memory_space<vmem>> -> memref<1x50x32xf32, #tpu.memory_space<vmem>>
    %dma_start3A_1479 = tpu.memref_squeeze %dma_start3A_1478 : memref<1x50x32xf32, #tpu.memory_space<vmem>> -> memref<50x32xf32, #tpu.memory_space<vmem>>
    %dma_start3A_1480 = arith.constant 0 : i32
    %dma_start3A_1481 = tpu.memref_slice %arg5[%dma_start3A_1474, %dma_start3A_1480] : memref<512x50xi32, #tpu.memory_space<vmem>> -> memref<1x50xi32, #tpu.memory_space<vmem>>
    %dma_start3A_1482 = tpu.memref_squeeze %dma_start3A_1481 : memref<1x50xi32, #tpu.memory_space<vmem>> -> memref<50xi32, #tpu.memory_space<vmem>>
    %dma_start3A_1483 = arith.constant 0 : i32
    %dma_start3A_1484 = arith.constant 0 : i32
    %dma_start3A_1485 = tpu.memref_slice %arg2[%dma_start3A_1483, %dma_start3A_1484] : memref<1000000x32xf32, #tpu.memory_space<hbm>> -> memref<1000000x32xf32, #tpu.memory_space<hbm>>
    tpu.enqueue_indirect_dma source(%dma_start3A_1485 : memref<1000000x32xf32, #tpu.memory_space<hbm>>) target(%dma_start3A_1479 : memref<50x32xf32, #tpu.memory_space<vmem>>) offsets(%dma_start3A_1482 : memref<50xi32, #tpu.memory_space<vmem>>) semaphore(%arg13 : memref<!tpu.dma_semaphore, #tpu.memory_space<semaphore_mem>>)
    %dma_start3A_1486 = arith.constant 498 : i32
    %dma_start3A_1487 = arith.constant 2 : i32
    %dma_start3A_1488 = arith.constant 0 : i32
    %dma_start3A_1489 = arith.constant 0 : i32
    %dma_start3A_1490 = tpu.memref_slice %arg9[%dma_start3A_1487, %dma_start3A_1488, %dma_start3A_1489] : memref<16x50x32xf32, #tpu.memory_space<vmem>> -> memref<1x50x32xf32, #tpu.memory_space<vmem>>
    %dma_start3A_1491 = tpu.memref_squeeze %dma_start3A_1490 : memref<1x50x32xf32, #tpu.memory_space<vmem>> -> memref<50x32xf32, #tpu.memory_space<vmem>>
    %dma_start3A_1492 = arith.constant 0 : i32
    %dma_start3A_1493 = tpu.memref_slice %arg5[%dma_start3A_1486, %dma_start3A_1492] : memref<512x50xi32, #tpu.memory_space<vmem>> -> memref<1x50xi32, #tpu.memory_space<vmem>>
    %dma_start3A_1494 = tpu.memref_squeeze %dma_start3A_1493 : memref<1x50xi32, #tpu.memory_space<vmem>> -> memref<50xi32, #tpu.memory_space<vmem>>
    %dma_start3A_1495 = arith.constant 0 : i32
    %dma_start3A_1496 = arith.constant 0 : i32
    %dma_start3A_1497 = tpu.memref_slice %arg2[%dma_start3A_1495, %dma_start3A_1496] : memref<1000000x32xf32, #tpu.memory_space<hbm>> -> memref<1000000x32xf32, #tpu.memory_space<hbm>>
    tpu.enqueue_indirect_dma source(%dma_start3A_1497 : memref<1000000x32xf32, #tpu.memory_space<hbm>>) target(%dma_start3A_1491 : memref<50x32xf32, #tpu.memory_space<vmem>>) offsets(%dma_start3A_1494 : memref<50xi32, #tpu.memory_space<vmem>>) semaphore(%arg13 : memref<!tpu.dma_semaphore, #tpu.memory_space<semaphore_mem>>)
    %dma_start3A_1498 = arith.constant 499 : i32
    %dma_start3A_1499 = arith.constant 3 : i32
    %dma_start3A_1500 = arith.constant 0 : i32
    %dma_start3A_1501 = arith.constant 0 : i32
    %dma_start3A_1502 = tpu.memref_slice %arg9[%dma_start3A_1499, %dma_start3A_1500, %dma_start3A_1501] : memref<16x50x32xf32, #tpu.memory_space<vmem>> -> memref<1x50x32xf32, #tpu.memory_space<vmem>>
    %dma_start3A_1503 = tpu.memref_squeeze %dma_start3A_1502 : memref<1x50x32xf32, #tpu.memory_space<vmem>> -> memref<50x32xf32, #tpu.memory_space<vmem>>
    %dma_start3A_1504 = arith.constant 0 : i32
    %dma_start3A_1505 = tpu.memref_slice %arg5[%dma_start3A_1498, %dma_start3A_1504] : memref<512x50xi32, #tpu.memory_space<vmem>> -> memref<1x50xi32, #tpu.memory_space<vmem>>
    %dma_start3A_1506 = tpu.memref_squeeze %dma_start3A_1505 : memref<1x50xi32, #tpu.memory_space<vmem>> -> memref<50xi32, #tpu.memory_space<vmem>>
    %dma_start3A_1507 = arith.constant 0 : i32
    %dma_start3A_1508 = arith.constant 0 : i32
    %dma_start3A_1509 = tpu.memref_slice %arg2[%dma_start3A_1507, %dma_start3A_1508] : memref<1000000x32xf32, #tpu.memory_space<hbm>> -> memref<1000000x32xf32, #tpu.memory_space<hbm>>
    tpu.enqueue_indirect_dma source(%dma_start3A_1509 : memref<1000000x32xf32, #tpu.memory_space<hbm>>) target(%dma_start3A_1503 : memref<50x32xf32, #tpu.memory_space<vmem>>) offsets(%dma_start3A_1506 : memref<50xi32, #tpu.memory_space<vmem>>) semaphore(%arg13 : memref<!tpu.dma_semaphore, #tpu.memory_space<semaphore_mem>>)
    %dma_start3A_1510 = arith.constant 500 : i32
    %dma_start3A_1511 = arith.constant 4 : i32
    %dma_start3A_1512 = arith.constant 0 : i32
    %dma_start3A_1513 = arith.constant 0 : i32
    %dma_start3A_1514 = tpu.memref_slice %arg9[%dma_start3A_1511, %dma_start3A_1512, %dma_start3A_1513] : memref<16x50x32xf32, #tpu.memory_space<vmem>> -> memref<1x50x32xf32, #tpu.memory_space<vmem>>
    %dma_start3A_1515 = tpu.memref_squeeze %dma_start3A_1514 : memref<1x50x32xf32, #tpu.memory_space<vmem>> -> memref<50x32xf32, #tpu.memory_space<vmem>>
    %dma_start3A_1516 = arith.constant 0 : i32
    %dma_start3A_1517 = tpu.memref_slice %arg5[%dma_start3A_1510, %dma_start3A_1516] : memref<512x50xi32, #tpu.memory_space<vmem>> -> memref<1x50xi32, #tpu.memory_space<vmem>>
    %dma_start3A_1518 = tpu.memref_squeeze %dma_start3A_1517 : memref<1x50xi32, #tpu.memory_space<vmem>> -> memref<50xi32, #tpu.memory_space<vmem>>
    %dma_start3A_1519 = arith.constant 0 : i32
    %dma_start3A_1520 = arith.constant 0 : i32
    %dma_start3A_1521 = tpu.memref_slice %arg2[%dma_start3A_1519, %dma_start3A_1520] : memref<1000000x32xf32, #tpu.memory_space<hbm>> -> memref<1000000x32xf32, #tpu.memory_space<hbm>>
    tpu.enqueue_indirect_dma source(%dma_start3A_1521 : memref<1000000x32xf32, #tpu.memory_space<hbm>>) target(%dma_start3A_1515 : memref<50x32xf32, #tpu.memory_space<vmem>>) offsets(%dma_start3A_1518 : memref<50xi32, #tpu.memory_space<vmem>>) semaphore(%arg13 : memref<!tpu.dma_semaphore, #tpu.memory_space<semaphore_mem>>)
    %dma_start3A_1522 = arith.constant 501 : i32
    %dma_start3A_1523 = arith.constant 5 : i32
    %dma_start3A_1524 = arith.constant 0 : i32
    %dma_start3A_1525 = arith.constant 0 : i32
    %dma_start3A_1526 = tpu.memref_slice %arg9[%dma_start3A_1523, %dma_start3A_1524, %dma_start3A_1525] : memref<16x50x32xf32, #tpu.memory_space<vmem>> -> memref<1x50x32xf32, #tpu.memory_space<vmem>>
    %dma_start3A_1527 = tpu.memref_squeeze %dma_start3A_1526 : memref<1x50x32xf32, #tpu.memory_space<vmem>> -> memref<50x32xf32, #tpu.memory_space<vmem>>
    %dma_start3A_1528 = arith.constant 0 : i32
    %dma_start3A_1529 = tpu.memref_slice %arg5[%dma_start3A_1522, %dma_start3A_1528] : memref<512x50xi32, #tpu.memory_space<vmem>> -> memref<1x50xi32, #tpu.memory_space<vmem>>
    %dma_start3A_1530 = tpu.memref_squeeze %dma_start3A_1529 : memref<1x50xi32, #tpu.memory_space<vmem>> -> memref<50xi32, #tpu.memory_space<vmem>>
    %dma_start3A_1531 = arith.constant 0 : i32
    %dma_start3A_1532 = arith.constant 0 : i32
    %dma_start3A_1533 = tpu.memref_slice %arg2[%dma_start3A_1531, %dma_start3A_1532] : memref<1000000x32xf32, #tpu.memory_space<hbm>> -> memref<1000000x32xf32, #tpu.memory_space<hbm>>
    tpu.enqueue_indirect_dma source(%dma_start3A_1533 : memref<1000000x32xf32, #tpu.memory_space<hbm>>) target(%dma_start3A_1527 : memref<50x32xf32, #tpu.memory_space<vmem>>) offsets(%dma_start3A_1530 : memref<50xi32, #tpu.memory_space<vmem>>) semaphore(%arg13 : memref<!tpu.dma_semaphore, #tpu.memory_space<semaphore_mem>>)
    %dma_start3A_1534 = arith.constant 502 : i32
    %dma_start3A_1535 = arith.constant 6 : i32
    %dma_start3A_1536 = arith.constant 0 : i32
    %dma_start3A_1537 = arith.constant 0 : i32
    %dma_start3A_1538 = tpu.memref_slice %arg9[%dma_start3A_1535, %dma_start3A_1536, %dma_start3A_1537] : memref<16x50x32xf32, #tpu.memory_space<vmem>> -> memref<1x50x32xf32, #tpu.memory_space<vmem>>
    %dma_start3A_1539 = tpu.memref_squeeze %dma_start3A_1538 : memref<1x50x32xf32, #tpu.memory_space<vmem>> -> memref<50x32xf32, #tpu.memory_space<vmem>>
    %dma_start3A_1540 = arith.constant 0 : i32
    %dma_start3A_1541 = tpu.memref_slice %arg5[%dma_start3A_1534, %dma_start3A_1540] : memref<512x50xi32, #tpu.memory_space<vmem>> -> memref<1x50xi32, #tpu.memory_space<vmem>>
    %dma_start3A_1542 = tpu.memref_squeeze %dma_start3A_1541 : memref<1x50xi32, #tpu.memory_space<vmem>> -> memref<50xi32, #tpu.memory_space<vmem>>
    %dma_start3A_1543 = arith.constant 0 : i32
    %dma_start3A_1544 = arith.constant 0 : i32
    %dma_start3A_1545 = tpu.memref_slice %arg2[%dma_start3A_1543, %dma_start3A_1544] : memref<1000000x32xf32, #tpu.memory_space<hbm>> -> memref<1000000x32xf32, #tpu.memory_space<hbm>>
    tpu.enqueue_indirect_dma source(%dma_start3A_1545 : memref<1000000x32xf32, #tpu.memory_space<hbm>>) target(%dma_start3A_1539 : memref<50x32xf32, #tpu.memory_space<vmem>>) offsets(%dma_start3A_1542 : memref<50xi32, #tpu.memory_space<vmem>>) semaphore(%arg13 : memref<!tpu.dma_semaphore, #tpu.memory_space<semaphore_mem>>)
    %dma_start3A_1546 = arith.constant 503 : i32
    %dma_start3A_1547 = arith.constant 7 : i32
    %dma_start3A_1548 = arith.constant 0 : i32
    %dma_start3A_1549 = arith.constant 0 : i32
    %dma_start3A_1550 = tpu.memref_slice %arg9[%dma_start3A_1547, %dma_start3A_1548, %dma_start3A_1549] : memref<16x50x32xf32, #tpu.memory_space<vmem>> -> memref<1x50x32xf32, #tpu.memory_space<vmem>>
    %dma_start3A_1551 = tpu.memref_squeeze %dma_start3A_1550 : memref<1x50x32xf32, #tpu.memory_space<vmem>> -> memref<50x32xf32, #tpu.memory_space<vmem>>
    %dma_start3A_1552 = arith.constant 0 : i32
    %dma_start3A_1553 = tpu.memref_slice %arg5[%dma_start3A_1546, %dma_start3A_1552] : memref<512x50xi32, #tpu.memory_space<vmem>> -> memref<1x50xi32, #tpu.memory_space<vmem>>
    %dma_start3A_1554 = tpu.memref_squeeze %dma_start3A_1553 : memref<1x50xi32, #tpu.memory_space<vmem>> -> memref<50xi32, #tpu.memory_space<vmem>>
    %dma_start3A_1555 = arith.constant 0 : i32
    %dma_start3A_1556 = arith.constant 0 : i32
    %dma_start3A_1557 = tpu.memref_slice %arg2[%dma_start3A_1555, %dma_start3A_1556] : memref<1000000x32xf32, #tpu.memory_space<hbm>> -> memref<1000000x32xf32, #tpu.memory_space<hbm>>
    tpu.enqueue_indirect_dma source(%dma_start3A_1557 : memref<1000000x32xf32, #tpu.memory_space<hbm>>) target(%dma_start3A_1551 : memref<50x32xf32, #tpu.memory_space<vmem>>) offsets(%dma_start3A_1554 : memref<50xi32, #tpu.memory_space<vmem>>) semaphore(%arg13 : memref<!tpu.dma_semaphore, #tpu.memory_space<semaphore_mem>>)
    %dma_start3A_1558 = arith.constant 504 : i32
    %dma_start3A_1559 = arith.constant 8 : i32
    %dma_start3A_1560 = arith.constant 0 : i32
    %dma_start3A_1561 = arith.constant 0 : i32
    %dma_start3A_1562 = tpu.memref_slice %arg9[%dma_start3A_1559, %dma_start3A_1560, %dma_start3A_1561] : memref<16x50x32xf32, #tpu.memory_space<vmem>> -> memref<1x50x32xf32, #tpu.memory_space<vmem>>
    %dma_start3A_1563 = tpu.memref_squeeze %dma_start3A_1562 : memref<1x50x32xf32, #tpu.memory_space<vmem>> -> memref<50x32xf32, #tpu.memory_space<vmem>>
    %dma_start3A_1564 = arith.constant 0 : i32
    %dma_start3A_1565 = tpu.memref_slice %arg5[%dma_start3A_1558, %dma_start3A_1564] : memref<512x50xi32, #tpu.memory_space<vmem>> -> memref<1x50xi32, #tpu.memory_space<vmem>>
    %dma_start3A_1566 = tpu.memref_squeeze %dma_start3A_1565 : memref<1x50xi32, #tpu.memory_space<vmem>> -> memref<50xi32, #tpu.memory_space<vmem>>
    %dma_start3A_1567 = arith.constant 0 : i32
    %dma_start3A_1568 = arith.constant 0 : i32
    %dma_start3A_1569 = tpu.memref_slice %arg2[%dma_start3A_1567, %dma_start3A_1568] : memref<1000000x32xf32, #tpu.memory_space<hbm>> -> memref<1000000x32xf32, #tpu.memory_space<hbm>>
    tpu.enqueue_indirect_dma source(%dma_start3A_1569 : memref<1000000x32xf32, #tpu.memory_space<hbm>>) target(%dma_start3A_1563 : memref<50x32xf32, #tpu.memory_space<vmem>>) offsets(%dma_start3A_1566 : memref<50xi32, #tpu.memory_space<vmem>>) semaphore(%arg13 : memref<!tpu.dma_semaphore, #tpu.memory_space<semaphore_mem>>)
    %dma_start3A_1570 = arith.constant 505 : i32
    %dma_start3A_1571 = arith.constant 9 : i32
    %dma_start3A_1572 = arith.constant 0 : i32
    %dma_start3A_1573 = arith.constant 0 : i32
    %dma_start3A_1574 = tpu.memref_slice %arg9[%dma_start3A_1571, %dma_start3A_1572, %dma_start3A_1573] : memref<16x50x32xf32, #tpu.memory_space<vmem>> -> memref<1x50x32xf32, #tpu.memory_space<vmem>>
    %dma_start3A_1575 = tpu.memref_squeeze %dma_start3A_1574 : memref<1x50x32xf32, #tpu.memory_space<vmem>> -> memref<50x32xf32, #tpu.memory_space<vmem>>
    %dma_start3A_1576 = arith.constant 0 : i32
    %dma_start3A_1577 = tpu.memref_slice %arg5[%dma_start3A_1570, %dma_start3A_1576] : memref<512x50xi32, #tpu.memory_space<vmem>> -> memref<1x50xi32, #tpu.memory_space<vmem>>
    %dma_start3A_1578 = tpu.memref_squeeze %dma_start3A_1577 : memref<1x50xi32, #tpu.memory_space<vmem>> -> memref<50xi32, #tpu.memory_space<vmem>>
    %dma_start3A_1579 = arith.constant 0 : i32
    %dma_start3A_1580 = arith.constant 0 : i32
    %dma_start3A_1581 = tpu.memref_slice %arg2[%dma_start3A_1579, %dma_start3A_1580] : memref<1000000x32xf32, #tpu.memory_space<hbm>> -> memref<1000000x32xf32, #tpu.memory_space<hbm>>
    tpu.enqueue_indirect_dma source(%dma_start3A_1581 : memref<1000000x32xf32, #tpu.memory_space<hbm>>) target(%dma_start3A_1575 : memref<50x32xf32, #tpu.memory_space<vmem>>) offsets(%dma_start3A_1578 : memref<50xi32, #tpu.memory_space<vmem>>) semaphore(%arg13 : memref<!tpu.dma_semaphore, #tpu.memory_space<semaphore_mem>>)
    %dma_start3A_1582 = arith.constant 506 : i32
    %dma_start3A_1583 = arith.constant 10 : i32
    %dma_start3A_1584 = arith.constant 0 : i32
    %dma_start3A_1585 = arith.constant 0 : i32
    %dma_start3A_1586 = tpu.memref_slice %arg9[%dma_start3A_1583, %dma_start3A_1584, %dma_start3A_1585] : memref<16x50x32xf32, #tpu.memory_space<vmem>> -> memref<1x50x32xf32, #tpu.memory_space<vmem>>
    %dma_start3A_1587 = tpu.memref_squeeze %dma_start3A_1586 : memref<1x50x32xf32, #tpu.memory_space<vmem>> -> memref<50x32xf32, #tpu.memory_space<vmem>>
    %dma_start3A_1588 = arith.constant 0 : i32
    %dma_start3A_1589 = tpu.memref_slice %arg5[%dma_start3A_1582, %dma_start3A_1588] : memref<512x50xi32, #tpu.memory_space<vmem>> -> memref<1x50xi32, #tpu.memory_space<vmem>>
    %dma_start3A_1590 = tpu.memref_squeeze %dma_start3A_1589 : memref<1x50xi32, #tpu.memory_space<vmem>> -> memref<50xi32, #tpu.memory_space<vmem>>
    %dma_start3A_1591 = arith.constant 0 : i32
    %dma_start3A_1592 = arith.constant 0 : i32
    %dma_start3A_1593 = tpu.memref_slice %arg2[%dma_start3A_1591, %dma_start3A_1592] : memref<1000000x32xf32, #tpu.memory_space<hbm>> -> memref<1000000x32xf32, #tpu.memory_space<hbm>>
    tpu.enqueue_indirect_dma source(%dma_start3A_1593 : memref<1000000x32xf32, #tpu.memory_space<hbm>>) target(%dma_start3A_1587 : memref<50x32xf32, #tpu.memory_space<vmem>>) offsets(%dma_start3A_1590 : memref<50xi32, #tpu.memory_space<vmem>>) semaphore(%arg13 : memref<!tpu.dma_semaphore, #tpu.memory_space<semaphore_mem>>)
    %dma_start3A_1594 = arith.constant 507 : i32
    %dma_start3A_1595 = arith.constant 11 : i32
    %dma_start3A_1596 = arith.constant 0 : i32
    %dma_start3A_1597 = arith.constant 0 : i32
    %dma_start3A_1598 = tpu.memref_slice %arg9[%dma_start3A_1595, %dma_start3A_1596, %dma_start3A_1597] : memref<16x50x32xf32, #tpu.memory_space<vmem>> -> memref<1x50x32xf32, #tpu.memory_space<vmem>>
    %dma_start3A_1599 = tpu.memref_squeeze %dma_start3A_1598 : memref<1x50x32xf32, #tpu.memory_space<vmem>> -> memref<50x32xf32, #tpu.memory_space<vmem>>
    %dma_start3A_1600 = arith.constant 0 : i32
    %dma_start3A_1601 = tpu.memref_slice %arg5[%dma_start3A_1594, %dma_start3A_1600] : memref<512x50xi32, #tpu.memory_space<vmem>> -> memref<1x50xi32, #tpu.memory_space<vmem>>
    %dma_start3A_1602 = tpu.memref_squeeze %dma_start3A_1601 : memref<1x50xi32, #tpu.memory_space<vmem>> -> memref<50xi32, #tpu.memory_space<vmem>>
    %dma_start3A_1603 = arith.constant 0 : i32
    %dma_start3A_1604 = arith.constant 0 : i32
    %dma_start3A_1605 = tpu.memref_slice %arg2[%dma_start3A_1603, %dma_start3A_1604] : memref<1000000x32xf32, #tpu.memory_space<hbm>> -> memref<1000000x32xf32, #tpu.memory_space<hbm>>
    tpu.enqueue_indirect_dma source(%dma_start3A_1605 : memref<1000000x32xf32, #tpu.memory_space<hbm>>) target(%dma_start3A_1599 : memref<50x32xf32, #tpu.memory_space<vmem>>) offsets(%dma_start3A_1602 : memref<50xi32, #tpu.memory_space<vmem>>) semaphore(%arg13 : memref<!tpu.dma_semaphore, #tpu.memory_space<semaphore_mem>>)
    %dma_start3A_1606 = arith.constant 508 : i32
    %dma_start3A_1607 = arith.constant 12 : i32
    %dma_start3A_1608 = arith.constant 0 : i32
    %dma_start3A_1609 = arith.constant 0 : i32
    %dma_start3A_1610 = tpu.memref_slice %arg9[%dma_start3A_1607, %dma_start3A_1608, %dma_start3A_1609] : memref<16x50x32xf32, #tpu.memory_space<vmem>> -> memref<1x50x32xf32, #tpu.memory_space<vmem>>
    %dma_start3A_1611 = tpu.memref_squeeze %dma_start3A_1610 : memref<1x50x32xf32, #tpu.memory_space<vmem>> -> memref<50x32xf32, #tpu.memory_space<vmem>>
    %dma_start3A_1612 = arith.constant 0 : i32
    %dma_start3A_1613 = tpu.memref_slice %arg5[%dma_start3A_1606, %dma_start3A_1612] : memref<512x50xi32, #tpu.memory_space<vmem>> -> memref<1x50xi32, #tpu.memory_space<vmem>>
    %dma_start3A_1614 = tpu.memref_squeeze %dma_start3A_1613 : memref<1x50xi32, #tpu.memory_space<vmem>> -> memref<50xi32, #tpu.memory_space<vmem>>
    %dma_start3A_1615 = arith.constant 0 : i32
    %dma_start3A_1616 = arith.constant 0 : i32
    %dma_start3A_1617 = tpu.memref_slice %arg2[%dma_start3A_1615, %dma_start3A_1616] : memref<1000000x32xf32, #tpu.memory_space<hbm>> -> memref<1000000x32xf32, #tpu.memory_space<hbm>>
    tpu.enqueue_indirect_dma source(%dma_start3A_1617 : memref<1000000x32xf32, #tpu.memory_space<hbm>>) target(%dma_start3A_1611 : memref<50x32xf32, #tpu.memory_space<vmem>>) offsets(%dma_start3A_1614 : memref<50xi32, #tpu.memory_space<vmem>>) semaphore(%arg13 : memref<!tpu.dma_semaphore, #tpu.memory_space<semaphore_mem>>)
    %dma_start3A_1618 = arith.constant 509 : i32
    %dma_start3A_1619 = arith.constant 13 : i32
    %dma_start3A_1620 = arith.constant 0 : i32
    %dma_start3A_1621 = arith.constant 0 : i32
    %dma_start3A_1622 = tpu.memref_slice %arg9[%dma_start3A_1619, %dma_start3A_1620, %dma_start3A_1621] : memref<16x50x32xf32, #tpu.memory_space<vmem>> -> memref<1x50x32xf32, #tpu.memory_space<vmem>>
    %dma_start3A_1623 = tpu.memref_squeeze %dma_start3A_1622 : memref<1x50x32xf32, #tpu.memory_space<vmem>> -> memref<50x32xf32, #tpu.memory_space<vmem>>
    %dma_start3A_1624 = arith.constant 0 : i32
    %dma_start3A_1625 = tpu.memref_slice %arg5[%dma_start3A_1618, %dma_start3A_1624] : memref<512x50xi32, #tpu.memory_space<vmem>> -> memref<1x50xi32, #tpu.memory_space<vmem>>
    %dma_start3A_1626 = tpu.memref_squeeze %dma_start3A_1625 : memref<1x50xi32, #tpu.memory_space<vmem>> -> memref<50xi32, #tpu.memory_space<vmem>>
    %dma_start3A_1627 = arith.constant 0 : i32
    %dma_start3A_1628 = arith.constant 0 : i32
    %dma_start3A_1629 = tpu.memref_slice %arg2[%dma_start3A_1627, %dma_start3A_1628] : memref<1000000x32xf32, #tpu.memory_space<hbm>> -> memref<1000000x32xf32, #tpu.memory_space<hbm>>
    tpu.enqueue_indirect_dma source(%dma_start3A_1629 : memref<1000000x32xf32, #tpu.memory_space<hbm>>) target(%dma_start3A_1623 : memref<50x32xf32, #tpu.memory_space<vmem>>) offsets(%dma_start3A_1626 : memref<50xi32, #tpu.memory_space<vmem>>) semaphore(%arg13 : memref<!tpu.dma_semaphore, #tpu.memory_space<semaphore_mem>>)
    %dma_start3A_1630 = arith.constant 510 : i32
    %dma_start3A_1631 = arith.constant 14 : i32
    %dma_start3A_1632 = arith.constant 0 : i32
    %dma_start3A_1633 = arith.constant 0 : i32
    %dma_start3A_1634 = tpu.memref_slice %arg9[%dma_start3A_1631, %dma_start3A_1632, %dma_start3A_1633] : memref<16x50x32xf32, #tpu.memory_space<vmem>> -> memref<1x50x32xf32, #tpu.memory_space<vmem>>
    %dma_start3A_1635 = tpu.memref_squeeze %dma_start3A_1634 : memref<1x50x32xf32, #tpu.memory_space<vmem>> -> memref<50x32xf32, #tpu.memory_space<vmem>>
    %dma_start3A_1636 = arith.constant 0 : i32
    %dma_start3A_1637 = tpu.memref_slice %arg5[%dma_start3A_1630, %dma_start3A_1636] : memref<512x50xi32, #tpu.memory_space<vmem>> -> memref<1x50xi32, #tpu.memory_space<vmem>>
    %dma_start3A_1638 = tpu.memref_squeeze %dma_start3A_1637 : memref<1x50xi32, #tpu.memory_space<vmem>> -> memref<50xi32, #tpu.memory_space<vmem>>
    %dma_start3A_1639 = arith.constant 0 : i32
    %dma_start3A_1640 = arith.constant 0 : i32
    %dma_start3A_1641 = tpu.memref_slice %arg2[%dma_start3A_1639, %dma_start3A_1640] : memref<1000000x32xf32, #tpu.memory_space<hbm>> -> memref<1000000x32xf32, #tpu.memory_space<hbm>>
    tpu.enqueue_indirect_dma source(%dma_start3A_1641 : memref<1000000x32xf32, #tpu.memory_space<hbm>>) target(%dma_start3A_1635 : memref<50x32xf32, #tpu.memory_space<vmem>>) offsets(%dma_start3A_1638 : memref<50xi32, #tpu.memory_space<vmem>>) semaphore(%arg13 : memref<!tpu.dma_semaphore, #tpu.memory_space<semaphore_mem>>)
    %dma_start3A_1642 = arith.constant 511 : i32
    %dma_start3A_1643 = arith.constant 15 : i32
    %dma_start3A_1644 = arith.constant 0 : i32
    %dma_start3A_1645 = arith.constant 0 : i32
    %dma_start3A_1646 = tpu.memref_slice %arg9[%dma_start3A_1643, %dma_start3A_1644, %dma_start3A_1645] : memref<16x50x32xf32, #tpu.memory_space<vmem>> -> memref<1x50x32xf32, #tpu.memory_space<vmem>>
    %dma_start3A_1647 = tpu.memref_squeeze %dma_start3A_1646 : memref<1x50x32xf32, #tpu.memory_space<vmem>> -> memref<50x32xf32, #tpu.memory_space<vmem>>
    %dma_start3A_1648 = arith.constant 0 : i32
    %dma_start3A_1649 = tpu.memref_slice %arg5[%dma_start3A_1642, %dma_start3A_1648] : memref<512x50xi32, #tpu.memory_space<vmem>> -> memref<1x50xi32, #tpu.memory_space<vmem>>
    %dma_start3A_1650 = tpu.memref_squeeze %dma_start3A_1649 : memref<1x50xi32, #tpu.memory_space<vmem>> -> memref<50xi32, #tpu.memory_space<vmem>>
    %dma_start3A_1651 = arith.constant 0 : i32
    %dma_start3A_1652 = arith.constant 0 : i32
    %dma_start3A_1653 = tpu.memref_slice %arg2[%dma_start3A_1651, %dma_start3A_1652] : memref<1000000x32xf32, #tpu.memory_space<hbm>> -> memref<1000000x32xf32, #tpu.memory_space<hbm>>
    tpu.enqueue_indirect_dma source(%dma_start3A_1653 : memref<1000000x32xf32, #tpu.memory_space<hbm>>) target(%dma_start3A_1647 : memref<50x32xf32, #tpu.memory_space<vmem>>) offsets(%dma_start3A_1650 : memref<50xi32, #tpu.memory_space<vmem>>) semaphore(%arg13 : memref<!tpu.dma_semaphore, #tpu.memory_space<semaphore_mem>>)
    %dma_wait3A_1654 = arith.constant 0 : i32
    %dma_wait3A_1655 = arith.constant 0 : i32
    %dma_wait3A_1656 = arith.constant 0 : i32
    %dma_wait3A_1657 = tpu.memref_slice %arg4[%dma_wait3A_1654, %dma_wait3A_1655, %dma_wait3A_1656] : memref<16384x56x128xf32, #tpu.memory_space<hbm>> -> memref<16x50x32xf32, #tpu.memory_space<hbm>>
    %dma_wait3A_1658 = arith.constant 0 : i32
    %dma_wait3A_1659 = arith.constant 0 : i32
    %dma_wait3A_1660 = arith.constant 0 : i32
    %dma_wait3A_1661 = tpu.memref_slice %arg4[%dma_wait3A_1658, %dma_wait3A_1659, %dma_wait3A_1660] : memref<16384x56x128xf32, #tpu.memory_space<hbm>> -> memref<16x50x32xf32, #tpu.memory_space<hbm>>
    tpu.wait_dma2 semaphore(%arg11 : memref<!tpu.dma_semaphore, #tpu.memory_space<semaphore_mem>>) src(%dma_wait3A_1661 : memref<16x50x32xf32, #tpu.memory_space<hbm>>) dst(%arg7 : memref<16x50x32xf32, #tpu.memory_space<vmem>>)
    %add3A_1662 = arith.constant 464 : i32
    %add3A_1663 = arith.addi %mul3A_2, %add3A_1662 : i32
    %dma_start3A_1664 = arith.constant 0 : i32
    %dma_start3A_1665 = arith.constant 0 : i32
    %dma_start3A_1666 = tpu.memref_slice %arg4[%add3A_1663, %dma_start3A_1664, %dma_start3A_1665] : memref<16384x56x128xf32, #tpu.memory_space<hbm>> -> memref<16x50x32xf32, #tpu.memory_space<hbm>>
    %dma_start3A_1667 = arith.constant 0 : i32
    %dma_start3A_1668 = arith.constant 0 : i32
    %dma_start3A_1669 = tpu.memref_slice %arg4[%add3A_1663, %dma_start3A_1667, %dma_start3A_1668] : memref<16384x56x128xf32, #tpu.memory_space<hbm>> -> memref<16x50x32xf32, #tpu.memory_space<hbm>>
    tpu.enqueue_dma source(%arg7 : memref<16x50x32xf32, #tpu.memory_space<vmem>>) target(%dma_start3A_1669 : memref<16x50x32xf32, #tpu.memory_space<hbm>>) target_semaphore(%arg15 : memref<!tpu.dma_semaphore, #tpu.memory_space<semaphore_mem>>)
    %dma_wait3A_1670 = arith.constant 0 : i32
    %dma_wait3A_1671 = arith.constant 0 : i32
    %dma_wait3A_1672 = arith.constant 0 : i32
    %dma_wait3A_1673 = tpu.memref_slice %arg4[%dma_wait3A_1670, %dma_wait3A_1671, %dma_wait3A_1672] : memref<16384x56x128xf32, #tpu.memory_space<hbm>> -> memref<16x50x32xf32, #tpu.memory_space<hbm>>
    %dma_wait3A_1674 = arith.constant 0 : i32
    %dma_wait3A_1675 = arith.constant 0 : i32
    %dma_wait3A_1676 = arith.constant 0 : i32
    %dma_wait3A_1677 = tpu.memref_slice %arg4[%dma_wait3A_1674, %dma_wait3A_1675, %dma_wait3A_1676] : memref<16384x56x128xf32, #tpu.memory_space<hbm>> -> memref<16x50x32xf32, #tpu.memory_space<hbm>>
    tpu.wait_dma2 semaphore(%arg12 : memref<!tpu.dma_semaphore, #tpu.memory_space<semaphore_mem>>) src(%dma_wait3A_1677 : memref<16x50x32xf32, #tpu.memory_space<hbm>>) dst(%arg8 : memref<16x50x32xf32, #tpu.memory_space<vmem>>)
    %add3A_1678 = arith.constant 480 : i32
    %add3A_1679 = arith.addi %mul3A_2, %add3A_1678 : i32
    %dma_start3A_1680 = arith.constant 0 : i32
    %dma_start3A_1681 = arith.constant 0 : i32
    %dma_start3A_1682 = tpu.memref_slice %arg4[%add3A_1679, %dma_start3A_1680, %dma_start3A_1681] : memref<16384x56x128xf32, #tpu.memory_space<hbm>> -> memref<16x50x32xf32, #tpu.memory_space<hbm>>
    %dma_start3A_1683 = arith.constant 0 : i32
    %dma_start3A_1684 = arith.constant 0 : i32
    %dma_start3A_1685 = tpu.memref_slice %arg4[%add3A_1679, %dma_start3A_1683, %dma_start3A_1684] : memref<16384x56x128xf32, #tpu.memory_space<hbm>> -> memref<16x50x32xf32, #tpu.memory_space<hbm>>
    tpu.enqueue_dma source(%arg8 : memref<16x50x32xf32, #tpu.memory_space<vmem>>) target(%dma_start3A_1685 : memref<16x50x32xf32, #tpu.memory_space<hbm>>) target_semaphore(%arg16 : memref<!tpu.dma_semaphore, #tpu.memory_space<semaphore_mem>>)
    %dma_wait3A_1686 = arith.constant 0 : i32
    %dma_wait3A_1687 = arith.constant 0 : i32
    %dma_wait3A_1688 = arith.constant 0 : i32
    %dma_wait3A_1689 = tpu.memref_slice %arg4[%dma_wait3A_1686, %dma_wait3A_1687, %dma_wait3A_1688] : memref<16384x56x128xf32, #tpu.memory_space<hbm>> -> memref<16x50x32xf32, #tpu.memory_space<hbm>>
    %dma_wait3A_1690 = arith.constant 0 : i32
    %dma_wait3A_1691 = arith.constant 0 : i32
    %dma_wait3A_1692 = arith.constant 0 : i32
    %dma_wait3A_1693 = tpu.memref_slice %arg4[%dma_wait3A_1690, %dma_wait3A_1691, %dma_wait3A_1692] : memref<16384x56x128xf32, #tpu.memory_space<hbm>> -> memref<16x50x32xf32, #tpu.memory_space<hbm>>
    tpu.wait_dma2 semaphore(%arg13 : memref<!tpu.dma_semaphore, #tpu.memory_space<semaphore_mem>>) src(%dma_wait3A_1693 : memref<16x50x32xf32, #tpu.memory_space<hbm>>) dst(%arg9 : memref<16x50x32xf32, #tpu.memory_space<vmem>>)
    %add3A_1694 = arith.constant 496 : i32
    %add3A_1695 = arith.addi %mul3A_2, %add3A_1694 : i32
    %dma_start3A_1696 = arith.constant 0 : i32
    %dma_start3A_1697 = arith.constant 0 : i32
    %dma_start3A_1698 = tpu.memref_slice %arg4[%add3A_1695, %dma_start3A_1696, %dma_start3A_1697] : memref<16384x56x128xf32, #tpu.memory_space<hbm>> -> memref<16x50x32xf32, #tpu.memory_space<hbm>>
    %dma_start3A_1699 = arith.constant 0 : i32
    %dma_start3A_1700 = arith.constant 0 : i32
    %dma_start3A_1701 = tpu.memref_slice %arg4[%add3A_1695, %dma_start3A_1699, %dma_start3A_1700] : memref<16384x56x128xf32, #tpu.memory_space<hbm>> -> memref<16x50x32xf32, #tpu.memory_space<hbm>>
    tpu.enqueue_dma source(%arg9 : memref<16x50x32xf32, #tpu.memory_space<vmem>>) target(%dma_start3A_1701 : memref<16x50x32xf32, #tpu.memory_space<hbm>>) target_semaphore(%arg17 : memref<!tpu.dma_semaphore, #tpu.memory_space<semaphore_mem>>)
    %dma_wait3A_1702 = arith.constant 0 : i32
    %dma_wait3A_1703 = arith.constant 0 : i32
    %dma_wait3A_1704 = arith.constant 0 : i32
    %dma_wait3A_1705 = tpu.memref_slice %arg4[%dma_wait3A_1702, %dma_wait3A_1703, %dma_wait3A_1704] : memref<16384x56x128xf32, #tpu.memory_space<hbm>> -> memref<16x50x32xf32, #tpu.memory_space<hbm>>
    %dma_wait3A_1706 = arith.constant 0 : i32
    %dma_wait3A_1707 = arith.constant 0 : i32
    %dma_wait3A_1708 = arith.constant 0 : i32
    %dma_wait3A_1709 = tpu.memref_slice %arg4[%dma_wait3A_1706, %dma_wait3A_1707, %dma_wait3A_1708] : memref<16384x56x128xf32, #tpu.memory_space<hbm>> -> memref<16x50x32xf32, #tpu.memory_space<hbm>>
    tpu.wait_dma2 semaphore(%arg14 : memref<!tpu.dma_semaphore, #tpu.memory_space<semaphore_mem>>) src(%arg6 : memref<16x50x32xf32, #tpu.memory_space<vmem>>) dst(%dma_wait3A_1709 : memref<16x50x32xf32, #tpu.memory_space<hbm>>)
    %dma_wait3A_1710 = arith.constant 0 : i32
    %dma_wait3A_1711 = arith.constant 0 : i32
    %dma_wait3A_1712 = arith.constant 0 : i32
    %dma_wait3A_1713 = tpu.memref_slice %arg4[%dma_wait3A_1710, %dma_wait3A_1711, %dma_wait3A_1712] : memref<16384x56x128xf32, #tpu.memory_space<hbm>> -> memref<16x50x32xf32, #tpu.memory_space<hbm>>
    %dma_wait3A_1714 = arith.constant 0 : i32
    %dma_wait3A_1715 = arith.constant 0 : i32
    %dma_wait3A_1716 = arith.constant 0 : i32
    %dma_wait3A_1717 = tpu.memref_slice %arg4[%dma_wait3A_1714, %dma_wait3A_1715, %dma_wait3A_1716] : memref<16384x56x128xf32, #tpu.memory_space<hbm>> -> memref<16x50x32xf32, #tpu.memory_space<hbm>>
    tpu.wait_dma2 semaphore(%arg15 : memref<!tpu.dma_semaphore, #tpu.memory_space<semaphore_mem>>) src(%arg7 : memref<16x50x32xf32, #tpu.memory_space<vmem>>) dst(%dma_wait3A_1717 : memref<16x50x32xf32, #tpu.memory_space<hbm>>)
    %dma_wait3A_1718 = arith.constant 0 : i32
    %dma_wait3A_1719 = arith.constant 0 : i32
    %dma_wait3A_1720 = arith.constant 0 : i32
    %dma_wait3A_1721 = tpu.memref_slice %arg4[%dma_wait3A_1718, %dma_wait3A_1719, %dma_wait3A_1720] : memref<16384x56x128xf32, #tpu.memory_space<hbm>> -> memref<16x50x32xf32, #tpu.memory_space<hbm>>
    %dma_wait3A_1722 = arith.constant 0 : i32
    %dma_wait3A_1723 = arith.constant 0 : i32
    %dma_wait3A_1724 = arith.constant 0 : i32
    %dma_wait3A_1725 = tpu.memref_slice %arg4[%dma_wait3A_1722, %dma_wait3A_1723, %dma_wait3A_1724] : memref<16384x56x128xf32, #tpu.memory_space<hbm>> -> memref<16x50x32xf32, #tpu.memory_space<hbm>>
    tpu.wait_dma2 semaphore(%arg16 : memref<!tpu.dma_semaphore, #tpu.memory_space<semaphore_mem>>) src(%arg8 : memref<16x50x32xf32, #tpu.memory_space<vmem>>) dst(%dma_wait3A_1725 : memref<16x50x32xf32, #tpu.memory_space<hbm>>)
    %dma_wait3A_1726 = arith.constant 0 : i32
    %dma_wait3A_1727 = arith.constant 0 : i32
    %dma_wait3A_1728 = arith.constant 0 : i32
    %dma_wait3A_1729 = tpu.memref_slice %arg4[%dma_wait3A_1726, %dma_wait3A_1727, %dma_wait3A_1728] : memref<16384x56x128xf32, #tpu.memory_space<hbm>> -> memref<16x50x32xf32, #tpu.memory_space<hbm>>
    %dma_wait3A_1730 = arith.constant 0 : i32
    %dma_wait3A_1731 = arith.constant 0 : i32
    %dma_wait3A_1732 = arith.constant 0 : i32
    %dma_wait3A_1733 = tpu.memref_slice %arg4[%dma_wait3A_1730, %dma_wait3A_1731, %dma_wait3A_1732] : memref<16384x56x128xf32, #tpu.memory_space<hbm>> -> memref<16x50x32xf32, #tpu.memory_space<hbm>>
    tpu.wait_dma2 semaphore(%arg17 : memref<!tpu.dma_semaphore, #tpu.memory_space<semaphore_mem>>) src(%arg9 : memref<16x50x32xf32, #tpu.memory_space<vmem>>) dst(%dma_wait3A_1733 : memref<16x50x32xf32, #tpu.memory_space<hbm>>)
    return
  }
}

</mosaic_0001>

<sc_bundles>
// kernel: kernel.3.cloned.1.call-start
scs
__scs_entry_jumppad:
0x0: {  	(pc) =	sbr.rel $0x88, $3  }
0x1: {  	(tag) =	ssettag $0x0;
	lr =	simm.s32 $0x1  }
0x2: {  	[smem:$0x3F9F] =	sst lr;
	_ =	strace $0xD0000000  }
0x3: {  	_ = 	snop  }
0x4: {  	_ = 	snop  }
0x5: {  	_ = 	snop  }
0x6: {  	_ = 	snop  }
0x7: {  	_ = 	snop  }
__scs_overlays_trampoline_lowered:
0x8: {  	[smem:$0x3FAE] =	sst s0  }
0x9: {  	[smem:$0x3FAF] =	sst s1  }
0xa: {  	[smem:$0x3FB0] =	sst s2  }
0xb: {  	[smem:$0x3FB1] =	sst s3  }
0xc: {  	[smem:$0x3FB2] =	sst s4  }
0xd: {  	[smem:$0x3FB3] =	sst s5  }
0xe: {  	[smem:$0x3FB4] =	sst s6  }
0xf: {  	[smem:$0x3FB5] =	sst s7  }
0x10: {  	[smem:$0x3FB6] =	sst s8  }
0x11: {  	[smem:$0x3FB7] =	sst s9;
	s0 =	simm.s32 @!p0 $0x0  }
0x12: {  	s1 =	sld [smem:$0x3F9D];
	s0 =	simm.s32 @p0 $0x1  }
0x13: {  	[smem:$0x3FB8] =	sst s0;
	s0 =	simm.s32 @!p1 $0x0  }
0x14: {  	s2 =	sld [smem:$0x3F9C];
	s0 =	simm.s32 @p1 $0x1  }
0x15: {  	[smem:$0x3FB9] =	sst s0;
	s0 =	simm.s32 @!p2 $0x0  }
0x16: {  	s3 =	sld [smem:$0x3FDB];
	s0 =	simm.s32 @p2 $0x1  }
0x17: {  	s4 =	simm.s32 $0x1BF5;
	[smem:$0x3FBB] =	sst s0  }
0x18: {  	s0 =	sld [smem:$0x3F9E];
	_ =	swait.ge [sflag:s4], $0x0  }
0x19: {  	s7 =	sld [smem:$0x3F9F]  }
0x1a: {  	s8 =	sadd.s32 $0xFFFFE003, lr  }
0x1b: {  	s9 =	sadd.s32 $0xFFFFFEF7, lr;
	s5 =	simm.s32 $0xFFFFFFFF;
	p2 =	slt.u32 s8, $0xFFFFF086  }
0x1c: {  	p1 =	slt.u32 s9, $0xF7A;
	s5 =	simm.s32 @!p2 $0x0  }
0x1d: {  	s5 =	simm.s32 @p1 $0x1;
	p0 =	seq.s32 s7, s2  }
0x1e: {  	s7 =	smul.u32 @!p0 $0xF7A, s2;
	p2 =	seq.s32 @!p0 s5, $0x0  }
0x1f: {  	s9 =	smul.u32 $0xF7A, s1;
	s8 =	simm.s32 @!p0 $0x1BF5;
	p2 =	por !p2, p0  }
0x20: {  	[sflag:s8] =	ssyncset.s32 @!p0 $0xFFFFF086;
	s6 =	sadd.s32 @!p0 s3, s7;
	s7 =	simm.s32 @!p0 $0x108  }
0x21: {  	s3 =	sadd.s32 s3, s9;
	s6 =	sadd.s32 @!p0 $0x88, s6;
	s7 =	simm.s32 @p2 $0x1082  }
0x22: {  	[simem:s7], [sflag:s8] =	dma.local @!p0 [hbm:s6], $0xF7A  }
0x23: {  	s9 =	sor.u32 $0xD0000000, s2;
	s6 =	simm.s32 $0x108;
	_ =	swait.ge @!p0 [sflag:s8], $0x0  }
0x24: {  	s3 =	sadd.s32 $0x88, s3;
	s6 =	simm.s32 @!p1 $0x1082;
	[sflag:s4] =	ssyncset.s32 $0xFFFFF086  }
0x25: {  	[simem:s6], [sflag:s4] =	dma.local [hbm:s3], $0xF7A  }
0x26: {  	[smem:$0x3F9F] =	sst s1;
	(tag) =	ssettag s2;
	_ =	strace s9  }
0x27: {  	s1 =	sld [smem:$0x3FAF]  }
0x28: {  	s2 =	sld [smem:$0x3FB0]  }
0x29: {  	s4 =	sld [smem:$0x3FB2]  }
0x2a: {  	p0 =	seq.s32 s5, $0x0;
	s5 =	sld [smem:$0x3FB3]  }
0x2b: {  	s6 =	sld [smem:$0x3FB4]  }
0x2c: {  	s7 =	sld [smem:$0x3FB5]  }
0x2d: {  	s3 =	simm.s32 $0x108;
	s8 =	sld [smem:$0x3FB6]  }
0x2e: {  	s3 =	simm.s32 @!p0 $0x1082;
	s9 =	sld [smem:$0x3FB7]  }
0x2f: {  	lr =	sadd.s32 s0, s3;
	s0 =	sld [smem:$0x3FAE]  }
0x30: {  	s3 =	sld [smem:$0x3FB1]  }
0x31: {  	[smem:$0x3FBA] =	sst s10  }
0x32: {  	s10 =	sld [smem:$0x3FB8];
	_ =	sdelay $0x3  }
0x33: {  	p0 =	seq.s32 s10, $0x1;
	s10 =	sld [smem:$0x3FBA];
	_ =	sdelay $0x3  }
0x34: {  	[smem:$0x3FBA] =	sst s10  }
0x35: {  	s10 =	sld [smem:$0x3FB9];
	_ =	sdelay $0x3  }
0x36: {  	p1 =	seq.s32 s10, $0x1;
	s10 =	sld [smem:$0x3FBA];
	_ =	sdelay $0x3  }
0x37: {  	[smem:$0x3FBA] =	sst s10  }
0x38: {  	s10 =	sld [smem:$0x3FBB]  }
0x39: {  	_ = 	snop;
	(pc) =	sbr.ind lr, $3  }
0x3a: {  	_ = 	snop  }
0x3b: {  	_ = 	snop  }
0x3c: {  	p2 =	seq.s32 s10, $0x1;
	s10 =	sld [smem:$0x3FBA]  }
0x3d: {  	_ =	shalt  }
0x3e: {  	_ =	shalt  }
0x3f: {  	_ =	shalt  }
0x40: {  	_ =	shalt  }
0x41: {  	_ =	shalt  }
0x42: {  	_ =	shalt  }
0x43: {  	_ =	shalt  }
0x44: {  	_ =	shalt  }
0x45: {  	_ =	shalt  }
0x46: {  	_ =	shalt  }
0x47: {  	_ =	shalt  }
0x48: {  	_ =	shalt  }
0x49: {  	_ =	shalt  }
0x4a: {  	_ =	shalt  }
0x4b: {  	_ =	shalt  }
0x4c: {  	_ =	shalt  }
0x4d: {  	_ =	shalt  }
0x4e: {  	_ =	shalt  }
0x4f: {  	_ =	shalt  }
0x50: {  	_ =	shalt  }
0x51: {  	_ =	shalt  }
0x52: {  	_ =	shalt  }
0x53: {  	_ =	shalt  }
0x54: {  	_ =	shalt  }
0x55: {  	_ =	shalt  }
0x56: {  	_ =	shalt  }
0x57: {  	_ =	shalt  }
0x58: {  	_ =	shalt  }
0x59: {  	_ =	shalt  }
0x5a: {  	_ =	shalt  }
0x5b: {  	_ =	shalt  }
0x5c: {  	_ =	shalt  }
0x5d: {  	_ =	shalt  }
0x5e: {  	_ =	shalt  }
0x5f: {  	_ =	shalt  }
0x60: {  	_ =	shalt  }
0x61: {  	_ =	shalt  }
0x62: {  	_ =	shalt  }
0x63: {  	_ =	shalt  }
0x64: {  	_ =	shalt  }
0x65: {  	_ =	shalt  }
0x66: {  	_ =	shalt  }
0x67: {  	_ =	shalt  }
0x68: {  	_ =	shalt  }
0x69: {  	_ =	shalt  }
0x6a: {  	_ =	shalt  }
0x6b: {  	_ =	shalt  }
0x6c: {  	_ =	shalt  }
0x6d: {  	_ =	shalt  }
0x6e: {  	_ =	shalt  }
0x6f: {  	_ =	shalt  }
0x70: {  	_ =	shalt  }
0x71: {  	_ =	shalt  }
0x72: {  	_ =	shalt  }
0x73: {  	_ =	shalt  }
0x74: {  	_ =	shalt  }
0x75: {  	_ =	shalt  }
0x76: {  	_ =	shalt  }
0x77: {  	_ =	shalt  }
0x78: {  	_ =	shalt  }
0x79: {  	_ =	shalt  }
0x7a: {  	_ =	shalt  }
0x7b: {  	_ =	shalt  }
0x7c: {  	_ =	shalt  }
0x7d: {  	_ =	shalt  }
0x7e: {  	_ =	shalt  }
0x7f: {  	_ =	shalt  }
0x80: {  	_ =	shalt  }
0x81: {  	_ =	shalt  }
0x82: {  	_ =	shalt  }
0x83: {  	_ =	shalt  }
0x84: {  	_ =	shalt  }
0x85: {  	_ =	shalt  }
0x86: {  	_ =	shalt  }
0x87: {  	_ =	shalt  }
.Lfunc_end0:
.L_simem_size_0:
called_computation.1_lowered:
.L_overlay_start_0:
0x88: {  	s2 =	sld [smem:$0x3FD9]  }
0x89: {  	s3 =	sld [smem:$0x3FFE];
	_ =	sdelay $0x1  }
0x8a: {  	s1 =	srdreg.scid  }
0x8b: {  	s0 =	sand.u32 $0x1, s1  }
0x8c: {  	s17 =	sshll.u32 s0, $0xA;
	s2 =	sadd.s32 s3, s2  }
0x8d: {  	s2 =	sadd.s32 s2, s17  }
0x8e: {  	[smem:$0x3FC6] =	sst s2  }
0x8f: {  	_ = 	snop  }
0x90: {  	s2 =	sld [smem:$0x3FD0];
	(tm) =	ssettm $0x1  }
0x91: {  	s18 =	sld [smem:$0x3FFB];
	_ =	sdelay $0x3  }
0x92: {  	_ =	strace s18  }
0x93: {  	s3 =	sld [smem:$0x3FFC];
	_ =	sdelay $0x3  }
0x94: {  	_ =	strace s3  }
0x95: {  	s3 =	sld [smem:$0x3FFD];
	_ =	sdelay $0x3  }
0x96: {  	_ =	strace s3  }
0x97: {  	_ =	strace $0x8FFFFFFF  }
0x98: {  	s19 =	sld [smem:$0x3FDB];
	_ =	sdelay $0x1  }
0x99: {  	s4 =	simm.s32 $_scs_section_size  }
0x9a: {  	s5 =	simm.s32 $_size__tile_overlayer_lowered;
	s6 =	simm.s32 $_tile_overlayer_lowered  }
0x9b: {  	s22 =	simm.s32 $0x1BFF;
	s21 =	sshll.u32 s6, $0x1;
	s3 =	sadd.s32 s4, s19  }
0x9c: {  	s7 =	simm.s32 $0x0;
	s20 =	sshll.u32 s5, $0x1;
	s5 =	sadd.s32 s21, s3  }
0x9d: {  	[timem:s7], [sflag:s22] =	dma.local [hbm:s5], s20  }
0x9e: {  	_ =	swait.ge [sflag:s22], s20  }
0x9f: {  	s4 =	ssub.s32 $0x0, s20;
	[sflag:s22] =	ssyncset.done $0x0  }
0xa0: {  	[sflag:s22] =	ssyncadd.s32 s4;
	_ =	sdelay $0x1  }
0xa1: {  	s23 =	simm.s32 $0x1B8B  }
0xa2: {  	_ =	swait.ge [sflag:s23], $0x1  }
0xa3: {  	[sflag:s23] =	ssyncset.done $0x0  }
0xa4: {  	s25 =	simm.s32 $0x1B8E;
	s24 =	sld [smem:$0x3FFE];
	[sflag:s23] =	ssyncadd.s32 $0xFFFFFFFF  }
0xa5: {  	s26 =	simm.s32 $execute0_lowered;
	[smem:$0x3FD2] =	sst s25  }
0xa6: {  	s5 =	sshll.u32 s26, $0x1;
	_ =	strace $0x80000046;
	[dreg:$0x1] =	wrdreg $0xFFFFFFFF  }
0xa7: {  	s28 =	simm.s32 $_size_execute0_lowered;
	s3 =	sadd.s32 s3, s5;
	[dreg:$0x0] =	wrdreg $0x0  }
0xa8: {  	s5 =	sshll.u32 s28, $0x1;
	[dreg:$0x2] =	wrdreg s3  }
0xa9: {  	[dreg:$0x3] =	wrdreg s5  }
0xaa: {  	[dreg:$0x4] =	wrdreg $0xC0  }
0xab: {  	_ =	task [dreg:s7], $0x5FFFF  }
0xac: {  	[dreg:$0x1] =	wrdreg $0xFFFFFFFF  }
0xad: {  	[dreg:$0x0] =	wrdreg $0x60  }
0xae: {  	[dreg:$0x2] =	wrdreg s24  }
0xaf: {  	[dreg:$0x3] =	wrdreg s2  }
0xb0: {  	[dreg:$0x4] =	wrdreg $0x9  }
0xb1: {  	_ =	task.clear_ibuf [dreg:s7], $0x5FFFF;
	_ =	strace $0x90000046  }
0xb2: {  	s29 =	simm.s32 $0x9;
	_ =	strace $0x80000048  }
0xb3: {  	_ =	swait.ge [sflag:s29], $0x1  }
0xb4: {  	[sflag:s29] =	ssyncadd.s32 $0xFFFFFFFF  }
0xb5: {  	_ =	strace $0x90000048  }
0xb6: {  	_ =	sfence  }
0xb7: {  	s30 =	sld [smem:$0x0];
	_ =	sdelay $0x2  }
0xb8: {  	s31 =	sshll.u32 s1, $0xD;
	s1 =	sshrl.u32 s1, $0x2  }
0xb9: {  	s3 =	sand.u32 $0x4000, s31;
	s1 =	sadd.s32 s1, s30  }
0xba: {  	s0 =	sor.u32 s3, s0;
	s1 =	sshll.u32 s1, $0x11  }
0xbb: {  	s0 =	sor.u32 s1, s0  }
0xbc: {  	s0 =	sadd.s32 $0x8F2B, s0  }
0xbd: {  	[sflag:s0] =	ssyncadd.remote.s32 $0x1  }
0xbe: {  	_ =	sfence.sel $0xFFFF  }
0xbf: {  	[dreg:$0x0] =	wrdreg $0xFFFFFFFF;
	(pc) =	sbr.abs _section_cstart, $3  }
0xc0: {  	[dreg:$0x1] =	wrdreg $0xFFFFFFFF  }
0xc1: {  	_ =	task.clear_ibuf [dreg:s7], $0x2FFFF;
	_ =	strace $0x9FFFFFFF  }
0xc2: {  	(tm) =	ssettm $0x7FFFFFFF  }
0xc3: {  	_ =	shalt  }
tec
execute0_lowered:
.L_overlay_start_1:
0x0: {  	(tag) =	ssettag $0x1  }
0x1: {  	s0 =	rddreg [dreg:$0x0]  }
0x2: {  	s1 =	rddreg [dreg:$0x1];
	s2 =	srdreg.scid  }
0x3: {  	s9 =	stileid.u32;
	s5 =	simm.s32 $0x0;
	s2 =	sand.u32 $0x1, s2  }
0x4: {  	s3 =	sshll.u32 s9, $0xA;
	s4 =	sshll.u32 s2, $0x9;
	s6 =	ssub.s32 $0x2, s2  }
0x5: {  	[smem:$0x7FF] =	sst s5;
	s4 =	sor.u32 s4, s3;
	s8 =	sshrl.u32 s6, $0x1  }
0x6: {  	_ =	strace $0x80000047;
	s22 =	smul.u32 $0x7, s4;
	s6 =	ssub.s32 s6, s8  }
0x7: {  	s3 =	sadd.s32 $0xF42E00, s0;
	s7 =	smul.u32 $0x380, s4;
	s31 =	smax.u32 s6, $0x1  }
0x8: {  	s0 =	sadd.s32 $0xA00, s0;
	s1 =	sadd.s32 s1, s22;
	[dreg:$0xc] =	wrdreg s31  }
0x9: {  	s4 =	smul.u32 $0x1C00, s4;
	s23 =	sadd.s32 s0, s7;
	[dreg:$0x3] =	wrdreg s1  }
0xa: {  	s16 =	simm.s32 $0x32;
	s24 =	sadd.s32 $0x3800, s23;
	[dreg:$0x4] =	wrdreg s23  }
0xb: {  	s25 =	sshrl.u32 s4, $0x3;
	s7 =	sadd.s32 $0x7000, s23;
	[dreg:$0x5] =	wrdreg s24  }
0xc: {  	s1 =	sadd.s32 s0, s25;
	s5 =	sadd.s32 $0xA800, s23;
	[dreg:$0x6] =	wrdreg s7  }
0xd: {  	s26 =	smul.u32 $0xE0000, s9;
	[dreg:$0x7] =	wrdreg s5;
	s28 =	sadd.s32 $0x62000, s1  }
0xe: {  	s2 =	smul.u32 $0x70000, s2;
	s29 =	sadd.s32 $0x65800, s1;
	[dreg:$0x8] =	wrdreg s28  }
0xf: {  	s0 =	sadd.s32 s26, s0;
	s30 =	sadd.s32 $0x69000, s1;
	[dreg:$0x9] =	wrdreg s29  }
0x10: {  	s0 =	sadd.s32 s2, s0;
	s1 =	sadd.s32 $0x6C800, s1;
	[dreg:$0xa] =	wrdreg s30  }
0x11: {  	s6 =	simm.s32 $0x20;
	[dreg:$0xb] =	wrdreg s1;
	s0 =	sadd.s32 $0xE000, s0  }
0x12: {  	s7 =	simm.s32 $0x80;
	[dreg:$0xd] =	wrdreg s0;
	s0 =	simm.s32 $0x0  }
.LBB2_1:
0x13: {  	[dreg:$0xe] =	wrdreg s0  }
0x14: {  	s2 =	simm.s32 $0x0;
	s4 =	rddreg [dreg:$0x3];
	s13 =	simm.s32 $0x9  }
0x15: {  	[tilespmem:s2], [sflag:$0x9] =	stream.linear.gather [hbm4b:s4+s2], $0x7000, $0x38;
	v63 =	vld [tilespmem:$0x0]  }
0x16: {  	_ =	swait.ge [sflag:s13], $0x7000  }
0x17: {  	[sflag:s13] =	ssyncset.done $0x0  }
0x18: {  	s14 =	simm.s32 $0x7000;
	[sflag:s13] =	ssyncadd.s32 $0xFFFF9000  }
0x19: {  	[tilespmem:s14], [sflag:$0x1] =	stream.indirect.gather [hbm4b:s3+s16], $0x20, s2, s16, $0xb8;
	v63 =	vld [tilespmem:$0x0]  }
0x1a: {  	s15 =	simm.s32 $0x38;
	s17 =	simm.s32 $0x7640  }
0x1b: {  	[tilespmem:s17], [sflag:$0x1] =	stream.indirect.gather [hbm4b:s3+s16], $0x20, s15, s16, $0xb8;
	v63 =	vld [tilespmem:$0x0]  }
0x1c: {  	s18 =	simm.s32 $0x70;
	s19 =	simm.s32 $0x7C80  }
0x1d: {  	[tilespmem:s19], [sflag:$0x1] =	stream.indirect.gather [hbm4b:s3+s16], $0x20, s18, s16, $0xb8;
	v63 =	vld [tilespmem:$0x0]  }
0x1e: {  	s20 =	simm.s32 $0xA8;
	s21 =	simm.s32 $0x82C0  }
0x1f: {  	[tilespmem:s21], [sflag:$0x1] =	stream.indirect.gather [hbm4b:s3+s16], $0x20, s20, s16, $0xb8;
	v63 =	vld [tilespmem:$0x0]  }
0x20: {  	s22 =	simm.s32 $0xE0;
	s23 =	simm.s32 $0x8900  }
0x21: {  	[tilespmem:s23], [sflag:$0x1] =	stream.indirect.gather [hbm4b:s3+s16], $0x20, s22, s16, $0xb8;
	v63 =	vld [tilespmem:$0x0]  }
0x22: {  	s24 =	simm.s32 $0x118;
	s25 =	simm.s32 $0x8F40  }
0x23: {  	[tilespmem:s25], [sflag:$0x1] =	stream.indirect.gather [hbm4b:s3+s16], $0x20, s24, s16, $0xb8;
	v63 =	vld [tilespmem:$0x0]  }
0x24: {  	s26 =	simm.s32 $0x150;
	s31 =	simm.s32 $0x9580  }
0x25: {  	[tilespmem:s31], [sflag:$0x1] =	stream.indirect.gather [hbm4b:s3+s16], $0x20, s26, s16, $0xb8;
	v63 =	vld [tilespmem:$0x0]  }
0x26: {  	s1 =	simm.s32 $0x188;
	s4 =	simm.s32 $0x9BC0  }
0x27: {  	[tilespmem:s4], [sflag:$0x1] =	stream.indirect.gather [hbm4b:s3+s16], $0x20, s1, s16, $0xb8;
	v63 =	vld [tilespmem:$0x0]  }
0x28: {  	s5 =	simm.s32 $0x1C0;
	s8 =	simm.s32 $0xA200  }
0x29: {  	[tilespmem:s8], [sflag:$0x1] =	stream.indirect.gather [hbm4b:s3+s16], $0x20, s5, s16, $0xb8;
	v63 =	vld [tilespmem:$0x0]  }
0x2a: {  	s11 =	simm.s32 $0x1F8;
	s12 =	simm.s32 $0xA840  }
0x2b: {  	[tilespmem:s12], [sflag:$0x1] =	stream.indirect.gather [hbm4b:s3+s16], $0x20, s11, s16, $0xb8;
	v63 =	vld [tilespmem:$0x0]  }
0x2c: {  	s13 =	simm.s32 $0x230;
	s14 =	simm.s32 $0xAE80  }
0x2d: {  	[tilespmem:s14], [sflag:$0x1] =	stream.indirect.gather [hbm4b:s3+s16], $0x20, s13, s16, $0xb8;
	v63 =	vld [tilespmem:$0x0]  }
0x2e: {  	s15 =	simm.s32 $0x268;
	s18 =	simm.s32 $0xB4C0  }
0x2f: {  	[tilespmem:s18], [sflag:$0x1] =	stream.indirect.gather [hbm4b:s3+s16], $0x20, s15, s16, $0xb8;
	v63 =	vld [tilespmem:$0x0]  }
0x30: {  	s19 =	simm.s32 $0x2A0;
	s20 =	simm.s32 $0xBB00  }
0x31: {  	[tilespmem:s20], [sflag:$0x1] =	stream.indirect.gather [hbm4b:s3+s16], $0x20, s19, s16, $0xb8;
	v63 =	vld [tilespmem:$0x0]  }
0x32: {  	s21 =	simm.s32 $0x2D8;
	s1 =	simm.s32 $0xC140  }
0x33: {  	[tilespmem:s1], [sflag:$0x1] =	stream.indirect.gather [hbm4b:s3+s16], $0x20, s21, s16, $0xb8;
	v63 =	vld [tilespmem:$0x0]  }
0x34: {  	s22 =	simm.s32 $0x310;
	s23 =	simm.s32 $0xC780  }
0x35: {  	[tilespmem:s23], [sflag:$0x1] =	stream.indirect.gather [hbm4b:s3+s16], $0x20, s22, s16, $0xb8;
	v63 =	vld [tilespmem:$0x0]  }
0x36: {  	s24 =	simm.s32 $0x348;
	s25 =	simm.s32 $0xCDC0  }
0x37: {  	[tilespmem:s25], [sflag:$0x1] =	stream.indirect.gather [hbm4b:s3+s16], $0x20, s24, s16, $0xb8;
	v63 =	vld [tilespmem:$0x0]  }
0x38: {  	s26 =	simm.s32 $0x380;
	s31 =	simm.s32 $0xD400  }
0x39: {  	[tilespmem:s31], [sflag:$0x2] =	stream.indirect.gather [hbm4b:s3+s16], $0x20, s26, s16, $0xb8;
	v63 =	vld [tilespmem:$0x0]  }
0x3a: {  	s2 =	simm.s32 $0xDA40;
	s1 =	simm.s32 $0x3B8  }
0x3b: {  	[tilespmem:s2], [sflag:$0x2] =	stream.indirect.gather [hbm4b:s3+s16], $0x20, s1, s16, $0xb8;
	v63 =	vld [tilespmem:$0x0]  }
0x3c: {  	s4 =	simm.s32 $0x3F0;
	s15 =	simm.s32 $0xE080  }
0x3d: {  	[tilespmem:s15], [sflag:$0x2] =	stream.indirect.gather [hbm4b:s3+s16], $0x20, s4, s16, $0xb8;
	v63 =	vld [tilespmem:$0x0]  }
0x3e: {  	s18 =	simm.s32 $0x428;
	s19 =	simm.s32 $0xE6C0  }
0x3f: {  	[tilespmem:s19], [sflag:$0x2] =	stream.indirect.gather [hbm4b:s3+s16], $0x20, s18, s16, $0xb8;
	v63 =	vld [tilespmem:$0x0]  }
0x40: {  	s20 =	simm.s32 $0x460;
	s21 =	simm.s32 $0xED00  }
0x41: {  	[tilespmem:s21], [sflag:$0x2] =	stream.indirect.gather [hbm4b:s3+s16], $0x20, s20, s16, $0xb8;
	v63 =	vld [tilespmem:$0x0]  }
0x42: {  	s22 =	simm.s32 $0x498;
	s23 =	simm.s32 $0xF340  }
0x43: {  	[tilespmem:s23], [sflag:$0x2] =	stream.indirect.gather [hbm4b:s3+s16], $0x20, s22, s16, $0xb8;
	v63 =	vld [tilespmem:$0x0]  }
0x44: {  	s24 =	simm.s32 $0x4D0;
	s25 =	simm.s32 $0xF980  }
0x45: {  	[tilespmem:s25], [sflag:$0x2] =	stream.indirect.gather [hbm4b:s3+s16], $0x20, s24, s16, $0xb8;
	v63 =	vld [tilespmem:$0x0]  }
0x46: {  	s26 =	simm.s32 $0x508;
	s31 =	simm.s32 $0xFFC0  }
0x47: {  	[tilespmem:s31], [sflag:$0x2] =	stream.indirect.gather [hbm4b:s3+s16], $0x20, s26, s16, $0xb8;
	v63 =	vld [tilespmem:$0x0]  }
0x48: {  	s2 =	simm.s32 $0x540;
	s4 =	simm.s32 $0x10600  }
0x49: {  	[tilespmem:s4], [sflag:$0x2] =	stream.indirect.gather [hbm4b:s3+s16], $0x20, s2, s16, $0xb8;
	v63 =	vld [tilespmem:$0x0]  }
0x4a: {  	s15 =	simm.s32 $0x578;
	s18 =	simm.s32 $0x10C40  }
0x4b: {  	[tilespmem:s18], [sflag:$0x2] =	stream.indirect.gather [hbm4b:s3+s16], $0x20, s15, s16, $0xb8;
	v63 =	vld [tilespmem:$0x0]  }
0x4c: {  	s19 =	simm.s32 $0x5B0;
	s23 =	simm.s32 $0x11280  }
0x4d: {  	[tilespmem:s23], [sflag:$0x2] =	stream.indirect.gather [hbm4b:s3+s16], $0x20, s19, s16, $0xb8;
	v63 =	vld [tilespmem:$0x0]  }
0x4e: {  	s24 =	simm.s32 $0x5E8;
	s25 =	simm.s32 $0x118C0  }
0x4f: {  	[tilespmem:s25], [sflag:$0x2] =	stream.indirect.gather [hbm4b:s3+s16], $0x20, s24, s16, $0xb8;
	v63 =	vld [tilespmem:$0x0]  }
0x50: {  	s26 =	simm.s32 $0x620;
	s31 =	simm.s32 $0x11F00  }
0x51: {  	[tilespmem:s31], [sflag:$0x2] =	stream.indirect.gather [hbm4b:s3+s16], $0x20, s26, s16, $0xb8;
	v63 =	vld [tilespmem:$0x0]  }
0x52: {  	s1 =	simm.s32 $0x658;
	s2 =	simm.s32 $0x12540  }
0x53: {  	[tilespmem:s2], [sflag:$0x2] =	stream.indirect.gather [hbm4b:s3+s16], $0x20, s1, s16, $0xb8;
	v63 =	vld [tilespmem:$0x0]  }
0x54: {  	s4 =	simm.s32 $0x690;
	s15 =	simm.s32 $0x12B80  }
0x55: {  	[tilespmem:s15], [sflag:$0x2] =	stream.indirect.gather [hbm4b:s3+s16], $0x20, s4, s16, $0xb8;
	v63 =	vld [tilespmem:$0x0]  }
0x56: {  	s18 =	simm.s32 $0x6C8;
	s23 =	simm.s32 $0x131C0  }
0x57: {  	[tilespmem:s23], [sflag:$0x2] =	stream.indirect.gather [hbm4b:s3+s16], $0x20, s18, s16, $0xb8;
	v63 =	vld [tilespmem:$0x0]  }
0x58: {  	s24 =	simm.s32 $0x700;
	s25 =	simm.s32 $0x13800  }
0x59: {  	[tilespmem:s25], [sflag:$0x3] =	stream.indirect.gather [hbm4b:s3+s16], $0x20, s24, s16, $0xb8;
	v63 =	vld [tilespmem:$0x0]  }
0x5a: {  	s26 =	simm.s32 $0x738;
	s31 =	simm.s32 $0x13E40  }
0x5b: {  	[tilespmem:s31], [sflag:$0x3] =	stream.indirect.gather [hbm4b:s3+s16], $0x20, s26, s16, $0xb8;
	v63 =	vld [tilespmem:$0x0]  }
0x5c: {  	s1 =	simm.s32 $0x770;
	s2 =	simm.s32 $0x14480  }
0x5d: {  	[tilespmem:s2], [sflag:$0x3] =	stream.indirect.gather [hbm4b:s3+s16], $0x20, s1, s16, $0xb8;
	v63 =	vld [tilespmem:$0x0]  }
0x5e: {  	s4 =	simm.s32 $0x7A8;
	s15 =	simm.s32 $0x14AC0  }
0x5f: {  	[tilespmem:s15], [sflag:$0x3] =	stream.indirect.gather [hbm4b:s3+s16], $0x20, s4, s16, $0xb8;
	v63 =	vld [tilespmem:$0x0]  }
0x60: {  	s18 =	simm.s32 $0x7E0;
	s23 =	simm.s32 $0x15100  }
0x61: {  	[tilespmem:s23], [sflag:$0x3] =	stream.indirect.gather [hbm4b:s3+s16], $0x20, s18, s16, $0xb8;
	v63 =	vld [tilespmem:$0x0]  }
0x62: {  	s24 =	simm.s32 $0x818;
	s25 =	simm.s32 $0x15740  }
0x63: {  	[tilespmem:s25], [sflag:$0x3] =	stream.indirect.gather [hbm4b:s3+s16], $0x20, s24, s16, $0xb8;
	v63 =	vld [tilespmem:$0x0]  }
0x64: {  	s26 =	simm.s32 $0x850;
	s31 =	simm.s32 $0x15D80  }
0x65: {  	[tilespmem:s31], [sflag:$0x3] =	stream.indirect.gather [hbm4b:s3+s16], $0x20, s26, s16, $0xb8;
	v63 =	vld [tilespmem:$0x0]  }
0x66: {  	s1 =	simm.s32 $0x888;
	s2 =	simm.s32 $0x163C0  }
0x67: {  	[tilespmem:s2], [sflag:$0x3] =	stream.indirect.gather [hbm4b:s3+s16], $0x20, s1, s16, $0xb8;
	v63 =	vld [tilespmem:$0x0]  }
0x68: {  	s4 =	simm.s32 $0x8C0;
	s15 =	simm.s32 $0x16A00  }
0x69: {  	[tilespmem:s15], [sflag:$0x3] =	stream.indirect.gather [hbm4b:s3+s16], $0x20, s4, s16, $0xb8;
	v63 =	vld [tilespmem:$0x0]  }
0x6a: {  	s18 =	simm.s32 $0x8F8;
	s23 =	simm.s32 $0x17040  }
0x6b: {  	[tilespmem:s23], [sflag:$0x3] =	stream.indirect.gather [hbm4b:s3+s16], $0x20, s18, s16, $0xb8;
	v63 =	vld [tilespmem:$0x0]  }
0x6c: {  	s24 =	simm.s32 $0x930;
	s25 =	simm.s32 $0x17680  }
0x6d: {  	[tilespmem:s25], [sflag:$0x3] =	stream.indirect.gather [hbm4b:s3+s16], $0x20, s24, s16, $0xb8;
	v63 =	vld [tilespmem:$0x0]  }
0x6e: {  	s26 =	simm.s32 $0x968;
	s31 =	simm.s32 $0x17CC0  }
0x6f: {  	[tilespmem:s31], [sflag:$0x3] =	stream.indirect.gather [hbm4b:s3+s16], $0x20, s26, s16, $0xb8;
	v63 =	vld [tilespmem:$0x0]  }
0x70: {  	s2 =	simm.s32 $0x9A0;
	s4 =	simm.s32 $0x18300  }
0x71: {  	[tilespmem:s4], [sflag:$0x3] =	stream.indirect.gather [hbm4b:s3+s16], $0x20, s2, s16, $0xb8;
	v63 =	vld [tilespmem:$0x0]  }
0x72: {  	s15 =	simm.s32 $0x9D8;
	s18 =	simm.s32 $0x18940  }
0x73: {  	[tilespmem:s18], [sflag:$0x3] =	stream.indirect.gather [hbm4b:s3+s16], $0x20, s15, s16, $0xb8;
	v63 =	vld [tilespmem:$0x0]  }
0x74: {  	s23 =	simm.s32 $0xA10;
	s24 =	simm.s32 $0x18F80  }
0x75: {  	[tilespmem:s24], [sflag:$0x3] =	stream.indirect.gather [hbm4b:s3+s16], $0x20, s23, s16, $0xb8;
	v63 =	vld [tilespmem:$0x0]  }
0x76: {  	s25 =	simm.s32 $0xA48;
	s26 =	simm.s32 $0x195C0;
	s15 =	simm.s32 $0x1  }
0x77: {  	[tilespmem:s26], [sflag:$0x3] =	stream.indirect.gather [hbm4b:s3+s16], $0x20, s25, s16, $0xb8;
	v63 =	vld [tilespmem:$0x0]  }
0x78: {  	_ =	swait.ge [sflag:s15], $0x6400  }
0x79: {  	[sflag:s15] =	ssyncset.done $0x0  }
0x7a: {  	s30 =	simm.s32 $0x7000;
	s4 =	rddreg [dreg:$0x4];
	[sflag:s15] =	ssyncadd.s32 $0xFFFF9C00  }
0x7b: {  	[hbm4b:s4+s6] =	stream.strided.scatter [tilespmem:s30], [sflag:$0x5], $0x640, s7, s6, $0x38;
	v63 =	vld [tilespmem:$0x0]  }
0x7c: {  	s29 =	simm.s32 $0x7640;
	s31 =	sadd.s32 $0x380, s4  }
0x7d: {  	[hbm4b:s31+s6] =	stream.strided.scatter [tilespmem:s29], [sflag:$0x5], $0x640, s7, s6, $0x38;
	v63 =	vld [tilespmem:$0x0]  }
0x7e: {  	s28 =	simm.s32 $0x7C80;
	s0 =	sadd.s32 $0x700, s4  }
0x7f: {  	[hbm4b:s0+s6] =	stream.strided.scatter [tilespmem:s28], [sflag:$0x5], $0x640, s7, s6, $0x38;
	v63 =	vld [tilespmem:$0x0]  }
0x80: {  	s17 =	simm.s32 $0x82C0;
	s1 =	sadd.s32 $0xA80, s4  }
0x81: {  	[hbm4b:s1+s6] =	stream.strided.scatter [tilespmem:s17], [sflag:$0x5], $0x640, s7, s6, $0x38;
	v63 =	vld [tilespmem:$0x0]  }
0x82: {  	s10 =	simm.s32 $0x8900;
	s18 =	sadd.s32 $0xE00, s4  }
0x83: {  	[hbm4b:s18+s6] =	stream.strided.scatter [tilespmem:s10], [sflag:$0x5], $0x640, s7, s6, $0x38;
	v63 =	vld [tilespmem:$0x0]  }
0x84: {  	s23 =	sadd.s32 $0x1180, s4;
	s10 =	simm.s32 $0x8F40  }
0x85: {  	[hbm4b:s23+s6] =	stream.strided.scatter [tilespmem:s10], [sflag:$0x5], $0x640, s7, s6, $0x38;
	v63 =	vld [tilespmem:$0x0]  }
0x86: {  	s9 =	simm.s32 $0x9580;
	s24 =	sadd.s32 $0x1500, s4  }
0x87: {  	[hbm4b:s24+s6] =	stream.strided.scatter [tilespmem:s9], [sflag:$0x5], $0x640, s7, s6, $0x38;
	v63 =	vld [tilespmem:$0x0]  }
0x88: {  	s25 =	sadd.s32 $0x1880, s4;
	s9 =	simm.s32 $0x9BC0  }
0x89: {  	[hbm4b:s25+s6] =	stream.strided.scatter [tilespmem:s9], [sflag:$0x5], $0x640, s7, s6, $0x38;
	v63 =	vld [tilespmem:$0x0]  }
0x8a: {  	s8 =	simm.s32 $0xA200;
	s26 =	sadd.s32 $0x1C00, s4  }
0x8b: {  	[hbm4b:s26+s6] =	stream.strided.scatter [tilespmem:s8], [sflag:$0x5], $0x640, s7, s6, $0x38;
	v63 =	vld [tilespmem:$0x0]  }
0x8c: {  	s0 =	sadd.s32 $0x1F80, s4;
	s8 =	simm.s32 $0xA840  }
0x8d: {  	[hbm4b:s0+s6] =	stream.strided.scatter [tilespmem:s8], [sflag:$0x5], $0x640, s7, s6, $0x38;
	v63 =	vld [tilespmem:$0x0]  }
0x8e: {  	s5 =	simm.s32 $0xAE80;
	s1 =	sadd.s32 $0x2300, s4  }
0x8f: {  	[hbm4b:s1+s6] =	stream.strided.scatter [tilespmem:s5], [sflag:$0x5], $0x640, s7, s6, $0x38;
	v63 =	vld [tilespmem:$0x0]  }
0x90: {  	s17 =	sadd.s32 $0x2680, s4;
	s5 =	simm.s32 $0xB4C0  }
0x91: {  	[hbm4b:s17+s6] =	stream.strided.scatter [tilespmem:s5], [sflag:$0x5], $0x640, s7, s6, $0x38;
	v63 =	vld [tilespmem:$0x0]  }
0x92: {  	s14 =	simm.s32 $0xBB00;
	s18 =	sadd.s32 $0x2A00, s4  }
0x93: {  	[hbm4b:s18+s6] =	stream.strided.scatter [tilespmem:s14], [sflag:$0x5], $0x640, s7, s6, $0x38;
	v63 =	vld [tilespmem:$0x0]  }
0x94: {  	s23 =	sadd.s32 $0x2D80, s4;
	s1 =	simm.s32 $0xC140  }
0x95: {  	[hbm4b:s23+s6] =	stream.strided.scatter [tilespmem:s1], [sflag:$0x5], $0x640, s7, s6, $0x38;
	v63 =	vld [tilespmem:$0x0]  }
0x96: {  	s13 =	simm.s32 $0xC780;
	s0 =	sadd.s32 $0x3100, s4  }
0x97: {  	[hbm4b:s0+s6] =	stream.strided.scatter [tilespmem:s13], [sflag:$0x5], $0x640, s7, s6, $0x38;
	v63 =	vld [tilespmem:$0x0]  }
0x98: {  	s12 =	simm.s32 $0xCDC0;
	s4 =	sadd.s32 $0x3480, s4  }
0x99: {  	[hbm4b:s4+s6] =	stream.strided.scatter [tilespmem:s12], [sflag:$0x5], $0x640, s7, s6, $0x38;
	v63 =	vld [tilespmem:$0x0]  }
0x9a: {  	s13 =	simm.s32 $0x19C00;
	s12 =	simm.s32 $0xA80  }
0x9b: {  	[tilespmem:s13], [sflag:$0x4] =	stream.indirect.gather [hbm4b:s3+s16], $0x20, s12, s16, $0xb8;
	v63 =	vld [tilespmem:$0x0]  }
0x9c: {  	s14 =	simm.s32 $0xAB8;
	s18 =	simm.s32 $0x1A240  }
0x9d: {  	[tilespmem:s18], [sflag:$0x4] =	stream.indirect.gather [hbm4b:s3+s16], $0x20, s14, s16, $0xb8;
	v63 =	vld [tilespmem:$0x0]  }
0x9e: {  	s0 =	simm.s32 $0xAF0;
	s4 =	simm.s32 $0x1A880  }
0x9f: {  	[tilespmem:s4], [sflag:$0x4] =	stream.indirect.gather [hbm4b:s3+s16], $0x20, s0, s16, $0xb8;
	v63 =	vld [tilespmem:$0x0]  }
0xa0: {  	s12 =	simm.s32 $0xB28;
	s13 =	simm.s32 $0x1AEC0  }
0xa1: {  	[tilespmem:s13], [sflag:$0x4] =	stream.indirect.gather [hbm4b:s3+s16], $0x20, s12, s16, $0xb8;
	v63 =	vld [tilespmem:$0x0]  }
0xa2: {  	s14 =	simm.s32 $0xB60;
	s18 =	simm.s32 $0x1B500  }
0xa3: {  	[tilespmem:s18], [sflag:$0x4] =	stream.indirect.gather [hbm4b:s3+s16], $0x20, s14, s16, $0xb8;
	v63 =	vld [tilespmem:$0x0]  }
0xa4: {  	s0 =	simm.s32 $0xB98;
	s4 =	simm.s32 $0x1BB40  }
0xa5: {  	[tilespmem:s4], [sflag:$0x4] =	stream.indirect.gather [hbm4b:s3+s16], $0x20, s0, s16, $0xb8;
	v63 =	vld [tilespmem:$0x0]  }
0xa6: {  	s12 =	simm.s32 $0xBD0;
	s13 =	simm.s32 $0x1C180  }
0xa7: {  	[tilespmem:s13], [sflag:$0x4] =	stream.indirect.gather [hbm4b:s3+s16], $0x20, s12, s16, $0xb8;
	v63 =	vld [tilespmem:$0x0]  }
0xa8: {  	s14 =	simm.s32 $0xC08;
	s18 =	simm.s32 $0x1C7C0  }
0xa9: {  	[tilespmem:s18], [sflag:$0x4] =	stream.indirect.gather [hbm4b:s3+s16], $0x20, s14, s16, $0xb8;
	v63 =	vld [tilespmem:$0x0]  }
0xaa: {  	s0 =	simm.s32 $0xC40;
	s4 =	simm.s32 $0x1CE00  }
0xab: {  	[tilespmem:s4], [sflag:$0x4] =	stream.indirect.gather [hbm4b:s3+s16], $0x20, s0, s16, $0xb8;
	v63 =	vld [tilespmem:$0x0]  }
0xac: {  	s12 =	simm.s32 $0xC78;
	s13 =	simm.s32 $0x1D440  }
0xad: {  	[tilespmem:s13], [sflag:$0x4] =	stream.indirect.gather [hbm4b:s3+s16], $0x20, s12, s16, $0xb8;
	v63 =	vld [tilespmem:$0x0]  }
0xae: {  	s14 =	simm.s32 $0xCB0;
	s18 =	simm.s32 $0x1DA80  }
0xaf: {  	[tilespmem:s18], [sflag:$0x4] =	stream.indirect.gather [hbm4b:s3+s16], $0x20, s14, s16, $0xb8;
	v63 =	vld [tilespmem:$0x0]  }
0xb0: {  	s0 =	simm.s32 $0xCE8;
	s4 =	simm.s32 $0x1E0C0  }
0xb1: {  	[tilespmem:s4], [sflag:$0x4] =	stream.indirect.gather [hbm4b:s3+s16], $0x20, s0, s16, $0xb8;
	v63 =	vld [tilespmem:$0x0]  }
0xb2: {  	s12 =	simm.s32 $0xD20;
	s13 =	simm.s32 $0x1E700  }
0xb3: {  	[tilespmem:s13], [sflag:$0x4] =	stream.indirect.gather [hbm4b:s3+s16], $0x20, s12, s16, $0xb8;
	v63 =	vld [tilespmem:$0x0]  }
0xb4: {  	s14 =	simm.s32 $0xD58;
	s18 =	simm.s32 $0x1ED40  }
0xb5: {  	[tilespmem:s18], [sflag:$0x4] =	stream.indirect.gather [hbm4b:s3+s16], $0x20, s14, s16, $0xb8;
	v63 =	vld [tilespmem:$0x0]  }
0xb6: {  	s0 =	simm.s32 $0xD90;
	s4 =	simm.s32 $0x1F380  }
0xb7: {  	[tilespmem:s4], [sflag:$0x4] =	stream.indirect.gather [hbm4b:s3+s16], $0x20, s0, s16, $0xb8;
	v63 =	vld [tilespmem:$0x0]  }
0xb8: {  	s12 =	simm.s32 $0xDC8;
	s13 =	simm.s32 $0x1F9C0;
	s18 =	simm.s32 $0x2  }
0xb9: {  	[tilespmem:s13], [sflag:$0x4] =	stream.indirect.gather [hbm4b:s3+s16], $0x20, s12, s16, $0xb8;
	v63 =	vld [tilespmem:$0x0]  }
0xba: {  	_ =	swait.ge [sflag:s18], $0x6400  }
0xbb: {  	[sflag:s18] =	ssyncset.done $0x0  }
0xbc: {  	s12 =	simm.s32 $0xD400;
	s4 =	rddreg [dreg:$0x5];
	[sflag:s18] =	ssyncadd.s32 $0xFFFF9C00  }
0xbd: {  	[hbm4b:s4+s6] =	stream.strided.scatter [tilespmem:s12], [sflag:$0x6], $0x640, s7, s6, $0x38;
	v63 =	vld [tilespmem:$0x0]  }
0xbe: {  	s11 =	simm.s32 $0xDA40;
	s14 =	sadd.s32 $0x380, s4  }
0xbf: {  	[hbm4b:s14+s6] =	stream.strided.scatter [tilespmem:s11], [sflag:$0x6], $0x640, s7, s6, $0x38;
	v63 =	vld [tilespmem:$0x0]  }
0xc0: {  	s0 =	sadd.s32 $0x700, s4;
	s11 =	simm.s32 $0xE080  }
0xc1: {  	[hbm4b:s0+s6] =	stream.strided.scatter [tilespmem:s11], [sflag:$0x6], $0x640, s7, s6, $0x38;
	v63 =	vld [tilespmem:$0x0]  }
0xc2: {  	s13 =	sadd.s32 $0xA80, s4;
	s14 =	simm.s32 $0xE6C0  }
0xc3: {  	[hbm4b:s13+s6] =	stream.strided.scatter [tilespmem:s14], [sflag:$0x6], $0x640, s7, s6, $0x38;
	v63 =	vld [tilespmem:$0x0]  }
0xc4: {  	s13 =	sadd.s32 $0xE00, s4;
	s14 =	simm.s32 $0xED00  }
0xc5: {  	[hbm4b:s13+s6] =	stream.strided.scatter [tilespmem:s14], [sflag:$0x6], $0x640, s7, s6, $0x38;
	v63 =	vld [tilespmem:$0x0]  }
0xc6: {  	s22 =	simm.s32 $0xF340;
	s0 =	sadd.s32 $0x1180, s4  }
0xc7: {  	[hbm4b:s0+s6] =	stream.strided.scatter [tilespmem:s22], [sflag:$0x6], $0x640, s7, s6, $0x38;
	v63 =	vld [tilespmem:$0x0]  }
0xc8: {  	s13 =	sadd.s32 $0x1500, s4;
	s22 =	simm.s32 $0xF980  }
0xc9: {  	[hbm4b:s13+s6] =	stream.strided.scatter [tilespmem:s22], [sflag:$0x6], $0x640, s7, s6, $0x38;
	v63 =	vld [tilespmem:$0x0]  }
0xca: {  	s21 =	simm.s32 $0xFFC0;
	s0 =	sadd.s32 $0x1880, s4  }
0xcb: {  	[hbm4b:s0+s6] =	stream.strided.scatter [tilespmem:s21], [sflag:$0x6], $0x640, s7, s6, $0x38;
	v63 =	vld [tilespmem:$0x0]  }
0xcc: {  	s13 =	sadd.s32 $0x1C00, s4;
	s21 =	simm.s32 $0x10600  }
0xcd: {  	[hbm4b:s13+s6] =	stream.strided.scatter [tilespmem:s21], [sflag:$0x6], $0x640, s7, s6, $0x38;
	v63 =	vld [tilespmem:$0x0]  }
0xce: {  	s20 =	simm.s32 $0x10C40;
	s0 =	sadd.s32 $0x1F80, s4  }
0xcf: {  	[hbm4b:s0+s6] =	stream.strided.scatter [tilespmem:s20], [sflag:$0x6], $0x640, s7, s6, $0x38;
	v63 =	vld [tilespmem:$0x0]  }
0xd0: {  	s13 =	sadd.s32 $0x2300, s4;
	s20 =	simm.s32 $0x11280  }
0xd1: {  	[hbm4b:s13+s6] =	stream.strided.scatter [tilespmem:s20], [sflag:$0x6], $0x640, s7, s6, $0x38;
	v63 =	vld [tilespmem:$0x0]  }
0xd2: {  	s0 =	sadd.s32 $0x2680, s4;
	s13 =	simm.s32 $0x118C0  }
0xd3: {  	[hbm4b:s0+s6] =	stream.strided.scatter [tilespmem:s13], [sflag:$0x6], $0x640, s7, s6, $0x38;
	v63 =	vld [tilespmem:$0x0]  }
0xd4: {  	s2 =	sadd.s32 $0x2A00, s4;
	s0 =	simm.s32 $0x11F00  }
0xd5: {  	[hbm4b:s2+s6] =	stream.strided.scatter [tilespmem:s0], [sflag:$0x6], $0x640, s7, s6, $0x38;
	v63 =	vld [tilespmem:$0x0]  }
0xd6: {  	s2 =	sadd.s32 $0x2D80, s4;
	s0 =	simm.s32 $0x12540  }
0xd7: {  	[hbm4b:s2+s6] =	stream.strided.scatter [tilespmem:s0], [sflag:$0x6], $0x640, s7, s6, $0x38;
	v63 =	vld [tilespmem:$0x0]  }
0xd8: {  	s19 =	simm.s32 $0x12B80;
	s2 =	sadd.s32 $0x3100, s4  }
0xd9: {  	[hbm4b:s2+s6] =	stream.strided.scatter [tilespmem:s19], [sflag:$0x6], $0x640, s7, s6, $0x38;
	v63 =	vld [tilespmem:$0x0]  }
0xda: {  	s4 =	sadd.s32 $0x3480, s4;
	s19 =	simm.s32 $0x131C0  }
0xdb: {  	[hbm4b:s4+s6] =	stream.strided.scatter [tilespmem:s19], [sflag:$0x6], $0x640, s7, s6, $0x38;
	v63 =	vld [tilespmem:$0x0]  }
0xdc: {  	s19 =	simm.s32 $0x5  }
0xdd: {  	_ =	swait.ge [sflag:s19], $0x6400  }
0xde: {  	[sflag:s19] =	ssyncset.done $0x0  }
0xdf: {  	s2 =	simm.s32 $0xE00;
	s4 =	simm.s32 $0x7000;
	[sflag:s19] =	ssyncadd.s32 $0xFFFF9C00  }
0xe0: {  	[tilespmem:s4], [sflag:$0x1] =	stream.indirect.gather [hbm4b:s3+s16], $0x20, s2, s16, $0xb8;
	v63 =	vld [tilespmem:$0x0]  }
0xe1: {  	s2 =	simm.s32 $0xE38;
	s4 =	simm.s32 $0x7640  }
0xe2: {  	[tilespmem:s4], [sflag:$0x1] =	stream.indirect.gather [hbm4b:s3+s16], $0x20, s2, s16, $0xb8;
	v63 =	vld [tilespmem:$0x0]  }
0xe3: {  	s31 =	simm.s32 $0x7C80;
	s4 =	simm.s32 $0xE70  }
0xe4: {  	[tilespmem:s31], [sflag:$0x1] =	stream.indirect.gather [hbm4b:s3+s16], $0x20, s4, s16, $0xb8;
	v63 =	vld [tilespmem:$0x0]  }
0xe5: {  	s30 =	simm.s32 $0x82C0;
	s31 =	simm.s32 $0xEA8  }
0xe6: {  	[tilespmem:s30], [sflag:$0x1] =	stream.indirect.gather [hbm4b:s3+s16], $0x20, s31, s16, $0xb8;
	v63 =	vld [tilespmem:$0x0]  }
0xe7: {  	s29 =	simm.s32 $0x8900;
	s4 =	simm.s32 $0xEE0  }
0xe8: {  	[tilespmem:s29], [sflag:$0x1] =	stream.indirect.gather [hbm4b:s3+s16], $0x20, s4, s16, $0xb8;
	v63 =	vld [tilespmem:$0x0]  }
0xe9: {  	s30 =	simm.s32 $0xF18  }
0xea: {  	[tilespmem:s10], [sflag:$0x1] =	stream.indirect.gather [hbm4b:s3+s16], $0x20, s30, s16, $0xb8;
	v63 =	vld [tilespmem:$0x0]  }
0xeb: {  	s28 =	simm.s32 $0x9580;
	s31 =	simm.s32 $0xF50  }
0xec: {  	[tilespmem:s28], [sflag:$0x1] =	stream.indirect.gather [hbm4b:s3+s16], $0x20, s31, s16, $0xb8;
	v63 =	vld [tilespmem:$0x0]  }
0xed: {  	s4 =	simm.s32 $0xF88  }
0xee: {  	[tilespmem:s9], [sflag:$0x1] =	stream.indirect.gather [hbm4b:s3+s16], $0x20, s4, s16, $0xb8;
	v63 =	vld [tilespmem:$0x0]  }
0xef: {  	s26 =	simm.s32 $0xA200;
	s10 =	simm.s32 $0xFC0  }
0xf0: {  	[tilespmem:s26], [sflag:$0x1] =	stream.indirect.gather [hbm4b:s3+s16], $0x20, s10, s16, $0xb8;
	v63 =	vld [tilespmem:$0x0]  }
0xf1: {  	s26 =	simm.s32 $0xFF8  }
0xf2: {  	[tilespmem:s8], [sflag:$0x1] =	stream.indirect.gather [hbm4b:s3+s16], $0x20, s26, s16, $0xb8;
	v63 =	vld [tilespmem:$0x0]  }
0xf3: {  	s25 =	simm.s32 $0xAE80;
	s28 =	simm.s32 $0x1030  }
0xf4: {  	[tilespmem:s25], [sflag:$0x1] =	stream.indirect.gather [hbm4b:s3+s16], $0x20, s28, s16, $0xb8;
	v63 =	vld [tilespmem:$0x0]  }
0xf5: {  	s29 =	simm.s32 $0x1068  }
0xf6: {  	[tilespmem:s5], [sflag:$0x1] =	stream.indirect.gather [hbm4b:s3+s16], $0x20, s29, s16, $0xb8;
	v63 =	vld [tilespmem:$0x0]  }
0xf7: {  	s24 =	simm.s32 $0xBB00;
	s30 =	simm.s32 $0x10A0  }
0xf8: {  	[tilespmem:s24], [sflag:$0x1] =	stream.indirect.gather [hbm4b:s3+s16], $0x20, s30, s16, $0xb8;
	v63 =	vld [tilespmem:$0x0]  }
0xf9: {  	s31 =	simm.s32 $0x10D8  }
0xfa: {  	[tilespmem:s1], [sflag:$0x1] =	stream.indirect.gather [hbm4b:s3+s16], $0x20, s31, s16, $0xb8;
	v63 =	vld [tilespmem:$0x0]  }
0xfb: {  	s17 =	simm.s32 $0xC780;
	s4 =	simm.s32 $0x1110  }
0xfc: {  	[tilespmem:s17], [sflag:$0x1] =	stream.indirect.gather [hbm4b:s3+s16], $0x20, s4, s16, $0xb8;
	v63 =	vld [tilespmem:$0x0]  }
0xfd: {  	s23 =	simm.s32 $0xCDC0;
	s28 =	simm.s32 $0x3;
	s5 =	simm.s32 $0x1148  }
0xfe: {  	[tilespmem:s23], [sflag:$0x1] =	stream.indirect.gather [hbm4b:s3+s16], $0x20, s5, s16, $0xb8;
	v63 =	vld [tilespmem:$0x0]  }
0xff: {  	_ =	swait.ge [sflag:s28], $0x6400  }
0x100: {  	[sflag:s28] =	ssyncset.done $0x0  }
0x101: {  	s24 =	simm.s32 $0x13800;
	s4 =	rddreg [dreg:$0x6];
	[sflag:s28] =	ssyncadd.s32 $0xFFFF9C00  }
0x102: {  	[hbm4b:s4+s6] =	stream.strided.scatter [tilespmem:s24], [sflag:$0x7], $0x640, s7, s6, $0x38;
	v63 =	vld [tilespmem:$0x0]  }
0x103: {  	s9 =	simm.s32 $0x13E40;
	s8 =	sadd.s32 $0x380, s4  }
0x104: {  	[hbm4b:s8+s6] =	stream.strided.scatter [tilespmem:s9], [sflag:$0x7], $0x640, s7, s6, $0x38;
	v63 =	vld [tilespmem:$0x0]  }
0x105: {  	s17 =	simm.s32 $0x14480;
	s10 =	sadd.s32 $0x700, s4  }
0x106: {  	[hbm4b:s10+s6] =	stream.strided.scatter [tilespmem:s17], [sflag:$0x7], $0x640, s7, s6, $0x38;
	v63 =	vld [tilespmem:$0x0]  }
0x107: {  	s25 =	simm.s32 $0x14AC0;
	s23 =	sadd.s32 $0xA80, s4  }
0x108: {  	[hbm4b:s23+s6] =	stream.strided.scatter [tilespmem:s25], [sflag:$0x7], $0x640, s7, s6, $0x38;
	v63 =	vld [tilespmem:$0x0]  }
0x109: {  	s29 =	simm.s32 $0x15100;
	s26 =	sadd.s32 $0xE00, s4  }
0x10a: {  	[hbm4b:s26+s6] =	stream.strided.scatter [tilespmem:s29], [sflag:$0x7], $0x640, s7, s6, $0x38;
	v63 =	vld [tilespmem:$0x0]  }
0x10b: {  	s31 =	simm.s32 $0x15740;
	s30 =	sadd.s32 $0x1180, s4  }
0x10c: {  	[hbm4b:s30+s6] =	stream.strided.scatter [tilespmem:s31], [sflag:$0x7], $0x640, s7, s6, $0x38;
	v63 =	vld [tilespmem:$0x0]  }
0x10d: {  	s5 =	sadd.s32 $0x1500, s4;
	s8 =	simm.s32 $0x15D80  }
0x10e: {  	[hbm4b:s5+s6] =	stream.strided.scatter [tilespmem:s8], [sflag:$0x7], $0x640, s7, s6, $0x38;
	v63 =	vld [tilespmem:$0x0]  }
0x10f: {  	s9 =	sadd.s32 $0x1880, s4;
	s17 =	simm.s32 $0x163C0  }
0x110: {  	[hbm4b:s9+s6] =	stream.strided.scatter [tilespmem:s17], [sflag:$0x7], $0x640, s7, s6, $0x38;
	v63 =	vld [tilespmem:$0x0]  }
0x111: {  	s10 =	sadd.s32 $0x1C00, s4;
	s8 =	simm.s32 $0x16A00  }
0x112: {  	[hbm4b:s10+s6] =	stream.strided.scatter [tilespmem:s8], [sflag:$0x7], $0x640, s7, s6, $0x38;
	v63 =	vld [tilespmem:$0x0]  }
0x113: {  	s1 =	simm.s32 $0x17040;
	s23 =	sadd.s32 $0x1F80, s4  }
0x114: {  	[hbm4b:s23+s6] =	stream.strided.scatter [tilespmem:s1], [sflag:$0x7], $0x640, s7, s6, $0x38;
	v63 =	vld [tilespmem:$0x0]  }
0x115: {  	s25 =	sadd.s32 $0x2300, s4;
	s5 =	simm.s32 $0x17680  }
0x116: {  	[hbm4b:s25+s6] =	stream.strided.scatter [tilespmem:s5], [sflag:$0x7], $0x640, s7, s6, $0x38;
	v63 =	vld [tilespmem:$0x0]  }
0x117: {  	s26 =	sadd.s32 $0x2680, s4;
	s9 =	simm.s32 $0x17CC0  }
0x118: {  	[hbm4b:s26+s6] =	stream.strided.scatter [tilespmem:s9], [sflag:$0x7], $0x640, s7, s6, $0x38;
	v63 =	vld [tilespmem:$0x0]  }
0x119: {  	s29 =	sadd.s32 $0x2A00, s4;
	s23 =	simm.s32 $0x18300  }
0x11a: {  	[hbm4b:s29+s6] =	stream.strided.scatter [tilespmem:s23], [sflag:$0x7], $0x640, s7, s6, $0x38;
	v63 =	vld [tilespmem:$0x0]  }
0x11b: {  	s31 =	sadd.s32 $0x2D80, s4;
	s25 =	simm.s32 $0x18940  }
0x11c: {  	[hbm4b:s31+s6] =	stream.strided.scatter [tilespmem:s25], [sflag:$0x7], $0x640, s7, s6, $0x38;
	v63 =	vld [tilespmem:$0x0]  }
0x11d: {  	s10 =	sadd.s32 $0x3100, s4;
	s26 =	simm.s32 $0x18F80  }
0x11e: {  	[hbm4b:s10+s6] =	stream.strided.scatter [tilespmem:s26], [sflag:$0x7], $0x640, s7, s6, $0x38;
	v63 =	vld [tilespmem:$0x0]  }
0x11f: {  	s29 =	sadd.s32 $0x3480, s4;
	s10 =	simm.s32 $0x195C0  }
0x120: {  	[hbm4b:s29+s6] =	stream.strided.scatter [tilespmem:s10], [sflag:$0x7], $0x640, s7, s6, $0x38;
	v63 =	vld [tilespmem:$0x0]  }
0x121: {  	s29 =	simm.s32 $0x6  }
0x122: {  	_ =	swait.ge [sflag:s29], $0x6400  }
0x123: {  	[sflag:s29] =	ssyncset.done $0x0  }
0x124: {  	s31 =	simm.s32 $0x1180;
	[sflag:s29] =	ssyncadd.s32 $0xFFFF9C00  }
0x125: {  	[tilespmem:s12], [sflag:$0x2] =	stream.indirect.gather [hbm4b:s3+s16], $0x20, s31, s16, $0xb8;
	v63 =	vld [tilespmem:$0x0]  }
0x126: {  	s4 =	simm.s32 $0x11B8;
	s12 =	simm.s32 $0xDA40  }
0x127: {  	[tilespmem:s12], [sflag:$0x2] =	stream.indirect.gather [hbm4b:s3+s16], $0x20, s4, s16, $0xb8;
	v63 =	vld [tilespmem:$0x0]  }
0x128: {  	s31 =	simm.s32 $0x11F0  }
0x129: {  	[tilespmem:s11], [sflag:$0x2] =	stream.indirect.gather [hbm4b:s3+s16], $0x20, s31, s16, $0xb8;
	v63 =	vld [tilespmem:$0x0]  }
0x12a: {  	s4 =	simm.s32 $0x1228;
	s11 =	simm.s32 $0xE6C0  }
0x12b: {  	[tilespmem:s11], [sflag:$0x2] =	stream.indirect.gather [hbm4b:s3+s16], $0x20, s4, s16, $0xb8;
	v63 =	vld [tilespmem:$0x0]  }
0x12c: {  	s12 =	simm.s32 $0x1260  }
0x12d: {  	[tilespmem:s14], [sflag:$0x2] =	stream.indirect.gather [hbm4b:s3+s16], $0x20, s12, s16, $0xb8;
	v63 =	vld [tilespmem:$0x0]  }
0x12e: {  	s31 =	simm.s32 $0xF340;
	s14 =	simm.s32 $0x1298  }
0x12f: {  	[tilespmem:s31], [sflag:$0x2] =	stream.indirect.gather [hbm4b:s3+s16], $0x20, s14, s16, $0xb8;
	v63 =	vld [tilespmem:$0x0]  }
0x130: {  	s4 =	simm.s32 $0x12D0  }
0x131: {  	[tilespmem:s22], [sflag:$0x2] =	stream.indirect.gather [hbm4b:s3+s16], $0x20, s4, s16, $0xb8;
	v63 =	vld [tilespmem:$0x0]  }
0x132: {  	s11 =	simm.s32 $0x1308;
	s12 =	simm.s32 $0xFFC0  }
0x133: {  	[tilespmem:s12], [sflag:$0x2] =	stream.indirect.gather [hbm4b:s3+s16], $0x20, s11, s16, $0xb8;
	v63 =	vld [tilespmem:$0x0]  }
0x134: {  	s14 =	simm.s32 $0x1340  }
0x135: {  	[tilespmem:s21], [sflag:$0x2] =	stream.indirect.gather [hbm4b:s3+s16], $0x20, s14, s16, $0xb8;
	v63 =	vld [tilespmem:$0x0]  }
0x136: {  	s22 =	simm.s32 $0x10C40;
	s21 =	simm.s32 $0x1378  }
0x137: {  	[tilespmem:s22], [sflag:$0x2] =	stream.indirect.gather [hbm4b:s3+s16], $0x20, s21, s16, $0xb8;
	v63 =	vld [tilespmem:$0x0]  }
0x138: {  	s31 =	simm.s32 $0x13B0  }
0x139: {  	[tilespmem:s20], [sflag:$0x2] =	stream.indirect.gather [hbm4b:s3+s16], $0x20, s31, s16, $0xb8;
	v63 =	vld [tilespmem:$0x0]  }
0x13a: {  	s4 =	simm.s32 $0x13E8  }
0x13b: {  	[tilespmem:s13], [sflag:$0x2] =	stream.indirect.gather [hbm4b:s3+s16], $0x20, s4, s16, $0xb8;
	v63 =	vld [tilespmem:$0x0]  }
0x13c: {  	s11 =	simm.s32 $0x1420;
	s12 =	simm.s32 $0x11F00  }
0x13d: {  	[tilespmem:s12], [sflag:$0x2] =	stream.indirect.gather [hbm4b:s3+s16], $0x20, s11, s16, $0xb8;
	v63 =	vld [tilespmem:$0x0]  }
0x13e: {  	s13 =	simm.s32 $0x1458  }
0x13f: {  	[tilespmem:s0], [sflag:$0x2] =	stream.indirect.gather [hbm4b:s3+s16], $0x20, s13, s16, $0xb8;
	v63 =	vld [tilespmem:$0x0]  }
0x140: {  	s14 =	simm.s32 $0x1490;
	s20 =	simm.s32 $0x12B80  }
0x141: {  	[tilespmem:s20], [sflag:$0x2] =	stream.indirect.gather [hbm4b:s3+s16], $0x20, s14, s16, $0xb8;
	v63 =	vld [tilespmem:$0x0]  }
0x142: {  	s21 =	simm.s32 $0x14C8;
	s22 =	simm.s32 $0x131C0;
	s13 =	simm.s32 $0x4  }
0x143: {  	[tilespmem:s22], [sflag:$0x2] =	stream.indirect.gather [hbm4b:s3+s16], $0x20, s21, s16, $0xb8;
	v63 =	vld [tilespmem:$0x0]  }
0x144: {  	_ =	swait.ge [sflag:s13], $0x6400  }
0x145: {  	[sflag:s13] =	ssyncset.done $0x0  }
0x146: {  	s31 =	simm.s32 $0x19C00;
	s4 =	rddreg [dreg:$0x7];
	[sflag:s13] =	ssyncadd.s32 $0xFFFF9C00  }
0x147: {  	[hbm4b:s4+s6] =	stream.strided.scatter [tilespmem:s31], [sflag:$0x8], $0x640, s7, s6, $0x38;
	v63 =	vld [tilespmem:$0x0]  }
0x148: {  	s11 =	simm.s32 $0x1A240;
	s0 =	sadd.s32 $0x380, s4  }
0x149: {  	[hbm4b:s0+s6] =	stream.strided.scatter [tilespmem:s11], [sflag:$0x8], $0x640, s7, s6, $0x38;
	v63 =	vld [tilespmem:$0x0]  }
0x14a: {  	s14 =	simm.s32 $0x1A880;
	s12 =	sadd.s32 $0x700, s4  }
0x14b: {  	[hbm4b:s12+s6] =	stream.strided.scatter [tilespmem:s14], [sflag:$0x8], $0x640, s7, s6, $0x38;
	v63 =	vld [tilespmem:$0x0]  }
0x14c: {  	s21 =	simm.s32 $0x1AEC0;
	s20 =	sadd.s32 $0xA80, s4  }
0x14d: {  	[hbm4b:s20+s6] =	stream.strided.scatter [tilespmem:s21], [sflag:$0x8], $0x640, s7, s6, $0x38;
	v63 =	vld [tilespmem:$0x0]  }
0x14e: {  	s22 =	sadd.s32 $0xE00, s4;
	s31 =	simm.s32 $0x1B500  }
0x14f: {  	[hbm4b:s22+s6] =	stream.strided.scatter [tilespmem:s31], [sflag:$0x8], $0x640, s7, s6, $0x38;
	v63 =	vld [tilespmem:$0x0]  }
0x150: {  	s11 =	sadd.s32 $0x1180, s4;
	s12 =	simm.s32 $0x1BB40  }
0x151: {  	[hbm4b:s11+s6] =	stream.strided.scatter [tilespmem:s12], [sflag:$0x8], $0x640, s7, s6, $0x38;
	v63 =	vld [tilespmem:$0x0]  }
0x152: {  	s14 =	sadd.s32 $0x1500, s4;
	s20 =	simm.s32 $0x1C180  }
0x153: {  	[hbm4b:s14+s6] =	stream.strided.scatter [tilespmem:s20], [sflag:$0x8], $0x640, s7, s6, $0x38;
	v63 =	vld [tilespmem:$0x0]  }
0x154: {  	s21 =	sadd.s32 $0x1880, s4;
	s22 =	simm.s32 $0x1C7C0  }
0x155: {  	[hbm4b:s21+s6] =	stream.strided.scatter [tilespmem:s22], [sflag:$0x8], $0x640, s7, s6, $0x38;
	v63 =	vld [tilespmem:$0x0]  }
0x156: {  	s0 =	sadd.s32 $0x1C00, s4;
	s11 =	simm.s32 $0x1CE00  }
0x157: {  	[hbm4b:s0+s6] =	stream.strided.scatter [tilespmem:s11], [sflag:$0x8], $0x640, s7, s6, $0x38;
	v63 =	vld [tilespmem:$0x0]  }
0x158: {  	s12 =	sadd.s32 $0x1F80, s4;
	s14 =	simm.s32 $0x1D440  }
0x159: {  	[hbm4b:s12+s6] =	stream.strided.scatter [tilespmem:s14], [sflag:$0x8], $0x640, s7, s6, $0x38;
	v63 =	vld [tilespmem:$0x0]  }
0x15a: {  	s20 =	sadd.s32 $0x2300, s4;
	s21 =	simm.s32 $0x1DA80  }
0x15b: {  	[hbm4b:s20+s6] =	stream.strided.scatter [tilespmem:s21], [sflag:$0x8], $0x640, s7, s6, $0x38;
	v63 =	vld [tilespmem:$0x0]  }
0x15c: {  	s0 =	sadd.s32 $0x2680, s4;
	s11 =	simm.s32 $0x1E0C0  }
0x15d: {  	[hbm4b:s0+s6] =	stream.strided.scatter [tilespmem:s11], [sflag:$0x8], $0x640, s7, s6, $0x38;
	v63 =	vld [tilespmem:$0x0]  }
0x15e: {  	s20 =	sadd.s32 $0x2A00, s4;
	s21 =	simm.s32 $0x1E700  }
0x15f: {  	[hbm4b:s20+s6] =	stream.strided.scatter [tilespmem:s21], [sflag:$0x8], $0x640, s7, s6, $0x38;
	v63 =	vld [tilespmem:$0x0]  }
0x160: {  	s0 =	sadd.s32 $0x2D80, s4;
	s20 =	simm.s32 $0x1ED40  }
0x161: {  	[hbm4b:s0+s6] =	stream.strided.scatter [tilespmem:s20], [sflag:$0x8], $0x640, s7, s6, $0x38;
	v63 =	vld [tilespmem:$0x0]  }
0x162: {  	s0 =	sadd.s32 $0x3100, s4;
	s20 =	simm.s32 $0x1F380  }
0x163: {  	[hbm4b:s0+s6] =	stream.strided.scatter [tilespmem:s20], [sflag:$0x8], $0x640, s7, s6, $0x38;
	v63 =	vld [tilespmem:$0x0]  }
0x164: {  	s4 =	sadd.s32 $0x3480, s4;
	s20 =	simm.s32 $0x1F9C0  }
0x165: {  	[hbm4b:s4+s6] =	stream.strided.scatter [tilespmem:s20], [sflag:$0x8], $0x640, s7, s6, $0x38;
	v63 =	vld [tilespmem:$0x0]  }
0x166: {  	s20 =	simm.s32 $0x7  }
0x167: {  	_ =	swait.ge [sflag:s20], $0x6400  }
0x168: {  	[sflag:s20] =	ssyncset.done $0x0  }
0x169: {  	s0 =	simm.s32 $0x1500;
	[sflag:s20] =	ssyncadd.s32 $0xFFFF9C00  }
0x16a: {  	[tilespmem:s24], [sflag:$0x3] =	stream.indirect.gather [hbm4b:s3+s16], $0x20, s0, s16, $0xb8;
	v63 =	vld [tilespmem:$0x0]  }
0x16b: {  	s4 =	simm.s32 $0x1538;
	s24 =	simm.s32 $0x13E40  }
0x16c: {  	[tilespmem:s24], [sflag:$0x3] =	stream.indirect.gather [hbm4b:s3+s16], $0x20, s4, s16, $0xb8;
	v63 =	vld [tilespmem:$0x0]  }
0x16d: {  	s4 =	simm.s32 $0x1570;
	s24 =	simm.s32 $0x14480  }
0x16e: {  	[tilespmem:s24], [sflag:$0x3] =	stream.indirect.gather [hbm4b:s3+s16], $0x20, s4, s16, $0xb8;
	v63 =	vld [tilespmem:$0x0]  }
0x16f: {  	s4 =	simm.s32 $0x15A8;
	s24 =	simm.s32 $0x14AC0  }
0x170: {  	[tilespmem:s24], [sflag:$0x3] =	stream.indirect.gather [hbm4b:s3+s16], $0x20, s4, s16, $0xb8;
	v63 =	vld [tilespmem:$0x0]  }
0x171: {  	s4 =	simm.s32 $0x15E0;
	s24 =	simm.s32 $0x15100  }
0x172: {  	[tilespmem:s24], [sflag:$0x3] =	stream.indirect.gather [hbm4b:s3+s16], $0x20, s4, s16, $0xb8;
	v63 =	vld [tilespmem:$0x0]  }
0x173: {  	s4 =	simm.s32 $0x1618;
	s24 =	simm.s32 $0x15740  }
0x174: {  	[tilespmem:s24], [sflag:$0x3] =	stream.indirect.gather [hbm4b:s3+s16], $0x20, s4, s16, $0xb8;
	v63 =	vld [tilespmem:$0x0]  }
0x175: {  	s30 =	simm.s32 $0x15D80;
	s0 =	simm.s32 $0x1650  }
0x176: {  	[tilespmem:s30], [sflag:$0x3] =	stream.indirect.gather [hbm4b:s3+s16], $0x20, s0, s16, $0xb8;
	v63 =	vld [tilespmem:$0x0]  }
0x177: {  	s4 =	simm.s32 $0x1688  }
0x178: {  	[tilespmem:s17], [sflag:$0x3] =	stream.indirect.gather [hbm4b:s3+s16], $0x20, s4, s16, $0xb8;
	v63 =	vld [tilespmem:$0x0]  }
0x179: {  	s24 =	simm.s32 $0x16C0  }
0x17a: {  	[tilespmem:s8], [sflag:$0x3] =	stream.indirect.gather [hbm4b:s3+s16], $0x20, s24, s16, $0xb8;
	v63 =	vld [tilespmem:$0x0]  }
0x17b: {  	s30 =	simm.s32 $0x16F8  }
0x17c: {  	[tilespmem:s1], [sflag:$0x3] =	stream.indirect.gather [hbm4b:s3+s16], $0x20, s30, s16, $0xb8;
	v63 =	vld [tilespmem:$0x0]  }
0x17d: {  	s0 =	simm.s32 $0x1730  }
0x17e: {  	[tilespmem:s5], [sflag:$0x3] =	stream.indirect.gather [hbm4b:s3+s16], $0x20, s0, s16, $0xb8;
	v63 =	vld [tilespmem:$0x0]  }
0x17f: {  	s1 =	simm.s32 $0x1768  }
0x180: {  	[tilespmem:s9], [sflag:$0x3] =	stream.indirect.gather [hbm4b:s3+s16], $0x20, s1, s16, $0xb8;
	v63 =	vld [tilespmem:$0x0]  }
0x181: {  	s4 =	simm.s32 $0x17A0  }
0x182: {  	[tilespmem:s23], [sflag:$0x3] =	stream.indirect.gather [hbm4b:s3+s16], $0x20, s4, s16, $0xb8;
	v63 =	vld [tilespmem:$0x0]  }
0x183: {  	s5 =	simm.s32 $0x17D8  }
0x184: {  	[tilespmem:s25], [sflag:$0x3] =	stream.indirect.gather [hbm4b:s3+s16], $0x20, s5, s16, $0xb8;
	v63 =	vld [tilespmem:$0x0]  }
0x185: {  	s8 =	simm.s32 $0x1810  }
0x186: {  	[tilespmem:s26], [sflag:$0x3] =	stream.indirect.gather [hbm4b:s3+s16], $0x20, s8, s16, $0xb8;
	v63 =	vld [tilespmem:$0x0]  }
0x187: {  	s9 =	simm.s32 $0x1848  }
0x188: {  	[tilespmem:s10], [sflag:$0x3] =	stream.indirect.gather [hbm4b:s3+s16], $0x20, s9, s16, $0xb8;
	v63 =	vld [tilespmem:$0x0]  }
0x189: {  	_ =	swait.ge [sflag:s15], $0x6400  }
0x18a: {  	[sflag:s15] =	ssyncset.done $0x0  }
0x18b: {  	s10 =	simm.s32 $0x7000;
	s4 =	rddreg [dreg:$0xd];
	[sflag:s15] =	ssyncadd.s32 $0xFFFF9C00  }
0x18c: {  	[hbm4b:s4+s6] =	stream.strided.scatter [tilespmem:s10], [sflag:$0x5], $0x640, s7, s6, $0x38;
	v63 =	vld [tilespmem:$0x0]  }
0x18d: {  	s17 =	simm.s32 $0x7640;
	s15 =	sadd.s32 $0x380, s4  }
0x18e: {  	[hbm4b:s15+s6] =	stream.strided.scatter [tilespmem:s17], [sflag:$0x5], $0x640, s7, s6, $0x38;
	v63 =	vld [tilespmem:$0x0]  }
0x18f: {  	s25 =	simm.s32 $0x7C80;
	s23 =	sadd.s32 $0x700, s4  }
0x190: {  	[hbm4b:s23+s6] =	stream.strided.scatter [tilespmem:s25], [sflag:$0x5], $0x640, s7, s6, $0x38;
	v63 =	vld [tilespmem:$0x0]  }
0x191: {  	s30 =	simm.s32 $0x82C0;
	s26 =	sadd.s32 $0xA80, s4  }
0x192: {  	[hbm4b:s26+s6] =	stream.strided.scatter [tilespmem:s30], [sflag:$0x5], $0x640, s7, s6, $0x38;
	v63 =	vld [tilespmem:$0x0]  }
0x193: {  	s1 =	simm.s32 $0x8900;
	s0 =	sadd.s32 $0xE00, s4  }
0x194: {  	[hbm4b:s0+s6] =	stream.strided.scatter [tilespmem:s1], [sflag:$0x5], $0x640, s7, s6, $0x38;
	v63 =	vld [tilespmem:$0x0]  }
0x195: {  	s8 =	simm.s32 $0x8F40;
	s5 =	sadd.s32 $0x1180, s4  }
0x196: {  	[hbm4b:s5+s6] =	stream.strided.scatter [tilespmem:s8], [sflag:$0x5], $0x640, s7, s6, $0x38;
	v63 =	vld [tilespmem:$0x0]  }
0x197: {  	s9 =	sadd.s32 $0x1500, s4;
	s10 =	simm.s32 $0x9580  }
0x198: {  	[hbm4b:s9+s6] =	stream.strided.scatter [tilespmem:s10], [sflag:$0x5], $0x640, s7, s6, $0x38;
	v63 =	vld [tilespmem:$0x0]  }
0x199: {  	s15 =	sadd.s32 $0x1880, s4;
	s17 =	simm.s32 $0x9BC0  }
0x19a: {  	[hbm4b:s15+s6] =	stream.strided.scatter [tilespmem:s17], [sflag:$0x5], $0x640, s7, s6, $0x38;
	v63 =	vld [tilespmem:$0x0]  }
0x19b: {  	s23 =	sadd.s32 $0x1C00, s4;
	s25 =	simm.s32 $0xA200  }
0x19c: {  	[hbm4b:s23+s6] =	stream.strided.scatter [tilespmem:s25], [sflag:$0x5], $0x640, s7, s6, $0x38;
	v63 =	vld [tilespmem:$0x0]  }
0x19d: {  	s26 =	sadd.s32 $0x1F80, s4;
	s30 =	simm.s32 $0xA840  }
0x19e: {  	[hbm4b:s26+s6] =	stream.strided.scatter [tilespmem:s30], [sflag:$0x5], $0x640, s7, s6, $0x38;
	v63 =	vld [tilespmem:$0x0]  }
0x19f: {  	s0 =	sadd.s32 $0x2300, s4;
	s1 =	simm.s32 $0xAE80  }
0x1a0: {  	[hbm4b:s0+s6] =	stream.strided.scatter [tilespmem:s1], [sflag:$0x5], $0x640, s7, s6, $0x38;
	v63 =	vld [tilespmem:$0x0]  }
0x1a1: {  	s8 =	sadd.s32 $0x2680, s4;
	s9 =	simm.s32 $0xB4C0  }
0x1a2: {  	[hbm4b:s8+s6] =	stream.strided.scatter [tilespmem:s9], [sflag:$0x5], $0x640, s7, s6, $0x38;
	v63 =	vld [tilespmem:$0x0]  }
0x1a3: {  	s10 =	sadd.s32 $0x2A00, s4;
	s23 =	simm.s32 $0xBB00  }
0x1a4: {  	[hbm4b:s10+s6] =	stream.strided.scatter [tilespmem:s23], [sflag:$0x5], $0x640, s7, s6, $0x38;
	v63 =	vld [tilespmem:$0x0]  }
0x1a5: {  	s25 =	sadd.s32 $0x2D80, s4;
	s30 =	simm.s32 $0xC140  }
0x1a6: {  	[hbm4b:s25+s6] =	stream.strided.scatter [tilespmem:s30], [sflag:$0x5], $0x640, s7, s6, $0x38;
	v63 =	vld [tilespmem:$0x0]  }
0x1a7: {  	s1 =	sadd.s32 $0x3100, s4;
	s8 =	simm.s32 $0xC780  }
0x1a8: {  	[hbm4b:s1+s6] =	stream.strided.scatter [tilespmem:s8], [sflag:$0x5], $0x640, s7, s6, $0x38;
	v63 =	vld [tilespmem:$0x0]  }
0x1a9: {  	s23 =	sadd.s32 $0x3480, s4;
	s25 =	simm.s32 $0xCDC0;
	s30 =	simm.s32 $0x8  }
0x1aa: {  	[hbm4b:s23+s6] =	stream.strided.scatter [tilespmem:s25], [sflag:$0x5], $0x640, s7, s6, $0x38;
	v63 =	vld [tilespmem:$0x0]  }
0x1ab: {  	_ =	swait.ge [sflag:s30], $0x6400  }
0x1ac: {  	[sflag:s30] =	ssyncset.done $0x0  }
0x1ad: {  	s0 =	simm.s32 $0x1880;
	s23 =	simm.s32 $0x19C00;
	[sflag:s30] =	ssyncadd.s32 $0xFFFF9C00  }
0x1ae: {  	[tilespmem:s23], [sflag:$0x4] =	stream.indirect.gather [hbm4b:s3+s16], $0x20, s0, s16, $0xb8;
	v63 =	vld [tilespmem:$0x0]  }
0x1af: {  	s25 =	simm.s32 $0x18B8;
	s30 =	simm.s32 $0x1A240  }
0x1b0: {  	[tilespmem:s30], [sflag:$0x4] =	stream.indirect.gather [hbm4b:s3+s16], $0x20, s25, s16, $0xb8;
	v63 =	vld [tilespmem:$0x0]  }
0x1b1: {  	s0 =	simm.s32 $0x18F0;
	s23 =	simm.s32 $0x1A880  }
0x1b2: {  	[tilespmem:s23], [sflag:$0x4] =	stream.indirect.gather [hbm4b:s3+s16], $0x20, s0, s16, $0xb8;
	v63 =	vld [tilespmem:$0x0]  }
0x1b3: {  	s25 =	simm.s32 $0x1928;
	s30 =	simm.s32 $0x1AEC0  }
0x1b4: {  	[tilespmem:s30], [sflag:$0x4] =	stream.indirect.gather [hbm4b:s3+s16], $0x20, s25, s16, $0xb8;
	v63 =	vld [tilespmem:$0x0]  }
0x1b5: {  	s31 =	simm.s32 $0x1B500;
	s0 =	simm.s32 $0x1960  }
0x1b6: {  	[tilespmem:s31], [sflag:$0x4] =	stream.indirect.gather [hbm4b:s3+s16], $0x20, s0, s16, $0xb8;
	v63 =	vld [tilespmem:$0x0]  }
0x1b7: {  	s23 =	simm.s32 $0x1998;
	s25 =	simm.s32 $0x1BB40  }
0x1b8: {  	[tilespmem:s25], [sflag:$0x4] =	stream.indirect.gather [hbm4b:s3+s16], $0x20, s23, s16, $0xb8;
	v63 =	vld [tilespmem:$0x0]  }
0x1b9: {  	s30 =	simm.s32 $0x19D0;
	s31 =	simm.s32 $0x1C180  }
0x1ba: {  	[tilespmem:s31], [sflag:$0x4] =	stream.indirect.gather [hbm4b:s3+s16], $0x20, s30, s16, $0xb8;
	v63 =	vld [tilespmem:$0x0]  }
0x1bb: {  	s23 =	simm.s32 $0x1A08;
	s25 =	simm.s32 $0x1C7C0  }
0x1bc: {  	[tilespmem:s25], [sflag:$0x4] =	stream.indirect.gather [hbm4b:s3+s16], $0x20, s23, s16, $0xb8;
	v63 =	vld [tilespmem:$0x0]  }
0x1bd: {  	s22 =	simm.s32 $0x1CE00;
	s30 =	simm.s32 $0x1A40  }
0x1be: {  	[tilespmem:s22], [sflag:$0x4] =	stream.indirect.gather [hbm4b:s3+s16], $0x20, s30, s16, $0xb8;
	v63 =	vld [tilespmem:$0x0]  }
0x1bf: {  	s14 =	simm.s32 $0x1D440;
	s31 =	simm.s32 $0x1A78  }
0x1c0: {  	[tilespmem:s14], [sflag:$0x4] =	stream.indirect.gather [hbm4b:s3+s16], $0x20, s31, s16, $0xb8;
	v63 =	vld [tilespmem:$0x0]  }
0x1c1: {  	s12 =	simm.s32 $0x1DA80;
	s0 =	simm.s32 $0x1AB0  }
0x1c2: {  	[tilespmem:s12], [sflag:$0x4] =	stream.indirect.gather [hbm4b:s3+s16], $0x20, s0, s16, $0xb8;
	v63 =	vld [tilespmem:$0x0]  }
0x1c3: {  	s11 =	simm.s32 $0x1E0C0;
	s12 =	simm.s32 $0x1AE8  }
0x1c4: {  	[tilespmem:s11], [sflag:$0x4] =	stream.indirect.gather [hbm4b:s3+s16], $0x20, s12, s16, $0xb8;
	v63 =	vld [tilespmem:$0x0]  }
0x1c5: {  	s21 =	simm.s32 $0x1E700;
	s14 =	simm.s32 $0x1B20  }
0x1c6: {  	[tilespmem:s21], [sflag:$0x4] =	stream.indirect.gather [hbm4b:s3+s16], $0x20, s14, s16, $0xb8;
	v63 =	vld [tilespmem:$0x0]  }
0x1c7: {  	s22 =	simm.s32 $0x1ED40;
	s21 =	simm.s32 $0x1B58  }
0x1c8: {  	[tilespmem:s22], [sflag:$0x4] =	stream.indirect.gather [hbm4b:s3+s16], $0x20, s21, s16, $0xb8;
	v63 =	vld [tilespmem:$0x0]  }
0x1c9: {  	s23 =	simm.s32 $0x1B90;
	s25 =	simm.s32 $0x1F380  }
0x1ca: {  	[tilespmem:s25], [sflag:$0x4] =	stream.indirect.gather [hbm4b:s3+s16], $0x20, s23, s16, $0xb8;
	v63 =	vld [tilespmem:$0x0]  }
0x1cb: {  	s30 =	simm.s32 $0x1BC8;
	s31 =	simm.s32 $0x1F9C0  }
0x1cc: {  	[tilespmem:s31], [sflag:$0x4] =	stream.indirect.gather [hbm4b:s3+s16], $0x20, s30, s16, $0xb8;
	v63 =	vld [tilespmem:$0x0]  }
0x1cd: {  	_ =	swait.ge [sflag:s18], $0x6400  }
0x1ce: {  	[sflag:s18] =	ssyncset.done $0x0  }
0x1cf: {  	s11 =	sadd.s32 $0x3800, s4;
	s12 =	simm.s32 $0xD400;
	[sflag:s18] =	ssyncadd.s32 $0xFFFF9C00  }
0x1d0: {  	[hbm4b:s11+s6] =	stream.strided.scatter [tilespmem:s12], [sflag:$0x6], $0x640, s7, s6, $0x38;
	v63 =	vld [tilespmem:$0x0]  }
0x1d1: {  	s14 =	sadd.s32 $0x3B80, s4;
	s18 =	simm.s32 $0xDA40  }
0x1d2: {  	[hbm4b:s14+s6] =	stream.strided.scatter [tilespmem:s18], [sflag:$0x6], $0x640, s7, s6, $0x38;
	v63 =	vld [tilespmem:$0x0]  }
0x1d3: {  	s21 =	sadd.s32 $0x3F00, s4;
	s22 =	simm.s32 $0xE080  }
0x1d4: {  	[hbm4b:s21+s6] =	stream.strided.scatter [tilespmem:s22], [sflag:$0x6], $0x640, s7, s6, $0x38;
	v63 =	vld [tilespmem:$0x0]  }
0x1d5: {  	s23 =	sadd.s32 $0x4280, s4;
	s25 =	simm.s32 $0xE6C0  }
0x1d6: {  	[hbm4b:s23+s6] =	stream.strided.scatter [tilespmem:s25], [sflag:$0x6], $0x640, s7, s6, $0x38;
	v63 =	vld [tilespmem:$0x0]  }
0x1d7: {  	s30 =	sadd.s32 $0x4600, s4;
	s31 =	simm.s32 $0xED00  }
0x1d8: {  	[hbm4b:s30+s6] =	stream.strided.scatter [tilespmem:s31], [sflag:$0x6], $0x640, s7, s6, $0x38;
	v63 =	vld [tilespmem:$0x0]  }
0x1d9: {  	s11 =	sadd.s32 $0x4980, s4;
	s12 =	simm.s32 $0xF340  }
0x1da: {  	[hbm4b:s11+s6] =	stream.strided.scatter [tilespmem:s12], [sflag:$0x6], $0x640, s7, s6, $0x38;
	v63 =	vld [tilespmem:$0x0]  }
0x1db: {  	s14 =	sadd.s32 $0x4D00, s4;
	s18 =	simm.s32 $0xF980  }
0x1dc: {  	[hbm4b:s14+s6] =	stream.strided.scatter [tilespmem:s18], [sflag:$0x6], $0x640, s7, s6, $0x38;
	v63 =	vld [tilespmem:$0x0]  }
0x1dd: {  	s21 =	sadd.s32 $0x5080, s4;
	s22 =	simm.s32 $0xFFC0  }
0x1de: {  	[hbm4b:s21+s6] =	stream.strided.scatter [tilespmem:s22], [sflag:$0x6], $0x640, s7, s6, $0x38;
	v63 =	vld [tilespmem:$0x0]  }
0x1df: {  	s23 =	sadd.s32 $0x5400, s4;
	s25 =	simm.s32 $0x10600  }
0x1e0: {  	[hbm4b:s23+s6] =	stream.strided.scatter [tilespmem:s25], [sflag:$0x6], $0x640, s7, s6, $0x38;
	v63 =	vld [tilespmem:$0x0]  }
0x1e1: {  	s30 =	sadd.s32 $0x5780, s4;
	s23 =	simm.s32 $0x10C40  }
0x1e2: {  	[hbm4b:s30+s6] =	stream.strided.scatter [tilespmem:s23], [sflag:$0x6], $0x640, s7, s6, $0x38;
	v63 =	vld [tilespmem:$0x0]  }
0x1e3: {  	s31 =	sadd.s32 $0x5B00, s4;
	s21 =	simm.s32 $0x11280  }
0x1e4: {  	[hbm4b:s31+s6] =	stream.strided.scatter [tilespmem:s21], [sflag:$0x6], $0x640, s7, s6, $0x38;
	v63 =	vld [tilespmem:$0x0]  }
0x1e5: {  	s0 =	sadd.s32 $0x5E80, s4;
	s31 =	simm.s32 $0x118C0  }
0x1e6: {  	[hbm4b:s0+s6] =	stream.strided.scatter [tilespmem:s31], [sflag:$0x6], $0x640, s7, s6, $0x38;
	v63 =	vld [tilespmem:$0x0]  }
0x1e7: {  	s11 =	sadd.s32 $0x6200, s4;
	s30 =	simm.s32 $0x11F00  }
0x1e8: {  	[hbm4b:s11+s6] =	stream.strided.scatter [tilespmem:s30], [sflag:$0x6], $0x640, s7, s6, $0x38;
	v63 =	vld [tilespmem:$0x0]  }
0x1e9: {  	s12 =	sadd.s32 $0x6580, s4;
	s14 =	simm.s32 $0x12540  }
0x1ea: {  	[hbm4b:s12+s6] =	stream.strided.scatter [tilespmem:s14], [sflag:$0x6], $0x640, s7, s6, $0x38;
	v63 =	vld [tilespmem:$0x0]  }
0x1eb: {  	s18 =	sadd.s32 $0x6900, s4;
	s22 =	simm.s32 $0x12B80  }
0x1ec: {  	[hbm4b:s18+s6] =	stream.strided.scatter [tilespmem:s22], [sflag:$0x6], $0x640, s7, s6, $0x38;
	v63 =	vld [tilespmem:$0x0]  }
0x1ed: {  	s11 =	sadd.s32 $0x6C80, s4;
	s22 =	simm.s32 $0x131C0  }
0x1ee: {  	[hbm4b:s11+s6] =	stream.strided.scatter [tilespmem:s22], [sflag:$0x6], $0x640, s7, s6, $0x38;
	v63 =	vld [tilespmem:$0x0]  }
0x1ef: {  	_ =	swait.ge [sflag:s19], $0x6400  }
0x1f0: {  	[sflag:s19] =	ssyncset.done $0x0  }
0x1f1: {  	s12 =	simm.s32 $0x1C00;
	s14 =	simm.s32 $0x7000;
	[sflag:s19] =	ssyncadd.s32 $0xFFFF9C00  }
0x1f2: {  	[tilespmem:s14], [sflag:$0x1] =	stream.indirect.gather [hbm4b:s3+s16], $0x20, s12, s16, $0xb8;
	v63 =	vld [tilespmem:$0x0]  }
0x1f3: {  	s18 =	simm.s32 $0x1C38;
	s19 =	simm.s32 $0x7640  }
0x1f4: {  	[tilespmem:s19], [sflag:$0x1] =	stream.indirect.gather [hbm4b:s3+s16], $0x20, s18, s16, $0xb8;
	v63 =	vld [tilespmem:$0x0]  }
0x1f5: {  	s0 =	simm.s32 $0x1C70;
	s11 =	simm.s32 $0x7C80  }
0x1f6: {  	[tilespmem:s11], [sflag:$0x1] =	stream.indirect.gather [hbm4b:s3+s16], $0x20, s0, s16, $0xb8;
	v63 =	vld [tilespmem:$0x0]  }
0x1f7: {  	s12 =	simm.s32 $0x1CA8;
	s14 =	simm.s32 $0x82C0  }
0x1f8: {  	[tilespmem:s14], [sflag:$0x1] =	stream.indirect.gather [hbm4b:s3+s16], $0x20, s12, s16, $0xb8;
	v63 =	vld [tilespmem:$0x0]  }
0x1f9: {  	s18 =	simm.s32 $0x1CE0;
	s19 =	simm.s32 $0x8900  }
0x1fa: {  	[tilespmem:s19], [sflag:$0x1] =	stream.indirect.gather [hbm4b:s3+s16], $0x20, s18, s16, $0xb8;
	v63 =	vld [tilespmem:$0x0]  }
0x1fb: {  	s0 =	simm.s32 $0x1D18;
	s11 =	simm.s32 $0x8F40  }
0x1fc: {  	[tilespmem:s11], [sflag:$0x1] =	stream.indirect.gather [hbm4b:s3+s16], $0x20, s0, s16, $0xb8;
	v63 =	vld [tilespmem:$0x0]  }
0x1fd: {  	s12 =	simm.s32 $0x1D50;
	s14 =	simm.s32 $0x9580  }
0x1fe: {  	[tilespmem:s14], [sflag:$0x1] =	stream.indirect.gather [hbm4b:s3+s16], $0x20, s12, s16, $0xb8;
	v63 =	vld [tilespmem:$0x0]  }
0x1ff: {  	s18 =	simm.s32 $0x1D88;
	s19 =	simm.s32 $0x9BC0  }
0x200: {  	[tilespmem:s19], [sflag:$0x1] =	stream.indirect.gather [hbm4b:s3+s16], $0x20, s18, s16, $0xb8;
	v63 =	vld [tilespmem:$0x0]  }
0x201: {  	s17 =	simm.s32 $0xA200;
	s0 =	simm.s32 $0x1DC0  }
0x202: {  	[tilespmem:s17], [sflag:$0x1] =	stream.indirect.gather [hbm4b:s3+s16], $0x20, s0, s16, $0xb8;
	v63 =	vld [tilespmem:$0x0]  }
0x203: {  	s5 =	simm.s32 $0xA840;
	s11 =	simm.s32 $0x1DF8  }
0x204: {  	[tilespmem:s5], [sflag:$0x1] =	stream.indirect.gather [hbm4b:s3+s16], $0x20, s11, s16, $0xb8;
	v63 =	vld [tilespmem:$0x0]  }
0x205: {  	s26 =	simm.s32 $0xAE80;
	s12 =	simm.s32 $0x1E30  }
0x206: {  	[tilespmem:s26], [sflag:$0x1] =	stream.indirect.gather [hbm4b:s3+s16], $0x20, s12, s16, $0xb8;
	v63 =	vld [tilespmem:$0x0]  }
0x207: {  	s15 =	simm.s32 $0xB4C0;
	s14 =	simm.s32 $0x1E68  }
0x208: {  	[tilespmem:s15], [sflag:$0x1] =	stream.indirect.gather [hbm4b:s3+s16], $0x20, s14, s16, $0xb8;
	v63 =	vld [tilespmem:$0x0]  }
0x209: {  	s10 =	simm.s32 $0xBB00;
	s17 =	simm.s32 $0x1EA0  }
0x20a: {  	[tilespmem:s10], [sflag:$0x1] =	stream.indirect.gather [hbm4b:s3+s16], $0x20, s17, s16, $0xb8;
	v63 =	vld [tilespmem:$0x0]  }
0x20b: {  	s9 =	simm.s32 $0xC140;
	s18 =	simm.s32 $0x1ED8  }
0x20c: {  	[tilespmem:s9], [sflag:$0x1] =	stream.indirect.gather [hbm4b:s3+s16], $0x20, s18, s16, $0xb8;
	v63 =	vld [tilespmem:$0x0]  }
0x20d: {  	s1 =	simm.s32 $0xC780;
	s19 =	simm.s32 $0x1F10  }
0x20e: {  	[tilespmem:s1], [sflag:$0x1] =	stream.indirect.gather [hbm4b:s3+s16], $0x20, s19, s16, $0xb8;
	v63 =	vld [tilespmem:$0x0]  }
0x20f: {  	s8 =	simm.s32 $0xCDC0;
	s26 =	simm.s32 $0x1F48  }
0x210: {  	[tilespmem:s8], [sflag:$0x1] =	stream.indirect.gather [hbm4b:s3+s16], $0x20, s26, s16, $0xb8;
	v63 =	vld [tilespmem:$0x0]  }
0x211: {  	_ =	swait.ge [sflag:s28], $0x6400  }
0x212: {  	[sflag:s28] =	ssyncset.done $0x0  }
0x213: {  	s0 =	sadd.s32 $0x7000, s4;
	s8 =	simm.s32 $0x13800;
	[sflag:s28] =	ssyncadd.s32 $0xFFFF9C00  }
0x214: {  	[hbm4b:s0+s6] =	stream.strided.scatter [tilespmem:s8], [sflag:$0x7], $0x640, s7, s6, $0x38;
	v63 =	vld [tilespmem:$0x0]  }
0x215: {  	s1 =	sadd.s32 $0x7380, s4;
	s19 =	simm.s32 $0x13E40  }
0x216: {  	[hbm4b:s1+s6] =	stream.strided.scatter [tilespmem:s19], [sflag:$0x7], $0x640, s7, s6, $0x38;
	v63 =	vld [tilespmem:$0x0]  }
0x217: {  	s5 =	sadd.s32 $0x7700, s4;
	s18 =	simm.s32 $0x14480  }
0x218: {  	[hbm4b:s5+s6] =	stream.strided.scatter [tilespmem:s18], [sflag:$0x7], $0x640, s7, s6, $0x38;
	v63 =	vld [tilespmem:$0x0]  }
0x219: {  	s17 =	simm.s32 $0x14AC0;
	s9 =	sadd.s32 $0x7A80, s4  }
0x21a: {  	[hbm4b:s9+s6] =	stream.strided.scatter [tilespmem:s17], [sflag:$0x7], $0x640, s7, s6, $0x38;
	v63 =	vld [tilespmem:$0x0]  }
0x21b: {  	s15 =	simm.s32 $0x15100;
	s10 =	sadd.s32 $0x7E00, s4  }
0x21c: {  	[hbm4b:s10+s6] =	stream.strided.scatter [tilespmem:s15], [sflag:$0x7], $0x640, s7, s6, $0x38;
	v63 =	vld [tilespmem:$0x0]  }
0x21d: {  	s11 =	sadd.s32 $0x8180, s4;
	s10 =	simm.s32 $0x15740  }
0x21e: {  	[hbm4b:s11+s6] =	stream.strided.scatter [tilespmem:s10], [sflag:$0x7], $0x640, s7, s6, $0x38;
	v63 =	vld [tilespmem:$0x0]  }
0x21f: {  	s12 =	sadd.s32 $0x8500, s4;
	s1 =	simm.s32 $0x15D80  }
0x220: {  	[hbm4b:s12+s6] =	stream.strided.scatter [tilespmem:s1], [sflag:$0x7], $0x640, s7, s6, $0x38;
	v63 =	vld [tilespmem:$0x0]  }
0x221: {  	s14 =	sadd.s32 $0x8880, s4;
	s5 =	simm.s32 $0x163C0  }
0x222: {  	[hbm4b:s14+s6] =	stream.strided.scatter [tilespmem:s5], [sflag:$0x7], $0x640, s7, s6, $0x38;
	v63 =	vld [tilespmem:$0x0]  }
0x223: {  	s26 =	sadd.s32 $0x8C00, s4;
	s9 =	simm.s32 $0x16A00  }
0x224: {  	[hbm4b:s26+s6] =	stream.strided.scatter [tilespmem:s9], [sflag:$0x7], $0x640, s7, s6, $0x38;
	v63 =	vld [tilespmem:$0x0]  }
0x225: {  	s28 =	sadd.s32 $0x8F80, s4;
	s0 =	simm.s32 $0x17040  }
0x226: {  	[hbm4b:s28+s6] =	stream.strided.scatter [tilespmem:s0], [sflag:$0x7], $0x640, s7, s6, $0x38;
	v63 =	vld [tilespmem:$0x0]  }
0x227: {  	s11 =	sadd.s32 $0x9300, s4;
	s12 =	simm.s32 $0x17680  }
0x228: {  	[hbm4b:s11+s6] =	stream.strided.scatter [tilespmem:s12], [sflag:$0x7], $0x640, s7, s6, $0x38;
	v63 =	vld [tilespmem:$0x0]  }
0x229: {  	s14 =	sadd.s32 $0x9680, s4;
	s12 =	simm.s32 $0x17CC0  }
0x22a: {  	[hbm4b:s14+s6] =	stream.strided.scatter [tilespmem:s12], [sflag:$0x7], $0x640, s7, s6, $0x38;
	v63 =	vld [tilespmem:$0x0]  }
0x22b: {  	s26 =	sadd.s32 $0x9A00, s4;
	s11 =	simm.s32 $0x18300  }
0x22c: {  	[hbm4b:s26+s6] =	stream.strided.scatter [tilespmem:s11], [sflag:$0x7], $0x640, s7, s6, $0x38;
	v63 =	vld [tilespmem:$0x0]  }
0x22d: {  	s14 =	sadd.s32 $0x9D80, s4;
	s26 =	simm.s32 $0x18940  }
0x22e: {  	[hbm4b:s14+s6] =	stream.strided.scatter [tilespmem:s26], [sflag:$0x7], $0x640, s7, s6, $0x38;
	v63 =	vld [tilespmem:$0x0]  }
0x22f: {  	s2 =	sadd.s32 $0xA100, s4;
	s14 =	simm.s32 $0x18F80  }
0x230: {  	[hbm4b:s2+s6] =	stream.strided.scatter [tilespmem:s14], [sflag:$0x7], $0x640, s7, s6, $0x38;
	v63 =	vld [tilespmem:$0x0]  }
0x231: {  	s24 =	simm.s32 $0x195C0;
	s2 =	sadd.s32 $0xA480, s4  }
0x232: {  	[hbm4b:s2+s6] =	stream.strided.scatter [tilespmem:s24], [sflag:$0x7], $0x640, s7, s6, $0x38;
	v63 =	vld [tilespmem:$0x0]  }
0x233: {  	_ =	swait.ge [sflag:s29], $0x6400  }
0x234: {  	[sflag:s29] =	ssyncset.done $0x0  }
0x235: {  	s24 =	simm.s32 $0x1F80;
	[sflag:s29] =	ssyncadd.s32 $0xFFFF9C00;
	s29 =	simm.s32 $0xD400  }
0x236: {  	[tilespmem:s29], [sflag:$0x2] =	stream.indirect.gather [hbm4b:s3+s16], $0x20, s24, s16, $0xb8;
	v63 =	vld [tilespmem:$0x0]  }
0x237: {  	s24 =	simm.s32 $0x1FB8;
	s29 =	simm.s32 $0xDA40  }
0x238: {  	[tilespmem:s29], [sflag:$0x2] =	stream.indirect.gather [hbm4b:s3+s16], $0x20, s24, s16, $0xb8;
	v63 =	vld [tilespmem:$0x0]  }
0x239: {  	s24 =	simm.s32 $0x1FF0;
	s29 =	simm.s32 $0xE080  }
0x23a: {  	[tilespmem:s29], [sflag:$0x2] =	stream.indirect.gather [hbm4b:s3+s16], $0x20, s24, s16, $0xb8;
	v63 =	vld [tilespmem:$0x0]  }
0x23b: {  	s24 =	simm.s32 $0x2028;
	s29 =	simm.s32 $0xE6C0  }
0x23c: {  	[tilespmem:s29], [sflag:$0x2] =	stream.indirect.gather [hbm4b:s3+s16], $0x20, s24, s16, $0xb8;
	v63 =	vld [tilespmem:$0x0]  }
0x23d: {  	s24 =	simm.s32 $0x2060;
	s29 =	simm.s32 $0xED00  }
0x23e: {  	[tilespmem:s29], [sflag:$0x2] =	stream.indirect.gather [hbm4b:s3+s16], $0x20, s24, s16, $0xb8;
	v63 =	vld [tilespmem:$0x0]  }
0x23f: {  	s24 =	simm.s32 $0x2098;
	s29 =	simm.s32 $0xF340  }
0x240: {  	[tilespmem:s29], [sflag:$0x2] =	stream.indirect.gather [hbm4b:s3+s16], $0x20, s24, s16, $0xb8;
	v63 =	vld [tilespmem:$0x0]  }
0x241: {  	s24 =	simm.s32 $0x20D0;
	s29 =	simm.s32 $0xF980  }
0x242: {  	[tilespmem:s29], [sflag:$0x2] =	stream.indirect.gather [hbm4b:s3+s16], $0x20, s24, s16, $0xb8;
	v63 =	vld [tilespmem:$0x0]  }
0x243: {  	s24 =	simm.s32 $0x2108;
	s29 =	simm.s32 $0xFFC0  }
0x244: {  	[tilespmem:s29], [sflag:$0x2] =	stream.indirect.gather [hbm4b:s3+s16], $0x20, s24, s16, $0xb8;
	v63 =	vld [tilespmem:$0x0]  }
0x245: {  	s24 =	simm.s32 $0x2140  }
0x246: {  	[tilespmem:s25], [sflag:$0x2] =	stream.indirect.gather [hbm4b:s3+s16], $0x20, s24, s16, $0xb8;
	v63 =	vld [tilespmem:$0x0]  }
0x247: {  	s25 =	simm.s32 $0x2178  }
0x248: {  	[tilespmem:s23], [sflag:$0x2] =	stream.indirect.gather [hbm4b:s3+s16], $0x20, s25, s16, $0xb8;
	v63 =	vld [tilespmem:$0x0]  }
0x249: {  	s29 =	simm.s32 $0x21B0  }
0x24a: {  	[tilespmem:s21], [sflag:$0x2] =	stream.indirect.gather [hbm4b:s3+s16], $0x20, s29, s16, $0xb8;
	v63 =	vld [tilespmem:$0x0]  }
0x24b: {  	s21 =	simm.s32 $0x21E8  }
0x24c: {  	[tilespmem:s31], [sflag:$0x2] =	stream.indirect.gather [hbm4b:s3+s16], $0x20, s21, s16, $0xb8;
	v63 =	vld [tilespmem:$0x0]  }
0x24d: {  	s23 =	simm.s32 $0x2220  }
0x24e: {  	[tilespmem:s30], [sflag:$0x2] =	stream.indirect.gather [hbm4b:s3+s16], $0x20, s23, s16, $0xb8;
	v63 =	vld [tilespmem:$0x0]  }
0x24f: {  	s24 =	simm.s32 $0x2258;
	s25 =	simm.s32 $0x12540  }
0x250: {  	[tilespmem:s25], [sflag:$0x2] =	stream.indirect.gather [hbm4b:s3+s16], $0x20, s24, s16, $0xb8;
	v63 =	vld [tilespmem:$0x0]  }
0x251: {  	s29 =	simm.s32 $0x2290;
	s30 =	simm.s32 $0x12B80  }
0x252: {  	[tilespmem:s30], [sflag:$0x2] =	stream.indirect.gather [hbm4b:s3+s16], $0x20, s29, s16, $0xb8;
	v63 =	vld [tilespmem:$0x0]  }
0x253: {  	s31 =	simm.s32 $0x22C8  }
0x254: {  	[tilespmem:s22], [sflag:$0x2] =	stream.indirect.gather [hbm4b:s3+s16], $0x20, s31, s16, $0xb8;
	v63 =	vld [tilespmem:$0x0]  }
0x255: {  	_ =	swait.ge [sflag:s13], $0x6400  }
0x256: {  	[sflag:s13] =	ssyncset.done $0x0  }
0x257: {  	s21 =	sadd.s32 $0xA800, s4;
	s22 =	simm.s32 $0x19C00;
	[sflag:s13] =	ssyncadd.s32 $0xFFFF9C00  }
0x258: {  	[hbm4b:s21+s6] =	stream.strided.scatter [tilespmem:s22], [sflag:$0x8], $0x640, s7, s6, $0x38;
	v63 =	vld [tilespmem:$0x0]  }
0x259: {  	s23 =	sadd.s32 $0xAB80, s4;
	s24 =	simm.s32 $0x1A240  }
0x25a: {  	[hbm4b:s23+s6] =	stream.strided.scatter [tilespmem:s24], [sflag:$0x8], $0x640, s7, s6, $0x38;
	v63 =	vld [tilespmem:$0x0]  }
0x25b: {  	s25 =	sadd.s32 $0xAF00, s4;
	s29 =	simm.s32 $0x1A880  }
0x25c: {  	[hbm4b:s25+s6] =	stream.strided.scatter [tilespmem:s29], [sflag:$0x8], $0x640, s7, s6, $0x38;
	v63 =	vld [tilespmem:$0x0]  }
0x25d: {  	s30 =	sadd.s32 $0xB280, s4;
	s31 =	simm.s32 $0x1AEC0  }
0x25e: {  	[hbm4b:s30+s6] =	stream.strided.scatter [tilespmem:s31], [sflag:$0x8], $0x640, s7, s6, $0x38;
	v63 =	vld [tilespmem:$0x0]  }
0x25f: {  	s21 =	sadd.s32 $0xB600, s4;
	s22 =	simm.s32 $0x1B500  }
0x260: {  	[hbm4b:s21+s6] =	stream.strided.scatter [tilespmem:s22], [sflag:$0x8], $0x640, s7, s6, $0x38;
	v63 =	vld [tilespmem:$0x0]  }
0x261: {  	s23 =	sadd.s32 $0xB980, s4;
	s24 =	simm.s32 $0x1BB40  }
0x262: {  	[hbm4b:s23+s6] =	stream.strided.scatter [tilespmem:s24], [sflag:$0x8], $0x640, s7, s6, $0x38;
	v63 =	vld [tilespmem:$0x0]  }
0x263: {  	s25 =	sadd.s32 $0xBD00, s4;
	s29 =	simm.s32 $0x1C180  }
0x264: {  	[hbm4b:s25+s6] =	stream.strided.scatter [tilespmem:s29], [sflag:$0x8], $0x640, s7, s6, $0x38;
	v63 =	vld [tilespmem:$0x0]  }
0x265: {  	s30 =	sadd.s32 $0xC080, s4;
	s31 =	simm.s32 $0x1C7C0  }
0x266: {  	[hbm4b:s30+s6] =	stream.strided.scatter [tilespmem:s31], [sflag:$0x8], $0x640, s7, s6, $0x38;
	v63 =	vld [tilespmem:$0x0]  }
0x267: {  	s21 =	sadd.s32 $0xC400, s4;
	s22 =	simm.s32 $0x1CE00  }
0x268: {  	[hbm4b:s21+s6] =	stream.strided.scatter [tilespmem:s22], [sflag:$0x8], $0x640, s7, s6, $0x38;
	v63 =	vld [tilespmem:$0x0]  }
0x269: {  	s23 =	sadd.s32 $0xC780, s4;
	s24 =	simm.s32 $0x1D440  }
0x26a: {  	[hbm4b:s23+s6] =	stream.strided.scatter [tilespmem:s24], [sflag:$0x8], $0x640, s7, s6, $0x38;
	v63 =	vld [tilespmem:$0x0]  }
0x26b: {  	s25 =	sadd.s32 $0xCB00, s4;
	s29 =	simm.s32 $0x1DA80  }
0x26c: {  	[hbm4b:s25+s6] =	stream.strided.scatter [tilespmem:s29], [sflag:$0x8], $0x640, s7, s6, $0x38;
	v63 =	vld [tilespmem:$0x0]  }
0x26d: {  	s30 =	sadd.s32 $0xCE80, s4;
	s31 =	simm.s32 $0x1E0C0  }
0x26e: {  	[hbm4b:s30+s6] =	stream.strided.scatter [tilespmem:s31], [sflag:$0x8], $0x640, s7, s6, $0x38;
	v63 =	vld [tilespmem:$0x0]  }
0x26f: {  	s13 =	sadd.s32 $0xD200, s4;
	s21 =	simm.s32 $0x1E700  }
0x270: {  	[hbm4b:s13+s6] =	stream.strided.scatter [tilespmem:s21], [sflag:$0x8], $0x640, s7, s6, $0x38;
	v63 =	vld [tilespmem:$0x0]  }
0x271: {  	s22 =	sadd.s32 $0xD580, s4;
	s23 =	simm.s32 $0x1ED40  }
0x272: {  	[hbm4b:s22+s6] =	stream.strided.scatter [tilespmem:s23], [sflag:$0x8], $0x640, s7, s6, $0x38;
	v63 =	vld [tilespmem:$0x0]  }
0x273: {  	s24 =	sadd.s32 $0xD900, s4;
	s25 =	simm.s32 $0x1F380  }
0x274: {  	[hbm4b:s24+s6] =	stream.strided.scatter [tilespmem:s25], [sflag:$0x8], $0x640, s7, s6, $0x38;
	v63 =	vld [tilespmem:$0x0]  }
0x275: {  	s29 =	sadd.s32 $0xDC80, s4;
	s30 =	simm.s32 $0x1F9C0  }
0x276: {  	[hbm4b:s29+s6] =	stream.strided.scatter [tilespmem:s30], [sflag:$0x8], $0x640, s7, s6, $0x38;
	v63 =	vld [tilespmem:$0x0]  }
0x277: {  	_ =	swait.ge [sflag:s20], $0x6400  }
0x278: {  	[sflag:s20] =	ssyncset.done $0x0  }
0x279: {  	s31 =	simm.s32 $0x2300;
	[sflag:s20] =	ssyncadd.s32 $0xFFFF9C00  }
0x27a: {  	[tilespmem:s8], [sflag:$0x3] =	stream.indirect.gather [hbm4b:s3+s16], $0x20, s31, s16, $0xb8;
	v63 =	vld [tilespmem:$0x0]  }
0x27b: {  	s8 =	simm.s32 $0x2338  }
0x27c: {  	[tilespmem:s19], [sflag:$0x3] =	stream.indirect.gather [hbm4b:s3+s16], $0x20, s8, s16, $0xb8;
	v63 =	vld [tilespmem:$0x0]  }
0x27d: {  	s13 =	simm.s32 $0x2370  }
0x27e: {  	[tilespmem:s18], [sflag:$0x3] =	stream.indirect.gather [hbm4b:s3+s16], $0x20, s13, s16, $0xb8;
	v63 =	vld [tilespmem:$0x0]  }
0x27f: {  	s18 =	simm.s32 $0x23A8  }
0x280: {  	[tilespmem:s17], [sflag:$0x3] =	stream.indirect.gather [hbm4b:s3+s16], $0x20, s18, s16, $0xb8;
	v63 =	vld [tilespmem:$0x0]  }
0x281: {  	s19 =	simm.s32 $0x23E0  }
0x282: {  	[tilespmem:s15], [sflag:$0x3] =	stream.indirect.gather [hbm4b:s3+s16], $0x20, s19, s16, $0xb8;
	v63 =	vld [tilespmem:$0x0]  }
0x283: {  	s20 =	simm.s32 $0x2418  }
0x284: {  	[tilespmem:s10], [sflag:$0x3] =	stream.indirect.gather [hbm4b:s3+s16], $0x20, s20, s16, $0xb8;
	v63 =	vld [tilespmem:$0x0]  }
0x285: {  	s21 =	simm.s32 $0x2450  }
0x286: {  	[tilespmem:s1], [sflag:$0x3] =	stream.indirect.gather [hbm4b:s3+s16], $0x20, s21, s16, $0xb8;
	v63 =	vld [tilespmem:$0x0]  }
0x287: {  	s22 =	simm.s32 $0x2488  }
0x288: {  	[tilespmem:s5], [sflag:$0x3] =	stream.indirect.gather [hbm4b:s3+s16], $0x20, s22, s16, $0xb8;
	v63 =	vld [tilespmem:$0x0]  }
0x289: {  	s23 =	simm.s32 $0x24C0  }
0x28a: {  	[tilespmem:s9], [sflag:$0x3] =	stream.indirect.gather [hbm4b:s3+s16], $0x20, s23, s16, $0xb8;
	v63 =	vld [tilespmem:$0x0]  }
0x28b: {  	s24 =	simm.s32 $0x24F8  }
0x28c: {  	[tilespmem:s0], [sflag:$0x3] =	stream.indirect.gather [hbm4b:s3+s16], $0x20, s24, s16, $0xb8;
	v63 =	vld [tilespmem:$0x0]  }
0x28d: {  	s28 =	simm.s32 $0x17680;
	s25 =	simm.s32 $0x2530  }
0x28e: {  	[tilespmem:s28], [sflag:$0x3] =	stream.indirect.gather [hbm4b:s3+s16], $0x20, s25, s16, $0xb8;
	v63 =	vld [tilespmem:$0x0]  }
0x28f: {  	s28 =	simm.s32 $0x2568  }
0x290: {  	[tilespmem:s12], [sflag:$0x3] =	stream.indirect.gather [hbm4b:s3+s16], $0x20, s28, s16, $0xb8;
	v63 =	vld [tilespmem:$0x0]  }
0x291: {  	s29 =	simm.s32 $0x25A0  }
0x292: {  	[tilespmem:s11], [sflag:$0x3] =	stream.indirect.gather [hbm4b:s3+s16], $0x20, s29, s16, $0xb8;
	v63 =	vld [tilespmem:$0x0]  }
0x293: {  	s2 =	simm.s32 $0x3800;
	s30 =	simm.s32 $0x25D8  }
0x294: {  	[tilespmem:s26], [sflag:$0x3] =	stream.indirect.gather [hbm4b:s3+s16], $0x20, s30, s16, $0xb8;
	v63 =	vld [tilespmem:$0x0]  }
0x295: {  	s4 =	sadd.s32 $0xE000, s4;
	s31 =	simm.s32 $0x2610;
	s13 =	simm.s32 $0x2648  }
0x296: {  	[tilespmem:s14], [sflag:$0x3] =	stream.indirect.gather [hbm4b:s3+s16], $0x20, s31, s16, $0xb8;
	v63 =	vld [tilespmem:$0x0]  }
.LBB2_2:
0x297: {  	s0 =	simm.s32 $0x195C0  }
0x298: {  	[tilespmem:s0], [sflag:$0x3] =	stream.indirect.gather [hbm4b:s3+s16], $0x20, s13, s16, $0xb8;
	v63 =	vld [tilespmem:$0x0]  }
0x299: {  	s13 =	smov.u32 s2;
	s0 =	simm.s32 $0x1  }
0x29a: {  	p0 =	sne.s32 s2, $0x11800;
	s2 =	sadd.s32 $0x3800, s2;
	_ =	swait.ge [sflag:s0], $0x6400  }
0x29b: {  	[sflag:s0] =	ssyncset.done $0x0  }
0x29c: {  	[sflag:s0] =	ssyncadd.s32 $0xFFFF9C00;
	s0 =	simm.s32 $0x7000  }
0x29d: {  	[hbm4b:s4+s6] =	stream.strided.scatter [tilespmem:s0], [sflag:$0x5], $0x640, s7, s6, $0x38;
	v63 =	vld [tilespmem:$0x0]  }
0x29e: {  	s8 =	sadd.s32 $0x380, s4;
	s0 =	simm.s32 $0x7640  }
0x29f: {  	[hbm4b:s8+s6] =	stream.strided.scatter [tilespmem:s0], [sflag:$0x5], $0x640, s7, s6, $0x38;
	v63 =	vld [tilespmem:$0x0]  }
0x2a0: {  	s8 =	sadd.s32 $0x700, s4;
	s0 =	simm.s32 $0x7C80  }
0x2a1: {  	[hbm4b:s8+s6] =	stream.strided.scatter [tilespmem:s0], [sflag:$0x5], $0x640, s7, s6, $0x38;
	v63 =	vld [tilespmem:$0x0]  }
0x2a2: {  	s8 =	sadd.s32 $0xA80, s4;
	s0 =	simm.s32 $0x82C0  }
0x2a3: {  	[hbm4b:s8+s6] =	stream.strided.scatter [tilespmem:s0], [sflag:$0x5], $0x640, s7, s6, $0x38;
	v63 =	vld [tilespmem:$0x0]  }
0x2a4: {  	s8 =	sadd.s32 $0xE00, s4;
	s0 =	simm.s32 $0x8900  }
0x2a5: {  	[hbm4b:s8+s6] =	stream.strided.scatter [tilespmem:s0], [sflag:$0x5], $0x640, s7, s6, $0x38;
	v63 =	vld [tilespmem:$0x0]  }
0x2a6: {  	s8 =	sadd.s32 $0x1180, s4;
	s0 =	simm.s32 $0x8F40  }
0x2a7: {  	[hbm4b:s8+s6] =	stream.strided.scatter [tilespmem:s0], [sflag:$0x5], $0x640, s7, s6, $0x38;
	v63 =	vld [tilespmem:$0x0]  }
0x2a8: {  	s19 =	simm.s32 $0x9580;
	s8 =	sadd.s32 $0x1500, s4  }
0x2a9: {  	[hbm4b:s8+s6] =	stream.strided.scatter [tilespmem:s19], [sflag:$0x5], $0x640, s7, s6, $0x38;
	v63 =	vld [tilespmem:$0x0]  }
0x2aa: {  	s21 =	simm.s32 $0x9BC0;
	s8 =	sadd.s32 $0x1880, s4  }
0x2ab: {  	[hbm4b:s8+s6] =	stream.strided.scatter [tilespmem:s21], [sflag:$0x5], $0x640, s7, s6, $0x38;
	v63 =	vld [tilespmem:$0x0]  }
0x2ac: {  	s23 =	simm.s32 $0xA200;
	s8 =	sadd.s32 $0x1C00, s4  }
0x2ad: {  	[hbm4b:s8+s6] =	stream.strided.scatter [tilespmem:s23], [sflag:$0x5], $0x640, s7, s6, $0x38;
	v63 =	vld [tilespmem:$0x0]  }
0x2ae: {  	s25 =	simm.s32 $0xA840;
	s8 =	sadd.s32 $0x1F80, s4  }
0x2af: {  	[hbm4b:s8+s6] =	stream.strided.scatter [tilespmem:s25], [sflag:$0x5], $0x640, s7, s6, $0x38;
	v63 =	vld [tilespmem:$0x0]  }
0x2b0: {  	s28 =	simm.s32 $0xAE80;
	s8 =	sadd.s32 $0x2300, s4  }
0x2b1: {  	[hbm4b:s8+s6] =	stream.strided.scatter [tilespmem:s28], [sflag:$0x5], $0x640, s7, s6, $0x38;
	v63 =	vld [tilespmem:$0x0]  }
0x2b2: {  	s30 =	simm.s32 $0xB4C0;
	s8 =	sadd.s32 $0x2680, s4  }
0x2b3: {  	[hbm4b:s8+s6] =	stream.strided.scatter [tilespmem:s30], [sflag:$0x5], $0x640, s7, s6, $0x38;
	v63 =	vld [tilespmem:$0x0]  }
0x2b4: {  	s0 =	simm.s32 $0xBB00;
	s8 =	sadd.s32 $0x2A00, s4  }
0x2b5: {  	[hbm4b:s8+s6] =	stream.strided.scatter [tilespmem:s0], [sflag:$0x5], $0x640, s7, s6, $0x38;
	v63 =	vld [tilespmem:$0x0]  }
0x2b6: {  	s8 =	sadd.s32 $0x2D80, s4;
	s0 =	simm.s32 $0xC140  }
0x2b7: {  	[hbm4b:s8+s6] =	stream.strided.scatter [tilespmem:s0], [sflag:$0x5], $0x640, s7, s6, $0x38;
	v63 =	vld [tilespmem:$0x0]  }
0x2b8: {  	s8 =	sadd.s32 $0x3100, s4;
	s0 =	simm.s32 $0xC780  }
0x2b9: {  	[hbm4b:s8+s6] =	stream.strided.scatter [tilespmem:s0], [sflag:$0x5], $0x640, s7, s6, $0x38;
	v63 =	vld [tilespmem:$0x0]  }
0x2ba: {  	s22 =	simm.s32 $0xCDC0;
	s8 =	sadd.s32 $0x3480, s4;
	s0 =	simm.s32 $0x8  }
0x2bb: {  	[hbm4b:s8+s6] =	stream.strided.scatter [tilespmem:s22], [sflag:$0x5], $0x640, s7, s6, $0x38;
	v63 =	vld [tilespmem:$0x0]  }
0x2bc: {  	_ =	swait.ge [sflag:s0], $0x6400  }
0x2bd: {  	s13 =	sshra.s32 s13, $0x2;
	[sflag:s0] =	ssyncset.done $0x0  }
0x2be: {  	s8 =	sadd.s32 $0x1880, s13;
	[sflag:s0] =	ssyncadd.s32 $0xFFFF9C00;
	s0 =	simm.s32 $0x19C00  }
0x2bf: {  	[tilespmem:s0], [sflag:$0x4] =	stream.indirect.gather [hbm4b:s3+s16], $0x20, s8, s16, $0xb8;
	v63 =	vld [tilespmem:$0x0]  }
0x2c0: {  	s8 =	sadd.s32 $0x18B8, s13;
	s0 =	simm.s32 $0x1A240  }
0x2c1: {  	[tilespmem:s0], [sflag:$0x4] =	stream.indirect.gather [hbm4b:s3+s16], $0x20, s8, s16, $0xb8;
	v63 =	vld [tilespmem:$0x0]  }
0x2c2: {  	s8 =	sadd.s32 $0x18F0, s13;
	s0 =	simm.s32 $0x1A880  }
0x2c3: {  	[tilespmem:s0], [sflag:$0x4] =	stream.indirect.gather [hbm4b:s3+s16], $0x20, s8, s16, $0xb8;
	v63 =	vld [tilespmem:$0x0]  }
0x2c4: {  	s8 =	sadd.s32 $0x1928, s13;
	s0 =	simm.s32 $0x1AEC0  }
0x2c5: {  	[tilespmem:s0], [sflag:$0x4] =	stream.indirect.gather [hbm4b:s3+s16], $0x20, s8, s16, $0xb8;
	v63 =	vld [tilespmem:$0x0]  }
0x2c6: {  	s8 =	sadd.s32 $0x1960, s13;
	s0 =	simm.s32 $0x1B500  }
0x2c7: {  	[tilespmem:s0], [sflag:$0x4] =	stream.indirect.gather [hbm4b:s3+s16], $0x20, s8, s16, $0xb8;
	v63 =	vld [tilespmem:$0x0]  }
0x2c8: {  	s8 =	sadd.s32 $0x1998, s13;
	s0 =	simm.s32 $0x1BB40  }
0x2c9: {  	[tilespmem:s0], [sflag:$0x4] =	stream.indirect.gather [hbm4b:s3+s16], $0x20, s8, s16, $0xb8;
	v63 =	vld [tilespmem:$0x0]  }
0x2ca: {  	s8 =	sadd.s32 $0x19D0, s13;
	s0 =	simm.s32 $0x1C180  }
0x2cb: {  	[tilespmem:s0], [sflag:$0x4] =	stream.indirect.gather [hbm4b:s3+s16], $0x20, s8, s16, $0xb8;
	v63 =	vld [tilespmem:$0x0]  }
0x2cc: {  	s8 =	sadd.s32 $0x1A08, s13;
	s0 =	simm.s32 $0x1C7C0  }
0x2cd: {  	[tilespmem:s0], [sflag:$0x4] =	stream.indirect.gather [hbm4b:s3+s16], $0x20, s8, s16, $0xb8;
	v63 =	vld [tilespmem:$0x0]  }
0x2ce: {  	s8 =	sadd.s32 $0x1A40, s13;
	s0 =	simm.s32 $0x1CE00  }
0x2cf: {  	[tilespmem:s0], [sflag:$0x4] =	stream.indirect.gather [hbm4b:s3+s16], $0x20, s8, s16, $0xb8;
	v63 =	vld [tilespmem:$0x0]  }
0x2d0: {  	s8 =	sadd.s32 $0x1A78, s13;
	s0 =	simm.s32 $0x1D440  }
0x2d1: {  	[tilespmem:s0], [sflag:$0x4] =	stream.indirect.gather [hbm4b:s3+s16], $0x20, s8, s16, $0xb8;
	v63 =	vld [tilespmem:$0x0]  }
0x2d2: {  	s8 =	sadd.s32 $0x1AB0, s13;
	s0 =	simm.s32 $0x1DA80  }
0x2d3: {  	[tilespmem:s0], [sflag:$0x4] =	stream.indirect.gather [hbm4b:s3+s16], $0x20, s8, s16, $0xb8;
	v63 =	vld [tilespmem:$0x0]  }
0x2d4: {  	s8 =	sadd.s32 $0x1AE8, s13;
	s0 =	simm.s32 $0x1E0C0  }
0x2d5: {  	[tilespmem:s0], [sflag:$0x4] =	stream.indirect.gather [hbm4b:s3+s16], $0x20, s8, s16, $0xb8;
	v63 =	vld [tilespmem:$0x0]  }
0x2d6: {  	s8 =	sadd.s32 $0x1B20, s13;
	s0 =	simm.s32 $0x1E700  }
0x2d7: {  	[tilespmem:s0], [sflag:$0x4] =	stream.indirect.gather [hbm4b:s3+s16], $0x20, s8, s16, $0xb8;
	v63 =	vld [tilespmem:$0x0]  }
0x2d8: {  	s8 =	sadd.s32 $0x1B58, s13;
	s0 =	simm.s32 $0x1ED40  }
0x2d9: {  	[tilespmem:s0], [sflag:$0x4] =	stream.indirect.gather [hbm4b:s3+s16], $0x20, s8, s16, $0xb8;
	v63 =	vld [tilespmem:$0x0]  }
0x2da: {  	s8 =	sadd.s32 $0x1B90, s13;
	s0 =	simm.s32 $0x1F380  }
0x2db: {  	[tilespmem:s0], [sflag:$0x4] =	stream.indirect.gather [hbm4b:s3+s16], $0x20, s8, s16, $0xb8;
	v63 =	vld [tilespmem:$0x0]  }
0x2dc: {  	s8 =	sadd.s32 $0x1BC8, s13;
	s0 =	simm.s32 $0x1F9C0  }
0x2dd: {  	[tilespmem:s0], [sflag:$0x4] =	stream.indirect.gather [hbm4b:s3+s16], $0x20, s8, s16, $0xb8;
	v63 =	vld [tilespmem:$0x0]  }
0x2de: {  	s0 =	simm.s32 $0x2  }
0x2df: {  	_ =	swait.ge [sflag:s0], $0x6400  }
0x2e0: {  	[sflag:s0] =	ssyncset.done $0x0  }
0x2e1: {  	s26 =	simm.s32 $0xD400;
	s8 =	sadd.s32 $0x3800, s4;
	[sflag:s0] =	ssyncadd.s32 $0xFFFF9C00  }
0x2e2: {  	[hbm4b:s8+s6] =	stream.strided.scatter [tilespmem:s26], [sflag:$0x6], $0x640, s7, s6, $0x38;
	v63 =	vld [tilespmem:$0x0]  }
0x2e3: {  	s31 =	simm.s32 $0xDA40;
	s8 =	sadd.s32 $0x3B80, s4  }
0x2e4: {  	[hbm4b:s8+s6] =	stream.strided.scatter [tilespmem:s31], [sflag:$0x6], $0x640, s7, s6, $0x38;
	v63 =	vld [tilespmem:$0x0]  }
0x2e5: {  	s20 =	simm.s32 $0xE080;
	s8 =	sadd.s32 $0x3F00, s4  }
0x2e6: {  	[hbm4b:s8+s6] =	stream.strided.scatter [tilespmem:s20], [sflag:$0x6], $0x640, s7, s6, $0x38;
	v63 =	vld [tilespmem:$0x0]  }
0x2e7: {  	s29 =	simm.s32 $0xE6C0;
	s8 =	sadd.s32 $0x4280, s4  }
0x2e8: {  	[hbm4b:s8+s6] =	stream.strided.scatter [tilespmem:s29], [sflag:$0x6], $0x640, s7, s6, $0x38;
	v63 =	vld [tilespmem:$0x0]  }
0x2e9: {  	s24 =	simm.s32 $0xED00;
	s8 =	sadd.s32 $0x4600, s4  }
0x2ea: {  	[hbm4b:s8+s6] =	stream.strided.scatter [tilespmem:s24], [sflag:$0x6], $0x640, s7, s6, $0x38;
	v63 =	vld [tilespmem:$0x0]  }
0x2eb: {  	s1 =	simm.s32 $0xF340;
	s8 =	sadd.s32 $0x4980, s4  }
0x2ec: {  	[hbm4b:s8+s6] =	stream.strided.scatter [tilespmem:s1], [sflag:$0x6], $0x640, s7, s6, $0x38;
	v63 =	vld [tilespmem:$0x0]  }
0x2ed: {  	s9 =	simm.s32 $0xF980;
	s8 =	sadd.s32 $0x4D00, s4  }
0x2ee: {  	[hbm4b:s8+s6] =	stream.strided.scatter [tilespmem:s9], [sflag:$0x6], $0x640, s7, s6, $0x38;
	v63 =	vld [tilespmem:$0x0]  }
0x2ef: {  	s0 =	simm.s32 $0xFFC0;
	s8 =	sadd.s32 $0x5080, s4  }
0x2f0: {  	[hbm4b:s8+s6] =	stream.strided.scatter [tilespmem:s0], [sflag:$0x6], $0x640, s7, s6, $0x38;
	v63 =	vld [tilespmem:$0x0]  }
0x2f1: {  	s5 =	simm.s32 $0x10600;
	s8 =	sadd.s32 $0x5400, s4  }
0x2f2: {  	[hbm4b:s8+s6] =	stream.strided.scatter [tilespmem:s5], [sflag:$0x6], $0x640, s7, s6, $0x38;
	v63 =	vld [tilespmem:$0x0]  }
0x2f3: {  	s10 =	simm.s32 $0x10C40;
	s8 =	sadd.s32 $0x5780, s4  }
0x2f4: {  	[hbm4b:s8+s6] =	stream.strided.scatter [tilespmem:s10], [sflag:$0x6], $0x640, s7, s6, $0x38;
	v63 =	vld [tilespmem:$0x0]  }
0x2f5: {  	s11 =	simm.s32 $0x11280;
	s8 =	sadd.s32 $0x5B00, s4  }
0x2f6: {  	[hbm4b:s8+s6] =	stream.strided.scatter [tilespmem:s11], [sflag:$0x6], $0x640, s7, s6, $0x38;
	v63 =	vld [tilespmem:$0x0]  }
0x2f7: {  	s12 =	simm.s32 $0x118C0;
	s8 =	sadd.s32 $0x5E80, s4  }
0x2f8: {  	[hbm4b:s8+s6] =	stream.strided.scatter [tilespmem:s12], [sflag:$0x6], $0x640, s7, s6, $0x38;
	v63 =	vld [tilespmem:$0x0]  }
0x2f9: {  	s14 =	simm.s32 $0x11F00;
	s8 =	sadd.s32 $0x6200, s4  }
0x2fa: {  	[hbm4b:s8+s6] =	stream.strided.scatter [tilespmem:s14], [sflag:$0x6], $0x640, s7, s6, $0x38;
	v63 =	vld [tilespmem:$0x0]  }
0x2fb: {  	s15 =	simm.s32 $0x12540;
	s8 =	sadd.s32 $0x6580, s4  }
0x2fc: {  	[hbm4b:s8+s6] =	stream.strided.scatter [tilespmem:s15], [sflag:$0x6], $0x640, s7, s6, $0x38;
	v63 =	vld [tilespmem:$0x0]  }
0x2fd: {  	s17 =	simm.s32 $0x12B80;
	s8 =	sadd.s32 $0x6900, s4  }
0x2fe: {  	[hbm4b:s8+s6] =	stream.strided.scatter [tilespmem:s17], [sflag:$0x6], $0x640, s7, s6, $0x38;
	v63 =	vld [tilespmem:$0x0]  }
0x2ff: {  	s18 =	simm.s32 $0x131C0;
	s8 =	sadd.s32 $0x6C80, s4  }
0x300: {  	[hbm4b:s8+s6] =	stream.strided.scatter [tilespmem:s18], [sflag:$0x6], $0x640, s7, s6, $0x38;
	v63 =	vld [tilespmem:$0x0]  }
0x301: {  	s8 =	simm.s32 $0x5  }
0x302: {  	_ =	swait.ge [sflag:s8], $0x6400  }
0x303: {  	[sflag:s8] =	ssyncset.done $0x0  }
0x304: {  	s0 =	simm.s32 $0x7000;
	[sflag:s8] =	ssyncadd.s32 $0xFFFF9C00;
	s8 =	sadd.s32 $0x1C00, s13  }
0x305: {  	[tilespmem:s0], [sflag:$0x1] =	stream.indirect.gather [hbm4b:s3+s16], $0x20, s8, s16, $0xb8;
	v63 =	vld [tilespmem:$0x0]  }
0x306: {  	s8 =	sadd.s32 $0x1C38, s13;
	s0 =	simm.s32 $0x7640  }
0x307: {  	[tilespmem:s0], [sflag:$0x1] =	stream.indirect.gather [hbm4b:s3+s16], $0x20, s8, s16, $0xb8;
	v63 =	vld [tilespmem:$0x0]  }
0x308: {  	s8 =	sadd.s32 $0x1C70, s13;
	s0 =	simm.s32 $0x7C80  }
0x309: {  	[tilespmem:s0], [sflag:$0x1] =	stream.indirect.gather [hbm4b:s3+s16], $0x20, s8, s16, $0xb8;
	v63 =	vld [tilespmem:$0x0]  }
0x30a: {  	s8 =	sadd.s32 $0x1CA8, s13;
	s0 =	simm.s32 $0x82C0  }
0x30b: {  	[tilespmem:s0], [sflag:$0x1] =	stream.indirect.gather [hbm4b:s3+s16], $0x20, s8, s16, $0xb8;
	v63 =	vld [tilespmem:$0x0]  }
0x30c: {  	s8 =	sadd.s32 $0x1CE0, s13;
	s0 =	simm.s32 $0x8900  }
0x30d: {  	[tilespmem:s0], [sflag:$0x1] =	stream.indirect.gather [hbm4b:s3+s16], $0x20, s8, s16, $0xb8;
	v63 =	vld [tilespmem:$0x0]  }
0x30e: {  	s8 =	sadd.s32 $0x1D18, s13;
	s0 =	simm.s32 $0x8F40  }
0x30f: {  	[tilespmem:s0], [sflag:$0x1] =	stream.indirect.gather [hbm4b:s3+s16], $0x20, s8, s16, $0xb8;
	v63 =	vld [tilespmem:$0x0]  }
0x310: {  	s8 =	sadd.s32 $0x1D50, s13  }
0x311: {  	[tilespmem:s19], [sflag:$0x1] =	stream.indirect.gather [hbm4b:s3+s16], $0x20, s8, s16, $0xb8;
	v63 =	vld [tilespmem:$0x0]  }
0x312: {  	s8 =	sadd.s32 $0x1D88, s13  }
0x313: {  	[tilespmem:s21], [sflag:$0x1] =	stream.indirect.gather [hbm4b:s3+s16], $0x20, s8, s16, $0xb8;
	v63 =	vld [tilespmem:$0x0]  }
0x314: {  	s8 =	sadd.s32 $0x1DC0, s13  }
0x315: {  	[tilespmem:s23], [sflag:$0x1] =	stream.indirect.gather [hbm4b:s3+s16], $0x20, s8, s16, $0xb8;
	v63 =	vld [tilespmem:$0x0]  }
0x316: {  	s8 =	sadd.s32 $0x1DF8, s13  }
0x317: {  	[tilespmem:s25], [sflag:$0x1] =	stream.indirect.gather [hbm4b:s3+s16], $0x20, s8, s16, $0xb8;
	v63 =	vld [tilespmem:$0x0]  }
0x318: {  	s8 =	sadd.s32 $0x1E30, s13  }
0x319: {  	[tilespmem:s28], [sflag:$0x1] =	stream.indirect.gather [hbm4b:s3+s16], $0x20, s8, s16, $0xb8;
	v63 =	vld [tilespmem:$0x0]  }
0x31a: {  	s8 =	sadd.s32 $0x1E68, s13  }
0x31b: {  	[tilespmem:s30], [sflag:$0x1] =	stream.indirect.gather [hbm4b:s3+s16], $0x20, s8, s16, $0xb8;
	v63 =	vld [tilespmem:$0x0]  }
0x31c: {  	s0 =	simm.s32 $0xBB00;
	s8 =	sadd.s32 $0x1EA0, s13  }
0x31d: {  	[tilespmem:s0], [sflag:$0x1] =	stream.indirect.gather [hbm4b:s3+s16], $0x20, s8, s16, $0xb8;
	v63 =	vld [tilespmem:$0x0]  }
0x31e: {  	s8 =	sadd.s32 $0x1ED8, s13;
	s0 =	simm.s32 $0xC140  }
0x31f: {  	[tilespmem:s0], [sflag:$0x1] =	stream.indirect.gather [hbm4b:s3+s16], $0x20, s8, s16, $0xb8;
	v63 =	vld [tilespmem:$0x0]  }
0x320: {  	s8 =	sadd.s32 $0x1F10, s13;
	s0 =	simm.s32 $0xC780  }
0x321: {  	[tilespmem:s0], [sflag:$0x1] =	stream.indirect.gather [hbm4b:s3+s16], $0x20, s8, s16, $0xb8;
	v63 =	vld [tilespmem:$0x0]  }
0x322: {  	s8 =	sadd.s32 $0x1F48, s13  }
0x323: {  	[tilespmem:s22], [sflag:$0x1] =	stream.indirect.gather [hbm4b:s3+s16], $0x20, s8, s16, $0xb8;
	v63 =	vld [tilespmem:$0x0]  }
0x324: {  	s8 =	simm.s32 $0x3  }
0x325: {  	_ =	swait.ge [sflag:s8], $0x6400  }
0x326: {  	[sflag:s8] =	ssyncset.done $0x0  }
0x327: {  	s28 =	simm.s32 $0x13800;
	[sflag:s8] =	ssyncadd.s32 $0xFFFF9C00;
	s8 =	sadd.s32 $0x7000, s4  }
0x328: {  	[hbm4b:s8+s6] =	stream.strided.scatter [tilespmem:s28], [sflag:$0x7], $0x640, s7, s6, $0x38;
	v63 =	vld [tilespmem:$0x0]  }
0x329: {  	s30 =	simm.s32 $0x13E40;
	s8 =	sadd.s32 $0x7380, s4  }
0x32a: {  	[hbm4b:s8+s6] =	stream.strided.scatter [tilespmem:s30], [sflag:$0x7], $0x640, s7, s6, $0x38;
	v63 =	vld [tilespmem:$0x0]  }
0x32b: {  	s19 =	simm.s32 $0x14480;
	s8 =	sadd.s32 $0x7700, s4  }
0x32c: {  	[hbm4b:s8+s6] =	stream.strided.scatter [tilespmem:s19], [sflag:$0x7], $0x640, s7, s6, $0x38;
	v63 =	vld [tilespmem:$0x0]  }
0x32d: {  	s25 =	simm.s32 $0x14AC0;
	s8 =	sadd.s32 $0x7A80, s4  }
0x32e: {  	[hbm4b:s8+s6] =	stream.strided.scatter [tilespmem:s25], [sflag:$0x7], $0x640, s7, s6, $0x38;
	v63 =	vld [tilespmem:$0x0]  }
0x32f: {  	s21 =	simm.s32 $0x15100;
	s8 =	sadd.s32 $0x7E00, s4  }
0x330: {  	[hbm4b:s8+s6] =	stream.strided.scatter [tilespmem:s21], [sflag:$0x7], $0x640, s7, s6, $0x38;
	v63 =	vld [tilespmem:$0x0]  }
0x331: {  	s22 =	simm.s32 $0x15740;
	s8 =	sadd.s32 $0x8180, s4  }
0x332: {  	[hbm4b:s8+s6] =	stream.strided.scatter [tilespmem:s22], [sflag:$0x7], $0x640, s7, s6, $0x38;
	v63 =	vld [tilespmem:$0x0]  }
0x333: {  	s23 =	simm.s32 $0x15D80;
	s8 =	sadd.s32 $0x8500, s4  }
0x334: {  	[hbm4b:s8+s6] =	stream.strided.scatter [tilespmem:s23], [sflag:$0x7], $0x640, s7, s6, $0x38;
	v63 =	vld [tilespmem:$0x0]  }
0x335: {  	s0 =	simm.s32 $0x163C0;
	s8 =	sadd.s32 $0x8880, s4  }
0x336: {  	[hbm4b:s8+s6] =	stream.strided.scatter [tilespmem:s0], [sflag:$0x7], $0x640, s7, s6, $0x38;
	v63 =	vld [tilespmem:$0x0]  }
0x337: {  	s8 =	sadd.s32 $0x8C00, s4;
	s0 =	simm.s32 $0x16A00  }
0x338: {  	[hbm4b:s8+s6] =	stream.strided.scatter [tilespmem:s0], [sflag:$0x7], $0x640, s7, s6, $0x38;
	v63 =	vld [tilespmem:$0x0]  }
0x339: {  	s8 =	sadd.s32 $0x8F80, s4;
	s0 =	simm.s32 $0x17040  }
0x33a: {  	[hbm4b:s8+s6] =	stream.strided.scatter [tilespmem:s0], [sflag:$0x7], $0x640, s7, s6, $0x38;
	v63 =	vld [tilespmem:$0x0]  }
0x33b: {  	s8 =	sadd.s32 $0x9300, s4;
	s0 =	simm.s32 $0x17680  }
0x33c: {  	[hbm4b:s8+s6] =	stream.strided.scatter [tilespmem:s0], [sflag:$0x7], $0x640, s7, s6, $0x38;
	v63 =	vld [tilespmem:$0x0]  }
0x33d: {  	s8 =	sadd.s32 $0x9680, s4;
	s0 =	simm.s32 $0x17CC0  }
0x33e: {  	[hbm4b:s8+s6] =	stream.strided.scatter [tilespmem:s0], [sflag:$0x7], $0x640, s7, s6, $0x38;
	v63 =	vld [tilespmem:$0x0]  }
0x33f: {  	s8 =	sadd.s32 $0x9A00, s4;
	s0 =	simm.s32 $0x18300  }
0x340: {  	[hbm4b:s8+s6] =	stream.strided.scatter [tilespmem:s0], [sflag:$0x7], $0x640, s7, s6, $0x38;
	v63 =	vld [tilespmem:$0x0]  }
0x341: {  	s8 =	sadd.s32 $0x9D80, s4;
	s0 =	simm.s32 $0x18940  }
0x342: {  	[hbm4b:s8+s6] =	stream.strided.scatter [tilespmem:s0], [sflag:$0x7], $0x640, s7, s6, $0x38;
	v63 =	vld [tilespmem:$0x0]  }
0x343: {  	s8 =	sadd.s32 $0xA100, s4;
	s0 =	simm.s32 $0x18F80  }
0x344: {  	[hbm4b:s8+s6] =	stream.strided.scatter [tilespmem:s0], [sflag:$0x7], $0x640, s7, s6, $0x38;
	v63 =	vld [tilespmem:$0x0]  }
0x345: {  	s8 =	sadd.s32 $0xA480, s4;
	s0 =	simm.s32 $0x195C0  }
0x346: {  	[hbm4b:s8+s6] =	stream.strided.scatter [tilespmem:s0], [sflag:$0x7], $0x640, s7, s6, $0x38;
	v63 =	vld [tilespmem:$0x0]  }
0x347: {  	s8 =	simm.s32 $0x6  }
0x348: {  	_ =	swait.ge [sflag:s8], $0x6400  }
0x349: {  	[sflag:s8] =	ssyncset.done $0x0  }
0x34a: {  	[sflag:s8] =	ssyncadd.s32 $0xFFFF9C00;
	s8 =	sadd.s32 $0x1F80, s13  }
0x34b: {  	[tilespmem:s26], [sflag:$0x2] =	stream.indirect.gather [hbm4b:s3+s16], $0x20, s8, s16, $0xb8;
	v63 =	vld [tilespmem:$0x0]  }
0x34c: {  	s8 =	sadd.s32 $0x1FB8, s13  }
0x34d: {  	[tilespmem:s31], [sflag:$0x2] =	stream.indirect.gather [hbm4b:s3+s16], $0x20, s8, s16, $0xb8;
	v63 =	vld [tilespmem:$0x0]  }
0x34e: {  	s8 =	sadd.s32 $0x1FF0, s13  }
0x34f: {  	[tilespmem:s20], [sflag:$0x2] =	stream.indirect.gather [hbm4b:s3+s16], $0x20, s8, s16, $0xb8;
	v63 =	vld [tilespmem:$0x0]  }
0x350: {  	s8 =	sadd.s32 $0x2028, s13  }
0x351: {  	[tilespmem:s29], [sflag:$0x2] =	stream.indirect.gather [hbm4b:s3+s16], $0x20, s8, s16, $0xb8;
	v63 =	vld [tilespmem:$0x0]  }
0x352: {  	s8 =	sadd.s32 $0x2060, s13  }
0x353: {  	[tilespmem:s24], [sflag:$0x2] =	stream.indirect.gather [hbm4b:s3+s16], $0x20, s8, s16, $0xb8;
	v63 =	vld [tilespmem:$0x0]  }
0x354: {  	s8 =	sadd.s32 $0x2098, s13  }
0x355: {  	[tilespmem:s1], [sflag:$0x2] =	stream.indirect.gather [hbm4b:s3+s16], $0x20, s8, s16, $0xb8;
	v63 =	vld [tilespmem:$0x0]  }
0x356: {  	s8 =	sadd.s32 $0x20D0, s13  }
0x357: {  	[tilespmem:s9], [sflag:$0x2] =	stream.indirect.gather [hbm4b:s3+s16], $0x20, s8, s16, $0xb8;
	v63 =	vld [tilespmem:$0x0]  }
0x358: {  	s0 =	simm.s32 $0xFFC0;
	s8 =	sadd.s32 $0x2108, s13  }
0x359: {  	[tilespmem:s0], [sflag:$0x2] =	stream.indirect.gather [hbm4b:s3+s16], $0x20, s8, s16, $0xb8;
	v63 =	vld [tilespmem:$0x0]  }
0x35a: {  	s8 =	sadd.s32 $0x2140, s13  }
0x35b: {  	[tilespmem:s5], [sflag:$0x2] =	stream.indirect.gather [hbm4b:s3+s16], $0x20, s8, s16, $0xb8;
	v63 =	vld [tilespmem:$0x0]  }
0x35c: {  	s8 =	sadd.s32 $0x2178, s13;
	s5 =	simm.s32 $0x10C40  }
0x35d: {  	[tilespmem:s10], [sflag:$0x2] =	stream.indirect.gather [hbm4b:s3+s16], $0x20, s8, s16, $0xb8;
	v63 =	vld [tilespmem:$0x0]  }
0x35e: {  	s8 =	sadd.s32 $0x21B0, s13;
	s10 =	simm.s32 $0x11280  }
0x35f: {  	[tilespmem:s11], [sflag:$0x2] =	stream.indirect.gather [hbm4b:s3+s16], $0x20, s8, s16, $0xb8;
	v63 =	vld [tilespmem:$0x0]  }
0x360: {  	s8 =	sadd.s32 $0x21E8, s13;
	s11 =	simm.s32 $0x118C0  }
0x361: {  	[tilespmem:s12], [sflag:$0x2] =	stream.indirect.gather [hbm4b:s3+s16], $0x20, s8, s16, $0xb8;
	v63 =	vld [tilespmem:$0x0]  }
0x362: {  	s8 =	sadd.s32 $0x2220, s13;
	s12 =	simm.s32 $0x11F00  }
0x363: {  	[tilespmem:s14], [sflag:$0x2] =	stream.indirect.gather [hbm4b:s3+s16], $0x20, s8, s16, $0xb8;
	v63 =	vld [tilespmem:$0x0]  }
0x364: {  	s8 =	sadd.s32 $0x2258, s13;
	s14 =	simm.s32 $0x12540  }
0x365: {  	[tilespmem:s15], [sflag:$0x2] =	stream.indirect.gather [hbm4b:s3+s16], $0x20, s8, s16, $0xb8;
	v63 =	vld [tilespmem:$0x0]  }
0x366: {  	s8 =	sadd.s32 $0x2290, s13;
	s15 =	simm.s32 $0x12B80  }
0x367: {  	[tilespmem:s17], [sflag:$0x2] =	stream.indirect.gather [hbm4b:s3+s16], $0x20, s8, s16, $0xb8;
	v63 =	vld [tilespmem:$0x0]  }
0x368: {  	s0 =	simm.s32 $0x4;
	s8 =	sadd.s32 $0x22C8, s13;
	s17 =	simm.s32 $0x131C0  }
0x369: {  	[tilespmem:s18], [sflag:$0x2] =	stream.indirect.gather [hbm4b:s3+s16], $0x20, s8, s16, $0xb8;
	v63 =	vld [tilespmem:$0x0]  }
0x36a: {  	_ =	swait.ge [sflag:s0], $0x6400  }
0x36b: {  	[sflag:s0] =	ssyncset.done $0x0  }
0x36c: {  	s8 =	sadd.s32 $0xA800, s4;
	[sflag:s0] =	ssyncadd.s32 $0xFFFF9C00;
	s0 =	simm.s32 $0x19C00  }
0x36d: {  	[hbm4b:s8+s6] =	stream.strided.scatter [tilespmem:s0], [sflag:$0x8], $0x640, s7, s6, $0x38;
	v63 =	vld [tilespmem:$0x0]  }
0x36e: {  	s8 =	sadd.s32 $0xAB80, s4;
	s0 =	simm.s32 $0x1A240  }
0x36f: {  	[hbm4b:s8+s6] =	stream.strided.scatter [tilespmem:s0], [sflag:$0x8], $0x640, s7, s6, $0x38;
	v63 =	vld [tilespmem:$0x0]  }
0x370: {  	s8 =	sadd.s32 $0xAF00, s4;
	s0 =	simm.s32 $0x1A880  }
0x371: {  	[hbm4b:s8+s6] =	stream.strided.scatter [tilespmem:s0], [sflag:$0x8], $0x640, s7, s6, $0x38;
	v63 =	vld [tilespmem:$0x0]  }
0x372: {  	s8 =	sadd.s32 $0xB280, s4;
	s0 =	simm.s32 $0x1AEC0  }
0x373: {  	[hbm4b:s8+s6] =	stream.strided.scatter [tilespmem:s0], [sflag:$0x8], $0x640, s7, s6, $0x38;
	v63 =	vld [tilespmem:$0x0]  }
0x374: {  	s8 =	sadd.s32 $0xB600, s4;
	s0 =	simm.s32 $0x1B500  }
0x375: {  	[hbm4b:s8+s6] =	stream.strided.scatter [tilespmem:s0], [sflag:$0x8], $0x640, s7, s6, $0x38;
	v63 =	vld [tilespmem:$0x0]  }
0x376: {  	s8 =	sadd.s32 $0xB980, s4;
	s0 =	simm.s32 $0x1BB40  }
0x377: {  	[hbm4b:s8+s6] =	stream.strided.scatter [tilespmem:s0], [sflag:$0x8], $0x640, s7, s6, $0x38;
	v63 =	vld [tilespmem:$0x0]  }
0x378: {  	s8 =	sadd.s32 $0xBD00, s4;
	s0 =	simm.s32 $0x1C180  }
0x379: {  	[hbm4b:s8+s6] =	stream.strided.scatter [tilespmem:s0], [sflag:$0x8], $0x640, s7, s6, $0x38;
	v63 =	vld [tilespmem:$0x0]  }
0x37a: {  	s8 =	sadd.s32 $0xC080, s4;
	s0 =	simm.s32 $0x1C7C0  }
0x37b: {  	[hbm4b:s8+s6] =	stream.strided.scatter [tilespmem:s0], [sflag:$0x8], $0x640, s7, s6, $0x38;
	v63 =	vld [tilespmem:$0x0]  }
0x37c: {  	s8 =	sadd.s32 $0xC400, s4;
	s0 =	simm.s32 $0x1CE00  }
0x37d: {  	[hbm4b:s8+s6] =	stream.strided.scatter [tilespmem:s0], [sflag:$0x8], $0x640, s7, s6, $0x38;
	v63 =	vld [tilespmem:$0x0]  }
0x37e: {  	s8 =	sadd.s32 $0xC780, s4;
	s0 =	simm.s32 $0x1D440  }
0x37f: {  	[hbm4b:s8+s6] =	stream.strided.scatter [tilespmem:s0], [sflag:$0x8], $0x640, s7, s6, $0x38;
	v63 =	vld [tilespmem:$0x0]  }
0x380: {  	s8 =	sadd.s32 $0xCB00, s4;
	s0 =	simm.s32 $0x1DA80  }
0x381: {  	[hbm4b:s8+s6] =	stream.strided.scatter [tilespmem:s0], [sflag:$0x8], $0x640, s7, s6, $0x38;
	v63 =	vld [tilespmem:$0x0]  }
0x382: {  	s8 =	sadd.s32 $0xCE80, s4;
	s0 =	simm.s32 $0x1E0C0  }
0x383: {  	[hbm4b:s8+s6] =	stream.strided.scatter [tilespmem:s0], [sflag:$0x8], $0x640, s7, s6, $0x38;
	v63 =	vld [tilespmem:$0x0]  }
0x384: {  	s8 =	sadd.s32 $0xD200, s4;
	s0 =	simm.s32 $0x1E700  }
0x385: {  	[hbm4b:s8+s6] =	stream.strided.scatter [tilespmem:s0], [sflag:$0x8], $0x640, s7, s6, $0x38;
	v63 =	vld [tilespmem:$0x0]  }
0x386: {  	s8 =	sadd.s32 $0xD580, s4;
	s0 =	simm.s32 $0x1ED40  }
0x387: {  	[hbm4b:s8+s6] =	stream.strided.scatter [tilespmem:s0], [sflag:$0x8], $0x640, s7, s6, $0x38;
	v63 =	vld [tilespmem:$0x0]  }
0x388: {  	s8 =	sadd.s32 $0xD900, s4;
	s0 =	simm.s32 $0x1F380  }
0x389: {  	[hbm4b:s8+s6] =	stream.strided.scatter [tilespmem:s0], [sflag:$0x8], $0x640, s7, s6, $0x38;
	v63 =	vld [tilespmem:$0x0]  }
0x38a: {  	s8 =	sadd.s32 $0xDC80, s4;
	s0 =	simm.s32 $0x1F9C0  }
0x38b: {  	[hbm4b:s8+s6] =	stream.strided.scatter [tilespmem:s0], [sflag:$0x8], $0x640, s7, s6, $0x38;
	v63 =	vld [tilespmem:$0x0]  }
0x38c: {  	s0 =	simm.s32 $0x7  }
0x38d: {  	_ =	swait.ge [sflag:s0], $0x6400  }
0x38e: {  	[sflag:s0] =	ssyncset.done $0x0  }
0x38f: {  	s18 =	simm.s32 $0x13800;
	s8 =	sadd.s32 $0x2300, s13;
	[sflag:s0] =	ssyncadd.s32 $0xFFFF9C00  }
0x390: {  	[tilespmem:s28], [sflag:$0x3] =	stream.indirect.gather [hbm4b:s3+s16], $0x20, s8, s16, $0xb8;
	v63 =	vld [tilespmem:$0x0]  }
0x391: {  	s8 =	sadd.s32 $0x2338, s13;
	s28 =	simm.s32 $0x13E40  }
0x392: {  	[tilespmem:s30], [sflag:$0x3] =	stream.indirect.gather [hbm4b:s3+s16], $0x20, s8, s16, $0xb8;
	v63 =	vld [tilespmem:$0x0]  }
0x393: {  	s8 =	sadd.s32 $0x2370, s13;
	s30 =	simm.s32 $0x14480  }
0x394: {  	[tilespmem:s19], [sflag:$0x3] =	stream.indirect.gather [hbm4b:s3+s16], $0x20, s8, s16, $0xb8;
	v63 =	vld [tilespmem:$0x0]  }
0x395: {  	s8 =	sadd.s32 $0x23A8, s13;
	s19 =	simm.s32 $0x14AC0  }
0x396: {  	[tilespmem:s25], [sflag:$0x3] =	stream.indirect.gather [hbm4b:s3+s16], $0x20, s8, s16, $0xb8;
	v63 =	vld [tilespmem:$0x0]  }
0x397: {  	s8 =	sadd.s32 $0x23E0, s13;
	s25 =	simm.s32 $0x15100  }
0x398: {  	[tilespmem:s21], [sflag:$0x3] =	stream.indirect.gather [hbm4b:s3+s16], $0x20, s8, s16, $0xb8;
	v63 =	vld [tilespmem:$0x0]  }
0x399: {  	s8 =	sadd.s32 $0x2418, s13;
	s21 =	simm.s32 $0x15740  }
0x39a: {  	[tilespmem:s22], [sflag:$0x3] =	stream.indirect.gather [hbm4b:s3+s16], $0x20, s8, s16, $0xb8;
	v63 =	vld [tilespmem:$0x0]  }
0x39b: {  	s31 =	simm.s32 $0x16A00;
	s8 =	sadd.s32 $0x2450, s13;
	s22 =	simm.s32 $0x15D80  }
0x39c: {  	[tilespmem:s23], [sflag:$0x3] =	stream.indirect.gather [hbm4b:s3+s16], $0x20, s8, s16, $0xb8;
	v63 =	vld [tilespmem:$0x0]  }
0x39d: {  	s0 =	simm.s32 $0x163C0;
	s8 =	sadd.s32 $0x2488, s13;
	s23 =	simm.s32 $0x163C0  }
0x39e: {  	[tilespmem:s0], [sflag:$0x3] =	stream.indirect.gather [hbm4b:s3+s16], $0x20, s8, s16, $0xb8;
	v63 =	vld [tilespmem:$0x0]  }
0x39f: {  	s20 =	simm.s32 $0x17040;
	s8 =	sadd.s32 $0x24C0, s13;
	s0 =	simm.s32 $0x16A00  }
0x3a0: {  	[tilespmem:s0], [sflag:$0x3] =	stream.indirect.gather [hbm4b:s3+s16], $0x20, s8, s16, $0xb8;
	v63 =	vld [tilespmem:$0x0]  }
0x3a1: {  	s29 =	simm.s32 $0x17680;
	s8 =	sadd.s32 $0x24F8, s13;
	s0 =	simm.s32 $0x17040  }
0x3a2: {  	[tilespmem:s0], [sflag:$0x3] =	stream.indirect.gather [hbm4b:s3+s16], $0x20, s8, s16, $0xb8;
	v63 =	vld [tilespmem:$0x0]  }
0x3a3: {  	s24 =	simm.s32 $0x17CC0;
	s8 =	sadd.s32 $0x2530, s13;
	s0 =	simm.s32 $0x17680  }
0x3a4: {  	[tilespmem:s0], [sflag:$0x3] =	stream.indirect.gather [hbm4b:s3+s16], $0x20, s8, s16, $0xb8;
	v63 =	vld [tilespmem:$0x0]  }
0x3a5: {  	s1 =	simm.s32 $0x18300;
	s8 =	sadd.s32 $0x2568, s13;
	s0 =	simm.s32 $0x17CC0  }
0x3a6: {  	[tilespmem:s0], [sflag:$0x3] =	stream.indirect.gather [hbm4b:s3+s16], $0x20, s8, s16, $0xb8;
	v63 =	vld [tilespmem:$0x0]  }
0x3a7: {  	s9 =	simm.s32 $0x18940;
	s8 =	sadd.s32 $0x25A0, s13;
	s0 =	simm.s32 $0x18300  }
0x3a8: {  	[tilespmem:s0], [sflag:$0x3] =	stream.indirect.gather [hbm4b:s3+s16], $0x20, s8, s16, $0xb8;
	v63 =	vld [tilespmem:$0x0]  }
.Ltmp0:
0x3a9: {  	s8 =	sadd.s32 $0x25D8, s13;
	s0 =	simm.s32 $0x18940;
	(pc) =	sbr.rel @p0 .LBB2_2-.Ltmp0, $4  }
0x3aa: {  	[tilespmem:s0], [sflag:$0x3] =	stream.indirect.gather [hbm4b:s3+s16], $0x20, s8, s16, $0xb8;
	v63 =	vld [tilespmem:$0x0]  }
0x3ab: {  	s26 =	simm.s32 $0x18F80;
	s8 =	sadd.s32 $0x2610, s13;
	s0 =	simm.s32 $0x18F80  }
0x3ac: {  	[tilespmem:s0], [sflag:$0x3] =	stream.indirect.gather [hbm4b:s3+s16], $0x20, s8, s16, $0xb8;
	v63 =	vld [tilespmem:$0x0]  }
0x3ad: {  	s4 =	sadd.s32 $0xE000, s4;
	s13 =	sadd.s32 $0x2648, s13  }
0x3ae: {  	s0 =	simm.s32 $0x195C0;
	s4 =	simm.s32 $0x1  }
0x3af: {  	[tilespmem:s0], [sflag:$0x3] =	stream.indirect.gather [hbm4b:s3+s16], $0x20, s13, s16, $0xb8;
	v63 =	vld [tilespmem:$0x0]  }
0x3b0: {  	_ =	swait.ge [sflag:s4], $0x6400  }
0x3b1: {  	[sflag:s4] =	ssyncset.done $0x0  }
0x3b2: {  	s2 =	simm.s32 $0x7000;
	[sflag:s4] =	ssyncadd.s32 $0xFFFF9C00;
	s4 =	rddreg [dreg:$0x8]  }
0x3b3: {  	[hbm4b:s4+s6] =	stream.strided.scatter [tilespmem:s2], [sflag:$0x5], $0x640, s7, s6, $0x38;
	v63 =	vld [tilespmem:$0x0]  }
0x3b4: {  	s13 =	simm.s32 $0x7640;
	s8 =	sadd.s32 $0x380, s4  }
0x3b5: {  	[hbm4b:s8+s6] =	stream.strided.scatter [tilespmem:s13], [sflag:$0x5], $0x640, s7, s6, $0x38;
	v63 =	vld [tilespmem:$0x0]  }
0x3b6: {  	s8 =	sadd.s32 $0x700, s4;
	s13 =	simm.s32 $0x7C80  }
0x3b7: {  	[hbm4b:s8+s6] =	stream.strided.scatter [tilespmem:s13], [sflag:$0x5], $0x640, s7, s6, $0x38;
	v63 =	vld [tilespmem:$0x0]  }
0x3b8: {  	s8 =	sadd.s32 $0xA80, s4;
	s13 =	simm.s32 $0x82C0  }
0x3b9: {  	[hbm4b:s8+s6] =	stream.strided.scatter [tilespmem:s13], [sflag:$0x5], $0x640, s7, s6, $0x38;
	v63 =	vld [tilespmem:$0x0]  }
0x3ba: {  	s8 =	sadd.s32 $0xE00, s4;
	s13 =	simm.s32 $0x8900  }
0x3bb: {  	[hbm4b:s8+s6] =	stream.strided.scatter [tilespmem:s13], [sflag:$0x5], $0x640, s7, s6, $0x38;
	v63 =	vld [tilespmem:$0x0]  }
0x3bc: {  	s8 =	sadd.s32 $0x1180, s4;
	s13 =	simm.s32 $0x8F40  }
0x3bd: {  	[hbm4b:s8+s6] =	stream.strided.scatter [tilespmem:s13], [sflag:$0x5], $0x640, s7, s6, $0x38;
	v63 =	vld [tilespmem:$0x0]  }
0x3be: {  	s8 =	sadd.s32 $0x1500, s4;
	s13 =	simm.s32 $0x9580  }
0x3bf: {  	[hbm4b:s8+s6] =	stream.strided.scatter [tilespmem:s13], [sflag:$0x5], $0x640, s7, s6, $0x38;
	v63 =	vld [tilespmem:$0x0]  }
0x3c0: {  	s8 =	sadd.s32 $0x1880, s4;
	s13 =	simm.s32 $0x9BC0  }
0x3c1: {  	[hbm4b:s8+s6] =	stream.strided.scatter [tilespmem:s13], [sflag:$0x5], $0x640, s7, s6, $0x38;
	v63 =	vld [tilespmem:$0x0]  }
0x3c2: {  	s8 =	sadd.s32 $0x1C00, s4;
	s13 =	simm.s32 $0xA200  }
0x3c3: {  	[hbm4b:s8+s6] =	stream.strided.scatter [tilespmem:s13], [sflag:$0x5], $0x640, s7, s6, $0x38;
	v63 =	vld [tilespmem:$0x0]  }
0x3c4: {  	s8 =	sadd.s32 $0x1F80, s4;
	s13 =	simm.s32 $0xA840  }
0x3c5: {  	[hbm4b:s8+s6] =	stream.strided.scatter [tilespmem:s13], [sflag:$0x5], $0x640, s7, s6, $0x38;
	v63 =	vld [tilespmem:$0x0]  }
0x3c6: {  	s8 =	sadd.s32 $0x2300, s4;
	s13 =	simm.s32 $0xAE80  }
0x3c7: {  	[hbm4b:s8+s6] =	stream.strided.scatter [tilespmem:s13], [sflag:$0x5], $0x640, s7, s6, $0x38;
	v63 =	vld [tilespmem:$0x0]  }
0x3c8: {  	s8 =	sadd.s32 $0x2680, s4;
	s13 =	simm.s32 $0xB4C0  }
0x3c9: {  	[hbm4b:s8+s6] =	stream.strided.scatter [tilespmem:s13], [sflag:$0x5], $0x640, s7, s6, $0x38;
	v63 =	vld [tilespmem:$0x0]  }
0x3ca: {  	s8 =	sadd.s32 $0x2A00, s4;
	s13 =	simm.s32 $0xBB00  }
0x3cb: {  	[hbm4b:s8+s6] =	stream.strided.scatter [tilespmem:s13], [sflag:$0x5], $0x640, s7, s6, $0x38;
	v63 =	vld [tilespmem:$0x0]  }
0x3cc: {  	s8 =	sadd.s32 $0x2D80, s4;
	s13 =	simm.s32 $0xC140  }
0x3cd: {  	[hbm4b:s8+s6] =	stream.strided.scatter [tilespmem:s13], [sflag:$0x5], $0x640, s7, s6, $0x38;
	v63 =	vld [tilespmem:$0x0]  }
0x3ce: {  	s8 =	sadd.s32 $0x3100, s4;
	s13 =	simm.s32 $0xC780  }
0x3cf: {  	[hbm4b:s8+s6] =	stream.strided.scatter [tilespmem:s13], [sflag:$0x5], $0x640, s7, s6, $0x38;
	v63 =	vld [tilespmem:$0x0]  }
0x3d0: {  	s8 =	sadd.s32 $0x3480, s4;
	s13 =	simm.s32 $0xCDC0  }
0x3d1: {  	[hbm4b:s8+s6] =	stream.strided.scatter [tilespmem:s13], [sflag:$0x5], $0x640, s7, s6, $0x38;
	v63 =	vld [tilespmem:$0x0]  }
0x3d2: {  	s8 =	simm.s32 $0x8  }
0x3d3: {  	_ =	swait.ge [sflag:s8], $0x6400  }
0x3d4: {  	[sflag:s8] =	ssyncset.done $0x0  }
0x3d5: {  	s4 =	simm.s32 $0x6C80;
	s13 =	simm.s32 $0x19C00;
	[sflag:s8] =	ssyncadd.s32 $0xFFFF9C00  }
0x3d6: {  	[tilespmem:s13], [sflag:$0x4] =	stream.indirect.gather [hbm4b:s3+s16], $0x20, s4, s16, $0xb8;
	v63 =	vld [tilespmem:$0x0]  }
0x3d7: {  	s0 =	simm.s32 $0x1A240;
	s4 =	simm.s32 $0x6CB8  }
0x3d8: {  	[tilespmem:s0], [sflag:$0x4] =	stream.indirect.gather [hbm4b:s3+s16], $0x20, s4, s16, $0xb8;
	v63 =	vld [tilespmem:$0x0]  }
0x3d9: {  	s0 =	simm.s32 $0x1A880;
	s4 =	simm.s32 $0x6CF0  }
0x3da: {  	[tilespmem:s0], [sflag:$0x4] =	stream.indirect.gather [hbm4b:s3+s16], $0x20, s4, s16, $0xb8;
	v63 =	vld [tilespmem:$0x0]  }
0x3db: {  	s0 =	simm.s32 $0x1AEC0;
	s4 =	simm.s32 $0x6D28  }
0x3dc: {  	[tilespmem:s0], [sflag:$0x4] =	stream.indirect.gather [hbm4b:s3+s16], $0x20, s4, s16, $0xb8;
	v63 =	vld [tilespmem:$0x0]  }
0x3dd: {  	s0 =	simm.s32 $0x1B500;
	s4 =	simm.s32 $0x6D60  }
0x3de: {  	[tilespmem:s0], [sflag:$0x4] =	stream.indirect.gather [hbm4b:s3+s16], $0x20, s4, s16, $0xb8;
	v63 =	vld [tilespmem:$0x0]  }
0x3df: {  	s0 =	simm.s32 $0x1BB40;
	s4 =	simm.s32 $0x6D98  }
0x3e0: {  	[tilespmem:s0], [sflag:$0x4] =	stream.indirect.gather [hbm4b:s3+s16], $0x20, s4, s16, $0xb8;
	v63 =	vld [tilespmem:$0x0]  }
0x3e1: {  	s0 =	simm.s32 $0x1C180;
	s4 =	simm.s32 $0x6DD0  }
0x3e2: {  	[tilespmem:s0], [sflag:$0x4] =	stream.indirect.gather [hbm4b:s3+s16], $0x20, s4, s16, $0xb8;
	v63 =	vld [tilespmem:$0x0]  }
0x3e3: {  	s0 =	simm.s32 $0x1C7C0;
	s4 =	simm.s32 $0x6E08  }
0x3e4: {  	[tilespmem:s0], [sflag:$0x4] =	stream.indirect.gather [hbm4b:s3+s16], $0x20, s4, s16, $0xb8;
	v63 =	vld [tilespmem:$0x0]  }
0x3e5: {  	s0 =	simm.s32 $0x1CE00;
	s4 =	simm.s32 $0x6E40  }
0x3e6: {  	[tilespmem:s0], [sflag:$0x4] =	stream.indirect.gather [hbm4b:s3+s16], $0x20, s4, s16, $0xb8;
	v63 =	vld [tilespmem:$0x0]  }
0x3e7: {  	s0 =	simm.s32 $0x1D440;
	s4 =	simm.s32 $0x6E78  }
0x3e8: {  	[tilespmem:s0], [sflag:$0x4] =	stream.indirect.gather [hbm4b:s3+s16], $0x20, s4, s16, $0xb8;
	v63 =	vld [tilespmem:$0x0]  }
0x3e9: {  	s0 =	simm.s32 $0x1DA80;
	s4 =	simm.s32 $0x6EB0  }
0x3ea: {  	[tilespmem:s0], [sflag:$0x4] =	stream.indirect.gather [hbm4b:s3+s16], $0x20, s4, s16, $0xb8;
	v63 =	vld [tilespmem:$0x0]  }
0x3eb: {  	s0 =	simm.s32 $0x1E0C0;
	s4 =	simm.s32 $0x6EE8  }
0x3ec: {  	[tilespmem:s0], [sflag:$0x4] =	stream.indirect.gather [hbm4b:s3+s16], $0x20, s4, s16, $0xb8;
	v63 =	vld [tilespmem:$0x0]  }
0x3ed: {  	s0 =	simm.s32 $0x1E700;
	s4 =	simm.s32 $0x6F20  }
0x3ee: {  	[tilespmem:s0], [sflag:$0x4] =	stream.indirect.gather [hbm4b:s3+s16], $0x20, s4, s16, $0xb8;
	v63 =	vld [tilespmem:$0x0]  }
0x3ef: {  	s0 =	simm.s32 $0x1ED40;
	s4 =	simm.s32 $0x6F58  }
0x3f0: {  	[tilespmem:s0], [sflag:$0x4] =	stream.indirect.gather [hbm4b:s3+s16], $0x20, s4, s16, $0xb8;
	v63 =	vld [tilespmem:$0x0]  }
0x3f1: {  	s0 =	simm.s32 $0x1F380;
	s4 =	simm.s32 $0x6F90  }
0x3f2: {  	[tilespmem:s0], [sflag:$0x4] =	stream.indirect.gather [hbm4b:s3+s16], $0x20, s4, s16, $0xb8;
	v63 =	vld [tilespmem:$0x0]  }
0x3f3: {  	s0 =	simm.s32 $0x1F9C0;
	s4 =	simm.s32 $0x6FC8  }
0x3f4: {  	[tilespmem:s0], [sflag:$0x4] =	stream.indirect.gather [hbm4b:s3+s16], $0x20, s4, s16, $0xb8;
	v63 =	vld [tilespmem:$0x0]  }
0x3f5: {  	s4 =	simm.s32 $0x2  }
0x3f6: {  	_ =	swait.ge [sflag:s4], $0x6400  }
0x3f7: {  	[sflag:s4] =	ssyncset.done $0x0  }
0x3f8: {  	s2 =	simm.s32 $0xD400;
	[sflag:s4] =	ssyncadd.s32 $0xFFFF9C00;
	s4 =	rddreg [dreg:$0x9]  }
0x3f9: {  	[hbm4b:s4+s6] =	stream.strided.scatter [tilespmem:s2], [sflag:$0x6], $0x640, s7, s6, $0x38;
	v63 =	vld [tilespmem:$0x0]  }
0x3fa: {  	s0 =	simm.s32 $0xDA40;
	s2 =	sadd.s32 $0x380, s4  }
0x3fb: {  	[hbm4b:s2+s6] =	stream.strided.scatter [tilespmem:s0], [sflag:$0x6], $0x640, s7, s6, $0x38;
	v63 =	vld [tilespmem:$0x0]  }
0x3fc: {  	s2 =	sadd.s32 $0x700, s4;
	s0 =	simm.s32 $0xE080  }
0x3fd: {  	[hbm4b:s2+s6] =	stream.strided.scatter [tilespmem:s0], [sflag:$0x6], $0x640, s7, s6, $0x38;
	v63 =	vld [tilespmem:$0x0]  }
0x3fe: {  	s2 =	sadd.s32 $0xA80, s4;
	s0 =	simm.s32 $0xE6C0  }
0x3ff: {  	[hbm4b:s2+s6] =	stream.strided.scatter [tilespmem:s0], [sflag:$0x6], $0x640, s7, s6, $0x38;
	v63 =	vld [tilespmem:$0x0]  }
0x400: {  	s2 =	sadd.s32 $0xE00, s4;
	s0 =	simm.s32 $0xED00  }
0x401: {  	[hbm4b:s2+s6] =	stream.strided.scatter [tilespmem:s0], [sflag:$0x6], $0x640, s7, s6, $0x38;
	v63 =	vld [tilespmem:$0x0]  }
0x402: {  	s2 =	sadd.s32 $0x1180, s4;
	s0 =	simm.s32 $0xF340  }
0x403: {  	[hbm4b:s2+s6] =	stream.strided.scatter [tilespmem:s0], [sflag:$0x6], $0x640, s7, s6, $0x38;
	v63 =	vld [tilespmem:$0x0]  }
0x404: {  	s2 =	sadd.s32 $0x1500, s4;
	s0 =	simm.s32 $0xF980  }
0x405: {  	[hbm4b:s2+s6] =	stream.strided.scatter [tilespmem:s0], [sflag:$0x6], $0x640, s7, s6, $0x38;
	v63 =	vld [tilespmem:$0x0]  }
0x406: {  	s2 =	sadd.s32 $0x1880, s4;
	s0 =	simm.s32 $0xFFC0  }
0x407: {  	[hbm4b:s2+s6] =	stream.strided.scatter [tilespmem:s0], [sflag:$0x6], $0x640, s7, s6, $0x38;
	v63 =	vld [tilespmem:$0x0]  }
0x408: {  	s2 =	sadd.s32 $0x1C00, s4;
	s0 =	simm.s32 $0x10600  }
0x409: {  	[hbm4b:s2+s6] =	stream.strided.scatter [tilespmem:s0], [sflag:$0x6], $0x640, s7, s6, $0x38;
	v63 =	vld [tilespmem:$0x0]  }
0x40a: {  	s0 =	sadd.s32 $0x1F80, s4  }
0x40b: {  	[hbm4b:s0+s6] =	stream.strided.scatter [tilespmem:s5], [sflag:$0x6], $0x640, s7, s6, $0x38;
	v63 =	vld [tilespmem:$0x0]  }
0x40c: {  	s5 =	sadd.s32 $0x2300, s4  }
0x40d: {  	[hbm4b:s5+s6] =	stream.strided.scatter [tilespmem:s10], [sflag:$0x6], $0x640, s7, s6, $0x38;
	v63 =	vld [tilespmem:$0x0]  }
0x40e: {  	s10 =	sadd.s32 $0x2680, s4  }
0x40f: {  	[hbm4b:s10+s6] =	stream.strided.scatter [tilespmem:s11], [sflag:$0x6], $0x640, s7, s6, $0x38;
	v63 =	vld [tilespmem:$0x0]  }
0x410: {  	s0 =	sadd.s32 $0x2A00, s4  }
0x411: {  	[hbm4b:s0+s6] =	stream.strided.scatter [tilespmem:s12], [sflag:$0x6], $0x640, s7, s6, $0x38;
	v63 =	vld [tilespmem:$0x0]  }
0x412: {  	s5 =	sadd.s32 $0x2D80, s4  }
0x413: {  	[hbm4b:s5+s6] =	stream.strided.scatter [tilespmem:s14], [sflag:$0x6], $0x640, s7, s6, $0x38;
	v63 =	vld [tilespmem:$0x0]  }
0x414: {  	s10 =	sadd.s32 $0x3100, s4  }
0x415: {  	[hbm4b:s10+s6] =	stream.strided.scatter [tilespmem:s15], [sflag:$0x6], $0x640, s7, s6, $0x38;
	v63 =	vld [tilespmem:$0x0]  }
0x416: {  	s11 =	sadd.s32 $0x3480, s4;
	s12 =	simm.s32 $0x3  }
0x417: {  	[hbm4b:s11+s6] =	stream.strided.scatter [tilespmem:s17], [sflag:$0x6], $0x640, s7, s6, $0x38;
	v63 =	vld [tilespmem:$0x0]  }
0x418: {  	_ =	swait.ge [sflag:s12], $0x6400  }
0x419: {  	[sflag:s12] =	ssyncset.done $0x0  }
0x41a: {  	s4 =	rddreg [dreg:$0xa];
	[sflag:s12] =	ssyncadd.s32 $0xFFFF9C00  }
0x41b: {  	[hbm4b:s4+s6] =	stream.strided.scatter [tilespmem:s18], [sflag:$0x7], $0x640, s7, s6, $0x38;
	v63 =	vld [tilespmem:$0x0]  }
0x41c: {  	s14 =	sadd.s32 $0x380, s4  }
0x41d: {  	[hbm4b:s14+s6] =	stream.strided.scatter [tilespmem:s28], [sflag:$0x7], $0x640, s7, s6, $0x38;
	v63 =	vld [tilespmem:$0x0]  }
0x41e: {  	s15 =	sadd.s32 $0x700, s4  }
0x41f: {  	[hbm4b:s15+s6] =	stream.strided.scatter [tilespmem:s30], [sflag:$0x7], $0x640, s7, s6, $0x38;
	v63 =	vld [tilespmem:$0x0]  }
0x420: {  	s17 =	sadd.s32 $0xA80, s4  }
0x421: {  	[hbm4b:s17+s6] =	stream.strided.scatter [tilespmem:s19], [sflag:$0x7], $0x640, s7, s6, $0x38;
	v63 =	vld [tilespmem:$0x0]  }
0x422: {  	s18 =	sadd.s32 $0xE00, s4  }
0x423: {  	[hbm4b:s18+s6] =	stream.strided.scatter [tilespmem:s25], [sflag:$0x7], $0x640, s7, s6, $0x38;
	v63 =	vld [tilespmem:$0x0]  }
0x424: {  	s19 =	sadd.s32 $0x1180, s4  }
0x425: {  	[hbm4b:s19+s6] =	stream.strided.scatter [tilespmem:s21], [sflag:$0x7], $0x640, s7, s6, $0x38;
	v63 =	vld [tilespmem:$0x0]  }
0x426: {  	s25 =	sadd.s32 $0x1500, s4  }
0x427: {  	[hbm4b:s25+s6] =	stream.strided.scatter [tilespmem:s22], [sflag:$0x7], $0x640, s7, s6, $0x38;
	v63 =	vld [tilespmem:$0x0]  }
0x428: {  	s28 =	sadd.s32 $0x1880, s4  }
0x429: {  	[hbm4b:s28+s6] =	stream.strided.scatter [tilespmem:s23], [sflag:$0x7], $0x640, s7, s6, $0x38;
	v63 =	vld [tilespmem:$0x0]  }
0x42a: {  	s30 =	sadd.s32 $0x1C00, s4  }
0x42b: {  	[hbm4b:s30+s6] =	stream.strided.scatter [tilespmem:s31], [sflag:$0x7], $0x640, s7, s6, $0x38;
	v63 =	vld [tilespmem:$0x0]  }
0x42c: {  	s0 =	sadd.s32 $0x1F80, s4  }
0x42d: {  	[hbm4b:s0+s6] =	stream.strided.scatter [tilespmem:s20], [sflag:$0x7], $0x640, s7, s6, $0x38;
	v63 =	vld [tilespmem:$0x0]  }
0x42e: {  	s5 =	sadd.s32 $0x2300, s4  }
0x42f: {  	[hbm4b:s5+s6] =	stream.strided.scatter [tilespmem:s29], [sflag:$0x7], $0x640, s7, s6, $0x38;
	v63 =	vld [tilespmem:$0x0]  }
0x430: {  	s10 =	sadd.s32 $0x2680, s4  }
0x431: {  	[hbm4b:s10+s6] =	stream.strided.scatter [tilespmem:s24], [sflag:$0x7], $0x640, s7, s6, $0x38;
	v63 =	vld [tilespmem:$0x0]  }
0x432: {  	s11 =	sadd.s32 $0x2A00, s4  }
0x433: {  	[hbm4b:s11+s6] =	stream.strided.scatter [tilespmem:s1], [sflag:$0x7], $0x640, s7, s6, $0x38;
	v63 =	vld [tilespmem:$0x0]  }
0x434: {  	s12 =	sadd.s32 $0x2D80, s4  }
0x435: {  	[hbm4b:s12+s6] =	stream.strided.scatter [tilespmem:s9], [sflag:$0x7], $0x640, s7, s6, $0x38;
	v63 =	vld [tilespmem:$0x0]  }
0x436: {  	s14 =	sadd.s32 $0x3100, s4  }
0x437: {  	[hbm4b:s14+s6] =	stream.strided.scatter [tilespmem:s26], [sflag:$0x7], $0x640, s7, s6, $0x38;
	v63 =	vld [tilespmem:$0x0]  }
0x438: {  	s15 =	sadd.s32 $0x3480, s4;
	s17 =	simm.s32 $0x195C0;
	s18 =	simm.s32 $0x4  }
0x439: {  	[hbm4b:s15+s6] =	stream.strided.scatter [tilespmem:s17], [sflag:$0x7], $0x640, s7, s6, $0x38;
	v63 =	vld [tilespmem:$0x0]  }
0x43a: {  	_ =	swait.ge [sflag:s18], $0x6400  }
0x43b: {  	[sflag:s18] =	ssyncset.done $0x0  }
0x43c: {  	s4 =	rddreg [dreg:$0xb];
	[sflag:s18] =	ssyncadd.s32 $0xFFFF9C00  }
0x43d: {  	[hbm4b:s4+s6] =	stream.strided.scatter [tilespmem:s13], [sflag:$0x8], $0x640, s7, s6, $0x38;
	v63 =	vld [tilespmem:$0x0]  }
0x43e: {  	s20 =	simm.s32 $0x1A240;
	s19 =	sadd.s32 $0x380, s4  }
0x43f: {  	[hbm4b:s19+s6] =	stream.strided.scatter [tilespmem:s20], [sflag:$0x8], $0x640, s7, s6, $0x38;
	v63 =	vld [tilespmem:$0x0]  }
0x440: {  	s22 =	simm.s32 $0x1A880;
	s21 =	sadd.s32 $0x700, s4  }
0x441: {  	[hbm4b:s21+s6] =	stream.strided.scatter [tilespmem:s22], [sflag:$0x8], $0x640, s7, s6, $0x38;
	v63 =	vld [tilespmem:$0x0]  }
0x442: {  	s24 =	simm.s32 $0x1AEC0;
	s23 =	sadd.s32 $0xA80, s4  }
0x443: {  	[hbm4b:s23+s6] =	stream.strided.scatter [tilespmem:s24], [sflag:$0x8], $0x640, s7, s6, $0x38;
	v63 =	vld [tilespmem:$0x0]  }
0x444: {  	s26 =	simm.s32 $0x1B500;
	s25 =	sadd.s32 $0xE00, s4  }
0x445: {  	[hbm4b:s25+s6] =	stream.strided.scatter [tilespmem:s26], [sflag:$0x8], $0x640, s7, s6, $0x38;
	v63 =	vld [tilespmem:$0x0]  }
0x446: {  	s29 =	simm.s32 $0x1BB40;
	s28 =	sadd.s32 $0x1180, s4  }
0x447: {  	[hbm4b:s28+s6] =	stream.strided.scatter [tilespmem:s29], [sflag:$0x8], $0x640, s7, s6, $0x38;
	v63 =	vld [tilespmem:$0x0]  }
0x448: {  	s31 =	simm.s32 $0x1C180;
	s30 =	sadd.s32 $0x1500, s4  }
0x449: {  	[hbm4b:s30+s6] =	stream.strided.scatter [tilespmem:s31], [sflag:$0x8], $0x640, s7, s6, $0x38;
	v63 =	vld [tilespmem:$0x0]  }
0x44a: {  	s5 =	simm.s32 $0x1C7C0;
	s1 =	sadd.s32 $0x1880, s4  }
0x44b: {  	[hbm4b:s1+s6] =	stream.strided.scatter [tilespmem:s5], [sflag:$0x8], $0x640, s7, s6, $0x38;
	v63 =	vld [tilespmem:$0x0]  }
0x44c: {  	s10 =	simm.s32 $0x1CE00;
	s9 =	sadd.s32 $0x1C00, s4  }
0x44d: {  	[hbm4b:s9+s6] =	stream.strided.scatter [tilespmem:s10], [sflag:$0x8], $0x640, s7, s6, $0x38;
	v63 =	vld [tilespmem:$0x0]  }
0x44e: {  	s12 =	simm.s32 $0x1D440;
	s11 =	sadd.s32 $0x1F80, s4  }
0x44f: {  	[hbm4b:s11+s6] =	stream.strided.scatter [tilespmem:s12], [sflag:$0x8], $0x640, s7, s6, $0x38;
	v63 =	vld [tilespmem:$0x0]  }
0x450: {  	s14 =	simm.s32 $0x1DA80;
	s13 =	sadd.s32 $0x2300, s4  }
0x451: {  	[hbm4b:s13+s6] =	stream.strided.scatter [tilespmem:s14], [sflag:$0x8], $0x640, s7, s6, $0x38;
	v63 =	vld [tilespmem:$0x0]  }
0x452: {  	s17 =	simm.s32 $0x1E0C0;
	s15 =	sadd.s32 $0x2680, s4  }
0x453: {  	[hbm4b:s15+s6] =	stream.strided.scatter [tilespmem:s17], [sflag:$0x8], $0x640, s7, s6, $0x38;
	v63 =	vld [tilespmem:$0x0]  }
0x454: {  	s18 =	sadd.s32 $0x2A00, s4;
	s19 =	simm.s32 $0x1E700  }
0x455: {  	[hbm4b:s18+s6] =	stream.strided.scatter [tilespmem:s19], [sflag:$0x8], $0x640, s7, s6, $0x38;
	v63 =	vld [tilespmem:$0x0]  }
0x456: {  	s20 =	sadd.s32 $0x2D80, s4;
	s21 =	simm.s32 $0x1ED40  }
0x457: {  	[hbm4b:s20+s6] =	stream.strided.scatter [tilespmem:s21], [sflag:$0x8], $0x640, s7, s6, $0x38;
	v63 =	vld [tilespmem:$0x0]  }
0x458: {  	s22 =	sadd.s32 $0x3100, s4;
	s23 =	simm.s32 $0x1F380  }
0x459: {  	[hbm4b:s22+s6] =	stream.strided.scatter [tilespmem:s23], [sflag:$0x8], $0x640, s7, s6, $0x38;
	v63 =	vld [tilespmem:$0x0]  }
0x45a: {  	s24 =	sadd.s32 $0x3480, s4;
	s25 =	simm.s32 $0x1F9C0;
	s26 =	simm.s32 $0x5  }
0x45b: {  	[hbm4b:s24+s6] =	stream.strided.scatter [tilespmem:s25], [sflag:$0x8], $0x640, s7, s6, $0x38;
	v63 =	vld [tilespmem:$0x0]  }
0x45c: {  	_ =	swait.ge [sflag:s26], $0x6400  }
0x45d: {  	[sflag:s26] =	ssyncset.done $0x0  }
0x45e: {  	s28 =	simm.s32 $0x6;
	[sflag:s26] =	ssyncadd.s32 $0xFFFF9C00  }
0x45f: {  	_ =	swait.ge [sflag:s28], $0x6400  }
0x460: {  	[sflag:s28] =	ssyncset.done $0x0  }
0x461: {  	s29 =	simm.s32 $0x7;
	[sflag:s28] =	ssyncadd.s32 $0xFFFF9C00  }
0x462: {  	_ =	swait.ge [sflag:s29], $0x6400  }
0x463: {  	[sflag:s29] =	ssyncset.done $0x0  }
0x464: {  	[sflag:s29] =	ssyncadd.s32 $0xFFFF9C00  }
0x465: {  	_ =	swait.ge [sflag:s8], $0x6400  }
0x466: {  	s30 =	rddreg [dreg:$0xe]  }
0x467: {  	s31 =	rddreg [dreg:$0xc];
	s0 =	sadd.s32 $0x1, s30  }
0x468: {  	p0 =	sne.s32 s0, s31  }
.Ltmp1:
0x469: {  	_ = 	snop;
	(pc) =	sbr.rel @p0 .LBB2_1-.Ltmp1, $3  }
0x46a: {  	_ =	sdelay $0x1  }
0x46b: {  	[sflag:s8] =	ssyncset.done $0x0  }
0x46c: {  	[sflag:s8] =	ssyncadd.s32 $0xFFFF9C00  }
0x46d: {  	_ =	sfence.sel $0x180000  }
0x46e: {  	[bflag:$0x0] =	sbarrier.arrive $0xFFFF  }
0x46f: {  	_ =	strace $0x90000047  }
0x470: {  	s0 =	stileid.u32;
	[bflag:$0x2] =	sbarrier.arrive $0xFFFF  }
0x471: {  	p0 =	sne.s32 s0, $0x0;
	s0 =	rddreg [dreg:$0x2]  }
0x472: {  	s0 =	sadd.s32 @!p0 $0x100000, s0  }
0x473: {  	[sflag:s0] =	ssyncadd.tile.s32 @!p0 $0x1;
	_ =	shalt  }
.Lfunc_end2:
_tile_overlayer_lowered:
.L_overlay_start_2:
0x474: {  	(tag) =	ssettag $0x2  }
0x475: {  	s0 =	rddreg [dreg:$0x0];
	s2 =	stileid.u32  }
0x476: {  	s1 =	rddreg [dreg:$0x1];
	p0 =	sne.s32 s2, $0x0  }
0x477: {  	s3 =	rddreg [dreg:$0x2];
	[bflag:$0x3] =	sbarrier.arrive $0xFFFF;
	s2 =	simm.s32 @!p0 $0x1C09  }
0x478: {  	[timem:s3], [sflag:s2] =	dma.local @!p0 [hbm:s0], s1  }
0x479: {  	s0 =	simm.s32 @!p0 $0x9  }
0x47a: {  	_ =	swait.ge @!p0 [sflag:s0], s1  }
0x47b: {  	s1 =	ssub.s32 @!p0 $0x0, s1;
	[sflag:s0] =	ssyncset.done @!p0 $0x0  }
0x47c: {  	[sflag:s0] =	ssyncadd.s32 @!p0 s1  }
0x47d: {  	[bflag:$0x3] =	sbarrier.arrive $0xFFFF  }
0x47e: {  	_ =	shalt  }

// kernel: sparse-core-data-format-call.cloned.1.call-start
scs
called_computation_lowered:
.L_overlay_start_0:
0x0: {  	s2 =	sld [smem:$0x3FD9]  }
0x1: {  	s3 =	sld [smem:$0x3FFE];
	_ =	sdelay $0x1  }
0x2: {  	s1 =	srdreg.scid  }
0x3: {  	s0 =	sand.u32 $0x1, s1  }
0x4: {  	s18 =	sshll.u32 s0, $0xA;
	s2 =	sadd.s32 s3, s2  }
0x5: {  	s2 =	sadd.s32 s2, s18  }
0x6: {  	[smem:$0x3FC6] =	sst s2  }
0x7: {  	_ = 	snop  }
0x8: {  	s2 =	sld [smem:$0x3FD0];
	(tm) =	ssettm $0x1  }
0x9: {  	s19 =	sld [smem:$0x3FFB];
	_ =	sdelay $0x3  }
0xa: {  	_ =	strace s19  }
0xb: {  	s3 =	sld [smem:$0x3FFC];
	_ =	sdelay $0x3  }
0xc: {  	_ =	strace s3  }
0xd: {  	s3 =	sld [smem:$0x3FFD];
	_ =	sdelay $0x3  }
0xe: {  	_ =	strace s3  }
0xf: {  	_ =	strace $0x8FFFFFFF  }
0x10: {  	s20 =	sld [smem:$0x3FDB];
	_ =	sdelay $0x1  }
0x11: {  	s4 =	simm.s32 $_scs_section_size  }
0x12: {  	s5 =	simm.s32 $_size__tile_overlayer_lowered;
	s6 =	simm.s32 $_tile_overlayer_lowered  }
0x13: {  	s23 =	simm.s32 $0x1BFF;
	s22 =	sshll.u32 s6, $0x1;
	s3 =	sadd.s32 s4, s20  }
0x14: {  	s7 =	simm.s32 $0x0;
	s21 =	sshll.u32 s5, $0x1;
	s5 =	sadd.s32 s22, s3  }
0x15: {  	[timem:s7], [sflag:s23] =	dma.local [hbm:s5], s21  }
0x16: {  	_ =	swait.ge [sflag:s23], s21  }
0x17: {  	s4 =	ssub.s32 $0x0, s21;
	[sflag:s23] =	ssyncset.done $0x0  }
0x18: {  	[sflag:s23] =	ssyncadd.s32 s4;
	_ =	sdelay $0x1  }
0x19: {  	s24 =	simm.s32 $0x1B8B  }
0x1a: {  	_ =	swait.ge [sflag:s24], $0x1  }
0x1b: {  	[sflag:s24] =	ssyncset.done $0x0  }
0x1c: {  	s26 =	simm.s32 $0x1B8E;
	s25 =	sld [smem:$0x3FFE];
	[sflag:s24] =	ssyncadd.s32 $0xFFFFFFFF  }
0x1d: {  	s27 =	simm.s32 $execute0_lowered;
	[smem:$0x3FD2] =	sst s26  }
0x1e: {  	s5 =	sshll.u32 s27, $0x1;
	_ =	strace $0x80000049;
	[dreg:$0x1] =	wrdreg $0xFFFFFFFF  }
0x1f: {  	s28 =	simm.s32 $_size_execute0_lowered;
	s3 =	sadd.s32 s3, s5;
	[dreg:$0x0] =	wrdreg $0x0  }
0x20: {  	s5 =	sshll.u32 s28, $0x1;
	[dreg:$0x2] =	wrdreg s3  }
0x21: {  	[dreg:$0x3] =	wrdreg s5  }
0x22: {  	[dreg:$0x4] =	wrdreg $0xC0  }
0x23: {  	_ =	task [dreg:s7], $0x5FFFF  }
0x24: {  	[dreg:$0x1] =	wrdreg $0xFFFFFFFF  }
0x25: {  	[dreg:$0x0] =	wrdreg $0x60  }
0x26: {  	[dreg:$0x2] =	wrdreg s25  }
0x27: {  	[dreg:$0x3] =	wrdreg s2  }
0x28: {  	[dreg:$0x4] =	wrdreg $0x9  }
0x29: {  	_ =	task.clear_ibuf [dreg:s7], $0x5FFFF;
	_ =	strace $0x90000049  }
0x2a: {  	s29 =	simm.s32 $0x9;
	_ =	strace $0x8000004B  }
0x2b: {  	_ =	swait.ge [sflag:s29], $0x1  }
0x2c: {  	[sflag:s29] =	ssyncadd.s32 $0xFFFFFFFF  }
0x2d: {  	_ =	strace $0x9000004B  }
0x2e: {  	_ =	sfence  }
0x2f: {  	s30 =	sld [smem:$0x0];
	_ =	sdelay $0x2  }
0x30: {  	s31 =	sshll.u32 s1, $0xD;
	s1 =	sshrl.u32 s1, $0x2  }
0x31: {  	s3 =	sand.u32 $0x4000, s31;
	s1 =	sadd.s32 s1, s30  }
0x32: {  	s0 =	sor.u32 s3, s0;
	s1 =	sshll.u32 s1, $0x11  }
0x33: {  	s0 =	sor.u32 s1, s0  }
0x34: {  	s0 =	sadd.s32 $0x8F2B, s0  }
0x35: {  	[sflag:s0] =	ssyncadd.remote.s32 $0x1  }
0x36: {  	_ =	sfence.sel $0xFFFF  }
0x37: {  	[dreg:$0x0] =	wrdreg $0xFFFFFFFF;
	(pc) =	sbr.abs _section_cstart, $3  }
0x38: {  	[dreg:$0x1] =	wrdreg $0xFFFFFFFF  }
0x39: {  	_ =	task.clear_ibuf [dreg:s7], $0x2FFFF;
	_ =	strace $0x9FFFFFFF  }
0x3a: {  	(tm) =	ssettm $0x7FFFFFFF  }
0x3b: {  	_ =	shalt  }
tec
execute0_lowered:
.L_overlay_start_1:
0x0: {  	(tag) =	ssettag $0x1  }
0x1: {  	s0 =	srdreg.scid  }
0x2: {  	s1 =	sshll.u32 s0, $0x4  }
0x3: {  	s0 =	stileid.u32;
	s1 =	sand.u32 $0x10, s1  }
0x4: {  	s1 =	sor.u32 s0, s1  }
0x5: {  	s6 =	rddreg [dreg:$0x0];
	s4 =	simm.s32 $0x1;
	s2 =	sshll.u32 s1, $0x7  }
0x6: {  	s7 =	simm.s32 $0x2;
	s12 =	simm.s32 $0x0;
	s1 =	ssub.s32 $0x4000, s2  }
0x7: {  	s8 =	simm.s32 $0x20000;
	s13 =	simm.s32 $0x0;
	s3 =	sand.u32 $0xF80, s1  }
0x8: {  	s9 =	simm.s32 $0x0;
	s5 =	sshrl.u32 s1, $0xC;
	p0 =	sne.s32 s3, $0x0  }
.Ltmp0:
0x9: {  	s1 =	rddreg [dreg:$0x2];
	s4 =	simm.s32 @!p0 $0x0;
	(pc) =	sbr.rel .LBB1_1-.Ltmp0, $4  }
0xa: {  	s11 =	simm.s32 $0x0;
	s3 =	rddreg [dreg:$0x1];
	s5 =	sadd.s32 s4, s5  }
0xb: {  	_ =	strace $0x8000004A;
	s4 =	simm.s32 $0x1;
	s5 =	smul.u32 $0x32, s5  }
0xc: {  	s6 =	sadd.s32 $0xA00, s6;
	s10 =	smov.u32 s2;
	[sflag:s4] =	ssyncpa.u1 $0x0  }
0xd: {  	p0 =	por $0x0, $0x0;
	[sflag:s7] =	ssyncpa.u1 $0x0;
	s7 =	sor.u32 $0x1, s5  }
.LBB1_4:
0xe: {  	s16 =	sshll.u32 s13, $0x3;
	s17 =	sand.u32 $0x78, s13  }
0xf: {  	s30 =	sand.u32 $0xF800, s13;
	s12 =	sshll.u32 s12, $0x10;
	s16 =	sand.u32 $0x3C00, s16  }
0x10: {  	s31 =	sand.u32 $0x7, s13;
	s16 =	sor.u32 s17, s16;
	s17 =	sadd.s32 s3, s30  }
0x11: {  	s13 =	sshll.u32 s31, $0x12;
	s16 =	sshrl.u32 s16, $0x3;
	s12 =	sadd.s32 s12, s17  }
0x12: {  	[tilespmem:s15+$0x0 ss:$0x81] =	vst.msk $0xffff, v0;
	s13 =	sor.u32 $0x400, s13;
	s12 =	sadd.s32 s16, s12  }
0x13: {  	[hbm4b:s12+s13] =	stream.strided.scatter [tilespmem:s14], [sflag:$0x2], $0x1000, s8, s13, $0x20;
	[tilespmem:$0x4040] =	vst v63  }
.LBB1_5:
0x14: {  	s14 =	sadd.s32 $0x1, s9  }
0x15: {  	s12 =	sadd.s32 $0x1000, s10;
	s16 =	smov.u32 s10;
	p2 =	sgt.s32 s14, $0x31  }
0x16: {  	s16 =	smov.u32 @p2 s12  }
0x17: {  	s14 =	simm.s32 @p2 $0x0;
	p2 =	sgt.s32 s16, $0x3FFF  }
0x18: {  	s16 =	smov.u32 @p2 s2;
	p2 =	sne.s32 s11, s7  }
.Ltmp1:
0x19: {  	p1 =	slt.u32 s11, $0x2;
	(pc) =	sbr.rel @!p2 .LBB1_6-.Ltmp1, $4  }
0x1a: {  	s15 =	simm.s32 @!p1 $0x2  }
0x1b: {  	s13 =	smov.u32 s10;
	p0 =	por !p0, !p0;
	_ =	swait.ge @!p1 [sflag:s15], $0x1000  }
0x1c: {  	s12 =	smov.u32 s9;
	[sflag:s15] =	ssyncset.done @!p1 $0x0;
	s9 =	smov.u32 s14  }
0x1d: {  	s11 =	sadd.s32 $0x1, s11;
	[sflag:s15] =	ssyncadd.s32 @!p1 $0xFFFFF000;
	s10 =	smov.u32 s16  }
.LBB1_1:
0x1e: {  	p1 =	sge.u32 s11, s5  }
0x1f: {  	s14 =	sand.u32 @!p1 $0x1FFFFFF, s9  }
0x20: {  	s15 =	smulhi.u32 @!p1 $0x4924925, s14;
	_ =	sdelay $0x1  }
0x21: {  	s15 =	smul.u32 @!p1 $0x38, s15  }
0x22: {  	s16 =	sxor.u32 @!p1 $0xFFFFFFFF, s11;
	s17 =	smul.u32 @!p1 $0x380, s10  }
0x23: {  	s31 =	sadd.s32 $0xFFFFFFFF, s11;
	s16 =	sshll.u32 @!p1 s16, $0xC;
	s14 =	ssub.s32 @!p1 s14, s15  }
0x24: {  	s15 =	sand.u32 @!p1 $0x1000, s16;
	s16 =	sadd.s32 @!p1 s6, s17;
	s14 =	sshll.u32 @!p1 s14, $0x4  }
0x25: {  	s17 =	simm.s32 @!p1 $0x1C00;
	s14 =	sadd.s32 @!p1 s14, s16;
	s16 =	simm.s32 @!p1 $0x20  }
0x26: {  	[tilespmem:s15], [sflag:$0x1] =	stream.strided.gather @!p1 [hbm4b:s14+s16], $0x1000, s17, s16, $0x38;
	[tilespmem:$0x4040] =	vst v63  }
0x27: {  	p1 =	sge.u32 s31, s5  }
.Ltmp2:
0x28: {  	_ = 	snop;
	(pc) =	sbr.rel @p1 .LBB1_5-.Ltmp2, $1  }
0x29: {  	_ =	sdelay $0x3  }
0x2a: {  	s14 =	simm.s32 $0x1  }
0x2b: {  	_ =	swait.ge [sflag:s4], $0x1000;
	s14 =	simm.s32 @!p0 $0x0  }
0x2c: {  	[sflag:s4] =	ssyncset.done $0x0;
	s15 =	sshll.u32 s14, $0xC  }
0x2d: {  	[sflag:s4] =	ssyncadd.s32 $0xFFFFF000;
	s18 =	sor.u32 $0x10, s15  }
0x2e: {  	s14 =	smul.u32 $0x4080, s14;
	v1 =	vld [tilespmem:s18+$0x0]  }
0x2f: {  	s30 =	sand.u32 $0x1, s11;
	v0 =	vld [tilespmem:s18+$0xFFFFFFF0]  }
0x30: {  	s15 =	smul.u32 $0x4080, s30;
	s14 =	sshrl.u32 s14, $0x2  }
0x31: {  	s16 =	sor.u32 $0x2000, s14  }
0x32: {  	s31 =	sshrl.u32 s15, $0x2;
	s15 =	sadd.s32 $0x0, s16  }
0x33: {  	s17 =	simm.s32 $0x4;
	s18 =	sadd.s32 $0x20, s18;
	s14 =	sor.u32 $0x2000, s31;
	[tilespmem:s15+$0x810 ss:$0x81] =	vst.msk $0xffff, v1  }
.LBB1_3:
0x34: {  	v1 =	vld [tilespmem:s18+$0x0];
	p1 =	sne.s32 s17, $0x1FC;
	[tilespmem:s15+$0x0 ss:$0x81] =	vst.msk $0xffff, v0;
	s15 =	smov.u32 s17;
	s17 =	sadd.s32 $0x4, s17  }
.Ltmp3:
0x35: {  	v0 =	vld [tilespmem:s18+$0xFFFFFFF0];
	(pc) =	sbr.rel @p1 .LBB1_3-.Ltmp3, $4  }
0x36: {  	_ = 	snop  }
0x37: {  	s15 =	sshra.s32 s15, $0x2  }
0x38: {  	s15 =	sadd.s32 s15, s16  }
0x39: {  	s18 =	sadd.s32 $0x20, s18;
	[tilespmem:s15+$0x810 ss:$0x81] =	vst.msk $0xffff, v1  }
.Ltmp4:
0x3a: {  	_ = 	snop;
	(pc) =	sbr.rel .LBB1_4-.Ltmp4, $1  }
0x3b: {  	_ =	sdelay $0x3  }
.LBB1_6:
0x3c: {  	_ =	sfence.sel $0x180000  }
0x3d: {  	s2 =	simm.s32 $0x1;
	[bflag:$0x0] =	sbarrier.arrive $0xFFFF  }
0x3e: {  	s31 =	simm.s32 $0x2;
	[sflag:s2] =	ssyncpa.u1 $0x1  }
0x3f: {  	[sflag:s31] =	ssyncpa.u1 $0x1  }
0x40: {  	p0 =	sne.s32 s0, $0x0;
	_ =	strace $0x9000004A  }
0x41: {  	s0 =	sadd.s32 @!p0 $0x100000, s1;
	[bflag:$0x2] =	sbarrier.arrive $0xFFFF  }
0x42: {  	[sflag:s0] =	ssyncadd.tile.s32 @!p0 $0x1;
	_ =	shalt  }
.Lfunc_end1:
_tile_overlayer_lowered:
.L_overlay_start_2:
0x43: {  	(tag) =	ssettag $0x2  }
0x44: {  	s0 =	rddreg [dreg:$0x0];
	s2 =	stileid.u32  }
0x45: {  	s1 =	rddreg [dreg:$0x1];
	p0 =	sne.s32 s2, $0x0  }
0x46: {  	s3 =	rddreg [dreg:$0x2];
	[bflag:$0x3] =	sbarrier.arrive $0xFFFF;
	s2 =	simm.s32 @!p0 $0x1C01  }
0x47: {  	[timem:s3], [sflag:s2] =	dma.local @!p0 [hbm:s0], s1  }
0x48: {  	s0 =	simm.s32 @!p0 $0x1  }
0x49: {  	_ =	swait.ge @!p0 [sflag:s0], s1  }
0x4a: {  	s1 =	ssub.s32 @!p0 $0x0, s1;
	[sflag:s0] =	ssyncset.done @!p0 $0x0  }
0x4b: {  	[sflag:s0] =	ssyncadd.s32 @!p0 s1  }
0x4c: {  	[bflag:$0x3] =	sbarrier.arrive $0xFFFF  }
0x4d: {  	_ =	shalt  }

</sc_bundles>
